<compile_context>
chip_gen: v7x
topology: tpu7x:2x2x1
jax: 0.10.2.dev20260603
libtpu: 0.0.44.dev20260713+nightly
codegen_flags: <defaults>
</compile_context>

<pallas_src>
import jax
import jax.numpy as jnp
from jax import lax
from jax.experimental import pallas as pl
from jax.experimental.pallas import tpu as pltpu
from jax.experimental.pallas import tpu_sc as plsc

NUM_CORES = 2
NUM_SUBCORES = 16
LANES = 16

B = 16
H = 512
W = 512

NB_SC = 8
NB_TC = B - NB_SC
NBPC = NB_SC // NUM_CORES
WPB = NUM_SUBCORES // NBPC

ROWS_W = H // WPB
RCH = 16
CH = RCH * W
NCHUNK = ROWS_W // RCH
ROWW = 3 * LANES

KSETS = 4
GRP = KSETS * LANES

RBLK = 512
NBLK = H // RBLK


def _sc_body(pred_hbm, targ_hbm, out_hbm,
             p0b, p1b, tb, parts_v, row_v, out_v, shared, sem0, sem1):
    c = lax.axis_index("c")
    s = lax.axis_index("s")
    b = c * NBPC + s // WPB
    h = s % WPB
    row_base = h * ROWS_W
    sems = (sem0, sem1)

    def start(ci, slot):
        r0 = row_base + ci * RCH
        return (
            pltpu.async_copy(pred_hbm.at[b, 0, pl.ds(r0, RCH)],
                             p0b.at[slot], sems[slot]),
            pltpu.async_copy(pred_hbm.at[b, 1, pl.ds(r0, RCH)],
                             p1b.at[slot], sems[slot]),
            pltpu.async_copy(targ_hbm.at[b, pl.ds(r0, RCH)],
                             tb.at[slot], sems[slot]),
        )

    zero = jnp.zeros((LANES,), jnp.int32)
    acc = tuple(zero for _ in range(3 * KSETS))

    handles = [None, None]
    handles[0] = start(0, 0)
    for ci in range(NCHUNK):
        slot = ci & 1
        if ci + 1 < NCHUNK:
            handles[slot ^ 1] = start(ci + 1, slot ^ 1)
        for hd in handles[slot]:
            hd.wait()
        p0s = p0b.at[slot]
        p1s = p1b.at[slot]
        ts = tb.at[slot]

        def chunk_body(i, carry, p0s=p0s, p1s=p1s, ts=ts):
            carry = list(carry)
            r = i >> 3
            col = (i & 7) * GRP
            for k in range(KSETS):
                sl = pl.ds(col + k * LANES, LANES)
                m = (p1s[r, sl] - p0s[r, sl]) > 0.0
                t = ts[r, sl]
                mi = jnp.where(m, 1, 0)
                carry[k] = carry[k] + (mi & t)
                carry[KSETS + k] = carry[KSETS + k] + mi
                carry[2 * KSETS + k] = carry[2 * KSETS + k] + t
            return tuple(carry)

        acc = plsc.parallel_loop(0, CH // GRP, unroll=2, carry=acc)(chunk_body)

    accI = (acc[0] + acc[1] + acc[2] + acc[3]).astype(jnp.float32)
    accP = (acc[4] + acc[5] + acc[6] + acc[7]).astype(jnp.float32)
    accL = (acc[8] + acc[9] + acc[10] + acc[11]).astype(jnp.float32)

    lane = lax.iota(jnp.int32, LANES)

    def hsum(v):
        for sh in (8, 4, 2, 1):
            v = v + v.at[lane ^ sh].get(mode="promise_in_bounds")
        return v

    hI, hP, hL = hsum(accI), hsum(accP), hsum(accL)
    m8 = lane == (s // WPB)
    row_v[pl.ds(0, LANES)] = jnp.where(m8, hI, 0.0)
    row_v[pl.ds(LANES, LANES)] = jnp.where(m8, hP, 0.0)
    row_v[pl.ds(2 * LANES, LANES)] = jnp.where(m8, hL, 0.0)
    pltpu.sync_copy(row_v, shared.at[pl.ds(s * ROWW, ROWW)])

    plsc.subcore_barrier()

    @pl.when(s == 0)
    def _():
        pltpu.sync_copy(shared, parts_v)
        zero16 = jnp.zeros((LANES,), jnp.float32)
        inter, areap, areal = zero16, zero16, zero16
        for r in range(NUM_SUBCORES):
            inter = inter + parts_v[pl.ds(r * ROWW, LANES)]
            areap = areap + parts_v[pl.ds(r * ROWW + LANES, LANES)]
            areal = areal + parts_v[pl.ds(r * ROWW + 2 * LANES, LANES)]
        union = areap + areal - inter
        valid = union > 0.0
        iou = jnp.where(valid, inter / jnp.where(valid, union, 1.0), 0.0)
        out_v[...] = iou
        pltpu.sync_copy(out_v.at[pl.ds(0, 8)], out_hbm.at[pl.ds(c * 8, 8)])


def _tc_body(p0_ref, p1_ref, t_ref, out_ref, accI_ref, accP_ref, accL_ref):
    r = pl.program_id(1)

    p0 = p0_ref[0, 0]
    p1 = p1_ref[0, 0]
    t = t_ref[0]
    m = (p1 - p0) > 0.0
    mi = jnp.where(m, 1, 0)
    ai = mi & t

    def red8(x):
        s = x[0:8]
        for i in range(1, RBLK // 8):
            s = s + x[8 * i:8 * i + 8]
        return s

    @pl.when(r == 0)
    def _():
        accI_ref[...] = red8(ai)
        accP_ref[...] = red8(mi)
        accL_ref[...] = red8(t)

    @pl.when(r > 0)
    def _():
        accI_ref[...] += red8(ai)
        accP_ref[...] += red8(mi)
        accL_ref[...] += red8(t)

    @pl.when(r == NBLK - 1)
    def _():
        inter = jnp.sum(accI_ref[...]).astype(jnp.float32)
        areap = jnp.sum(accP_ref[...]).astype(jnp.float32)
        areal = jnp.sum(accL_ref[...]).astype(jnp.float32)
        union = areap + areal - inter
        good = union > 0.0
        iou = jnp.where(good, inter / jnp.where(good, union, 1.0), 0.0)
        out_ref[...] = jnp.zeros((1, 8, 128), jnp.float32) + iou


def _iou_tc(pred, target):
    return pl.pallas_call(
        _tc_body,
        grid=(NB_TC, NBLK),
        in_specs=[
            pl.BlockSpec((1, 1, RBLK, W), lambda b, r: (NB_SC + b, 0, r, 0)),
            pl.BlockSpec((1, 1, RBLK, W), lambda b, r: (NB_SC + b, 1, r, 0)),
            pl.BlockSpec((1, RBLK, W), lambda b, r: (NB_SC + b, r, 0)),
        ],
        out_specs=pl.BlockSpec((1, 8, 128), lambda b, r: (b, 0, 0)),
        out_shape=jax.ShapeDtypeStruct((NB_TC, 8, 128), jnp.float32),
        scratch_shapes=[
            pltpu.VMEM((8, W), jnp.int32),
            pltpu.VMEM((8, W), jnp.int32),
            pltpu.VMEM((8, W), jnp.int32),
        ],
        compiler_params=pltpu.CompilerParams(
            dimension_semantics=("arbitrary", "arbitrary")),
    )(pred, pred, target)


def _iou_sc(pred, target):
    mesh = plsc.VectorSubcoreMesh(
        core_axis_name="c", subcore_axis_name="s",
        num_cores=NUM_CORES, num_subcores=NUM_SUBCORES)
    return pl.kernel(
        _sc_body,
        out_type=jax.ShapeDtypeStruct((16,), jnp.float32),
        mesh=mesh,
        compiler_params=pltpu.CompilerParams(use_tc_tiling_on_sc=True),
        scratch_types=[
            pltpu.VMEM((2, RCH, W), jnp.float32),
            pltpu.VMEM((2, RCH, W), jnp.float32),
            pltpu.VMEM((2, RCH, W), jnp.int32),
            pltpu.VMEM((NUM_SUBCORES * ROWW,), jnp.float32),
            pltpu.VMEM((ROWW,), jnp.float32),
            pltpu.VMEM((LANES,), jnp.float32),
            pltpu.VMEM_SHARED((NUM_SUBCORES * ROWW,), jnp.float32),
            pltpu.SemaphoreType.DMA,
            pltpu.SemaphoreType.DMA,
        ],
    )(pred, target)


@jax.jit
def _iou(pred, target):
    sc_out = _iou_sc(pred, target)
    tc_out = _iou_tc(pred, target)
    sc_ious = sc_out.reshape(NUM_CORES, 8)[:, :NBPC].reshape(-1)
    return jnp.concatenate([sc_ious, tc_out[:, 0, 0]])


def kernel(pred, target):
    return _iou(pred, target)

# --- scband reference (transcript-rebuilt; emitter-appended) ---
"""Pipeline reference for scband-binary-io-u-84301618085954 (READ-ONLY COPY).

The authoritative reference and input builder live on the scoring server;
editing this copy changes nothing except your own understanding.
"""

import jax, jax.numpy as jnp
import numpy as np


def setup_inputs(seed: int = 0) -> dict:
    key = jax.random.key(seed)
    k1, k2 = jax.random.split(key)
    pred = jax.random.normal(k1, (16, 2, 512, 512), dtype=jnp.float32)
    target = jax.random.randint(k2, (16, 512, 512), 0, 2, dtype=jnp.int32)
    return {"pred": pred, "target": target}


def reference(pred, target):
    ignore_index = 255
    threshold = 0.0
    # pred has shape [B, 2, H, W] -> channel 1 minus channel 0 (per original format_pred)
    pred_s = pred[:, 1] - pred[:, 0]
    # pred_label = (pred > threshold).float(); use where so it is vjp-clean
    pred_label = jnp.where(pred_s > threshold, 1.0, 0.0)
    mask = (target != ignore_index)
    label = target.astype(jnp.float32)
    # intersect = histc of pred_label values where pred_label == label, bin for value 1
    # == count of positions (within mask) where pred_label == 1 and label == 1
    inter = jnp.sum(jnp.where(mask & (pred_label == 1.0) & (label == 1.0), 1.0, 0.0), axis=(1, 2))
    area_pred = jnp.sum(jnp.where(mask & (pred_label == 1.0), 1.0, 0.0), axis=(1, 2))
    area_lab = jnp.sum(jnp.where(mask & (label == 1.0), 1.0, 0.0), axis=(1, 2))
    union = area_pred + area_lab - inter
    ious = jnp.nan_to_num(inter / union)
    return ious

if __name__ == "__main__":
    import jax
    _d = setup_inputs()
    print(jax.jit(kernel)(*tuple(_d.values())))

</pallas_src>

<mosaic_0001>
#map = affine_map<(d0, d1) -> (0, 0, 0, 0)>
#map1 = affine_map<(d0, d1) -> (0, 0, 0)>
#map2 = affine_map<(d0, d1) -> (0)>
module attributes {stable_mosaic.version = 14 : i64} {
  func.func @_sc_body(%arg0: i32, %arg1: i32, %arg2: memref<16x2x512x512xf32, #tpu.memory_space<hbm>>, %arg3: memref<16x512x512xi32, #tpu.memory_space<hbm>>, %arg4: memref<16xf32, #tpu.memory_space<hbm>>, %arg5: memref<2x16x512xf32, #tpu.memory_space<vmem>>, %arg6: memref<2x16x512xf32, #tpu.memory_space<vmem>>, %arg7: memref<2x16x512xi32, #tpu.memory_space<vmem>>, %arg8: memref<768xf32, #tpu.memory_space<vmem>>, %arg9: memref<48xf32, #tpu.memory_space<vmem>>, %arg10: memref<16xf32, #tpu.memory_space<vmem>>, %arg11: memref<768xf32, #tpu.memory_space<vmem_shared>>, %arg12: memref<!tpu.dma_semaphore, #tpu.memory_space<semaphore_mem>>, %arg13: memref<!tpu.dma_semaphore, #tpu.memory_space<semaphore_mem>>) attributes {dimension_semantics = [#tpu.dimension_semantics<core_parallel>, #tpu.dimension_semantics<subcore_parallel>], iteration_bounds = array<i64: 2, 16>, scalar_prefetch = 0 : i64, scratch_operands = 9 : i64, tpu.core_type = #tpu.core_type<sc_vector_subcore>, window_params = [{transform_indices = #map}, {transform_indices = #map1}, {transform_indices = #map2}]} {
    %mul3A = arith.constant 4 : i32
    %mul3A_0 = arith.muli %arg0, %mul3A : i32
    %jit3A = arith.constant 4 : i32
    %div3A = arith.divsi %arg1, %jit3A : i32
    %sign3A = arith.constant 0 : i32
    %sign3A_1 = arith.cmpi sgt, %arg1, %sign3A : i32
    %sign3A_2 = arith.extui %sign3A_1 : i1 to i32
    %sign3A_3 = arith.constant 0 : i32
    %sign3A_4 = arith.cmpi slt, %arg1, %sign3A_3 : i32
    %sign3A_5 = arith.extui %sign3A_4 : i1 to i32
    %sign3A_6 = arith.subi %sign3A_2, %sign3A_5 : i32
    %sign3A_7 = arith.constant 0 : i32
    %sign3A_8 = arith.cmpi sgt, %jit3A, %sign3A_7 : i32
    %sign3A_9 = arith.extui %sign3A_8 : i1 to i32
    %sign3A_10 = arith.constant 0 : i32
    %sign3A_11 = arith.cmpi slt, %jit3A, %sign3A_10 : i32
    %sign3A_12 = arith.extui %sign3A_11 : i1 to i32
    %sign3A_13 = arith.subi %sign3A_9, %sign3A_12 : i32
    %ne3A = arith.cmpi ne, %sign3A_6, %sign3A_13 : i32
    %rem3A = arith.remsi %arg1, %jit3A : i32
    %ne3A_14 = arith.constant 0 : i32
    %ne3A_15 = arith.cmpi ne, %rem3A, %ne3A_14 : i32
    %and3A = arith.andi %ne3A, %ne3A_15 : i1
    %sub3A = arith.constant 1 : i32
    %sub3A_16 = arith.subi %div3A, %sub3A : i32
    %select_n3A = arith.select %and3A, %sub3A_16, %div3A : i32
    %add3A = arith.addi %mul3A_0, %select_n3A : i32
    %jit3A_17 = arith.constant 4 : i32
    %eq3A = arith.constant 0 : i32
    %eq3A_18 = arith.cmpi eq, %jit3A_17, %eq3A : i32
    %jit3A_19 = arith.constant 1 : i32
    %select_n3A_20 = arith.select %eq3A_18, %jit3A_19, %jit3A_17 : i32
    %rem3A_21 = arith.remsi %arg1, %select_n3A_20 : i32
    %ne3A_22 = arith.constant 0 : i32
    %ne3A_23 = arith.cmpi ne, %rem3A_21, %ne3A_22 : i32
    %lt3A = arith.constant 0 : i32
    %lt3A_24 = arith.cmpi slt, %rem3A_21, %lt3A : i32
    %lt3A_25 = arith.constant 0 : i32
    %lt3A_26 = arith.cmpi slt, %select_n3A_20, %lt3A_25 : i32
    %ne3A_27 = arith.xori %lt3A_24, %lt3A_26 : i1
    %and3A_28 = arith.andi %ne3A_27, %ne3A_23 : i1
    %add3A_29 = arith.addi %rem3A_21, %select_n3A_20 : i32
    %select_n3A_30 = arith.select %and3A_28, %add3A_29, %rem3A_21 : i32
    %mul3A_31 = arith.constant 128 : i32
    %mul3A_32 = arith.muli %select_n3A_30, %mul3A_31 : i32
    %broadcast_in_dim3A = arith.constant 0 : i32
    %broadcast_in_dim3A_33 = vector.broadcast %broadcast_in_dim3A : i32 to vector<16xi32>
    %add3A_34 = arith.constant 0 : i32
    %add3A_35 = arith.addi %mul3A_32, %add3A_34 : i32
    %dma_start3A = arith.constant 0 : i32
    %dma_start3A_36 = arith.constant 0 : i32
    %dma_start3A_37 = arith.constant 0 : i32
    %dma_start3A_38 = arith.constant 0 : i32
    %dma_start3A_39 = tpu.memref_slice %arg5[%dma_start3A_36, %dma_start3A_37, %dma_start3A_38] : memref<2x16x512xf32, #tpu.memory_space<vmem>> -> memref<1x16x512xf32, #tpu.memory_space<vmem>>
    %dma_start3A_40 = tpu.memref_squeeze %dma_start3A_39 : memref<1x16x512xf32, #tpu.memory_space<vmem>> -> memref<16x512xf32, #tpu.memory_space<vmem>>
    %dma_start3A_41 = arith.constant 0 : i32
    %dma_start3A_42 = tpu.memref_slice %arg2[%add3A, %dma_start3A, %add3A_35, %dma_start3A_41] : memref<16x2x512x512xf32, #tpu.memory_space<hbm>> -> memref<1x1x16x512xf32, #tpu.memory_space<hbm>>
    %dma_start3A_43 = tpu.memref_squeeze %dma_start3A_42 : memref<1x1x16x512xf32, #tpu.memory_space<hbm>> -> memref<16x512xf32, #tpu.memory_space<hbm>>
    %dma_start3A_44 = arith.constant 0 : i32
    %dma_start3A_45 = arith.constant 0 : i32
    %dma_start3A_46 = tpu.memref_slice %arg5[%dma_start3A_36, %dma_start3A_44, %dma_start3A_45] : memref<2x16x512xf32, #tpu.memory_space<vmem>> -> memref<1x16x512xf32, #tpu.memory_space<vmem>>
    %dma_start3A_47 = tpu.memref_squeeze %dma_start3A_46 : memref<1x16x512xf32, #tpu.memory_space<vmem>> -> memref<16x512xf32, #tpu.memory_space<vmem>>
    %dma_start3A_48 = arith.constant 0 : i32
    %dma_start3A_49 = tpu.memref_slice %arg2[%add3A, %dma_start3A, %add3A_35, %dma_start3A_48] : memref<16x2x512x512xf32, #tpu.memory_space<hbm>> -> memref<1x1x16x512xf32, #tpu.memory_space<hbm>>
    %dma_start3A_50 = tpu.memref_squeeze %dma_start3A_49 : memref<1x1x16x512xf32, #tpu.memory_space<hbm>> -> memref<16x512xf32, #tpu.memory_space<hbm>>
    tpu.enqueue_dma source(%dma_start3A_50 : memref<16x512xf32, #tpu.memory_space<hbm>>) target(%dma_start3A_47 : memref<16x512xf32, #tpu.memory_space<vmem>>) target_semaphore(%arg12 : memref<!tpu.dma_semaphore, #tpu.memory_space<semaphore_mem>>)
    %dma_start3A_51 = arith.constant 1 : i32
    %dma_start3A_52 = arith.constant 0 : i32
    %dma_start3A_53 = arith.constant 0 : i32
    %dma_start3A_54 = arith.constant 0 : i32
    %dma_start3A_55 = tpu.memref_slice %arg6[%dma_start3A_52, %dma_start3A_53, %dma_start3A_54] : memref<2x16x512xf32, #tpu.memory_space<vmem>> -> memref<1x16x512xf32, #tpu.memory_space<vmem>>
    %dma_start3A_56 = tpu.memref_squeeze %dma_start3A_55 : memref<1x16x512xf32, #tpu.memory_space<vmem>> -> memref<16x512xf32, #tpu.memory_space<vmem>>
    %dma_start3A_57 = arith.constant 0 : i32
    %dma_start3A_58 = tpu.memref_slice %arg2[%add3A, %dma_start3A_51, %add3A_35, %dma_start3A_57] : memref<16x2x512x512xf32, #tpu.memory_space<hbm>> -> memref<1x1x16x512xf32, #tpu.memory_space<hbm>>
    %dma_start3A_59 = tpu.memref_squeeze %dma_start3A_58 : memref<1x1x16x512xf32, #tpu.memory_space<hbm>> -> memref<16x512xf32, #tpu.memory_space<hbm>>
    %dma_start3A_60 = arith.constant 0 : i32
    %dma_start3A_61 = arith.constant 0 : i32
    %dma_start3A_62 = tpu.memref_slice %arg6[%dma_start3A_52, %dma_start3A_60, %dma_start3A_61] : memref<2x16x512xf32, #tpu.memory_space<vmem>> -> memref<1x16x512xf32, #tpu.memory_space<vmem>>
    %dma_start3A_63 = tpu.memref_squeeze %dma_start3A_62 : memref<1x16x512xf32, #tpu.memory_space<vmem>> -> memref<16x512xf32, #tpu.memory_space<vmem>>
    %dma_start3A_64 = arith.constant 0 : i32
    %dma_start3A_65 = tpu.memref_slice %arg2[%add3A, %dma_start3A_51, %add3A_35, %dma_start3A_64] : memref<16x2x512x512xf32, #tpu.memory_space<hbm>> -> memref<1x1x16x512xf32, #tpu.memory_space<hbm>>
    %dma_start3A_66 = tpu.memref_squeeze %dma_start3A_65 : memref<1x1x16x512xf32, #tpu.memory_space<hbm>> -> memref<16x512xf32, #tpu.memory_space<hbm>>
    tpu.enqueue_dma source(%dma_start3A_66 : memref<16x512xf32, #tpu.memory_space<hbm>>) target(%dma_start3A_63 : memref<16x512xf32, #tpu.memory_space<vmem>>) target_semaphore(%arg12 : memref<!tpu.dma_semaphore, #tpu.memory_space<semaphore_mem>>)
    %dma_start3A_67 = arith.constant 0 : i32
    %dma_start3A_68 = arith.constant 0 : i32
    %dma_start3A_69 = arith.constant 0 : i32
    %dma_start3A_70 = tpu.memref_slice %arg7[%dma_start3A_67, %dma_start3A_68, %dma_start3A_69] : memref<2x16x512xi32, #tpu.memory_space<vmem>> -> memref<1x16x512xi32, #tpu.memory_space<vmem>>
    %dma_start3A_71 = tpu.memref_squeeze %dma_start3A_70 : memref<1x16x512xi32, #tpu.memory_space<vmem>> -> memref<16x512xi32, #tpu.memory_space<vmem>>
    %dma_start3A_72 = arith.constant 0 : i32
    %dma_start3A_73 = tpu.memref_slice %arg3[%add3A, %add3A_35, %dma_start3A_72] : memref<16x512x512xi32, #tpu.memory_space<hbm>> -> memref<1x16x512xi32, #tpu.memory_space<hbm>>
    %dma_start3A_74 = tpu.memref_squeeze %dma_start3A_73 : memref<1x16x512xi32, #tpu.memory_space<hbm>> -> memref<16x512xi32, #tpu.memory_space<hbm>>
    %dma_start3A_75 = arith.constant 0 : i32
    %dma_start3A_76 = arith.constant 0 : i32
    %dma_start3A_77 = tpu.memref_slice %arg7[%dma_start3A_67, %dma_start3A_75, %dma_start3A_76] : memref<2x16x512xi32, #tpu.memory_space<vmem>> -> memref<1x16x512xi32, #tpu.memory_space<vmem>>
    %dma_start3A_78 = tpu.memref_squeeze %dma_start3A_77 : memref<1x16x512xi32, #tpu.memory_space<vmem>> -> memref<16x512xi32, #tpu.memory_space<vmem>>
    %dma_start3A_79 = arith.constant 0 : i32
    %dma_start3A_80 = tpu.memref_slice %arg3[%add3A, %add3A_35, %dma_start3A_79] : memref<16x512x512xi32, #tpu.memory_space<hbm>> -> memref<1x16x512xi32, #tpu.memory_space<hbm>>
    %dma_start3A_81 = tpu.memref_squeeze %dma_start3A_80 : memref<1x16x512xi32, #tpu.memory_space<hbm>> -> memref<16x512xi32, #tpu.memory_space<hbm>>
    tpu.enqueue_dma source(%dma_start3A_81 : memref<16x512xi32, #tpu.memory_space<hbm>>) target(%dma_start3A_78 : memref<16x512xi32, #tpu.memory_space<vmem>>) target_semaphore(%arg12 : memref<!tpu.dma_semaphore, #tpu.memory_space<semaphore_mem>>)
    %add3A_82 = arith.constant 16 : i32
    %add3A_83 = arith.addi %mul3A_32, %add3A_82 : i32
    %dma_start3A_84 = arith.constant 0 : i32
    %dma_start3A_85 = arith.constant 1 : i32
    %dma_start3A_86 = arith.constant 0 : i32
    %dma_start3A_87 = arith.constant 0 : i32
    %dma_start3A_88 = tpu.memref_slice %arg5[%dma_start3A_85, %dma_start3A_86, %dma_start3A_87] : memref<2x16x512xf32, #tpu.memory_space<vmem>> -> memref<1x16x512xf32, #tpu.memory_space<vmem>>
    %dma_start3A_89 = tpu.memref_squeeze %dma_start3A_88 : memref<1x16x512xf32, #tpu.memory_space<vmem>> -> memref<16x512xf32, #tpu.memory_space<vmem>>
    %dma_start3A_90 = arith.constant 0 : i32
    %dma_start3A_91 = tpu.memref_slice %arg2[%add3A, %dma_start3A_84, %add3A_83, %dma_start3A_90] : memref<16x2x512x512xf32, #tpu.memory_space<hbm>> -> memref<1x1x16x512xf32, #tpu.memory_space<hbm>>
    %dma_start3A_92 = tpu.memref_squeeze %dma_start3A_91 : memref<1x1x16x512xf32, #tpu.memory_space<hbm>> -> memref<16x512xf32, #tpu.memory_space<hbm>>
    %dma_start3A_93 = arith.constant 0 : i32
    %dma_start3A_94 = arith.constant 0 : i32
    %dma_start3A_95 = tpu.memref_slice %arg5[%dma_start3A_85, %dma_start3A_93, %dma_start3A_94] : memref<2x16x512xf32, #tpu.memory_space<vmem>> -> memref<1x16x512xf32, #tpu.memory_space<vmem>>
    %dma_start3A_96 = tpu.memref_squeeze %dma_start3A_95 : memref<1x16x512xf32, #tpu.memory_space<vmem>> -> memref<16x512xf32, #tpu.memory_space<vmem>>
    %dma_start3A_97 = arith.constant 0 : i32
    %dma_start3A_98 = tpu.memref_slice %arg2[%add3A, %dma_start3A_84, %add3A_83, %dma_start3A_97] : memref<16x2x512x512xf32, #tpu.memory_space<hbm>> -> memref<1x1x16x512xf32, #tpu.memory_space<hbm>>
    %dma_start3A_99 = tpu.memref_squeeze %dma_start3A_98 : memref<1x1x16x512xf32, #tpu.memory_space<hbm>> -> memref<16x512xf32, #tpu.memory_space<hbm>>
    tpu.enqueue_dma source(%dma_start3A_99 : memref<16x512xf32, #tpu.memory_space<hbm>>) target(%dma_start3A_96 : memref<16x512xf32, #tpu.memory_space<vmem>>) target_semaphore(%arg13 : memref<!tpu.dma_semaphore, #tpu.memory_space<semaphore_mem>>)
    %dma_start3A_100 = arith.constant 1 : i32
    %dma_start3A_101 = arith.constant 1 : i32
    %dma_start3A_102 = arith.constant 0 : i32
    %dma_start3A_103 = arith.constant 0 : i32
    %dma_start3A_104 = tpu.memref_slice %arg6[%dma_start3A_101, %dma_start3A_102, %dma_start3A_103] : memref<2x16x512xf32, #tpu.memory_space<vmem>> -> memref<1x16x512xf32, #tpu.memory_space<vmem>>
    %dma_start3A_105 = tpu.memref_squeeze %dma_start3A_104 : memref<1x16x512xf32, #tpu.memory_space<vmem>> -> memref<16x512xf32, #tpu.memory_space<vmem>>
    %dma_start3A_106 = arith.constant 0 : i32
    %dma_start3A_107 = tpu.memref_slice %arg2[%add3A, %dma_start3A_100, %add3A_83, %dma_start3A_106] : memref<16x2x512x512xf32, #tpu.memory_space<hbm>> -> memref<1x1x16x512xf32, #tpu.memory_space<hbm>>
    %dma_start3A_108 = tpu.memref_squeeze %dma_start3A_107 : memref<1x1x16x512xf32, #tpu.memory_space<hbm>> -> memref<16x512xf32, #tpu.memory_space<hbm>>
    %dma_start3A_109 = arith.constant 0 : i32
    %dma_start3A_110 = arith.constant 0 : i32
    %dma_start3A_111 = tpu.memref_slice %arg6[%dma_start3A_101, %dma_start3A_109, %dma_start3A_110] : memref<2x16x512xf32, #tpu.memory_space<vmem>> -> memref<1x16x512xf32, #tpu.memory_space<vmem>>
    %dma_start3A_112 = tpu.memref_squeeze %dma_start3A_111 : memref<1x16x512xf32, #tpu.memory_space<vmem>> -> memref<16x512xf32, #tpu.memory_space<vmem>>
    %dma_start3A_113 = arith.constant 0 : i32
    %dma_start3A_114 = tpu.memref_slice %arg2[%add3A, %dma_start3A_100, %add3A_83, %dma_start3A_113] : memref<16x2x512x512xf32, #tpu.memory_space<hbm>> -> memref<1x1x16x512xf32, #tpu.memory_space<hbm>>
    %dma_start3A_115 = tpu.memref_squeeze %dma_start3A_114 : memref<1x1x16x512xf32, #tpu.memory_space<hbm>> -> memref<16x512xf32, #tpu.memory_space<hbm>>
    tpu.enqueue_dma source(%dma_start3A_115 : memref<16x512xf32, #tpu.memory_space<hbm>>) target(%dma_start3A_112 : memref<16x512xf32, #tpu.memory_space<vmem>>) target_semaphore(%arg13 : memref<!tpu.dma_semaphore, #tpu.memory_space<semaphore_mem>>)
    %dma_start3A_116 = arith.constant 1 : i32
    %dma_start3A_117 = arith.constant 0 : i32
    %dma_start3A_118 = arith.constant 0 : i32
    %dma_start3A_119 = tpu.memref_slice %arg7[%dma_start3A_116, %dma_start3A_117, %dma_start3A_118] : memref<2x16x512xi32, #tpu.memory_space<vmem>> -> memref<1x16x512xi32, #tpu.memory_space<vmem>>
    %dma_start3A_120 = tpu.memref_squeeze %dma_start3A_119 : memref<1x16x512xi32, #tpu.memory_space<vmem>> -> memref<16x512xi32, #tpu.memory_space<vmem>>
    %dma_start3A_121 = arith.constant 0 : i32
    %dma_start3A_122 = tpu.memref_slice %arg3[%add3A, %add3A_83, %dma_start3A_121] : memref<16x512x512xi32, #tpu.memory_space<hbm>> -> memref<1x16x512xi32, #tpu.memory_space<hbm>>
    %dma_start3A_123 = tpu.memref_squeeze %dma_start3A_122 : memref<1x16x512xi32, #tpu.memory_space<hbm>> -> memref<16x512xi32, #tpu.memory_space<hbm>>
    %dma_start3A_124 = arith.constant 0 : i32
    %dma_start3A_125 = arith.constant 0 : i32
    %dma_start3A_126 = tpu.memref_slice %arg7[%dma_start3A_116, %dma_start3A_124, %dma_start3A_125] : memref<2x16x512xi32, #tpu.memory_space<vmem>> -> memref<1x16x512xi32, #tpu.memory_space<vmem>>
    %dma_start3A_127 = tpu.memref_squeeze %dma_start3A_126 : memref<1x16x512xi32, #tpu.memory_space<vmem>> -> memref<16x512xi32, #tpu.memory_space<vmem>>
    %dma_start3A_128 = arith.constant 0 : i32
    %dma_start3A_129 = tpu.memref_slice %arg3[%add3A, %add3A_83, %dma_start3A_128] : memref<16x512x512xi32, #tpu.memory_space<hbm>> -> memref<1x16x512xi32, #tpu.memory_space<hbm>>
    %dma_start3A_130 = tpu.memref_squeeze %dma_start3A_129 : memref<1x16x512xi32, #tpu.memory_space<hbm>> -> memref<16x512xi32, #tpu.memory_space<hbm>>
    tpu.enqueue_dma source(%dma_start3A_130 : memref<16x512xi32, #tpu.memory_space<hbm>>) target(%dma_start3A_127 : memref<16x512xi32, #tpu.memory_space<vmem>>) target_semaphore(%arg13 : memref<!tpu.dma_semaphore, #tpu.memory_space<semaphore_mem>>)
    %dma_wait3A = arith.constant 0 : i32
    %dma_wait3A_131 = arith.constant 0 : i32
    %dma_wait3A_132 = arith.constant 0 : i32
    %dma_wait3A_133 = arith.constant 0 : i32
    %dma_wait3A_134 = tpu.memref_slice %arg5[%dma_wait3A_131, %dma_wait3A_132, %dma_wait3A_133] : memref<2x16x512xf32, #tpu.memory_space<vmem>> -> memref<1x16x512xf32, #tpu.memory_space<vmem>>
    %dma_wait3A_135 = tpu.memref_squeeze %dma_wait3A_134 : memref<1x16x512xf32, #tpu.memory_space<vmem>> -> memref<16x512xf32, #tpu.memory_space<vmem>>
    %dma_wait3A_136 = arith.constant 0 : i32
    %dma_wait3A_137 = tpu.memref_slice %arg2[%add3A, %dma_wait3A, %add3A_35, %dma_wait3A_136] : memref<16x2x512x512xf32, #tpu.memory_space<hbm>> -> memref<1x1x16x512xf32, #tpu.memory_space<hbm>>
    %dma_wait3A_138 = tpu.memref_squeeze %dma_wait3A_137 : memref<1x1x16x512xf32, #tpu.memory_space<hbm>> -> memref<16x512xf32, #tpu.memory_space<hbm>>
    %dma_wait3A_139 = arith.constant 0 : i32
    %dma_wait3A_140 = arith.constant 0 : i32
    %dma_wait3A_141 = tpu.memref_slice %arg5[%dma_wait3A_131, %dma_wait3A_139, %dma_wait3A_140] : memref<2x16x512xf32, #tpu.memory_space<vmem>> -> memref<1x16x512xf32, #tpu.memory_space<vmem>>
    %dma_wait3A_142 = tpu.memref_squeeze %dma_wait3A_141 : memref<1x16x512xf32, #tpu.memory_space<vmem>> -> memref<16x512xf32, #tpu.memory_space<vmem>>
    %dma_wait3A_143 = arith.constant 0 : i32
    %dma_wait3A_144 = tpu.memref_slice %arg2[%add3A, %dma_wait3A, %add3A_35, %dma_wait3A_143] : memref<16x2x512x512xf32, #tpu.memory_space<hbm>> -> memref<1x1x16x512xf32, #tpu.memory_space<hbm>>
    %dma_wait3A_145 = tpu.memref_squeeze %dma_wait3A_144 : memref<1x1x16x512xf32, #tpu.memory_space<hbm>> -> memref<16x512xf32, #tpu.memory_space<hbm>>
    tpu.wait_dma2 semaphore(%arg12 : memref<!tpu.dma_semaphore, #tpu.memory_space<semaphore_mem>>) src(%dma_wait3A_145 : memref<16x512xf32, #tpu.memory_space<hbm>>) dst(%dma_wait3A_142 : memref<16x512xf32, #tpu.memory_space<vmem>>)
    %dma_wait3A_146 = arith.constant 1 : i32
    %dma_wait3A_147 = arith.constant 0 : i32
    %dma_wait3A_148 = arith.constant 0 : i32
    %dma_wait3A_149 = arith.constant 0 : i32
    %dma_wait3A_150 = tpu.memref_slice %arg6[%dma_wait3A_147, %dma_wait3A_148, %dma_wait3A_149] : memref<2x16x512xf32, #tpu.memory_space<vmem>> -> memref<1x16x512xf32, #tpu.memory_space<vmem>>
    %dma_wait3A_151 = tpu.memref_squeeze %dma_wait3A_150 : memref<1x16x512xf32, #tpu.memory_space<vmem>> -> memref<16x512xf32, #tpu.memory_space<vmem>>
    %dma_wait3A_152 = arith.constant 0 : i32
    %dma_wait3A_153 = tpu.memref_slice %arg2[%add3A, %dma_wait3A_146, %add3A_35, %dma_wait3A_152] : memref<16x2x512x512xf32, #tpu.memory_space<hbm>> -> memref<1x1x16x512xf32, #tpu.memory_space<hbm>>
    %dma_wait3A_154 = tpu.memref_squeeze %dma_wait3A_153 : memref<1x1x16x512xf32, #tpu.memory_space<hbm>> -> memref<16x512xf32, #tpu.memory_space<hbm>>
    %dma_wait3A_155 = arith.constant 0 : i32
    %dma_wait3A_156 = arith.constant 0 : i32
    %dma_wait3A_157 = tpu.memref_slice %arg6[%dma_wait3A_147, %dma_wait3A_155, %dma_wait3A_156] : memref<2x16x512xf32, #tpu.memory_space<vmem>> -> memref<1x16x512xf32, #tpu.memory_space<vmem>>
    %dma_wait3A_158 = tpu.memref_squeeze %dma_wait3A_157 : memref<1x16x512xf32, #tpu.memory_space<vmem>> -> memref<16x512xf32, #tpu.memory_space<vmem>>
    %dma_wait3A_159 = arith.constant 0 : i32
    %dma_wait3A_160 = tpu.memref_slice %arg2[%add3A, %dma_wait3A_146, %add3A_35, %dma_wait3A_159] : memref<16x2x512x512xf32, #tpu.memory_space<hbm>> -> memref<1x1x16x512xf32, #tpu.memory_space<hbm>>
    %dma_wait3A_161 = tpu.memref_squeeze %dma_wait3A_160 : memref<1x1x16x512xf32, #tpu.memory_space<hbm>> -> memref<16x512xf32, #tpu.memory_space<hbm>>
    tpu.wait_dma2 semaphore(%arg12 : memref<!tpu.dma_semaphore, #tpu.memory_space<semaphore_mem>>) src(%dma_wait3A_161 : memref<16x512xf32, #tpu.memory_space<hbm>>) dst(%dma_wait3A_158 : memref<16x512xf32, #tpu.memory_space<vmem>>)
    %dma_wait3A_162 = arith.constant 0 : i32
    %dma_wait3A_163 = arith.constant 0 : i32
    %dma_wait3A_164 = arith.constant 0 : i32
    %dma_wait3A_165 = tpu.memref_slice %arg7[%dma_wait3A_162, %dma_wait3A_163, %dma_wait3A_164] : memref<2x16x512xi32, #tpu.memory_space<vmem>> -> memref<1x16x512xi32, #tpu.memory_space<vmem>>
    %dma_wait3A_166 = tpu.memref_squeeze %dma_wait3A_165 : memref<1x16x512xi32, #tpu.memory_space<vmem>> -> memref<16x512xi32, #tpu.memory_space<vmem>>
    %dma_wait3A_167 = arith.constant 0 : i32
    %dma_wait3A_168 = tpu.memref_slice %arg3[%add3A, %add3A_35, %dma_wait3A_167] : memref<16x512x512xi32, #tpu.memory_space<hbm>> -> memref<1x16x512xi32, #tpu.memory_space<hbm>>
    %dma_wait3A_169 = tpu.memref_squeeze %dma_wait3A_168 : memref<1x16x512xi32, #tpu.memory_space<hbm>> -> memref<16x512xi32, #tpu.memory_space<hbm>>
    %dma_wait3A_170 = arith.constant 0 : i32
    %dma_wait3A_171 = arith.constant 0 : i32
    %dma_wait3A_172 = tpu.memref_slice %arg7[%dma_wait3A_162, %dma_wait3A_170, %dma_wait3A_171] : memref<2x16x512xi32, #tpu.memory_space<vmem>> -> memref<1x16x512xi32, #tpu.memory_space<vmem>>
    %dma_wait3A_173 = tpu.memref_squeeze %dma_wait3A_172 : memref<1x16x512xi32, #tpu.memory_space<vmem>> -> memref<16x512xi32, #tpu.memory_space<vmem>>
    %dma_wait3A_174 = arith.constant 0 : i32
    %dma_wait3A_175 = tpu.memref_slice %arg3[%add3A, %add3A_35, %dma_wait3A_174] : memref<16x512x512xi32, #tpu.memory_space<hbm>> -> memref<1x16x512xi32, #tpu.memory_space<hbm>>
    %dma_wait3A_176 = tpu.memref_squeeze %dma_wait3A_175 : memref<1x16x512xi32, #tpu.memory_space<hbm>> -> memref<16x512xi32, #tpu.memory_space<hbm>>
    tpu.wait_dma2 semaphore(%arg12 : memref<!tpu.dma_semaphore, #tpu.memory_space<semaphore_mem>>) src(%dma_wait3A_176 : memref<16x512xi32, #tpu.memory_space<hbm>>) dst(%dma_wait3A_173 : memref<16x512xi32, #tpu.memory_space<vmem>>)
    %parallel_loop3A = arith.constant 0 : i32
    %parallel_loop3A_177 = arith.constant 128 : i32
    %parallel_loop3A_178 = arith.constant 1 : i32
    %parallel_loop3A_179 = arith.constant 0 : i32
    %parallel_loop3A_180 = arith.constant 0 : i32
    %parallel_loop3A_181 = arith.constant 0 : i32
    %parallel_loop3A_182:12 = scf.for %parallel_loop3A_1084 = %parallel_loop3A to %parallel_loop3A_177 step %parallel_loop3A_178 iter_args(%parallel_loop3A_1085 = %broadcast_in_dim3A_33, %parallel_loop3A_1086 = %broadcast_in_dim3A_33, %parallel_loop3A_1087 = %broadcast_in_dim3A_33, %parallel_loop3A_1088 = %broadcast_in_dim3A_33, %parallel_loop3A_1089 = %broadcast_in_dim3A_33, %parallel_loop3A_1090 = %broadcast_in_dim3A_33, %parallel_loop3A_1091 = %broadcast_in_dim3A_33, %parallel_loop3A_1092 = %broadcast_in_dim3A_33, %parallel_loop3A_1093 = %broadcast_in_dim3A_33, %parallel_loop3A_1094 = %broadcast_in_dim3A_33, %parallel_loop3A_1095 = %broadcast_in_dim3A_33, %parallel_loop3A_1096 = %broadcast_in_dim3A_33) -> (vector<16xi32>, vector<16xi32>, vector<16xi32>, vector<16xi32>, vector<16xi32>, vector<16xi32>, vector<16xi32>, vector<16xi32>, vector<16xi32>, vector<16xi32>, vector<16xi32>, vector<16xi32>)  : i32 {
      %parallel_loop3A_1097 = arith.constant 3 : i32
      %parallel_loop3A_1098 = arith.shrsi %parallel_loop3A_1084, %parallel_loop3A_1097 : i32
      %parallel_loop3A_1099 = arith.constant 7 : i32
      %parallel_loop3A_1100 = arith.andi %parallel_loop3A_1084, %parallel_loop3A_1099 : i32
      %parallel_loop3A_1101 = arith.constant 64 : i32
      %parallel_loop3A_1102 = arith.muli %parallel_loop3A_1100, %parallel_loop3A_1101 : i32
      %parallel_loop3A_1103 = arith.constant 0 : i32
      %parallel_loop3A_1104 = arith.addi %parallel_loop3A_1102, %parallel_loop3A_1103 : i32
      %parallel_loop3A_1105 = arith.constant 0 : i32
      %parallel_loop3A_1106 = arith.constant 0 : i32
      %parallel_loop3A_1107 = tpu.memref_slice %arg6[%parallel_loop3A_179, %parallel_loop3A_1105, %parallel_loop3A_1106] : memref<2x16x512xf32, #tpu.memory_space<vmem>> -> memref<1x16x512xf32, #tpu.memory_space<vmem>>
      %parallel_loop3A_1108 = tpu.memref_squeeze %parallel_loop3A_1107 : memref<1x16x512xf32, #tpu.memory_space<vmem>> -> memref<16x512xf32, #tpu.memory_space<vmem>>
      %parallel_loop3A_1109 = arith.index_cast %parallel_loop3A_1098 : i32 to index
      %parallel_loop3A_1110 = arith.index_cast %parallel_loop3A_1104 : i32 to index
      %parallel_loop3A_1111 = tpu.vector_load %parallel_loop3A_1108[%parallel_loop3A_1109, %parallel_loop3A_1110] {strides = array<i32>} : memref<16x512xf32, #tpu.memory_space<vmem>>, vector<1x16xf32>,
      %parallel_loop3A_1112 = vector.shape_cast %parallel_loop3A_1111 : vector<1x16xf32> to vector<16xf32>
      %parallel_loop3A_1113 = arith.constant 0 : i32
      %parallel_loop3A_1114 = arith.constant 0 : i32
      %parallel_loop3A_1115 = tpu.memref_slice %arg5[%parallel_loop3A_180, %parallel_loop3A_1113, %parallel_loop3A_1114] : memref<2x16x512xf32, #tpu.memory_space<vmem>> -> memref<1x16x512xf32, #tpu.memory_space<vmem>>
      %parallel_loop3A_1116 = tpu.memref_squeeze %parallel_loop3A_1115 : memref<1x16x512xf32, #tpu.memory_space<vmem>> -> memref<16x512xf32, #tpu.memory_space<vmem>>
      %parallel_loop3A_1117 = arith.index_cast %parallel_loop3A_1098 : i32 to index
      %parallel_loop3A_1118 = arith.index_cast %parallel_loop3A_1104 : i32 to index
      %parallel_loop3A_1119 = tpu.vector_load %parallel_loop3A_1116[%parallel_loop3A_1117, %parallel_loop3A_1118] {strides = array<i32>} : memref<16x512xf32, #tpu.memory_space<vmem>>, vector<1x16xf32>,
      %parallel_loop3A_1120 = vector.shape_cast %parallel_loop3A_1119 : vector<1x16xf32> to vector<16xf32>
      %parallel_loop3A_1121 = arith.subf %parallel_loop3A_1112, %parallel_loop3A_1120 : vector<16xf32>
      %parallel_loop3A_1122 = arith.constant 0.000000e+00 : f32
      %parallel_loop3A_1123 = vector.broadcast %parallel_loop3A_1122 : f32 to vector<16xf32>
      %parallel_loop3A_1124 = arith.cmpf ogt, %parallel_loop3A_1121, %parallel_loop3A_1123 : vector<16xf32>
      %parallel_loop3A_1125 = arith.constant 0 : i32
      %parallel_loop3A_1126 = arith.constant 0 : i32
      %parallel_loop3A_1127 = tpu.memref_slice %arg7[%parallel_loop3A_181, %parallel_loop3A_1125, %parallel_loop3A_1126] : memref<2x16x512xi32, #tpu.memory_space<vmem>> -> memref<1x16x512xi32, #tpu.memory_space<vmem>>
      %parallel_loop3A_1128 = tpu.memref_squeeze %parallel_loop3A_1127 : memref<1x16x512xi32, #tpu.memory_space<vmem>> -> memref<16x512xi32, #tpu.memory_space<vmem>>
      %parallel_loop3A_1129 = arith.index_cast %parallel_loop3A_1098 : i32 to index
      %parallel_loop3A_1130 = arith.index_cast %parallel_loop3A_1104 : i32 to index
      %parallel_loop3A_1131 = tpu.vector_load %parallel_loop3A_1128[%parallel_loop3A_1129, %parallel_loop3A_1130] {strides = array<i32>} : memref<16x512xi32, #tpu.memory_space<vmem>>, vector<1x16xi32>,
      %parallel_loop3A_1132 = vector.shape_cast %parallel_loop3A_1131 : vector<1x16xi32> to vector<16xi32>
      %parallel_loop3A_1133 = arith.constant 1 : i32
      %parallel_loop3A_1134 = arith.constant 0 : i32
      %parallel_loop3A_1135 = vector.broadcast %parallel_loop3A_1133 : i32 to vector<16xi32>
      %parallel_loop3A_1136 = vector.broadcast %parallel_loop3A_1134 : i32 to vector<16xi32>
      %parallel_loop3A_1137 = arith.select %parallel_loop3A_1124, %parallel_loop3A_1135, %parallel_loop3A_1136 : vector<16xi1>, vector<16xi32>
      %parallel_loop3A_1138 = arith.andi %parallel_loop3A_1137, %parallel_loop3A_1132 : vector<16xi32>
      %parallel_loop3A_1139 = arith.addi %parallel_loop3A_1085, %parallel_loop3A_1138 : vector<16xi32>
      %parallel_loop3A_1140 = arith.addi %parallel_loop3A_1089, %parallel_loop3A_1137 : vector<16xi32>
      %parallel_loop3A_1141 = arith.addi %parallel_loop3A_1093, %parallel_loop3A_1132 : vector<16xi32>
      %parallel_loop3A_1142 = arith.constant 16 : i32
      %parallel_loop3A_1143 = arith.addi %parallel_loop3A_1102, %parallel_loop3A_1142 : i32
      %parallel_loop3A_1144 = arith.constant 0 : i32
      %parallel_loop3A_1145 = arith.constant 0 : i32
      %parallel_loop3A_1146 = tpu.memref_slice %arg6[%parallel_loop3A_179, %parallel_loop3A_1144, %parallel_loop3A_1145] : memref<2x16x512xf32, #tpu.memory_space<vmem>> -> memref<1x16x512xf32, #tpu.memory_space<vmem>>
      %parallel_loop3A_1147 = tpu.memref_squeeze %parallel_loop3A_1146 : memref<1x16x512xf32, #tpu.memory_space<vmem>> -> memref<16x512xf32, #tpu.memory_space<vmem>>
      %parallel_loop3A_1148 = arith.index_cast %parallel_loop3A_1098 : i32 to index
      %parallel_loop3A_1149 = arith.index_cast %parallel_loop3A_1143 : i32 to index
      %parallel_loop3A_1150 = tpu.vector_load %parallel_loop3A_1147[%parallel_loop3A_1148, %parallel_loop3A_1149] {strides = array<i32>} : memref<16x512xf32, #tpu.memory_space<vmem>>, vector<1x16xf32>,
      %parallel_loop3A_1151 = vector.shape_cast %parallel_loop3A_1150 : vector<1x16xf32> to vector<16xf32>
      %parallel_loop3A_1152 = arith.constant 0 : i32
      %parallel_loop3A_1153 = arith.constant 0 : i32
      %parallel_loop3A_1154 = tpu.memref_slice %arg5[%parallel_loop3A_180, %parallel_loop3A_1152, %parallel_loop3A_1153] : memref<2x16x512xf32, #tpu.memory_space<vmem>> -> memref<1x16x512xf32, #tpu.memory_space<vmem>>
      %parallel_loop3A_1155 = tpu.memref_squeeze %parallel_loop3A_1154 : memref<1x16x512xf32, #tpu.memory_space<vmem>> -> memref<16x512xf32, #tpu.memory_space<vmem>>
      %parallel_loop3A_1156 = arith.index_cast %parallel_loop3A_1098 : i32 to index
      %parallel_loop3A_1157 = arith.index_cast %parallel_loop3A_1143 : i32 to index
      %parallel_loop3A_1158 = tpu.vector_load %parallel_loop3A_1155[%parallel_loop3A_1156, %parallel_loop3A_1157] {strides = array<i32>} : memref<16x512xf32, #tpu.memory_space<vmem>>, vector<1x16xf32>,
      %parallel_loop3A_1159 = vector.shape_cast %parallel_loop3A_1158 : vector<1x16xf32> to vector<16xf32>
      %parallel_loop3A_1160 = arith.subf %parallel_loop3A_1151, %parallel_loop3A_1159 : vector<16xf32>
      %parallel_loop3A_1161 = arith.constant 0.000000e+00 : f32
      %parallel_loop3A_1162 = vector.broadcast %parallel_loop3A_1161 : f32 to vector<16xf32>
      %parallel_loop3A_1163 = arith.cmpf ogt, %parallel_loop3A_1160, %parallel_loop3A_1162 : vector<16xf32>
      %parallel_loop3A_1164 = arith.constant 0 : i32
      %parallel_loop3A_1165 = arith.constant 0 : i32
      %parallel_loop3A_1166 = tpu.memref_slice %arg7[%parallel_loop3A_181, %parallel_loop3A_1164, %parallel_loop3A_1165] : memref<2x16x512xi32, #tpu.memory_space<vmem>> -> memref<1x16x512xi32, #tpu.memory_space<vmem>>
      %parallel_loop3A_1167 = tpu.memref_squeeze %parallel_loop3A_1166 : memref<1x16x512xi32, #tpu.memory_space<vmem>> -> memref<16x512xi32, #tpu.memory_space<vmem>>
      %parallel_loop3A_1168 = arith.index_cast %parallel_loop3A_1098 : i32 to index
      %parallel_loop3A_1169 = arith.index_cast %parallel_loop3A_1143 : i32 to index
      %parallel_loop3A_1170 = tpu.vector_load %parallel_loop3A_1167[%parallel_loop3A_1168, %parallel_loop3A_1169] {strides = array<i32>} : memref<16x512xi32, #tpu.memory_space<vmem>>, vector<1x16xi32>,
      %parallel_loop3A_1171 = vector.shape_cast %parallel_loop3A_1170 : vector<1x16xi32> to vector<16xi32>
      %parallel_loop3A_1172 = arith.constant 1 : i32
      %parallel_loop3A_1173 = arith.constant 0 : i32
      %parallel_loop3A_1174 = vector.broadcast %parallel_loop3A_1172 : i32 to vector<16xi32>
      %parallel_loop3A_1175 = vector.broadcast %parallel_loop3A_1173 : i32 to vector<16xi32>
      %parallel_loop3A_1176 = arith.select %parallel_loop3A_1163, %parallel_loop3A_1174, %parallel_loop3A_1175 : vector<16xi1>, vector<16xi32>
      %parallel_loop3A_1177 = arith.andi %parallel_loop3A_1176, %parallel_loop3A_1171 : vector<16xi32>
      %parallel_loop3A_1178 = arith.addi %parallel_loop3A_1086, %parallel_loop3A_1177 : vector<16xi32>
      %parallel_loop3A_1179 = arith.addi %parallel_loop3A_1090, %parallel_loop3A_1176 : vector<16xi32>
      %parallel_loop3A_1180 = arith.addi %parallel_loop3A_1094, %parallel_loop3A_1171 : vector<16xi32>
      %parallel_loop3A_1181 = arith.constant 32 : i32
      %parallel_loop3A_1182 = arith.addi %parallel_loop3A_1102, %parallel_loop3A_1181 : i32
      %parallel_loop3A_1183 = arith.constant 0 : i32
      %parallel_loop3A_1184 = arith.constant 0 : i32
      %parallel_loop3A_1185 = tpu.memref_slice %arg6[%parallel_loop3A_179, %parallel_loop3A_1183, %parallel_loop3A_1184] : memref<2x16x512xf32, #tpu.memory_space<vmem>> -> memref<1x16x512xf32, #tpu.memory_space<vmem>>
      %parallel_loop3A_1186 = tpu.memref_squeeze %parallel_loop3A_1185 : memref<1x16x512xf32, #tpu.memory_space<vmem>> -> memref<16x512xf32, #tpu.memory_space<vmem>>
      %parallel_loop3A_1187 = arith.index_cast %parallel_loop3A_1098 : i32 to index
      %parallel_loop3A_1188 = arith.index_cast %parallel_loop3A_1182 : i32 to index
      %parallel_loop3A_1189 = tpu.vector_load %parallel_loop3A_1186[%parallel_loop3A_1187, %parallel_loop3A_1188] {strides = array<i32>} : memref<16x512xf32, #tpu.memory_space<vmem>>, vector<1x16xf32>,
      %parallel_loop3A_1190 = vector.shape_cast %parallel_loop3A_1189 : vector<1x16xf32> to vector<16xf32>
      %parallel_loop3A_1191 = arith.constant 0 : i32
      %parallel_loop3A_1192 = arith.constant 0 : i32
      %parallel_loop3A_1193 = tpu.memref_slice %arg5[%parallel_loop3A_180, %parallel_loop3A_1191, %parallel_loop3A_1192] : memref<2x16x512xf32, #tpu.memory_space<vmem>> -> memref<1x16x512xf32, #tpu.memory_space<vmem>>
      %parallel_loop3A_1194 = tpu.memref_squeeze %parallel_loop3A_1193 : memref<1x16x512xf32, #tpu.memory_space<vmem>> -> memref<16x512xf32, #tpu.memory_space<vmem>>
      %parallel_loop3A_1195 = arith.index_cast %parallel_loop3A_1098 : i32 to index
      %parallel_loop3A_1196 = arith.index_cast %parallel_loop3A_1182 : i32 to index
      %parallel_loop3A_1197 = tpu.vector_load %parallel_loop3A_1194[%parallel_loop3A_1195, %parallel_loop3A_1196] {strides = array<i32>} : memref<16x512xf32, #tpu.memory_space<vmem>>, vector<1x16xf32>,
      %parallel_loop3A_1198 = vector.shape_cast %parallel_loop3A_1197 : vector<1x16xf32> to vector<16xf32>
      %parallel_loop3A_1199 = arith.subf %parallel_loop3A_1190, %parallel_loop3A_1198 : vector<16xf32>
      %parallel_loop3A_1200 = arith.constant 0.000000e+00 : f32
      %parallel_loop3A_1201 = vector.broadcast %parallel_loop3A_1200 : f32 to vector<16xf32>
      %parallel_loop3A_1202 = arith.cmpf ogt, %parallel_loop3A_1199, %parallel_loop3A_1201 : vector<16xf32>
      %parallel_loop3A_1203 = arith.constant 0 : i32
      %parallel_loop3A_1204 = arith.constant 0 : i32
      %parallel_loop3A_1205 = tpu.memref_slice %arg7[%parallel_loop3A_181, %parallel_loop3A_1203, %parallel_loop3A_1204] : memref<2x16x512xi32, #tpu.memory_space<vmem>> -> memref<1x16x512xi32, #tpu.memory_space<vmem>>
      %parallel_loop3A_1206 = tpu.memref_squeeze %parallel_loop3A_1205 : memref<1x16x512xi32, #tpu.memory_space<vmem>> -> memref<16x512xi32, #tpu.memory_space<vmem>>
      %parallel_loop3A_1207 = arith.index_cast %parallel_loop3A_1098 : i32 to index
      %parallel_loop3A_1208 = arith.index_cast %parallel_loop3A_1182 : i32 to index
      %parallel_loop3A_1209 = tpu.vector_load %parallel_loop3A_1206[%parallel_loop3A_1207, %parallel_loop3A_1208] {strides = array<i32>} : memref<16x512xi32, #tpu.memory_space<vmem>>, vector<1x16xi32>,
      %parallel_loop3A_1210 = vector.shape_cast %parallel_loop3A_1209 : vector<1x16xi32> to vector<16xi32>
      %parallel_loop3A_1211 = arith.constant 1 : i32
      %parallel_loop3A_1212 = arith.constant 0 : i32
      %parallel_loop3A_1213 = vector.broadcast %parallel_loop3A_1211 : i32 to vector<16xi32>
      %parallel_loop3A_1214 = vector.broadcast %parallel_loop3A_1212 : i32 to vector<16xi32>
      %parallel_loop3A_1215 = arith.select %parallel_loop3A_1202, %parallel_loop3A_1213, %parallel_loop3A_1214 : vector<16xi1>, vector<16xi32>
      %parallel_loop3A_1216 = arith.andi %parallel_loop3A_1215, %parallel_loop3A_1210 : vector<16xi32>
      %parallel_loop3A_1217 = arith.addi %parallel_loop3A_1087, %parallel_loop3A_1216 : vector<16xi32>
      %parallel_loop3A_1218 = arith.addi %parallel_loop3A_1091, %parallel_loop3A_1215 : vector<16xi32>
      %parallel_loop3A_1219 = arith.addi %parallel_loop3A_1095, %parallel_loop3A_1210 : vector<16xi32>
      %parallel_loop3A_1220 = arith.constant 48 : i32
      %parallel_loop3A_1221 = arith.addi %parallel_loop3A_1102, %parallel_loop3A_1220 : i32
      %parallel_loop3A_1222 = arith.constant 0 : i32
      %parallel_loop3A_1223 = arith.constant 0 : i32
      %parallel_loop3A_1224 = tpu.memref_slice %arg6[%parallel_loop3A_179, %parallel_loop3A_1222, %parallel_loop3A_1223] : memref<2x16x512xf32, #tpu.memory_space<vmem>> -> memref<1x16x512xf32, #tpu.memory_space<vmem>>
      %parallel_loop3A_1225 = tpu.memref_squeeze %parallel_loop3A_1224 : memref<1x16x512xf32, #tpu.memory_space<vmem>> -> memref<16x512xf32, #tpu.memory_space<vmem>>
      %parallel_loop3A_1226 = arith.index_cast %parallel_loop3A_1098 : i32 to index
      %parallel_loop3A_1227 = arith.index_cast %parallel_loop3A_1221 : i32 to index
      %parallel_loop3A_1228 = tpu.vector_load %parallel_loop3A_1225[%parallel_loop3A_1226, %parallel_loop3A_1227] {strides = array<i32>} : memref<16x512xf32, #tpu.memory_space<vmem>>, vector<1x16xf32>,
      %parallel_loop3A_1229 = vector.shape_cast %parallel_loop3A_1228 : vector<1x16xf32> to vector<16xf32>
      %parallel_loop3A_1230 = arith.constant 0 : i32
      %parallel_loop3A_1231 = arith.constant 0 : i32
      %parallel_loop3A_1232 = tpu.memref_slice %arg5[%parallel_loop3A_180, %parallel_loop3A_1230, %parallel_loop3A_1231] : memref<2x16x512xf32, #tpu.memory_space<vmem>> -> memref<1x16x512xf32, #tpu.memory_space<vmem>>
      %parallel_loop3A_1233 = tpu.memref_squeeze %parallel_loop3A_1232 : memref<1x16x512xf32, #tpu.memory_space<vmem>> -> memref<16x512xf32, #tpu.memory_space<vmem>>
      %parallel_loop3A_1234 = arith.index_cast %parallel_loop3A_1098 : i32 to index
      %parallel_loop3A_1235 = arith.index_cast %parallel_loop3A_1221 : i32 to index
      %parallel_loop3A_1236 = tpu.vector_load %parallel_loop3A_1233[%parallel_loop3A_1234, %parallel_loop3A_1235] {strides = array<i32>} : memref<16x512xf32, #tpu.memory_space<vmem>>, vector<1x16xf32>,
      %parallel_loop3A_1237 = vector.shape_cast %parallel_loop3A_1236 : vector<1x16xf32> to vector<16xf32>
      %parallel_loop3A_1238 = arith.subf %parallel_loop3A_1229, %parallel_loop3A_1237 : vector<16xf32>
      %parallel_loop3A_1239 = arith.constant 0.000000e+00 : f32
      %parallel_loop3A_1240 = vector.broadcast %parallel_loop3A_1239 : f32 to vector<16xf32>
      %parallel_loop3A_1241 = arith.cmpf ogt, %parallel_loop3A_1238, %parallel_loop3A_1240 : vector<16xf32>
      %parallel_loop3A_1242 = arith.constant 0 : i32
      %parallel_loop3A_1243 = arith.constant 0 : i32
      %parallel_loop3A_1244 = tpu.memref_slice %arg7[%parallel_loop3A_181, %parallel_loop3A_1242, %parallel_loop3A_1243] : memref<2x16x512xi32, #tpu.memory_space<vmem>> -> memref<1x16x512xi32, #tpu.memory_space<vmem>>
      %parallel_loop3A_1245 = tpu.memref_squeeze %parallel_loop3A_1244 : memref<1x16x512xi32, #tpu.memory_space<vmem>> -> memref<16x512xi32, #tpu.memory_space<vmem>>
      %parallel_loop3A_1246 = arith.index_cast %parallel_loop3A_1098 : i32 to index
      %parallel_loop3A_1247 = arith.index_cast %parallel_loop3A_1221 : i32 to index
      %parallel_loop3A_1248 = tpu.vector_load %parallel_loop3A_1245[%parallel_loop3A_1246, %parallel_loop3A_1247] {strides = array<i32>} : memref<16x512xi32, #tpu.memory_space<vmem>>, vector<1x16xi32>,
      %parallel_loop3A_1249 = vector.shape_cast %parallel_loop3A_1248 : vector<1x16xi32> to vector<16xi32>
      %parallel_loop3A_1250 = arith.constant 1 : i32
      %parallel_loop3A_1251 = arith.constant 0 : i32
      %parallel_loop3A_1252 = vector.broadcast %parallel_loop3A_1250 : i32 to vector<16xi32>
      %parallel_loop3A_1253 = vector.broadcast %parallel_loop3A_1251 : i32 to vector<16xi32>
      %parallel_loop3A_1254 = arith.select %parallel_loop3A_1241, %parallel_loop3A_1252, %parallel_loop3A_1253 : vector<16xi1>, vector<16xi32>
      %parallel_loop3A_1255 = arith.andi %parallel_loop3A_1254, %parallel_loop3A_1249 : vector<16xi32>
      %parallel_loop3A_1256 = arith.addi %parallel_loop3A_1088, %parallel_loop3A_1255 : vector<16xi32>
      %parallel_loop3A_1257 = arith.addi %parallel_loop3A_1092, %parallel_loop3A_1254 : vector<16xi32>
      %parallel_loop3A_1258 = arith.addi %parallel_loop3A_1096, %parallel_loop3A_1249 : vector<16xi32>
      scf.yield %parallel_loop3A_1139, %parallel_loop3A_1178, %parallel_loop3A_1217, %parallel_loop3A_1256, %parallel_loop3A_1140, %parallel_loop3A_1179, %parallel_loop3A_1218, %parallel_loop3A_1257, %parallel_loop3A_1141, %parallel_loop3A_1180, %parallel_loop3A_1219, %parallel_loop3A_1258 : vector<16xi32>, vector<16xi32>, vector<16xi32>, vector<16xi32>, vector<16xi32>, vector<16xi32>, vector<16xi32>, vector<16xi32>, vector<16xi32>, vector<16xi32>, vector<16xi32>, vector<16xi32>
    } {sc.loop_unroll_factor = 2 : i64, sc.parallel_access}
    %add3A_183 = arith.constant 32 : i32
    %add3A_184 = arith.addi %mul3A_32, %add3A_183 : i32
    %dma_start3A_185 = arith.constant 0 : i32
    %dma_start3A_186 = arith.constant 0 : i32
    %dma_start3A_187 = arith.constant 0 : i32
    %dma_start3A_188 = arith.constant 0 : i32
    %dma_start3A_189 = tpu.memref_slice %arg5[%dma_start3A_186, %dma_start3A_187, %dma_start3A_188] : memref<2x16x512xf32, #tpu.memory_space<vmem>> -> memref<1x16x512xf32, #tpu.memory_space<vmem>>
    %dma_start3A_190 = tpu.memref_squeeze %dma_start3A_189 : memref<1x16x512xf32, #tpu.memory_space<vmem>> -> memref<16x512xf32, #tpu.memory_space<vmem>>
    %dma_start3A_191 = arith.constant 0 : i32
    %dma_start3A_192 = tpu.memref_slice %arg2[%add3A, %dma_start3A_185, %add3A_184, %dma_start3A_191] : memref<16x2x512x512xf32, #tpu.memory_space<hbm>> -> memref<1x1x16x512xf32, #tpu.memory_space<hbm>>
    %dma_start3A_193 = tpu.memref_squeeze %dma_start3A_192 : memref<1x1x16x512xf32, #tpu.memory_space<hbm>> -> memref<16x512xf32, #tpu.memory_space<hbm>>
    %dma_start3A_194 = arith.constant 0 : i32
    %dma_start3A_195 = arith.constant 0 : i32
    %dma_start3A_196 = tpu.memref_slice %arg5[%dma_start3A_186, %dma_start3A_194, %dma_start3A_195] : memref<2x16x512xf32, #tpu.memory_space<vmem>> -> memref<1x16x512xf32, #tpu.memory_space<vmem>>
    %dma_start3A_197 = tpu.memref_squeeze %dma_start3A_196 : memref<1x16x512xf32, #tpu.memory_space<vmem>> -> memref<16x512xf32, #tpu.memory_space<vmem>>
    %dma_start3A_198 = arith.constant 0 : i32
    %dma_start3A_199 = tpu.memref_slice %arg2[%add3A, %dma_start3A_185, %add3A_184, %dma_start3A_198] : memref<16x2x512x512xf32, #tpu.memory_space<hbm>> -> memref<1x1x16x512xf32, #tpu.memory_space<hbm>>
    %dma_start3A_200 = tpu.memref_squeeze %dma_start3A_199 : memref<1x1x16x512xf32, #tpu.memory_space<hbm>> -> memref<16x512xf32, #tpu.memory_space<hbm>>
    tpu.enqueue_dma source(%dma_start3A_200 : memref<16x512xf32, #tpu.memory_space<hbm>>) target(%dma_start3A_197 : memref<16x512xf32, #tpu.memory_space<vmem>>) target_semaphore(%arg12 : memref<!tpu.dma_semaphore, #tpu.memory_space<semaphore_mem>>)
    %dma_start3A_201 = arith.constant 1 : i32
    %dma_start3A_202 = arith.constant 0 : i32
    %dma_start3A_203 = arith.constant 0 : i32
    %dma_start3A_204 = arith.constant 0 : i32
    %dma_start3A_205 = tpu.memref_slice %arg6[%dma_start3A_202, %dma_start3A_203, %dma_start3A_204] : memref<2x16x512xf32, #tpu.memory_space<vmem>> -> memref<1x16x512xf32, #tpu.memory_space<vmem>>
    %dma_start3A_206 = tpu.memref_squeeze %dma_start3A_205 : memref<1x16x512xf32, #tpu.memory_space<vmem>> -> memref<16x512xf32, #tpu.memory_space<vmem>>
    %dma_start3A_207 = arith.constant 0 : i32
    %dma_start3A_208 = tpu.memref_slice %arg2[%add3A, %dma_start3A_201, %add3A_184, %dma_start3A_207] : memref<16x2x512x512xf32, #tpu.memory_space<hbm>> -> memref<1x1x16x512xf32, #tpu.memory_space<hbm>>
    %dma_start3A_209 = tpu.memref_squeeze %dma_start3A_208 : memref<1x1x16x512xf32, #tpu.memory_space<hbm>> -> memref<16x512xf32, #tpu.memory_space<hbm>>
    %dma_start3A_210 = arith.constant 0 : i32
    %dma_start3A_211 = arith.constant 0 : i32
    %dma_start3A_212 = tpu.memref_slice %arg6[%dma_start3A_202, %dma_start3A_210, %dma_start3A_211] : memref<2x16x512xf32, #tpu.memory_space<vmem>> -> memref<1x16x512xf32, #tpu.memory_space<vmem>>
    %dma_start3A_213 = tpu.memref_squeeze %dma_start3A_212 : memref<1x16x512xf32, #tpu.memory_space<vmem>> -> memref<16x512xf32, #tpu.memory_space<vmem>>
    %dma_start3A_214 = arith.constant 0 : i32
    %dma_start3A_215 = tpu.memref_slice %arg2[%add3A, %dma_start3A_201, %add3A_184, %dma_start3A_214] : memref<16x2x512x512xf32, #tpu.memory_space<hbm>> -> memref<1x1x16x512xf32, #tpu.memory_space<hbm>>
    %dma_start3A_216 = tpu.memref_squeeze %dma_start3A_215 : memref<1x1x16x512xf32, #tpu.memory_space<hbm>> -> memref<16x512xf32, #tpu.memory_space<hbm>>
    tpu.enqueue_dma source(%dma_start3A_216 : memref<16x512xf32, #tpu.memory_space<hbm>>) target(%dma_start3A_213 : memref<16x512xf32, #tpu.memory_space<vmem>>) target_semaphore(%arg12 : memref<!tpu.dma_semaphore, #tpu.memory_space<semaphore_mem>>)
    %dma_start3A_217 = arith.constant 0 : i32
    %dma_start3A_218 = arith.constant 0 : i32
    %dma_start3A_219 = arith.constant 0 : i32
    %dma_start3A_220 = tpu.memref_slice %arg7[%dma_start3A_217, %dma_start3A_218, %dma_start3A_219] : memref<2x16x512xi32, #tpu.memory_space<vmem>> -> memref<1x16x512xi32, #tpu.memory_space<vmem>>
    %dma_start3A_221 = tpu.memref_squeeze %dma_start3A_220 : memref<1x16x512xi32, #tpu.memory_space<vmem>> -> memref<16x512xi32, #tpu.memory_space<vmem>>
    %dma_start3A_222 = arith.constant 0 : i32
    %dma_start3A_223 = tpu.memref_slice %arg3[%add3A, %add3A_184, %dma_start3A_222] : memref<16x512x512xi32, #tpu.memory_space<hbm>> -> memref<1x16x512xi32, #tpu.memory_space<hbm>>
    %dma_start3A_224 = tpu.memref_squeeze %dma_start3A_223 : memref<1x16x512xi32, #tpu.memory_space<hbm>> -> memref<16x512xi32, #tpu.memory_space<hbm>>
    %dma_start3A_225 = arith.constant 0 : i32
    %dma_start3A_226 = arith.constant 0 : i32
    %dma_start3A_227 = tpu.memref_slice %arg7[%dma_start3A_217, %dma_start3A_225, %dma_start3A_226] : memref<2x16x512xi32, #tpu.memory_space<vmem>> -> memref<1x16x512xi32, #tpu.memory_space<vmem>>
    %dma_start3A_228 = tpu.memref_squeeze %dma_start3A_227 : memref<1x16x512xi32, #tpu.memory_space<vmem>> -> memref<16x512xi32, #tpu.memory_space<vmem>>
    %dma_start3A_229 = arith.constant 0 : i32
    %dma_start3A_230 = tpu.memref_slice %arg3[%add3A, %add3A_184, %dma_start3A_229] : memref<16x512x512xi32, #tpu.memory_space<hbm>> -> memref<1x16x512xi32, #tpu.memory_space<hbm>>
    %dma_start3A_231 = tpu.memref_squeeze %dma_start3A_230 : memref<1x16x512xi32, #tpu.memory_space<hbm>> -> memref<16x512xi32, #tpu.memory_space<hbm>>
    tpu.enqueue_dma source(%dma_start3A_231 : memref<16x512xi32, #tpu.memory_space<hbm>>) target(%dma_start3A_228 : memref<16x512xi32, #tpu.memory_space<vmem>>) target_semaphore(%arg12 : memref<!tpu.dma_semaphore, #tpu.memory_space<semaphore_mem>>)
    %dma_wait3A_232 = arith.constant 0 : i32
    %dma_wait3A_233 = arith.constant 1 : i32
    %dma_wait3A_234 = arith.constant 0 : i32
    %dma_wait3A_235 = arith.constant 0 : i32
    %dma_wait3A_236 = tpu.memref_slice %arg5[%dma_wait3A_233, %dma_wait3A_234, %dma_wait3A_235] : memref<2x16x512xf32, #tpu.memory_space<vmem>> -> memref<1x16x512xf32, #tpu.memory_space<vmem>>
    %dma_wait3A_237 = tpu.memref_squeeze %dma_wait3A_236 : memref<1x16x512xf32, #tpu.memory_space<vmem>> -> memref<16x512xf32, #tpu.memory_space<vmem>>
    %dma_wait3A_238 = arith.constant 0 : i32
    %dma_wait3A_239 = tpu.memref_slice %arg2[%add3A, %dma_wait3A_232, %add3A_83, %dma_wait3A_238] : memref<16x2x512x512xf32, #tpu.memory_space<hbm>> -> memref<1x1x16x512xf32, #tpu.memory_space<hbm>>
    %dma_wait3A_240 = tpu.memref_squeeze %dma_wait3A_239 : memref<1x1x16x512xf32, #tpu.memory_space<hbm>> -> memref<16x512xf32, #tpu.memory_space<hbm>>
    %dma_wait3A_241 = arith.constant 0 : i32
    %dma_wait3A_242 = arith.constant 0 : i32
    %dma_wait3A_243 = tpu.memref_slice %arg5[%dma_wait3A_233, %dma_wait3A_241, %dma_wait3A_242] : memref<2x16x512xf32, #tpu.memory_space<vmem>> -> memref<1x16x512xf32, #tpu.memory_space<vmem>>
    %dma_wait3A_244 = tpu.memref_squeeze %dma_wait3A_243 : memref<1x16x512xf32, #tpu.memory_space<vmem>> -> memref<16x512xf32, #tpu.memory_space<vmem>>
    %dma_wait3A_245 = arith.constant 0 : i32
    %dma_wait3A_246 = tpu.memref_slice %arg2[%add3A, %dma_wait3A_232, %add3A_83, %dma_wait3A_245] : memref<16x2x512x512xf32, #tpu.memory_space<hbm>> -> memref<1x1x16x512xf32, #tpu.memory_space<hbm>>
    %dma_wait3A_247 = tpu.memref_squeeze %dma_wait3A_246 : memref<1x1x16x512xf32, #tpu.memory_space<hbm>> -> memref<16x512xf32, #tpu.memory_space<hbm>>
    tpu.wait_dma2 semaphore(%arg13 : memref<!tpu.dma_semaphore, #tpu.memory_space<semaphore_mem>>) src(%dma_wait3A_247 : memref<16x512xf32, #tpu.memory_space<hbm>>) dst(%dma_wait3A_244 : memref<16x512xf32, #tpu.memory_space<vmem>>)
    %dma_wait3A_248 = arith.constant 1 : i32
    %dma_wait3A_249 = arith.constant 1 : i32
    %dma_wait3A_250 = arith.constant 0 : i32
    %dma_wait3A_251 = arith.constant 0 : i32
    %dma_wait3A_252 = tpu.memref_slice %arg6[%dma_wait3A_249, %dma_wait3A_250, %dma_wait3A_251] : memref<2x16x512xf32, #tpu.memory_space<vmem>> -> memref<1x16x512xf32, #tpu.memory_space<vmem>>
    %dma_wait3A_253 = tpu.memref_squeeze %dma_wait3A_252 : memref<1x16x512xf32, #tpu.memory_space<vmem>> -> memref<16x512xf32, #tpu.memory_space<vmem>>
    %dma_wait3A_254 = arith.constant 0 : i32
    %dma_wait3A_255 = tpu.memref_slice %arg2[%add3A, %dma_wait3A_248, %add3A_83, %dma_wait3A_254] : memref<16x2x512x512xf32, #tpu.memory_space<hbm>> -> memref<1x1x16x512xf32, #tpu.memory_space<hbm>>
    %dma_wait3A_256 = tpu.memref_squeeze %dma_wait3A_255 : memref<1x1x16x512xf32, #tpu.memory_space<hbm>> -> memref<16x512xf32, #tpu.memory_space<hbm>>
    %dma_wait3A_257 = arith.constant 0 : i32
    %dma_wait3A_258 = arith.constant 0 : i32
    %dma_wait3A_259 = tpu.memref_slice %arg6[%dma_wait3A_249, %dma_wait3A_257, %dma_wait3A_258] : memref<2x16x512xf32, #tpu.memory_space<vmem>> -> memref<1x16x512xf32, #tpu.memory_space<vmem>>
    %dma_wait3A_260 = tpu.memref_squeeze %dma_wait3A_259 : memref<1x16x512xf32, #tpu.memory_space<vmem>> -> memref<16x512xf32, #tpu.memory_space<vmem>>
    %dma_wait3A_261 = arith.constant 0 : i32
    %dma_wait3A_262 = tpu.memref_slice %arg2[%add3A, %dma_wait3A_248, %add3A_83, %dma_wait3A_261] : memref<16x2x512x512xf32, #tpu.memory_space<hbm>> -> memref<1x1x16x512xf32, #tpu.memory_space<hbm>>
    %dma_wait3A_263 = tpu.memref_squeeze %dma_wait3A_262 : memref<1x1x16x512xf32, #tpu.memory_space<hbm>> -> memref<16x512xf32, #tpu.memory_space<hbm>>
    tpu.wait_dma2 semaphore(%arg13 : memref<!tpu.dma_semaphore, #tpu.memory_space<semaphore_mem>>) src(%dma_wait3A_263 : memref<16x512xf32, #tpu.memory_space<hbm>>) dst(%dma_wait3A_260 : memref<16x512xf32, #tpu.memory_space<vmem>>)
    %dma_wait3A_264 = arith.constant 1 : i32
    %dma_wait3A_265 = arith.constant 0 : i32
    %dma_wait3A_266 = arith.constant 0 : i32
    %dma_wait3A_267 = tpu.memref_slice %arg7[%dma_wait3A_264, %dma_wait3A_265, %dma_wait3A_266] : memref<2x16x512xi32, #tpu.memory_space<vmem>> -> memref<1x16x512xi32, #tpu.memory_space<vmem>>
    %dma_wait3A_268 = tpu.memref_squeeze %dma_wait3A_267 : memref<1x16x512xi32, #tpu.memory_space<vmem>> -> memref<16x512xi32, #tpu.memory_space<vmem>>
    %dma_wait3A_269 = arith.constant 0 : i32
    %dma_wait3A_270 = tpu.memref_slice %arg3[%add3A, %add3A_83, %dma_wait3A_269] : memref<16x512x512xi32, #tpu.memory_space<hbm>> -> memref<1x16x512xi32, #tpu.memory_space<hbm>>
    %dma_wait3A_271 = tpu.memref_squeeze %dma_wait3A_270 : memref<1x16x512xi32, #tpu.memory_space<hbm>> -> memref<16x512xi32, #tpu.memory_space<hbm>>
    %dma_wait3A_272 = arith.constant 0 : i32
    %dma_wait3A_273 = arith.constant 0 : i32
    %dma_wait3A_274 = tpu.memref_slice %arg7[%dma_wait3A_264, %dma_wait3A_272, %dma_wait3A_273] : memref<2x16x512xi32, #tpu.memory_space<vmem>> -> memref<1x16x512xi32, #tpu.memory_space<vmem>>
    %dma_wait3A_275 = tpu.memref_squeeze %dma_wait3A_274 : memref<1x16x512xi32, #tpu.memory_space<vmem>> -> memref<16x512xi32, #tpu.memory_space<vmem>>
    %dma_wait3A_276 = arith.constant 0 : i32
    %dma_wait3A_277 = tpu.memref_slice %arg3[%add3A, %add3A_83, %dma_wait3A_276] : memref<16x512x512xi32, #tpu.memory_space<hbm>> -> memref<1x16x512xi32, #tpu.memory_space<hbm>>
    %dma_wait3A_278 = tpu.memref_squeeze %dma_wait3A_277 : memref<1x16x512xi32, #tpu.memory_space<hbm>> -> memref<16x512xi32, #tpu.memory_space<hbm>>
    tpu.wait_dma2 semaphore(%arg13 : memref<!tpu.dma_semaphore, #tpu.memory_space<semaphore_mem>>) src(%dma_wait3A_278 : memref<16x512xi32, #tpu.memory_space<hbm>>) dst(%dma_wait3A_275 : memref<16x512xi32, #tpu.memory_space<vmem>>)
    %parallel_loop3A_279 = arith.constant 0 : i32
    %parallel_loop3A_280 = arith.constant 128 : i32
    %parallel_loop3A_281 = arith.constant 1 : i32
    %parallel_loop3A_282 = arith.constant 1 : i32
    %parallel_loop3A_283 = arith.constant 1 : i32
    %parallel_loop3A_284 = arith.constant 1 : i32
    %parallel_loop3A_285:12 = scf.for %parallel_loop3A_1084 = %parallel_loop3A_279 to %parallel_loop3A_280 step %parallel_loop3A_281 iter_args(%parallel_loop3A_1085 = %parallel_loop3A_182#0, %parallel_loop3A_1086 = %parallel_loop3A_182#1, %parallel_loop3A_1087 = %parallel_loop3A_182#2, %parallel_loop3A_1088 = %parallel_loop3A_182#3, %parallel_loop3A_1089 = %parallel_loop3A_182#4, %parallel_loop3A_1090 = %parallel_loop3A_182#5, %parallel_loop3A_1091 = %parallel_loop3A_182#6, %parallel_loop3A_1092 = %parallel_loop3A_182#7, %parallel_loop3A_1093 = %parallel_loop3A_182#8, %parallel_loop3A_1094 = %parallel_loop3A_182#9, %parallel_loop3A_1095 = %parallel_loop3A_182#10, %parallel_loop3A_1096 = %parallel_loop3A_182#11) -> (vector<16xi32>, vector<16xi32>, vector<16xi32>, vector<16xi32>, vector<16xi32>, vector<16xi32>, vector<16xi32>, vector<16xi32>, vector<16xi32>, vector<16xi32>, vector<16xi32>, vector<16xi32>)  : i32 {
      %parallel_loop3A_1097 = arith.constant 3 : i32
      %parallel_loop3A_1098 = arith.shrsi %parallel_loop3A_1084, %parallel_loop3A_1097 : i32
      %parallel_loop3A_1099 = arith.constant 7 : i32
      %parallel_loop3A_1100 = arith.andi %parallel_loop3A_1084, %parallel_loop3A_1099 : i32
      %parallel_loop3A_1101 = arith.constant 64 : i32
      %parallel_loop3A_1102 = arith.muli %parallel_loop3A_1100, %parallel_loop3A_1101 : i32
      %parallel_loop3A_1103 = arith.constant 0 : i32
      %parallel_loop3A_1104 = arith.addi %parallel_loop3A_1102, %parallel_loop3A_1103 : i32
      %parallel_loop3A_1105 = arith.constant 0 : i32
      %parallel_loop3A_1106 = arith.constant 0 : i32
      %parallel_loop3A_1107 = tpu.memref_slice %arg6[%parallel_loop3A_282, %parallel_loop3A_1105, %parallel_loop3A_1106] : memref<2x16x512xf32, #tpu.memory_space<vmem>> -> memref<1x16x512xf32, #tpu.memory_space<vmem>>
      %parallel_loop3A_1108 = tpu.memref_squeeze %parallel_loop3A_1107 : memref<1x16x512xf32, #tpu.memory_space<vmem>> -> memref<16x512xf32, #tpu.memory_space<vmem>>
      %parallel_loop3A_1109 = arith.index_cast %parallel_loop3A_1098 : i32 to index
      %parallel_loop3A_1110 = arith.index_cast %parallel_loop3A_1104 : i32 to index
      %parallel_loop3A_1111 = tpu.vector_load %parallel_loop3A_1108[%parallel_loop3A_1109, %parallel_loop3A_1110] {strides = array<i32>} : memref<16x512xf32, #tpu.memory_space<vmem>>, vector<1x16xf32>,
      %parallel_loop3A_1112 = vector.shape_cast %parallel_loop3A_1111 : vector<1x16xf32> to vector<16xf32>
      %parallel_loop3A_1113 = arith.constant 0 : i32
      %parallel_loop3A_1114 = arith.constant 0 : i32
      %parallel_loop3A_1115 = tpu.memref_slice %arg5[%parallel_loop3A_283, %parallel_loop3A_1113, %parallel_loop3A_1114] : memref<2x16x512xf32, #tpu.memory_space<vmem>> -> memref<1x16x512xf32, #tpu.memory_space<vmem>>
      %parallel_loop3A_1116 = tpu.memref_squeeze %parallel_loop3A_1115 : memref<1x16x512xf32, #tpu.memory_space<vmem>> -> memref<16x512xf32, #tpu.memory_space<vmem>>
      %parallel_loop3A_1117 = arith.index_cast %parallel_loop3A_1098 : i32 to index
      %parallel_loop3A_1118 = arith.index_cast %parallel_loop3A_1104 : i32 to index
      %parallel_loop3A_1119 = tpu.vector_load %parallel_loop3A_1116[%parallel_loop3A_1117, %parallel_loop3A_1118] {strides = array<i32>} : memref<16x512xf32, #tpu.memory_space<vmem>>, vector<1x16xf32>,
      %parallel_loop3A_1120 = vector.shape_cast %parallel_loop3A_1119 : vector<1x16xf32> to vector<16xf32>
      %parallel_loop3A_1121 = arith.subf %parallel_loop3A_1112, %parallel_loop3A_1120 : vector<16xf32>
      %parallel_loop3A_1122 = arith.constant 0.000000e+00 : f32
      %parallel_loop3A_1123 = vector.broadcast %parallel_loop3A_1122 : f32 to vector<16xf32>
      %parallel_loop3A_1124 = arith.cmpf ogt, %parallel_loop3A_1121, %parallel_loop3A_1123 : vector<16xf32>
      %parallel_loop3A_1125 = arith.constant 0 : i32
      %parallel_loop3A_1126 = arith.constant 0 : i32
      %parallel_loop3A_1127 = tpu.memref_slice %arg7[%parallel_loop3A_284, %parallel_loop3A_1125, %parallel_loop3A_1126] : memref<2x16x512xi32, #tpu.memory_space<vmem>> -> memref<1x16x512xi32, #tpu.memory_space<vmem>>
      %parallel_loop3A_1128 = tpu.memref_squeeze %parallel_loop3A_1127 : memref<1x16x512xi32, #tpu.memory_space<vmem>> -> memref<16x512xi32, #tpu.memory_space<vmem>>
      %parallel_loop3A_1129 = arith.index_cast %parallel_loop3A_1098 : i32 to index
      %parallel_loop3A_1130 = arith.index_cast %parallel_loop3A_1104 : i32 to index
      %parallel_loop3A_1131 = tpu.vector_load %parallel_loop3A_1128[%parallel_loop3A_1129, %parallel_loop3A_1130] {strides = array<i32>} : memref<16x512xi32, #tpu.memory_space<vmem>>, vector<1x16xi32>,
      %parallel_loop3A_1132 = vector.shape_cast %parallel_loop3A_1131 : vector<1x16xi32> to vector<16xi32>
      %parallel_loop3A_1133 = arith.constant 1 : i32
      %parallel_loop3A_1134 = arith.constant 0 : i32
      %parallel_loop3A_1135 = vector.broadcast %parallel_loop3A_1133 : i32 to vector<16xi32>
      %parallel_loop3A_1136 = vector.broadcast %parallel_loop3A_1134 : i32 to vector<16xi32>
      %parallel_loop3A_1137 = arith.select %parallel_loop3A_1124, %parallel_loop3A_1135, %parallel_loop3A_1136 : vector<16xi1>, vector<16xi32>
      %parallel_loop3A_1138 = arith.andi %parallel_loop3A_1137, %parallel_loop3A_1132 : vector<16xi32>
      %parallel_loop3A_1139 = arith.addi %parallel_loop3A_1085, %parallel_loop3A_1138 : vector<16xi32>
      %parallel_loop3A_1140 = arith.addi %parallel_loop3A_1089, %parallel_loop3A_1137 : vector<16xi32>
      %parallel_loop3A_1141 = arith.addi %parallel_loop3A_1093, %parallel_loop3A_1132 : vector<16xi32>
      %parallel_loop3A_1142 = arith.constant 16 : i32
      %parallel_loop3A_1143 = arith.addi %parallel_loop3A_1102, %parallel_loop3A_1142 : i32
      %parallel_loop3A_1144 = arith.constant 0 : i32
      %parallel_loop3A_1145 = arith.constant 0 : i32
      %parallel_loop3A_1146 = tpu.memref_slice %arg6[%parallel_loop3A_282, %parallel_loop3A_1144, %parallel_loop3A_1145] : memref<2x16x512xf32, #tpu.memory_space<vmem>> -> memref<1x16x512xf32, #tpu.memory_space<vmem>>
      %parallel_loop3A_1147 = tpu.memref_squeeze %parallel_loop3A_1146 : memref<1x16x512xf32, #tpu.memory_space<vmem>> -> memref<16x512xf32, #tpu.memory_space<vmem>>
      %parallel_loop3A_1148 = arith.index_cast %parallel_loop3A_1098 : i32 to index
      %parallel_loop3A_1149 = arith.index_cast %parallel_loop3A_1143 : i32 to index
      %parallel_loop3A_1150 = tpu.vector_load %parallel_loop3A_1147[%parallel_loop3A_1148, %parallel_loop3A_1149] {strides = array<i32>} : memref<16x512xf32, #tpu.memory_space<vmem>>, vector<1x16xf32>,
      %parallel_loop3A_1151 = vector.shape_cast %parallel_loop3A_1150 : vector<1x16xf32> to vector<16xf32>
      %parallel_loop3A_1152 = arith.constant 0 : i32
      %parallel_loop3A_1153 = arith.constant 0 : i32
      %parallel_loop3A_1154 = tpu.memref_slice %arg5[%parallel_loop3A_283, %parallel_loop3A_1152, %parallel_loop3A_1153] : memref<2x16x512xf32, #tpu.memory_space<vmem>> -> memref<1x16x512xf32, #tpu.memory_space<vmem>>
      %parallel_loop3A_1155 = tpu.memref_squeeze %parallel_loop3A_1154 : memref<1x16x512xf32, #tpu.memory_space<vmem>> -> memref<16x512xf32, #tpu.memory_space<vmem>>
      %parallel_loop3A_1156 = arith.index_cast %parallel_loop3A_1098 : i32 to index
      %parallel_loop3A_1157 = arith.index_cast %parallel_loop3A_1143 : i32 to index
      %parallel_loop3A_1158 = tpu.vector_load %parallel_loop3A_1155[%parallel_loop3A_1156, %parallel_loop3A_1157] {strides = array<i32>} : memref<16x512xf32, #tpu.memory_space<vmem>>, vector<1x16xf32>,
      %parallel_loop3A_1159 = vector.shape_cast %parallel_loop3A_1158 : vector<1x16xf32> to vector<16xf32>
      %parallel_loop3A_1160 = arith.subf %parallel_loop3A_1151, %parallel_loop3A_1159 : vector<16xf32>
      %parallel_loop3A_1161 = arith.constant 0.000000e+00 : f32
      %parallel_loop3A_1162 = vector.broadcast %parallel_loop3A_1161 : f32 to vector<16xf32>
      %parallel_loop3A_1163 = arith.cmpf ogt, %parallel_loop3A_1160, %parallel_loop3A_1162 : vector<16xf32>
      %parallel_loop3A_1164 = arith.constant 0 : i32
      %parallel_loop3A_1165 = arith.constant 0 : i32
      %parallel_loop3A_1166 = tpu.memref_slice %arg7[%parallel_loop3A_284, %parallel_loop3A_1164, %parallel_loop3A_1165] : memref<2x16x512xi32, #tpu.memory_space<vmem>> -> memref<1x16x512xi32, #tpu.memory_space<vmem>>
      %parallel_loop3A_1167 = tpu.memref_squeeze %parallel_loop3A_1166 : memref<1x16x512xi32, #tpu.memory_space<vmem>> -> memref<16x512xi32, #tpu.memory_space<vmem>>
      %parallel_loop3A_1168 = arith.index_cast %parallel_loop3A_1098 : i32 to index
      %parallel_loop3A_1169 = arith.index_cast %parallel_loop3A_1143 : i32 to index
      %parallel_loop3A_1170 = tpu.vector_load %parallel_loop3A_1167[%parallel_loop3A_1168, %parallel_loop3A_1169] {strides = array<i32>} : memref<16x512xi32, #tpu.memory_space<vmem>>, vector<1x16xi32>,
      %parallel_loop3A_1171 = vector.shape_cast %parallel_loop3A_1170 : vector<1x16xi32> to vector<16xi32>
      %parallel_loop3A_1172 = arith.constant 1 : i32
      %parallel_loop3A_1173 = arith.constant 0 : i32
      %parallel_loop3A_1174 = vector.broadcast %parallel_loop3A_1172 : i32 to vector<16xi32>
      %parallel_loop3A_1175 = vector.broadcast %parallel_loop3A_1173 : i32 to vector<16xi32>
      %parallel_loop3A_1176 = arith.select %parallel_loop3A_1163, %parallel_loop3A_1174, %parallel_loop3A_1175 : vector<16xi1>, vector<16xi32>
      %parallel_loop3A_1177 = arith.andi %parallel_loop3A_1176, %parallel_loop3A_1171 : vector<16xi32>
      %parallel_loop3A_1178 = arith.addi %parallel_loop3A_1086, %parallel_loop3A_1177 : vector<16xi32>
      %parallel_loop3A_1179 = arith.addi %parallel_loop3A_1090, %parallel_loop3A_1176 : vector<16xi32>
      %parallel_loop3A_1180 = arith.addi %parallel_loop3A_1094, %parallel_loop3A_1171 : vector<16xi32>
      %parallel_loop3A_1181 = arith.constant 32 : i32
      %parallel_loop3A_1182 = arith.addi %parallel_loop3A_1102, %parallel_loop3A_1181 : i32
      %parallel_loop3A_1183 = arith.constant 0 : i32
      %parallel_loop3A_1184 = arith.constant 0 : i32
      %parallel_loop3A_1185 = tpu.memref_slice %arg6[%parallel_loop3A_282, %parallel_loop3A_1183, %parallel_loop3A_1184] : memref<2x16x512xf32, #tpu.memory_space<vmem>> -> memref<1x16x512xf32, #tpu.memory_space<vmem>>
      %parallel_loop3A_1186 = tpu.memref_squeeze %parallel_loop3A_1185 : memref<1x16x512xf32, #tpu.memory_space<vmem>> -> memref<16x512xf32, #tpu.memory_space<vmem>>
      %parallel_loop3A_1187 = arith.index_cast %parallel_loop3A_1098 : i32 to index
      %parallel_loop3A_1188 = arith.index_cast %parallel_loop3A_1182 : i32 to index
      %parallel_loop3A_1189 = tpu.vector_load %parallel_loop3A_1186[%parallel_loop3A_1187, %parallel_loop3A_1188] {strides = array<i32>} : memref<16x512xf32, #tpu.memory_space<vmem>>, vector<1x16xf32>,
      %parallel_loop3A_1190 = vector.shape_cast %parallel_loop3A_1189 : vector<1x16xf32> to vector<16xf32>
      %parallel_loop3A_1191 = arith.constant 0 : i32
      %parallel_loop3A_1192 = arith.constant 0 : i32
      %parallel_loop3A_1193 = tpu.memref_slice %arg5[%parallel_loop3A_283, %parallel_loop3A_1191, %parallel_loop3A_1192] : memref<2x16x512xf32, #tpu.memory_space<vmem>> -> memref<1x16x512xf32, #tpu.memory_space<vmem>>
      %parallel_loop3A_1194 = tpu.memref_squeeze %parallel_loop3A_1193 : memref<1x16x512xf32, #tpu.memory_space<vmem>> -> memref<16x512xf32, #tpu.memory_space<vmem>>
      %parallel_loop3A_1195 = arith.index_cast %parallel_loop3A_1098 : i32 to index
      %parallel_loop3A_1196 = arith.index_cast %parallel_loop3A_1182 : i32 to index
      %parallel_loop3A_1197 = tpu.vector_load %parallel_loop3A_1194[%parallel_loop3A_1195, %parallel_loop3A_1196] {strides = array<i32>} : memref<16x512xf32, #tpu.memory_space<vmem>>, vector<1x16xf32>,
      %parallel_loop3A_1198 = vector.shape_cast %parallel_loop3A_1197 : vector<1x16xf32> to vector<16xf32>
      %parallel_loop3A_1199 = arith.subf %parallel_loop3A_1190, %parallel_loop3A_1198 : vector<16xf32>
      %parallel_loop3A_1200 = arith.constant 0.000000e+00 : f32
      %parallel_loop3A_1201 = vector.broadcast %parallel_loop3A_1200 : f32 to vector<16xf32>
      %parallel_loop3A_1202 = arith.cmpf ogt, %parallel_loop3A_1199, %parallel_loop3A_1201 : vector<16xf32>
      %parallel_loop3A_1203 = arith.constant 0 : i32
      %parallel_loop3A_1204 = arith.constant 0 : i32
      %parallel_loop3A_1205 = tpu.memref_slice %arg7[%parallel_loop3A_284, %parallel_loop3A_1203, %parallel_loop3A_1204] : memref<2x16x512xi32, #tpu.memory_space<vmem>> -> memref<1x16x512xi32, #tpu.memory_space<vmem>>
      %parallel_loop3A_1206 = tpu.memref_squeeze %parallel_loop3A_1205 : memref<1x16x512xi32, #tpu.memory_space<vmem>> -> memref<16x512xi32, #tpu.memory_space<vmem>>
      %parallel_loop3A_1207 = arith.index_cast %parallel_loop3A_1098 : i32 to index
      %parallel_loop3A_1208 = arith.index_cast %parallel_loop3A_1182 : i32 to index
      %parallel_loop3A_1209 = tpu.vector_load %parallel_loop3A_1206[%parallel_loop3A_1207, %parallel_loop3A_1208] {strides = array<i32>} : memref<16x512xi32, #tpu.memory_space<vmem>>, vector<1x16xi32>,
      %parallel_loop3A_1210 = vector.shape_cast %parallel_loop3A_1209 : vector<1x16xi32> to vector<16xi32>
      %parallel_loop3A_1211 = arith.constant 1 : i32
      %parallel_loop3A_1212 = arith.constant 0 : i32
      %parallel_loop3A_1213 = vector.broadcast %parallel_loop3A_1211 : i32 to vector<16xi32>
      %parallel_loop3A_1214 = vector.broadcast %parallel_loop3A_1212 : i32 to vector<16xi32>
      %parallel_loop3A_1215 = arith.select %parallel_loop3A_1202, %parallel_loop3A_1213, %parallel_loop3A_1214 : vector<16xi1>, vector<16xi32>
      %parallel_loop3A_1216 = arith.andi %parallel_loop3A_1215, %parallel_loop3A_1210 : vector<16xi32>
      %parallel_loop3A_1217 = arith.addi %parallel_loop3A_1087, %parallel_loop3A_1216 : vector<16xi32>
      %parallel_loop3A_1218 = arith.addi %parallel_loop3A_1091, %parallel_loop3A_1215 : vector<16xi32>
      %parallel_loop3A_1219 = arith.addi %parallel_loop3A_1095, %parallel_loop3A_1210 : vector<16xi32>
      %parallel_loop3A_1220 = arith.constant 48 : i32
      %parallel_loop3A_1221 = arith.addi %parallel_loop3A_1102, %parallel_loop3A_1220 : i32
      %parallel_loop3A_1222 = arith.constant 0 : i32
      %parallel_loop3A_1223 = arith.constant 0 : i32
      %parallel_loop3A_1224 = tpu.memref_slice %arg6[%parallel_loop3A_282, %parallel_loop3A_1222, %parallel_loop3A_1223] : memref<2x16x512xf32, #tpu.memory_space<vmem>> -> memref<1x16x512xf32, #tpu.memory_space<vmem>>
      %parallel_loop3A_1225 = tpu.memref_squeeze %parallel_loop3A_1224 : memref<1x16x512xf32, #tpu.memory_space<vmem>> -> memref<16x512xf32, #tpu.memory_space<vmem>>
      %parallel_loop3A_1226 = arith.index_cast %parallel_loop3A_1098 : i32 to index
      %parallel_loop3A_1227 = arith.index_cast %parallel_loop3A_1221 : i32 to index
      %parallel_loop3A_1228 = tpu.vector_load %parallel_loop3A_1225[%parallel_loop3A_1226, %parallel_loop3A_1227] {strides = array<i32>} : memref<16x512xf32, #tpu.memory_space<vmem>>, vector<1x16xf32>,
      %parallel_loop3A_1229 = vector.shape_cast %parallel_loop3A_1228 : vector<1x16xf32> to vector<16xf32>
      %parallel_loop3A_1230 = arith.constant 0 : i32
      %parallel_loop3A_1231 = arith.constant 0 : i32
      %parallel_loop3A_1232 = tpu.memref_slice %arg5[%parallel_loop3A_283, %parallel_loop3A_1230, %parallel_loop3A_1231] : memref<2x16x512xf32, #tpu.memory_space<vmem>> -> memref<1x16x512xf32, #tpu.memory_space<vmem>>
      %parallel_loop3A_1233 = tpu.memref_squeeze %parallel_loop3A_1232 : memref<1x16x512xf32, #tpu.memory_space<vmem>> -> memref<16x512xf32, #tpu.memory_space<vmem>>
      %parallel_loop3A_1234 = arith.index_cast %parallel_loop3A_1098 : i32 to index
      %parallel_loop3A_1235 = arith.index_cast %parallel_loop3A_1221 : i32 to index
      %parallel_loop3A_1236 = tpu.vector_load %parallel_loop3A_1233[%parallel_loop3A_1234, %parallel_loop3A_1235] {strides = array<i32>} : memref<16x512xf32, #tpu.memory_space<vmem>>, vector<1x16xf32>,
      %parallel_loop3A_1237 = vector.shape_cast %parallel_loop3A_1236 : vector<1x16xf32> to vector<16xf32>
      %parallel_loop3A_1238 = arith.subf %parallel_loop3A_1229, %parallel_loop3A_1237 : vector<16xf32>
      %parallel_loop3A_1239 = arith.constant 0.000000e+00 : f32
      %parallel_loop3A_1240 = vector.broadcast %parallel_loop3A_1239 : f32 to vector<16xf32>
      %parallel_loop3A_1241 = arith.cmpf ogt, %parallel_loop3A_1238, %parallel_loop3A_1240 : vector<16xf32>
      %parallel_loop3A_1242 = arith.constant 0 : i32
      %parallel_loop3A_1243 = arith.constant 0 : i32
      %parallel_loop3A_1244 = tpu.memref_slice %arg7[%parallel_loop3A_284, %parallel_loop3A_1242, %parallel_loop3A_1243] : memref<2x16x512xi32, #tpu.memory_space<vmem>> -> memref<1x16x512xi32, #tpu.memory_space<vmem>>
      %parallel_loop3A_1245 = tpu.memref_squeeze %parallel_loop3A_1244 : memref<1x16x512xi32, #tpu.memory_space<vmem>> -> memref<16x512xi32, #tpu.memory_space<vmem>>
      %parallel_loop3A_1246 = arith.index_cast %parallel_loop3A_1098 : i32 to index
      %parallel_loop3A_1247 = arith.index_cast %parallel_loop3A_1221 : i32 to index
      %parallel_loop3A_1248 = tpu.vector_load %parallel_loop3A_1245[%parallel_loop3A_1246, %parallel_loop3A_1247] {strides = array<i32>} : memref<16x512xi32, #tpu.memory_space<vmem>>, vector<1x16xi32>,
      %parallel_loop3A_1249 = vector.shape_cast %parallel_loop3A_1248 : vector<1x16xi32> to vector<16xi32>
      %parallel_loop3A_1250 = arith.constant 1 : i32
      %parallel_loop3A_1251 = arith.constant 0 : i32
      %parallel_loop3A_1252 = vector.broadcast %parallel_loop3A_1250 : i32 to vector<16xi32>
      %parallel_loop3A_1253 = vector.broadcast %parallel_loop3A_1251 : i32 to vector<16xi32>
      %parallel_loop3A_1254 = arith.select %parallel_loop3A_1241, %parallel_loop3A_1252, %parallel_loop3A_1253 : vector<16xi1>, vector<16xi32>
      %parallel_loop3A_1255 = arith.andi %parallel_loop3A_1254, %parallel_loop3A_1249 : vector<16xi32>
      %parallel_loop3A_1256 = arith.addi %parallel_loop3A_1088, %parallel_loop3A_1255 : vector<16xi32>
      %parallel_loop3A_1257 = arith.addi %parallel_loop3A_1092, %parallel_loop3A_1254 : vector<16xi32>
      %parallel_loop3A_1258 = arith.addi %parallel_loop3A_1096, %parallel_loop3A_1249 : vector<16xi32>
      scf.yield %parallel_loop3A_1139, %parallel_loop3A_1178, %parallel_loop3A_1217, %parallel_loop3A_1256, %parallel_loop3A_1140, %parallel_loop3A_1179, %parallel_loop3A_1218, %parallel_loop3A_1257, %parallel_loop3A_1141, %parallel_loop3A_1180, %parallel_loop3A_1219, %parallel_loop3A_1258 : vector<16xi32>, vector<16xi32>, vector<16xi32>, vector<16xi32>, vector<16xi32>, vector<16xi32>, vector<16xi32>, vector<16xi32>, vector<16xi32>, vector<16xi32>, vector<16xi32>, vector<16xi32>
    } {sc.loop_unroll_factor = 2 : i64, sc.parallel_access}
    %add3A_286 = arith.constant 48 : i32
    %add3A_287 = arith.addi %mul3A_32, %add3A_286 : i32
    %dma_start3A_288 = arith.constant 0 : i32
    %dma_start3A_289 = arith.constant 1 : i32
    %dma_start3A_290 = arith.constant 0 : i32
    %dma_start3A_291 = arith.constant 0 : i32
    %dma_start3A_292 = tpu.memref_slice %arg5[%dma_start3A_289, %dma_start3A_290, %dma_start3A_291] : memref<2x16x512xf32, #tpu.memory_space<vmem>> -> memref<1x16x512xf32, #tpu.memory_space<vmem>>
    %dma_start3A_293 = tpu.memref_squeeze %dma_start3A_292 : memref<1x16x512xf32, #tpu.memory_space<vmem>> -> memref<16x512xf32, #tpu.memory_space<vmem>>
    %dma_start3A_294 = arith.constant 0 : i32
    %dma_start3A_295 = tpu.memref_slice %arg2[%add3A, %dma_start3A_288, %add3A_287, %dma_start3A_294] : memref<16x2x512x512xf32, #tpu.memory_space<hbm>> -> memref<1x1x16x512xf32, #tpu.memory_space<hbm>>
    %dma_start3A_296 = tpu.memref_squeeze %dma_start3A_295 : memref<1x1x16x512xf32, #tpu.memory_space<hbm>> -> memref<16x512xf32, #tpu.memory_space<hbm>>
    %dma_start3A_297 = arith.constant 0 : i32
    %dma_start3A_298 = arith.constant 0 : i32
    %dma_start3A_299 = tpu.memref_slice %arg5[%dma_start3A_289, %dma_start3A_297, %dma_start3A_298] : memref<2x16x512xf32, #tpu.memory_space<vmem>> -> memref<1x16x512xf32, #tpu.memory_space<vmem>>
    %dma_start3A_300 = tpu.memref_squeeze %dma_start3A_299 : memref<1x16x512xf32, #tpu.memory_space<vmem>> -> memref<16x512xf32, #tpu.memory_space<vmem>>
    %dma_start3A_301 = arith.constant 0 : i32
    %dma_start3A_302 = tpu.memref_slice %arg2[%add3A, %dma_start3A_288, %add3A_287, %dma_start3A_301] : memref<16x2x512x512xf32, #tpu.memory_space<hbm>> -> memref<1x1x16x512xf32, #tpu.memory_space<hbm>>
    %dma_start3A_303 = tpu.memref_squeeze %dma_start3A_302 : memref<1x1x16x512xf32, #tpu.memory_space<hbm>> -> memref<16x512xf32, #tpu.memory_space<hbm>>
    tpu.enqueue_dma source(%dma_start3A_303 : memref<16x512xf32, #tpu.memory_space<hbm>>) target(%dma_start3A_300 : memref<16x512xf32, #tpu.memory_space<vmem>>) target_semaphore(%arg13 : memref<!tpu.dma_semaphore, #tpu.memory_space<semaphore_mem>>)
    %dma_start3A_304 = arith.constant 1 : i32
    %dma_start3A_305 = arith.constant 1 : i32
    %dma_start3A_306 = arith.constant 0 : i32
    %dma_start3A_307 = arith.constant 0 : i32
    %dma_start3A_308 = tpu.memref_slice %arg6[%dma_start3A_305, %dma_start3A_306, %dma_start3A_307] : memref<2x16x512xf32, #tpu.memory_space<vmem>> -> memref<1x16x512xf32, #tpu.memory_space<vmem>>
    %dma_start3A_309 = tpu.memref_squeeze %dma_start3A_308 : memref<1x16x512xf32, #tpu.memory_space<vmem>> -> memref<16x512xf32, #tpu.memory_space<vmem>>
    %dma_start3A_310 = arith.constant 0 : i32
    %dma_start3A_311 = tpu.memref_slice %arg2[%add3A, %dma_start3A_304, %add3A_287, %dma_start3A_310] : memref<16x2x512x512xf32, #tpu.memory_space<hbm>> -> memref<1x1x16x512xf32, #tpu.memory_space<hbm>>
    %dma_start3A_312 = tpu.memref_squeeze %dma_start3A_311 : memref<1x1x16x512xf32, #tpu.memory_space<hbm>> -> memref<16x512xf32, #tpu.memory_space<hbm>>
    %dma_start3A_313 = arith.constant 0 : i32
    %dma_start3A_314 = arith.constant 0 : i32
    %dma_start3A_315 = tpu.memref_slice %arg6[%dma_start3A_305, %dma_start3A_313, %dma_start3A_314] : memref<2x16x512xf32, #tpu.memory_space<vmem>> -> memref<1x16x512xf32, #tpu.memory_space<vmem>>
    %dma_start3A_316 = tpu.memref_squeeze %dma_start3A_315 : memref<1x16x512xf32, #tpu.memory_space<vmem>> -> memref<16x512xf32, #tpu.memory_space<vmem>>
    %dma_start3A_317 = arith.constant 0 : i32
    %dma_start3A_318 = tpu.memref_slice %arg2[%add3A, %dma_start3A_304, %add3A_287, %dma_start3A_317] : memref<16x2x512x512xf32, #tpu.memory_space<hbm>> -> memref<1x1x16x512xf32, #tpu.memory_space<hbm>>
    %dma_start3A_319 = tpu.memref_squeeze %dma_start3A_318 : memref<1x1x16x512xf32, #tpu.memory_space<hbm>> -> memref<16x512xf32, #tpu.memory_space<hbm>>
    tpu.enqueue_dma source(%dma_start3A_319 : memref<16x512xf32, #tpu.memory_space<hbm>>) target(%dma_start3A_316 : memref<16x512xf32, #tpu.memory_space<vmem>>) target_semaphore(%arg13 : memref<!tpu.dma_semaphore, #tpu.memory_space<semaphore_mem>>)
    %dma_start3A_320 = arith.constant 1 : i32
    %dma_start3A_321 = arith.constant 0 : i32
    %dma_start3A_322 = arith.constant 0 : i32
    %dma_start3A_323 = tpu.memref_slice %arg7[%dma_start3A_320, %dma_start3A_321, %dma_start3A_322] : memref<2x16x512xi32, #tpu.memory_space<vmem>> -> memref<1x16x512xi32, #tpu.memory_space<vmem>>
    %dma_start3A_324 = tpu.memref_squeeze %dma_start3A_323 : memref<1x16x512xi32, #tpu.memory_space<vmem>> -> memref<16x512xi32, #tpu.memory_space<vmem>>
    %dma_start3A_325 = arith.constant 0 : i32
    %dma_start3A_326 = tpu.memref_slice %arg3[%add3A, %add3A_287, %dma_start3A_325] : memref<16x512x512xi32, #tpu.memory_space<hbm>> -> memref<1x16x512xi32, #tpu.memory_space<hbm>>
    %dma_start3A_327 = tpu.memref_squeeze %dma_start3A_326 : memref<1x16x512xi32, #tpu.memory_space<hbm>> -> memref<16x512xi32, #tpu.memory_space<hbm>>
    %dma_start3A_328 = arith.constant 0 : i32
    %dma_start3A_329 = arith.constant 0 : i32
    %dma_start3A_330 = tpu.memref_slice %arg7[%dma_start3A_320, %dma_start3A_328, %dma_start3A_329] : memref<2x16x512xi32, #tpu.memory_space<vmem>> -> memref<1x16x512xi32, #tpu.memory_space<vmem>>
    %dma_start3A_331 = tpu.memref_squeeze %dma_start3A_330 : memref<1x16x512xi32, #tpu.memory_space<vmem>> -> memref<16x512xi32, #tpu.memory_space<vmem>>
    %dma_start3A_332 = arith.constant 0 : i32
    %dma_start3A_333 = tpu.memref_slice %arg3[%add3A, %add3A_287, %dma_start3A_332] : memref<16x512x512xi32, #tpu.memory_space<hbm>> -> memref<1x16x512xi32, #tpu.memory_space<hbm>>
    %dma_start3A_334 = tpu.memref_squeeze %dma_start3A_333 : memref<1x16x512xi32, #tpu.memory_space<hbm>> -> memref<16x512xi32, #tpu.memory_space<hbm>>
    tpu.enqueue_dma source(%dma_start3A_334 : memref<16x512xi32, #tpu.memory_space<hbm>>) target(%dma_start3A_331 : memref<16x512xi32, #tpu.memory_space<vmem>>) target_semaphore(%arg13 : memref<!tpu.dma_semaphore, #tpu.memory_space<semaphore_mem>>)
    %dma_wait3A_335 = arith.constant 0 : i32
    %dma_wait3A_336 = arith.constant 0 : i32
    %dma_wait3A_337 = arith.constant 0 : i32
    %dma_wait3A_338 = arith.constant 0 : i32
    %dma_wait3A_339 = tpu.memref_slice %arg5[%dma_wait3A_336, %dma_wait3A_337, %dma_wait3A_338] : memref<2x16x512xf32, #tpu.memory_space<vmem>> -> memref<1x16x512xf32, #tpu.memory_space<vmem>>
    %dma_wait3A_340 = tpu.memref_squeeze %dma_wait3A_339 : memref<1x16x512xf32, #tpu.memory_space<vmem>> -> memref<16x512xf32, #tpu.memory_space<vmem>>
    %dma_wait3A_341 = arith.constant 0 : i32
    %dma_wait3A_342 = tpu.memref_slice %arg2[%add3A, %dma_wait3A_335, %add3A_184, %dma_wait3A_341] : memref<16x2x512x512xf32, #tpu.memory_space<hbm>> -> memref<1x1x16x512xf32, #tpu.memory_space<hbm>>
    %dma_wait3A_343 = tpu.memref_squeeze %dma_wait3A_342 : memref<1x1x16x512xf32, #tpu.memory_space<hbm>> -> memref<16x512xf32, #tpu.memory_space<hbm>>
    %dma_wait3A_344 = arith.constant 0 : i32
    %dma_wait3A_345 = arith.constant 0 : i32
    %dma_wait3A_346 = tpu.memref_slice %arg5[%dma_wait3A_336, %dma_wait3A_344, %dma_wait3A_345] : memref<2x16x512xf32, #tpu.memory_space<vmem>> -> memref<1x16x512xf32, #tpu.memory_space<vmem>>
    %dma_wait3A_347 = tpu.memref_squeeze %dma_wait3A_346 : memref<1x16x512xf32, #tpu.memory_space<vmem>> -> memref<16x512xf32, #tpu.memory_space<vmem>>
    %dma_wait3A_348 = arith.constant 0 : i32
    %dma_wait3A_349 = tpu.memref_slice %arg2[%add3A, %dma_wait3A_335, %add3A_184, %dma_wait3A_348] : memref<16x2x512x512xf32, #tpu.memory_space<hbm>> -> memref<1x1x16x512xf32, #tpu.memory_space<hbm>>
    %dma_wait3A_350 = tpu.memref_squeeze %dma_wait3A_349 : memref<1x1x16x512xf32, #tpu.memory_space<hbm>> -> memref<16x512xf32, #tpu.memory_space<hbm>>
    tpu.wait_dma2 semaphore(%arg12 : memref<!tpu.dma_semaphore, #tpu.memory_space<semaphore_mem>>) src(%dma_wait3A_350 : memref<16x512xf32, #tpu.memory_space<hbm>>) dst(%dma_wait3A_347 : memref<16x512xf32, #tpu.memory_space<vmem>>)
    %dma_wait3A_351 = arith.constant 1 : i32
    %dma_wait3A_352 = arith.constant 0 : i32
    %dma_wait3A_353 = arith.constant 0 : i32
    %dma_wait3A_354 = arith.constant 0 : i32
    %dma_wait3A_355 = tpu.memref_slice %arg6[%dma_wait3A_352, %dma_wait3A_353, %dma_wait3A_354] : memref<2x16x512xf32, #tpu.memory_space<vmem>> -> memref<1x16x512xf32, #tpu.memory_space<vmem>>
    %dma_wait3A_356 = tpu.memref_squeeze %dma_wait3A_355 : memref<1x16x512xf32, #tpu.memory_space<vmem>> -> memref<16x512xf32, #tpu.memory_space<vmem>>
    %dma_wait3A_357 = arith.constant 0 : i32
    %dma_wait3A_358 = tpu.memref_slice %arg2[%add3A, %dma_wait3A_351, %add3A_184, %dma_wait3A_357] : memref<16x2x512x512xf32, #tpu.memory_space<hbm>> -> memref<1x1x16x512xf32, #tpu.memory_space<hbm>>
    %dma_wait3A_359 = tpu.memref_squeeze %dma_wait3A_358 : memref<1x1x16x512xf32, #tpu.memory_space<hbm>> -> memref<16x512xf32, #tpu.memory_space<hbm>>
    %dma_wait3A_360 = arith.constant 0 : i32
    %dma_wait3A_361 = arith.constant 0 : i32
    %dma_wait3A_362 = tpu.memref_slice %arg6[%dma_wait3A_352, %dma_wait3A_360, %dma_wait3A_361] : memref<2x16x512xf32, #tpu.memory_space<vmem>> -> memref<1x16x512xf32, #tpu.memory_space<vmem>>
    %dma_wait3A_363 = tpu.memref_squeeze %dma_wait3A_362 : memref<1x16x512xf32, #tpu.memory_space<vmem>> -> memref<16x512xf32, #tpu.memory_space<vmem>>
    %dma_wait3A_364 = arith.constant 0 : i32
    %dma_wait3A_365 = tpu.memref_slice %arg2[%add3A, %dma_wait3A_351, %add3A_184, %dma_wait3A_364] : memref<16x2x512x512xf32, #tpu.memory_space<hbm>> -> memref<1x1x16x512xf32, #tpu.memory_space<hbm>>
    %dma_wait3A_366 = tpu.memref_squeeze %dma_wait3A_365 : memref<1x1x16x512xf32, #tpu.memory_space<hbm>> -> memref<16x512xf32, #tpu.memory_space<hbm>>
    tpu.wait_dma2 semaphore(%arg12 : memref<!tpu.dma_semaphore, #tpu.memory_space<semaphore_mem>>) src(%dma_wait3A_366 : memref<16x512xf32, #tpu.memory_space<hbm>>) dst(%dma_wait3A_363 : memref<16x512xf32, #tpu.memory_space<vmem>>)
    %dma_wait3A_367 = arith.constant 0 : i32
    %dma_wait3A_368 = arith.constant 0 : i32
    %dma_wait3A_369 = arith.constant 0 : i32
    %dma_wait3A_370 = tpu.memref_slice %arg7[%dma_wait3A_367, %dma_wait3A_368, %dma_wait3A_369] : memref<2x16x512xi32, #tpu.memory_space<vmem>> -> memref<1x16x512xi32, #tpu.memory_space<vmem>>
    %dma_wait3A_371 = tpu.memref_squeeze %dma_wait3A_370 : memref<1x16x512xi32, #tpu.memory_space<vmem>> -> memref<16x512xi32, #tpu.memory_space<vmem>>
    %dma_wait3A_372 = arith.constant 0 : i32
    %dma_wait3A_373 = tpu.memref_slice %arg3[%add3A, %add3A_184, %dma_wait3A_372] : memref<16x512x512xi32, #tpu.memory_space<hbm>> -> memref<1x16x512xi32, #tpu.memory_space<hbm>>
    %dma_wait3A_374 = tpu.memref_squeeze %dma_wait3A_373 : memref<1x16x512xi32, #tpu.memory_space<hbm>> -> memref<16x512xi32, #tpu.memory_space<hbm>>
    %dma_wait3A_375 = arith.constant 0 : i32
    %dma_wait3A_376 = arith.constant 0 : i32
    %dma_wait3A_377 = tpu.memref_slice %arg7[%dma_wait3A_367, %dma_wait3A_375, %dma_wait3A_376] : memref<2x16x512xi32, #tpu.memory_space<vmem>> -> memref<1x16x512xi32, #tpu.memory_space<vmem>>
    %dma_wait3A_378 = tpu.memref_squeeze %dma_wait3A_377 : memref<1x16x512xi32, #tpu.memory_space<vmem>> -> memref<16x512xi32, #tpu.memory_space<vmem>>
    %dma_wait3A_379 = arith.constant 0 : i32
    %dma_wait3A_380 = tpu.memref_slice %arg3[%add3A, %add3A_184, %dma_wait3A_379] : memref<16x512x512xi32, #tpu.memory_space<hbm>> -> memref<1x16x512xi32, #tpu.memory_space<hbm>>
    %dma_wait3A_381 = tpu.memref_squeeze %dma_wait3A_380 : memref<1x16x512xi32, #tpu.memory_space<hbm>> -> memref<16x512xi32, #tpu.memory_space<hbm>>
    tpu.wait_dma2 semaphore(%arg12 : memref<!tpu.dma_semaphore, #tpu.memory_space<semaphore_mem>>) src(%dma_wait3A_381 : memref<16x512xi32, #tpu.memory_space<hbm>>) dst(%dma_wait3A_378 : memref<16x512xi32, #tpu.memory_space<vmem>>)
    %parallel_loop3A_382 = arith.constant 0 : i32
    %parallel_loop3A_383 = arith.constant 128 : i32
    %parallel_loop3A_384 = arith.constant 1 : i32
    %parallel_loop3A_385 = arith.constant 0 : i32
    %parallel_loop3A_386 = arith.constant 0 : i32
    %parallel_loop3A_387 = arith.constant 0 : i32
    %parallel_loop3A_388:12 = scf.for %parallel_loop3A_1084 = %parallel_loop3A_382 to %parallel_loop3A_383 step %parallel_loop3A_384 iter_args(%parallel_loop3A_1085 = %parallel_loop3A_285#0, %parallel_loop3A_1086 = %parallel_loop3A_285#1, %parallel_loop3A_1087 = %parallel_loop3A_285#2, %parallel_loop3A_1088 = %parallel_loop3A_285#3, %parallel_loop3A_1089 = %parallel_loop3A_285#4, %parallel_loop3A_1090 = %parallel_loop3A_285#5, %parallel_loop3A_1091 = %parallel_loop3A_285#6, %parallel_loop3A_1092 = %parallel_loop3A_285#7, %parallel_loop3A_1093 = %parallel_loop3A_285#8, %parallel_loop3A_1094 = %parallel_loop3A_285#9, %parallel_loop3A_1095 = %parallel_loop3A_285#10, %parallel_loop3A_1096 = %parallel_loop3A_285#11) -> (vector<16xi32>, vector<16xi32>, vector<16xi32>, vector<16xi32>, vector<16xi32>, vector<16xi32>, vector<16xi32>, vector<16xi32>, vector<16xi32>, vector<16xi32>, vector<16xi32>, vector<16xi32>)  : i32 {
      %parallel_loop3A_1097 = arith.constant 3 : i32
      %parallel_loop3A_1098 = arith.shrsi %parallel_loop3A_1084, %parallel_loop3A_1097 : i32
      %parallel_loop3A_1099 = arith.constant 7 : i32
      %parallel_loop3A_1100 = arith.andi %parallel_loop3A_1084, %parallel_loop3A_1099 : i32
      %parallel_loop3A_1101 = arith.constant 64 : i32
      %parallel_loop3A_1102 = arith.muli %parallel_loop3A_1100, %parallel_loop3A_1101 : i32
      %parallel_loop3A_1103 = arith.constant 0 : i32
      %parallel_loop3A_1104 = arith.addi %parallel_loop3A_1102, %parallel_loop3A_1103 : i32
      %parallel_loop3A_1105 = arith.constant 0 : i32
      %parallel_loop3A_1106 = arith.constant 0 : i32
      %parallel_loop3A_1107 = tpu.memref_slice %arg6[%parallel_loop3A_385, %parallel_loop3A_1105, %parallel_loop3A_1106] : memref<2x16x512xf32, #tpu.memory_space<vmem>> -> memref<1x16x512xf32, #tpu.memory_space<vmem>>
      %parallel_loop3A_1108 = tpu.memref_squeeze %parallel_loop3A_1107 : memref<1x16x512xf32, #tpu.memory_space<vmem>> -> memref<16x512xf32, #tpu.memory_space<vmem>>
      %parallel_loop3A_1109 = arith.index_cast %parallel_loop3A_1098 : i32 to index
      %parallel_loop3A_1110 = arith.index_cast %parallel_loop3A_1104 : i32 to index
      %parallel_loop3A_1111 = tpu.vector_load %parallel_loop3A_1108[%parallel_loop3A_1109, %parallel_loop3A_1110] {strides = array<i32>} : memref<16x512xf32, #tpu.memory_space<vmem>>, vector<1x16xf32>,
      %parallel_loop3A_1112 = vector.shape_cast %parallel_loop3A_1111 : vector<1x16xf32> to vector<16xf32>
      %parallel_loop3A_1113 = arith.constant 0 : i32
      %parallel_loop3A_1114 = arith.constant 0 : i32
      %parallel_loop3A_1115 = tpu.memref_slice %arg5[%parallel_loop3A_386, %parallel_loop3A_1113, %parallel_loop3A_1114] : memref<2x16x512xf32, #tpu.memory_space<vmem>> -> memref<1x16x512xf32, #tpu.memory_space<vmem>>
      %parallel_loop3A_1116 = tpu.memref_squeeze %parallel_loop3A_1115 : memref<1x16x512xf32, #tpu.memory_space<vmem>> -> memref<16x512xf32, #tpu.memory_space<vmem>>
      %parallel_loop3A_1117 = arith.index_cast %parallel_loop3A_1098 : i32 to index
      %parallel_loop3A_1118 = arith.index_cast %parallel_loop3A_1104 : i32 to index
      %parallel_loop3A_1119 = tpu.vector_load %parallel_loop3A_1116[%parallel_loop3A_1117, %parallel_loop3A_1118] {strides = array<i32>} : memref<16x512xf32, #tpu.memory_space<vmem>>, vector<1x16xf32>,
      %parallel_loop3A_1120 = vector.shape_cast %parallel_loop3A_1119 : vector<1x16xf32> to vector<16xf32>
      %parallel_loop3A_1121 = arith.subf %parallel_loop3A_1112, %parallel_loop3A_1120 : vector<16xf32>
      %parallel_loop3A_1122 = arith.constant 0.000000e+00 : f32
      %parallel_loop3A_1123 = vector.broadcast %parallel_loop3A_1122 : f32 to vector<16xf32>
      %parallel_loop3A_1124 = arith.cmpf ogt, %parallel_loop3A_1121, %parallel_loop3A_1123 : vector<16xf32>
      %parallel_loop3A_1125 = arith.constant 0 : i32
      %parallel_loop3A_1126 = arith.constant 0 : i32
      %parallel_loop3A_1127 = tpu.memref_slice %arg7[%parallel_loop3A_387, %parallel_loop3A_1125, %parallel_loop3A_1126] : memref<2x16x512xi32, #tpu.memory_space<vmem>> -> memref<1x16x512xi32, #tpu.memory_space<vmem>>
      %parallel_loop3A_1128 = tpu.memref_squeeze %parallel_loop3A_1127 : memref<1x16x512xi32, #tpu.memory_space<vmem>> -> memref<16x512xi32, #tpu.memory_space<vmem>>
      %parallel_loop3A_1129 = arith.index_cast %parallel_loop3A_1098 : i32 to index
      %parallel_loop3A_1130 = arith.index_cast %parallel_loop3A_1104 : i32 to index
      %parallel_loop3A_1131 = tpu.vector_load %parallel_loop3A_1128[%parallel_loop3A_1129, %parallel_loop3A_1130] {strides = array<i32>} : memref<16x512xi32, #tpu.memory_space<vmem>>, vector<1x16xi32>,
      %parallel_loop3A_1132 = vector.shape_cast %parallel_loop3A_1131 : vector<1x16xi32> to vector<16xi32>
      %parallel_loop3A_1133 = arith.constant 1 : i32
      %parallel_loop3A_1134 = arith.constant 0 : i32
      %parallel_loop3A_1135 = vector.broadcast %parallel_loop3A_1133 : i32 to vector<16xi32>
      %parallel_loop3A_1136 = vector.broadcast %parallel_loop3A_1134 : i32 to vector<16xi32>
      %parallel_loop3A_1137 = arith.select %parallel_loop3A_1124, %parallel_loop3A_1135, %parallel_loop3A_1136 : vector<16xi1>, vector<16xi32>
      %parallel_loop3A_1138 = arith.andi %parallel_loop3A_1137, %parallel_loop3A_1132 : vector<16xi32>
      %parallel_loop3A_1139 = arith.addi %parallel_loop3A_1085, %parallel_loop3A_1138 : vector<16xi32>
      %parallel_loop3A_1140 = arith.addi %parallel_loop3A_1089, %parallel_loop3A_1137 : vector<16xi32>
      %parallel_loop3A_1141 = arith.addi %parallel_loop3A_1093, %parallel_loop3A_1132 : vector<16xi32>
      %parallel_loop3A_1142 = arith.constant 16 : i32
      %parallel_loop3A_1143 = arith.addi %parallel_loop3A_1102, %parallel_loop3A_1142 : i32
      %parallel_loop3A_1144 = arith.constant 0 : i32
      %parallel_loop3A_1145 = arith.constant 0 : i32
      %parallel_loop3A_1146 = tpu.memref_slice %arg6[%parallel_loop3A_385, %parallel_loop3A_1144, %parallel_loop3A_1145] : memref<2x16x512xf32, #tpu.memory_space<vmem>> -> memref<1x16x512xf32, #tpu.memory_space<vmem>>
      %parallel_loop3A_1147 = tpu.memref_squeeze %parallel_loop3A_1146 : memref<1x16x512xf32, #tpu.memory_space<vmem>> -> memref<16x512xf32, #tpu.memory_space<vmem>>
      %parallel_loop3A_1148 = arith.index_cast %parallel_loop3A_1098 : i32 to index
      %parallel_loop3A_1149 = arith.index_cast %parallel_loop3A_1143 : i32 to index
      %parallel_loop3A_1150 = tpu.vector_load %parallel_loop3A_1147[%parallel_loop3A_1148, %parallel_loop3A_1149] {strides = array<i32>} : memref<16x512xf32, #tpu.memory_space<vmem>>, vector<1x16xf32>,
      %parallel_loop3A_1151 = vector.shape_cast %parallel_loop3A_1150 : vector<1x16xf32> to vector<16xf32>
      %parallel_loop3A_1152 = arith.constant 0 : i32
      %parallel_loop3A_1153 = arith.constant 0 : i32
      %parallel_loop3A_1154 = tpu.memref_slice %arg5[%parallel_loop3A_386, %parallel_loop3A_1152, %parallel_loop3A_1153] : memref<2x16x512xf32, #tpu.memory_space<vmem>> -> memref<1x16x512xf32, #tpu.memory_space<vmem>>
      %parallel_loop3A_1155 = tpu.memref_squeeze %parallel_loop3A_1154 : memref<1x16x512xf32, #tpu.memory_space<vmem>> -> memref<16x512xf32, #tpu.memory_space<vmem>>
      %parallel_loop3A_1156 = arith.index_cast %parallel_loop3A_1098 : i32 to index
      %parallel_loop3A_1157 = arith.index_cast %parallel_loop3A_1143 : i32 to index
      %parallel_loop3A_1158 = tpu.vector_load %parallel_loop3A_1155[%parallel_loop3A_1156, %parallel_loop3A_1157] {strides = array<i32>} : memref<16x512xf32, #tpu.memory_space<vmem>>, vector<1x16xf32>,
      %parallel_loop3A_1159 = vector.shape_cast %parallel_loop3A_1158 : vector<1x16xf32> to vector<16xf32>
      %parallel_loop3A_1160 = arith.subf %parallel_loop3A_1151, %parallel_loop3A_1159 : vector<16xf32>
      %parallel_loop3A_1161 = arith.constant 0.000000e+00 : f32
      %parallel_loop3A_1162 = vector.broadcast %parallel_loop3A_1161 : f32 to vector<16xf32>
      %parallel_loop3A_1163 = arith.cmpf ogt, %parallel_loop3A_1160, %parallel_loop3A_1162 : vector<16xf32>
      %parallel_loop3A_1164 = arith.constant 0 : i32
      %parallel_loop3A_1165 = arith.constant 0 : i32
      %parallel_loop3A_1166 = tpu.memref_slice %arg7[%parallel_loop3A_387, %parallel_loop3A_1164, %parallel_loop3A_1165] : memref<2x16x512xi32, #tpu.memory_space<vmem>> -> memref<1x16x512xi32, #tpu.memory_space<vmem>>
      %parallel_loop3A_1167 = tpu.memref_squeeze %parallel_loop3A_1166 : memref<1x16x512xi32, #tpu.memory_space<vmem>> -> memref<16x512xi32, #tpu.memory_space<vmem>>
      %parallel_loop3A_1168 = arith.index_cast %parallel_loop3A_1098 : i32 to index
      %parallel_loop3A_1169 = arith.index_cast %parallel_loop3A_1143 : i32 to index
      %parallel_loop3A_1170 = tpu.vector_load %parallel_loop3A_1167[%parallel_loop3A_1168, %parallel_loop3A_1169] {strides = array<i32>} : memref<16x512xi32, #tpu.memory_space<vmem>>, vector<1x16xi32>,
      %parallel_loop3A_1171 = vector.shape_cast %parallel_loop3A_1170 : vector<1x16xi32> to vector<16xi32>
      %parallel_loop3A_1172 = arith.constant 1 : i32
      %parallel_loop3A_1173 = arith.constant 0 : i32
      %parallel_loop3A_1174 = vector.broadcast %parallel_loop3A_1172 : i32 to vector<16xi32>
      %parallel_loop3A_1175 = vector.broadcast %parallel_loop3A_1173 : i32 to vector<16xi32>
      %parallel_loop3A_1176 = arith.select %parallel_loop3A_1163, %parallel_loop3A_1174, %parallel_loop3A_1175 : vector<16xi1>, vector<16xi32>
      %parallel_loop3A_1177 = arith.andi %parallel_loop3A_1176, %parallel_loop3A_1171 : vector<16xi32>
      %parallel_loop3A_1178 = arith.addi %parallel_loop3A_1086, %parallel_loop3A_1177 : vector<16xi32>
      %parallel_loop3A_1179 = arith.addi %parallel_loop3A_1090, %parallel_loop3A_1176 : vector<16xi32>
      %parallel_loop3A_1180 = arith.addi %parallel_loop3A_1094, %parallel_loop3A_1171 : vector<16xi32>
      %parallel_loop3A_1181 = arith.constant 32 : i32
      %parallel_loop3A_1182 = arith.addi %parallel_loop3A_1102, %parallel_loop3A_1181 : i32
      %parallel_loop3A_1183 = arith.constant 0 : i32
      %parallel_loop3A_1184 = arith.constant 0 : i32
      %parallel_loop3A_1185 = tpu.memref_slice %arg6[%parallel_loop3A_385, %parallel_loop3A_1183, %parallel_loop3A_1184] : memref<2x16x512xf32, #tpu.memory_space<vmem>> -> memref<1x16x512xf32, #tpu.memory_space<vmem>>
      %parallel_loop3A_1186 = tpu.memref_squeeze %parallel_loop3A_1185 : memref<1x16x512xf32, #tpu.memory_space<vmem>> -> memref<16x512xf32, #tpu.memory_space<vmem>>
      %parallel_loop3A_1187 = arith.index_cast %parallel_loop3A_1098 : i32 to index
      %parallel_loop3A_1188 = arith.index_cast %parallel_loop3A_1182 : i32 to index
      %parallel_loop3A_1189 = tpu.vector_load %parallel_loop3A_1186[%parallel_loop3A_1187, %parallel_loop3A_1188] {strides = array<i32>} : memref<16x512xf32, #tpu.memory_space<vmem>>, vector<1x16xf32>,
      %parallel_loop3A_1190 = vector.shape_cast %parallel_loop3A_1189 : vector<1x16xf32> to vector<16xf32>
      %parallel_loop3A_1191 = arith.constant 0 : i32
      %parallel_loop3A_1192 = arith.constant 0 : i32
      %parallel_loop3A_1193 = tpu.memref_slice %arg5[%parallel_loop3A_386, %parallel_loop3A_1191, %parallel_loop3A_1192] : memref<2x16x512xf32, #tpu.memory_space<vmem>> -> memref<1x16x512xf32, #tpu.memory_space<vmem>>
      %parallel_loop3A_1194 = tpu.memref_squeeze %parallel_loop3A_1193 : memref<1x16x512xf32, #tpu.memory_space<vmem>> -> memref<16x512xf32, #tpu.memory_space<vmem>>
      %parallel_loop3A_1195 = arith.index_cast %parallel_loop3A_1098 : i32 to index
      %parallel_loop3A_1196 = arith.index_cast %parallel_loop3A_1182 : i32 to index
      %parallel_loop3A_1197 = tpu.vector_load %parallel_loop3A_1194[%parallel_loop3A_1195, %parallel_loop3A_1196] {strides = array<i32>} : memref<16x512xf32, #tpu.memory_space<vmem>>, vector<1x16xf32>,
      %parallel_loop3A_1198 = vector.shape_cast %parallel_loop3A_1197 : vector<1x16xf32> to vector<16xf32>
      %parallel_loop3A_1199 = arith.subf %parallel_loop3A_1190, %parallel_loop3A_1198 : vector<16xf32>
      %parallel_loop3A_1200 = arith.constant 0.000000e+00 : f32
      %parallel_loop3A_1201 = vector.broadcast %parallel_loop3A_1200 : f32 to vector<16xf32>
      %parallel_loop3A_1202 = arith.cmpf ogt, %parallel_loop3A_1199, %parallel_loop3A_1201 : vector<16xf32>
      %parallel_loop3A_1203 = arith.constant 0 : i32
      %parallel_loop3A_1204 = arith.constant 0 : i32
      %parallel_loop3A_1205 = tpu.memref_slice %arg7[%parallel_loop3A_387, %parallel_loop3A_1203, %parallel_loop3A_1204] : memref<2x16x512xi32, #tpu.memory_space<vmem>> -> memref<1x16x512xi32, #tpu.memory_space<vmem>>
      %parallel_loop3A_1206 = tpu.memref_squeeze %parallel_loop3A_1205 : memref<1x16x512xi32, #tpu.memory_space<vmem>> -> memref<16x512xi32, #tpu.memory_space<vmem>>
      %parallel_loop3A_1207 = arith.index_cast %parallel_loop3A_1098 : i32 to index
      %parallel_loop3A_1208 = arith.index_cast %parallel_loop3A_1182 : i32 to index
      %parallel_loop3A_1209 = tpu.vector_load %parallel_loop3A_1206[%parallel_loop3A_1207, %parallel_loop3A_1208] {strides = array<i32>} : memref<16x512xi32, #tpu.memory_space<vmem>>, vector<1x16xi32>,
      %parallel_loop3A_1210 = vector.shape_cast %parallel_loop3A_1209 : vector<1x16xi32> to vector<16xi32>
      %parallel_loop3A_1211 = arith.constant 1 : i32
      %parallel_loop3A_1212 = arith.constant 0 : i32
      %parallel_loop3A_1213 = vector.broadcast %parallel_loop3A_1211 : i32 to vector<16xi32>
      %parallel_loop3A_1214 = vector.broadcast %parallel_loop3A_1212 : i32 to vector<16xi32>
      %parallel_loop3A_1215 = arith.select %parallel_loop3A_1202, %parallel_loop3A_1213, %parallel_loop3A_1214 : vector<16xi1>, vector<16xi32>
      %parallel_loop3A_1216 = arith.andi %parallel_loop3A_1215, %parallel_loop3A_1210 : vector<16xi32>
      %parallel_loop3A_1217 = arith.addi %parallel_loop3A_1087, %parallel_loop3A_1216 : vector<16xi32>
      %parallel_loop3A_1218 = arith.addi %parallel_loop3A_1091, %parallel_loop3A_1215 : vector<16xi32>
      %parallel_loop3A_1219 = arith.addi %parallel_loop3A_1095, %parallel_loop3A_1210 : vector<16xi32>
      %parallel_loop3A_1220 = arith.constant 48 : i32
      %parallel_loop3A_1221 = arith.addi %parallel_loop3A_1102, %parallel_loop3A_1220 : i32
      %parallel_loop3A_1222 = arith.constant 0 : i32
      %parallel_loop3A_1223 = arith.constant 0 : i32
      %parallel_loop3A_1224 = tpu.memref_slice %arg6[%parallel_loop3A_385, %parallel_loop3A_1222, %parallel_loop3A_1223] : memref<2x16x512xf32, #tpu.memory_space<vmem>> -> memref<1x16x512xf32, #tpu.memory_space<vmem>>
      %parallel_loop3A_1225 = tpu.memref_squeeze %parallel_loop3A_1224 : memref<1x16x512xf32, #tpu.memory_space<vmem>> -> memref<16x512xf32, #tpu.memory_space<vmem>>
      %parallel_loop3A_1226 = arith.index_cast %parallel_loop3A_1098 : i32 to index
      %parallel_loop3A_1227 = arith.index_cast %parallel_loop3A_1221 : i32 to index
      %parallel_loop3A_1228 = tpu.vector_load %parallel_loop3A_1225[%parallel_loop3A_1226, %parallel_loop3A_1227] {strides = array<i32>} : memref<16x512xf32, #tpu.memory_space<vmem>>, vector<1x16xf32>,
      %parallel_loop3A_1229 = vector.shape_cast %parallel_loop3A_1228 : vector<1x16xf32> to vector<16xf32>
      %parallel_loop3A_1230 = arith.constant 0 : i32
      %parallel_loop3A_1231 = arith.constant 0 : i32
      %parallel_loop3A_1232 = tpu.memref_slice %arg5[%parallel_loop3A_386, %parallel_loop3A_1230, %parallel_loop3A_1231] : memref<2x16x512xf32, #tpu.memory_space<vmem>> -> memref<1x16x512xf32, #tpu.memory_space<vmem>>
      %parallel_loop3A_1233 = tpu.memref_squeeze %parallel_loop3A_1232 : memref<1x16x512xf32, #tpu.memory_space<vmem>> -> memref<16x512xf32, #tpu.memory_space<vmem>>
      %parallel_loop3A_1234 = arith.index_cast %parallel_loop3A_1098 : i32 to index
      %parallel_loop3A_1235 = arith.index_cast %parallel_loop3A_1221 : i32 to index
      %parallel_loop3A_1236 = tpu.vector_load %parallel_loop3A_1233[%parallel_loop3A_1234, %parallel_loop3A_1235] {strides = array<i32>} : memref<16x512xf32, #tpu.memory_space<vmem>>, vector<1x16xf32>,
      %parallel_loop3A_1237 = vector.shape_cast %parallel_loop3A_1236 : vector<1x16xf32> to vector<16xf32>
      %parallel_loop3A_1238 = arith.subf %parallel_loop3A_1229, %parallel_loop3A_1237 : vector<16xf32>
      %parallel_loop3A_1239 = arith.constant 0.000000e+00 : f32
      %parallel_loop3A_1240 = vector.broadcast %parallel_loop3A_1239 : f32 to vector<16xf32>
      %parallel_loop3A_1241 = arith.cmpf ogt, %parallel_loop3A_1238, %parallel_loop3A_1240 : vector<16xf32>
      %parallel_loop3A_1242 = arith.constant 0 : i32
      %parallel_loop3A_1243 = arith.constant 0 : i32
      %parallel_loop3A_1244 = tpu.memref_slice %arg7[%parallel_loop3A_387, %parallel_loop3A_1242, %parallel_loop3A_1243] : memref<2x16x512xi32, #tpu.memory_space<vmem>> -> memref<1x16x512xi32, #tpu.memory_space<vmem>>
      %parallel_loop3A_1245 = tpu.memref_squeeze %parallel_loop3A_1244 : memref<1x16x512xi32, #tpu.memory_space<vmem>> -> memref<16x512xi32, #tpu.memory_space<vmem>>
      %parallel_loop3A_1246 = arith.index_cast %parallel_loop3A_1098 : i32 to index
      %parallel_loop3A_1247 = arith.index_cast %parallel_loop3A_1221 : i32 to index
      %parallel_loop3A_1248 = tpu.vector_load %parallel_loop3A_1245[%parallel_loop3A_1246, %parallel_loop3A_1247] {strides = array<i32>} : memref<16x512xi32, #tpu.memory_space<vmem>>, vector<1x16xi32>,
      %parallel_loop3A_1249 = vector.shape_cast %parallel_loop3A_1248 : vector<1x16xi32> to vector<16xi32>
      %parallel_loop3A_1250 = arith.constant 1 : i32
      %parallel_loop3A_1251 = arith.constant 0 : i32
      %parallel_loop3A_1252 = vector.broadcast %parallel_loop3A_1250 : i32 to vector<16xi32>
      %parallel_loop3A_1253 = vector.broadcast %parallel_loop3A_1251 : i32 to vector<16xi32>
      %parallel_loop3A_1254 = arith.select %parallel_loop3A_1241, %parallel_loop3A_1252, %parallel_loop3A_1253 : vector<16xi1>, vector<16xi32>
      %parallel_loop3A_1255 = arith.andi %parallel_loop3A_1254, %parallel_loop3A_1249 : vector<16xi32>
      %parallel_loop3A_1256 = arith.addi %parallel_loop3A_1088, %parallel_loop3A_1255 : vector<16xi32>
      %parallel_loop3A_1257 = arith.addi %parallel_loop3A_1092, %parallel_loop3A_1254 : vector<16xi32>
      %parallel_loop3A_1258 = arith.addi %parallel_loop3A_1096, %parallel_loop3A_1249 : vector<16xi32>
      scf.yield %parallel_loop3A_1139, %parallel_loop3A_1178, %parallel_loop3A_1217, %parallel_loop3A_1256, %parallel_loop3A_1140, %parallel_loop3A_1179, %parallel_loop3A_1218, %parallel_loop3A_1257, %parallel_loop3A_1141, %parallel_loop3A_1180, %parallel_loop3A_1219, %parallel_loop3A_1258 : vector<16xi32>, vector<16xi32>, vector<16xi32>, vector<16xi32>, vector<16xi32>, vector<16xi32>, vector<16xi32>, vector<16xi32>, vector<16xi32>, vector<16xi32>, vector<16xi32>, vector<16xi32>
    } {sc.loop_unroll_factor = 2 : i64, sc.parallel_access}
    %add3A_389 = arith.constant 64 : i32
    %add3A_390 = arith.addi %mul3A_32, %add3A_389 : i32
    %dma_start3A_391 = arith.constant 0 : i32
    %dma_start3A_392 = arith.constant 0 : i32
    %dma_start3A_393 = arith.constant 0 : i32
    %dma_start3A_394 = arith.constant 0 : i32
    %dma_start3A_395 = tpu.memref_slice %arg5[%dma_start3A_392, %dma_start3A_393, %dma_start3A_394] : memref<2x16x512xf32, #tpu.memory_space<vmem>> -> memref<1x16x512xf32, #tpu.memory_space<vmem>>
    %dma_start3A_396 = tpu.memref_squeeze %dma_start3A_395 : memref<1x16x512xf32, #tpu.memory_space<vmem>> -> memref<16x512xf32, #tpu.memory_space<vmem>>
    %dma_start3A_397 = arith.constant 0 : i32
    %dma_start3A_398 = tpu.memref_slice %arg2[%add3A, %dma_start3A_391, %add3A_390, %dma_start3A_397] : memref<16x2x512x512xf32, #tpu.memory_space<hbm>> -> memref<1x1x16x512xf32, #tpu.memory_space<hbm>>
    %dma_start3A_399 = tpu.memref_squeeze %dma_start3A_398 : memref<1x1x16x512xf32, #tpu.memory_space<hbm>> -> memref<16x512xf32, #tpu.memory_space<hbm>>
    %dma_start3A_400 = arith.constant 0 : i32
    %dma_start3A_401 = arith.constant 0 : i32
    %dma_start3A_402 = tpu.memref_slice %arg5[%dma_start3A_392, %dma_start3A_400, %dma_start3A_401] : memref<2x16x512xf32, #tpu.memory_space<vmem>> -> memref<1x16x512xf32, #tpu.memory_space<vmem>>
    %dma_start3A_403 = tpu.memref_squeeze %dma_start3A_402 : memref<1x16x512xf32, #tpu.memory_space<vmem>> -> memref<16x512xf32, #tpu.memory_space<vmem>>
    %dma_start3A_404 = arith.constant 0 : i32
    %dma_start3A_405 = tpu.memref_slice %arg2[%add3A, %dma_start3A_391, %add3A_390, %dma_start3A_404] : memref<16x2x512x512xf32, #tpu.memory_space<hbm>> -> memref<1x1x16x512xf32, #tpu.memory_space<hbm>>
    %dma_start3A_406 = tpu.memref_squeeze %dma_start3A_405 : memref<1x1x16x512xf32, #tpu.memory_space<hbm>> -> memref<16x512xf32, #tpu.memory_space<hbm>>
    tpu.enqueue_dma source(%dma_start3A_406 : memref<16x512xf32, #tpu.memory_space<hbm>>) target(%dma_start3A_403 : memref<16x512xf32, #tpu.memory_space<vmem>>) target_semaphore(%arg12 : memref<!tpu.dma_semaphore, #tpu.memory_space<semaphore_mem>>)
    %dma_start3A_407 = arith.constant 1 : i32
    %dma_start3A_408 = arith.constant 0 : i32
    %dma_start3A_409 = arith.constant 0 : i32
    %dma_start3A_410 = arith.constant 0 : i32
    %dma_start3A_411 = tpu.memref_slice %arg6[%dma_start3A_408, %dma_start3A_409, %dma_start3A_410] : memref<2x16x512xf32, #tpu.memory_space<vmem>> -> memref<1x16x512xf32, #tpu.memory_space<vmem>>
    %dma_start3A_412 = tpu.memref_squeeze %dma_start3A_411 : memref<1x16x512xf32, #tpu.memory_space<vmem>> -> memref<16x512xf32, #tpu.memory_space<vmem>>
    %dma_start3A_413 = arith.constant 0 : i32
    %dma_start3A_414 = tpu.memref_slice %arg2[%add3A, %dma_start3A_407, %add3A_390, %dma_start3A_413] : memref<16x2x512x512xf32, #tpu.memory_space<hbm>> -> memref<1x1x16x512xf32, #tpu.memory_space<hbm>>
    %dma_start3A_415 = tpu.memref_squeeze %dma_start3A_414 : memref<1x1x16x512xf32, #tpu.memory_space<hbm>> -> memref<16x512xf32, #tpu.memory_space<hbm>>
    %dma_start3A_416 = arith.constant 0 : i32
    %dma_start3A_417 = arith.constant 0 : i32
    %dma_start3A_418 = tpu.memref_slice %arg6[%dma_start3A_408, %dma_start3A_416, %dma_start3A_417] : memref<2x16x512xf32, #tpu.memory_space<vmem>> -> memref<1x16x512xf32, #tpu.memory_space<vmem>>
    %dma_start3A_419 = tpu.memref_squeeze %dma_start3A_418 : memref<1x16x512xf32, #tpu.memory_space<vmem>> -> memref<16x512xf32, #tpu.memory_space<vmem>>
    %dma_start3A_420 = arith.constant 0 : i32
    %dma_start3A_421 = tpu.memref_slice %arg2[%add3A, %dma_start3A_407, %add3A_390, %dma_start3A_420] : memref<16x2x512x512xf32, #tpu.memory_space<hbm>> -> memref<1x1x16x512xf32, #tpu.memory_space<hbm>>
    %dma_start3A_422 = tpu.memref_squeeze %dma_start3A_421 : memref<1x1x16x512xf32, #tpu.memory_space<hbm>> -> memref<16x512xf32, #tpu.memory_space<hbm>>
    tpu.enqueue_dma source(%dma_start3A_422 : memref<16x512xf32, #tpu.memory_space<hbm>>) target(%dma_start3A_419 : memref<16x512xf32, #tpu.memory_space<vmem>>) target_semaphore(%arg12 : memref<!tpu.dma_semaphore, #tpu.memory_space<semaphore_mem>>)
    %dma_start3A_423 = arith.constant 0 : i32
    %dma_start3A_424 = arith.constant 0 : i32
    %dma_start3A_425 = arith.constant 0 : i32
    %dma_start3A_426 = tpu.memref_slice %arg7[%dma_start3A_423, %dma_start3A_424, %dma_start3A_425] : memref<2x16x512xi32, #tpu.memory_space<vmem>> -> memref<1x16x512xi32, #tpu.memory_space<vmem>>
    %dma_start3A_427 = tpu.memref_squeeze %dma_start3A_426 : memref<1x16x512xi32, #tpu.memory_space<vmem>> -> memref<16x512xi32, #tpu.memory_space<vmem>>
    %dma_start3A_428 = arith.constant 0 : i32
    %dma_start3A_429 = tpu.memref_slice %arg3[%add3A, %add3A_390, %dma_start3A_428] : memref<16x512x512xi32, #tpu.memory_space<hbm>> -> memref<1x16x512xi32, #tpu.memory_space<hbm>>
    %dma_start3A_430 = tpu.memref_squeeze %dma_start3A_429 : memref<1x16x512xi32, #tpu.memory_space<hbm>> -> memref<16x512xi32, #tpu.memory_space<hbm>>
    %dma_start3A_431 = arith.constant 0 : i32
    %dma_start3A_432 = arith.constant 0 : i32
    %dma_start3A_433 = tpu.memref_slice %arg7[%dma_start3A_423, %dma_start3A_431, %dma_start3A_432] : memref<2x16x512xi32, #tpu.memory_space<vmem>> -> memref<1x16x512xi32, #tpu.memory_space<vmem>>
    %dma_start3A_434 = tpu.memref_squeeze %dma_start3A_433 : memref<1x16x512xi32, #tpu.memory_space<vmem>> -> memref<16x512xi32, #tpu.memory_space<vmem>>
    %dma_start3A_435 = arith.constant 0 : i32
    %dma_start3A_436 = tpu.memref_slice %arg3[%add3A, %add3A_390, %dma_start3A_435] : memref<16x512x512xi32, #tpu.memory_space<hbm>> -> memref<1x16x512xi32, #tpu.memory_space<hbm>>
    %dma_start3A_437 = tpu.memref_squeeze %dma_start3A_436 : memref<1x16x512xi32, #tpu.memory_space<hbm>> -> memref<16x512xi32, #tpu.memory_space<hbm>>
    tpu.enqueue_dma source(%dma_start3A_437 : memref<16x512xi32, #tpu.memory_space<hbm>>) target(%dma_start3A_434 : memref<16x512xi32, #tpu.memory_space<vmem>>) target_semaphore(%arg12 : memref<!tpu.dma_semaphore, #tpu.memory_space<semaphore_mem>>)
    %dma_wait3A_438 = arith.constant 0 : i32
    %dma_wait3A_439 = arith.constant 1 : i32
    %dma_wait3A_440 = arith.constant 0 : i32
    %dma_wait3A_441 = arith.constant 0 : i32
    %dma_wait3A_442 = tpu.memref_slice %arg5[%dma_wait3A_439, %dma_wait3A_440, %dma_wait3A_441] : memref<2x16x512xf32, #tpu.memory_space<vmem>> -> memref<1x16x512xf32, #tpu.memory_space<vmem>>
    %dma_wait3A_443 = tpu.memref_squeeze %dma_wait3A_442 : memref<1x16x512xf32, #tpu.memory_space<vmem>> -> memref<16x512xf32, #tpu.memory_space<vmem>>
    %dma_wait3A_444 = arith.constant 0 : i32
    %dma_wait3A_445 = tpu.memref_slice %arg2[%add3A, %dma_wait3A_438, %add3A_287, %dma_wait3A_444] : memref<16x2x512x512xf32, #tpu.memory_space<hbm>> -> memref<1x1x16x512xf32, #tpu.memory_space<hbm>>
    %dma_wait3A_446 = tpu.memref_squeeze %dma_wait3A_445 : memref<1x1x16x512xf32, #tpu.memory_space<hbm>> -> memref<16x512xf32, #tpu.memory_space<hbm>>
    %dma_wait3A_447 = arith.constant 0 : i32
    %dma_wait3A_448 = arith.constant 0 : i32
    %dma_wait3A_449 = tpu.memref_slice %arg5[%dma_wait3A_439, %dma_wait3A_447, %dma_wait3A_448] : memref<2x16x512xf32, #tpu.memory_space<vmem>> -> memref<1x16x512xf32, #tpu.memory_space<vmem>>
    %dma_wait3A_450 = tpu.memref_squeeze %dma_wait3A_449 : memref<1x16x512xf32, #tpu.memory_space<vmem>> -> memref<16x512xf32, #tpu.memory_space<vmem>>
    %dma_wait3A_451 = arith.constant 0 : i32
    %dma_wait3A_452 = tpu.memref_slice %arg2[%add3A, %dma_wait3A_438, %add3A_287, %dma_wait3A_451] : memref<16x2x512x512xf32, #tpu.memory_space<hbm>> -> memref<1x1x16x512xf32, #tpu.memory_space<hbm>>
    %dma_wait3A_453 = tpu.memref_squeeze %dma_wait3A_452 : memref<1x1x16x512xf32, #tpu.memory_space<hbm>> -> memref<16x512xf32, #tpu.memory_space<hbm>>
    tpu.wait_dma2 semaphore(%arg13 : memref<!tpu.dma_semaphore, #tpu.memory_space<semaphore_mem>>) src(%dma_wait3A_453 : memref<16x512xf32, #tpu.memory_space<hbm>>) dst(%dma_wait3A_450 : memref<16x512xf32, #tpu.memory_space<vmem>>)
    %dma_wait3A_454 = arith.constant 1 : i32
    %dma_wait3A_455 = arith.constant 1 : i32
    %dma_wait3A_456 = arith.constant 0 : i32
    %dma_wait3A_457 = arith.constant 0 : i32
    %dma_wait3A_458 = tpu.memref_slice %arg6[%dma_wait3A_455, %dma_wait3A_456, %dma_wait3A_457] : memref<2x16x512xf32, #tpu.memory_space<vmem>> -> memref<1x16x512xf32, #tpu.memory_space<vmem>>
    %dma_wait3A_459 = tpu.memref_squeeze %dma_wait3A_458 : memref<1x16x512xf32, #tpu.memory_space<vmem>> -> memref<16x512xf32, #tpu.memory_space<vmem>>
    %dma_wait3A_460 = arith.constant 0 : i32
    %dma_wait3A_461 = tpu.memref_slice %arg2[%add3A, %dma_wait3A_454, %add3A_287, %dma_wait3A_460] : memref<16x2x512x512xf32, #tpu.memory_space<hbm>> -> memref<1x1x16x512xf32, #tpu.memory_space<hbm>>
    %dma_wait3A_462 = tpu.memref_squeeze %dma_wait3A_461 : memref<1x1x16x512xf32, #tpu.memory_space<hbm>> -> memref<16x512xf32, #tpu.memory_space<hbm>>
    %dma_wait3A_463 = arith.constant 0 : i32
    %dma_wait3A_464 = arith.constant 0 : i32
    %dma_wait3A_465 = tpu.memref_slice %arg6[%dma_wait3A_455, %dma_wait3A_463, %dma_wait3A_464] : memref<2x16x512xf32, #tpu.memory_space<vmem>> -> memref<1x16x512xf32, #tpu.memory_space<vmem>>
    %dma_wait3A_466 = tpu.memref_squeeze %dma_wait3A_465 : memref<1x16x512xf32, #tpu.memory_space<vmem>> -> memref<16x512xf32, #tpu.memory_space<vmem>>
    %dma_wait3A_467 = arith.constant 0 : i32
    %dma_wait3A_468 = tpu.memref_slice %arg2[%add3A, %dma_wait3A_454, %add3A_287, %dma_wait3A_467] : memref<16x2x512x512xf32, #tpu.memory_space<hbm>> -> memref<1x1x16x512xf32, #tpu.memory_space<hbm>>
    %dma_wait3A_469 = tpu.memref_squeeze %dma_wait3A_468 : memref<1x1x16x512xf32, #tpu.memory_space<hbm>> -> memref<16x512xf32, #tpu.memory_space<hbm>>
    tpu.wait_dma2 semaphore(%arg13 : memref<!tpu.dma_semaphore, #tpu.memory_space<semaphore_mem>>) src(%dma_wait3A_469 : memref<16x512xf32, #tpu.memory_space<hbm>>) dst(%dma_wait3A_466 : memref<16x512xf32, #tpu.memory_space<vmem>>)
    %dma_wait3A_470 = arith.constant 1 : i32
    %dma_wait3A_471 = arith.constant 0 : i32
    %dma_wait3A_472 = arith.constant 0 : i32
    %dma_wait3A_473 = tpu.memref_slice %arg7[%dma_wait3A_470, %dma_wait3A_471, %dma_wait3A_472] : memref<2x16x512xi32, #tpu.memory_space<vmem>> -> memref<1x16x512xi32, #tpu.memory_space<vmem>>
    %dma_wait3A_474 = tpu.memref_squeeze %dma_wait3A_473 : memref<1x16x512xi32, #tpu.memory_space<vmem>> -> memref<16x512xi32, #tpu.memory_space<vmem>>
    %dma_wait3A_475 = arith.constant 0 : i32
    %dma_wait3A_476 = tpu.memref_slice %arg3[%add3A, %add3A_287, %dma_wait3A_475] : memref<16x512x512xi32, #tpu.memory_space<hbm>> -> memref<1x16x512xi32, #tpu.memory_space<hbm>>
    %dma_wait3A_477 = tpu.memref_squeeze %dma_wait3A_476 : memref<1x16x512xi32, #tpu.memory_space<hbm>> -> memref<16x512xi32, #tpu.memory_space<hbm>>
    %dma_wait3A_478 = arith.constant 0 : i32
    %dma_wait3A_479 = arith.constant 0 : i32
    %dma_wait3A_480 = tpu.memref_slice %arg7[%dma_wait3A_470, %dma_wait3A_478, %dma_wait3A_479] : memref<2x16x512xi32, #tpu.memory_space<vmem>> -> memref<1x16x512xi32, #tpu.memory_space<vmem>>
    %dma_wait3A_481 = tpu.memref_squeeze %dma_wait3A_480 : memref<1x16x512xi32, #tpu.memory_space<vmem>> -> memref<16x512xi32, #tpu.memory_space<vmem>>
    %dma_wait3A_482 = arith.constant 0 : i32
    %dma_wait3A_483 = tpu.memref_slice %arg3[%add3A, %add3A_287, %dma_wait3A_482] : memref<16x512x512xi32, #tpu.memory_space<hbm>> -> memref<1x16x512xi32, #tpu.memory_space<hbm>>
    %dma_wait3A_484 = tpu.memref_squeeze %dma_wait3A_483 : memref<1x16x512xi32, #tpu.memory_space<hbm>> -> memref<16x512xi32, #tpu.memory_space<hbm>>
    tpu.wait_dma2 semaphore(%arg13 : memref<!tpu.dma_semaphore, #tpu.memory_space<semaphore_mem>>) src(%dma_wait3A_484 : memref<16x512xi32, #tpu.memory_space<hbm>>) dst(%dma_wait3A_481 : memref<16x512xi32, #tpu.memory_space<vmem>>)
    %parallel_loop3A_485 = arith.constant 0 : i32
    %parallel_loop3A_486 = arith.constant 128 : i32
    %parallel_loop3A_487 = arith.constant 1 : i32
    %parallel_loop3A_488 = arith.constant 1 : i32
    %parallel_loop3A_489 = arith.constant 1 : i32
    %parallel_loop3A_490 = arith.constant 1 : i32
    %parallel_loop3A_491:12 = scf.for %parallel_loop3A_1084 = %parallel_loop3A_485 to %parallel_loop3A_486 step %parallel_loop3A_487 iter_args(%parallel_loop3A_1085 = %parallel_loop3A_388#0, %parallel_loop3A_1086 = %parallel_loop3A_388#1, %parallel_loop3A_1087 = %parallel_loop3A_388#2, %parallel_loop3A_1088 = %parallel_loop3A_388#3, %parallel_loop3A_1089 = %parallel_loop3A_388#4, %parallel_loop3A_1090 = %parallel_loop3A_388#5, %parallel_loop3A_1091 = %parallel_loop3A_388#6, %parallel_loop3A_1092 = %parallel_loop3A_388#7, %parallel_loop3A_1093 = %parallel_loop3A_388#8, %parallel_loop3A_1094 = %parallel_loop3A_388#9, %parallel_loop3A_1095 = %parallel_loop3A_388#10, %parallel_loop3A_1096 = %parallel_loop3A_388#11) -> (vector<16xi32>, vector<16xi32>, vector<16xi32>, vector<16xi32>, vector<16xi32>, vector<16xi32>, vector<16xi32>, vector<16xi32>, vector<16xi32>, vector<16xi32>, vector<16xi32>, vector<16xi32>)  : i32 {
      %parallel_loop3A_1097 = arith.constant 3 : i32
      %parallel_loop3A_1098 = arith.shrsi %parallel_loop3A_1084, %parallel_loop3A_1097 : i32
      %parallel_loop3A_1099 = arith.constant 7 : i32
      %parallel_loop3A_1100 = arith.andi %parallel_loop3A_1084, %parallel_loop3A_1099 : i32
      %parallel_loop3A_1101 = arith.constant 64 : i32
      %parallel_loop3A_1102 = arith.muli %parallel_loop3A_1100, %parallel_loop3A_1101 : i32
      %parallel_loop3A_1103 = arith.constant 0 : i32
      %parallel_loop3A_1104 = arith.addi %parallel_loop3A_1102, %parallel_loop3A_1103 : i32
      %parallel_loop3A_1105 = arith.constant 0 : i32
      %parallel_loop3A_1106 = arith.constant 0 : i32
      %parallel_loop3A_1107 = tpu.memref_slice %arg6[%parallel_loop3A_488, %parallel_loop3A_1105, %parallel_loop3A_1106] : memref<2x16x512xf32, #tpu.memory_space<vmem>> -> memref<1x16x512xf32, #tpu.memory_space<vmem>>
      %parallel_loop3A_1108 = tpu.memref_squeeze %parallel_loop3A_1107 : memref<1x16x512xf32, #tpu.memory_space<vmem>> -> memref<16x512xf32, #tpu.memory_space<vmem>>
      %parallel_loop3A_1109 = arith.index_cast %parallel_loop3A_1098 : i32 to index
      %parallel_loop3A_1110 = arith.index_cast %parallel_loop3A_1104 : i32 to index
      %parallel_loop3A_1111 = tpu.vector_load %parallel_loop3A_1108[%parallel_loop3A_1109, %parallel_loop3A_1110] {strides = array<i32>} : memref<16x512xf32, #tpu.memory_space<vmem>>, vector<1x16xf32>,
      %parallel_loop3A_1112 = vector.shape_cast %parallel_loop3A_1111 : vector<1x16xf32> to vector<16xf32>
      %parallel_loop3A_1113 = arith.constant 0 : i32
      %parallel_loop3A_1114 = arith.constant 0 : i32
      %parallel_loop3A_1115 = tpu.memref_slice %arg5[%parallel_loop3A_489, %parallel_loop3A_1113, %parallel_loop3A_1114] : memref<2x16x512xf32, #tpu.memory_space<vmem>> -> memref<1x16x512xf32, #tpu.memory_space<vmem>>
      %parallel_loop3A_1116 = tpu.memref_squeeze %parallel_loop3A_1115 : memref<1x16x512xf32, #tpu.memory_space<vmem>> -> memref<16x512xf32, #tpu.memory_space<vmem>>
      %parallel_loop3A_1117 = arith.index_cast %parallel_loop3A_1098 : i32 to index
      %parallel_loop3A_1118 = arith.index_cast %parallel_loop3A_1104 : i32 to index
      %parallel_loop3A_1119 = tpu.vector_load %parallel_loop3A_1116[%parallel_loop3A_1117, %parallel_loop3A_1118] {strides = array<i32>} : memref<16x512xf32, #tpu.memory_space<vmem>>, vector<1x16xf32>,
      %parallel_loop3A_1120 = vector.shape_cast %parallel_loop3A_1119 : vector<1x16xf32> to vector<16xf32>
      %parallel_loop3A_1121 = arith.subf %parallel_loop3A_1112, %parallel_loop3A_1120 : vector<16xf32>
      %parallel_loop3A_1122 = arith.constant 0.000000e+00 : f32
      %parallel_loop3A_1123 = vector.broadcast %parallel_loop3A_1122 : f32 to vector<16xf32>
      %parallel_loop3A_1124 = arith.cmpf ogt, %parallel_loop3A_1121, %parallel_loop3A_1123 : vector<16xf32>
      %parallel_loop3A_1125 = arith.constant 0 : i32
      %parallel_loop3A_1126 = arith.constant 0 : i32
      %parallel_loop3A_1127 = tpu.memref_slice %arg7[%parallel_loop3A_490, %parallel_loop3A_1125, %parallel_loop3A_1126] : memref<2x16x512xi32, #tpu.memory_space<vmem>> -> memref<1x16x512xi32, #tpu.memory_space<vmem>>
      %parallel_loop3A_1128 = tpu.memref_squeeze %parallel_loop3A_1127 : memref<1x16x512xi32, #tpu.memory_space<vmem>> -> memref<16x512xi32, #tpu.memory_space<vmem>>
      %parallel_loop3A_1129 = arith.index_cast %parallel_loop3A_1098 : i32 to index
      %parallel_loop3A_1130 = arith.index_cast %parallel_loop3A_1104 : i32 to index
      %parallel_loop3A_1131 = tpu.vector_load %parallel_loop3A_1128[%parallel_loop3A_1129, %parallel_loop3A_1130] {strides = array<i32>} : memref<16x512xi32, #tpu.memory_space<vmem>>, vector<1x16xi32>,
      %parallel_loop3A_1132 = vector.shape_cast %parallel_loop3A_1131 : vector<1x16xi32> to vector<16xi32>
      %parallel_loop3A_1133 = arith.constant 1 : i32
      %parallel_loop3A_1134 = arith.constant 0 : i32
      %parallel_loop3A_1135 = vector.broadcast %parallel_loop3A_1133 : i32 to vector<16xi32>
      %parallel_loop3A_1136 = vector.broadcast %parallel_loop3A_1134 : i32 to vector<16xi32>
      %parallel_loop3A_1137 = arith.select %parallel_loop3A_1124, %parallel_loop3A_1135, %parallel_loop3A_1136 : vector<16xi1>, vector<16xi32>
      %parallel_loop3A_1138 = arith.andi %parallel_loop3A_1137, %parallel_loop3A_1132 : vector<16xi32>
      %parallel_loop3A_1139 = arith.addi %parallel_loop3A_1085, %parallel_loop3A_1138 : vector<16xi32>
      %parallel_loop3A_1140 = arith.addi %parallel_loop3A_1089, %parallel_loop3A_1137 : vector<16xi32>
      %parallel_loop3A_1141 = arith.addi %parallel_loop3A_1093, %parallel_loop3A_1132 : vector<16xi32>
      %parallel_loop3A_1142 = arith.constant 16 : i32
      %parallel_loop3A_1143 = arith.addi %parallel_loop3A_1102, %parallel_loop3A_1142 : i32
      %parallel_loop3A_1144 = arith.constant 0 : i32
      %parallel_loop3A_1145 = arith.constant 0 : i32
      %parallel_loop3A_1146 = tpu.memref_slice %arg6[%parallel_loop3A_488, %parallel_loop3A_1144, %parallel_loop3A_1145] : memref<2x16x512xf32, #tpu.memory_space<vmem>> -> memref<1x16x512xf32, #tpu.memory_space<vmem>>
      %parallel_loop3A_1147 = tpu.memref_squeeze %parallel_loop3A_1146 : memref<1x16x512xf32, #tpu.memory_space<vmem>> -> memref<16x512xf32, #tpu.memory_space<vmem>>
      %parallel_loop3A_1148 = arith.index_cast %parallel_loop3A_1098 : i32 to index
      %parallel_loop3A_1149 = arith.index_cast %parallel_loop3A_1143 : i32 to index
      %parallel_loop3A_1150 = tpu.vector_load %parallel_loop3A_1147[%parallel_loop3A_1148, %parallel_loop3A_1149] {strides = array<i32>} : memref<16x512xf32, #tpu.memory_space<vmem>>, vector<1x16xf32>,
      %parallel_loop3A_1151 = vector.shape_cast %parallel_loop3A_1150 : vector<1x16xf32> to vector<16xf32>
      %parallel_loop3A_1152 = arith.constant 0 : i32
      %parallel_loop3A_1153 = arith.constant 0 : i32
      %parallel_loop3A_1154 = tpu.memref_slice %arg5[%parallel_loop3A_489, %parallel_loop3A_1152, %parallel_loop3A_1153] : memref<2x16x512xf32, #tpu.memory_space<vmem>> -> memref<1x16x512xf32, #tpu.memory_space<vmem>>
      %parallel_loop3A_1155 = tpu.memref_squeeze %parallel_loop3A_1154 : memref<1x16x512xf32, #tpu.memory_space<vmem>> -> memref<16x512xf32, #tpu.memory_space<vmem>>
      %parallel_loop3A_1156 = arith.index_cast %parallel_loop3A_1098 : i32 to index
      %parallel_loop3A_1157 = arith.index_cast %parallel_loop3A_1143 : i32 to index
      %parallel_loop3A_1158 = tpu.vector_load %parallel_loop3A_1155[%parallel_loop3A_1156, %parallel_loop3A_1157] {strides = array<i32>} : memref<16x512xf32, #tpu.memory_space<vmem>>, vector<1x16xf32>,
      %parallel_loop3A_1159 = vector.shape_cast %parallel_loop3A_1158 : vector<1x16xf32> to vector<16xf32>
      %parallel_loop3A_1160 = arith.subf %parallel_loop3A_1151, %parallel_loop3A_1159 : vector<16xf32>
      %parallel_loop3A_1161 = arith.constant 0.000000e+00 : f32
      %parallel_loop3A_1162 = vector.broadcast %parallel_loop3A_1161 : f32 to vector<16xf32>
      %parallel_loop3A_1163 = arith.cmpf ogt, %parallel_loop3A_1160, %parallel_loop3A_1162 : vector<16xf32>
      %parallel_loop3A_1164 = arith.constant 0 : i32
      %parallel_loop3A_1165 = arith.constant 0 : i32
      %parallel_loop3A_1166 = tpu.memref_slice %arg7[%parallel_loop3A_490, %parallel_loop3A_1164, %parallel_loop3A_1165] : memref<2x16x512xi32, #tpu.memory_space<vmem>> -> memref<1x16x512xi32, #tpu.memory_space<vmem>>
      %parallel_loop3A_1167 = tpu.memref_squeeze %parallel_loop3A_1166 : memref<1x16x512xi32, #tpu.memory_space<vmem>> -> memref<16x512xi32, #tpu.memory_space<vmem>>
      %parallel_loop3A_1168 = arith.index_cast %parallel_loop3A_1098 : i32 to index
      %parallel_loop3A_1169 = arith.index_cast %parallel_loop3A_1143 : i32 to index
      %parallel_loop3A_1170 = tpu.vector_load %parallel_loop3A_1167[%parallel_loop3A_1168, %parallel_loop3A_1169] {strides = array<i32>} : memref<16x512xi32, #tpu.memory_space<vmem>>, vector<1x16xi32>,
      %parallel_loop3A_1171 = vector.shape_cast %parallel_loop3A_1170 : vector<1x16xi32> to vector<16xi32>
      %parallel_loop3A_1172 = arith.constant 1 : i32
      %parallel_loop3A_1173 = arith.constant 0 : i32
      %parallel_loop3A_1174 = vector.broadcast %parallel_loop3A_1172 : i32 to vector<16xi32>
      %parallel_loop3A_1175 = vector.broadcast %parallel_loop3A_1173 : i32 to vector<16xi32>
      %parallel_loop3A_1176 = arith.select %parallel_loop3A_1163, %parallel_loop3A_1174, %parallel_loop3A_1175 : vector<16xi1>, vector<16xi32>
      %parallel_loop3A_1177 = arith.andi %parallel_loop3A_1176, %parallel_loop3A_1171 : vector<16xi32>
      %parallel_loop3A_1178 = arith.addi %parallel_loop3A_1086, %parallel_loop3A_1177 : vector<16xi32>
      %parallel_loop3A_1179 = arith.addi %parallel_loop3A_1090, %parallel_loop3A_1176 : vector<16xi32>
      %parallel_loop3A_1180 = arith.addi %parallel_loop3A_1094, %parallel_loop3A_1171 : vector<16xi32>
      %parallel_loop3A_1181 = arith.constant 32 : i32
      %parallel_loop3A_1182 = arith.addi %parallel_loop3A_1102, %parallel_loop3A_1181 : i32
      %parallel_loop3A_1183 = arith.constant 0 : i32
      %parallel_loop3A_1184 = arith.constant 0 : i32
      %parallel_loop3A_1185 = tpu.memref_slice %arg6[%parallel_loop3A_488, %parallel_loop3A_1183, %parallel_loop3A_1184] : memref<2x16x512xf32, #tpu.memory_space<vmem>> -> memref<1x16x512xf32, #tpu.memory_space<vmem>>
      %parallel_loop3A_1186 = tpu.memref_squeeze %parallel_loop3A_1185 : memref<1x16x512xf32, #tpu.memory_space<vmem>> -> memref<16x512xf32, #tpu.memory_space<vmem>>
      %parallel_loop3A_1187 = arith.index_cast %parallel_loop3A_1098 : i32 to index
      %parallel_loop3A_1188 = arith.index_cast %parallel_loop3A_1182 : i32 to index
      %parallel_loop3A_1189 = tpu.vector_load %parallel_loop3A_1186[%parallel_loop3A_1187, %parallel_loop3A_1188] {strides = array<i32>} : memref<16x512xf32, #tpu.memory_space<vmem>>, vector<1x16xf32>,
      %parallel_loop3A_1190 = vector.shape_cast %parallel_loop3A_1189 : vector<1x16xf32> to vector<16xf32>
      %parallel_loop3A_1191 = arith.constant 0 : i32
      %parallel_loop3A_1192 = arith.constant 0 : i32
      %parallel_loop3A_1193 = tpu.memref_slice %arg5[%parallel_loop3A_489, %parallel_loop3A_1191, %parallel_loop3A_1192] : memref<2x16x512xf32, #tpu.memory_space<vmem>> -> memref<1x16x512xf32, #tpu.memory_space<vmem>>
      %parallel_loop3A_1194 = tpu.memref_squeeze %parallel_loop3A_1193 : memref<1x16x512xf32, #tpu.memory_space<vmem>> -> memref<16x512xf32, #tpu.memory_space<vmem>>
      %parallel_loop3A_1195 = arith.index_cast %parallel_loop3A_1098 : i32 to index
      %parallel_loop3A_1196 = arith.index_cast %parallel_loop3A_1182 : i32 to index
      %parallel_loop3A_1197 = tpu.vector_load %parallel_loop3A_1194[%parallel_loop3A_1195, %parallel_loop3A_1196] {strides = array<i32>} : memref<16x512xf32, #tpu.memory_space<vmem>>, vector<1x16xf32>,
      %parallel_loop3A_1198 = vector.shape_cast %parallel_loop3A_1197 : vector<1x16xf32> to vector<16xf32>
      %parallel_loop3A_1199 = arith.subf %parallel_loop3A_1190, %parallel_loop3A_1198 : vector<16xf32>
      %parallel_loop3A_1200 = arith.constant 0.000000e+00 : f32
      %parallel_loop3A_1201 = vector.broadcast %parallel_loop3A_1200 : f32 to vector<16xf32>
      %parallel_loop3A_1202 = arith.cmpf ogt, %parallel_loop3A_1199, %parallel_loop3A_1201 : vector<16xf32>
      %parallel_loop3A_1203 = arith.constant 0 : i32
      %parallel_loop3A_1204 = arith.constant 0 : i32
      %parallel_loop3A_1205 = tpu.memref_slice %arg7[%parallel_loop3A_490, %parallel_loop3A_1203, %parallel_loop3A_1204] : memref<2x16x512xi32, #tpu.memory_space<vmem>> -> memref<1x16x512xi32, #tpu.memory_space<vmem>>
      %parallel_loop3A_1206 = tpu.memref_squeeze %parallel_loop3A_1205 : memref<1x16x512xi32, #tpu.memory_space<vmem>> -> memref<16x512xi32, #tpu.memory_space<vmem>>
      %parallel_loop3A_1207 = arith.index_cast %parallel_loop3A_1098 : i32 to index
      %parallel_loop3A_1208 = arith.index_cast %parallel_loop3A_1182 : i32 to index
      %parallel_loop3A_1209 = tpu.vector_load %parallel_loop3A_1206[%parallel_loop3A_1207, %parallel_loop3A_1208] {strides = array<i32>} : memref<16x512xi32, #tpu.memory_space<vmem>>, vector<1x16xi32>,
      %parallel_loop3A_1210 = vector.shape_cast %parallel_loop3A_1209 : vector<1x16xi32> to vector<16xi32>
      %parallel_loop3A_1211 = arith.constant 1 : i32
      %parallel_loop3A_1212 = arith.constant 0 : i32
      %parallel_loop3A_1213 = vector.broadcast %parallel_loop3A_1211 : i32 to vector<16xi32>
      %parallel_loop3A_1214 = vector.broadcast %parallel_loop3A_1212 : i32 to vector<16xi32>
      %parallel_loop3A_1215 = arith.select %parallel_loop3A_1202, %parallel_loop3A_1213, %parallel_loop3A_1214 : vector<16xi1>, vector<16xi32>
      %parallel_loop3A_1216 = arith.andi %parallel_loop3A_1215, %parallel_loop3A_1210 : vector<16xi32>
      %parallel_loop3A_1217 = arith.addi %parallel_loop3A_1087, %parallel_loop3A_1216 : vector<16xi32>
      %parallel_loop3A_1218 = arith.addi %parallel_loop3A_1091, %parallel_loop3A_1215 : vector<16xi32>
      %parallel_loop3A_1219 = arith.addi %parallel_loop3A_1095, %parallel_loop3A_1210 : vector<16xi32>
      %parallel_loop3A_1220 = arith.constant 48 : i32
      %parallel_loop3A_1221 = arith.addi %parallel_loop3A_1102, %parallel_loop3A_1220 : i32
      %parallel_loop3A_1222 = arith.constant 0 : i32
      %parallel_loop3A_1223 = arith.constant 0 : i32
      %parallel_loop3A_1224 = tpu.memref_slice %arg6[%parallel_loop3A_488, %parallel_loop3A_1222, %parallel_loop3A_1223] : memref<2x16x512xf32, #tpu.memory_space<vmem>> -> memref<1x16x512xf32, #tpu.memory_space<vmem>>
      %parallel_loop3A_1225 = tpu.memref_squeeze %parallel_loop3A_1224 : memref<1x16x512xf32, #tpu.memory_space<vmem>> -> memref<16x512xf32, #tpu.memory_space<vmem>>
      %parallel_loop3A_1226 = arith.index_cast %parallel_loop3A_1098 : i32 to index
      %parallel_loop3A_1227 = arith.index_cast %parallel_loop3A_1221 : i32 to index
      %parallel_loop3A_1228 = tpu.vector_load %parallel_loop3A_1225[%parallel_loop3A_1226, %parallel_loop3A_1227] {strides = array<i32>} : memref<16x512xf32, #tpu.memory_space<vmem>>, vector<1x16xf32>,
      %parallel_loop3A_1229 = vector.shape_cast %parallel_loop3A_1228 : vector<1x16xf32> to vector<16xf32>
      %parallel_loop3A_1230 = arith.constant 0 : i32
      %parallel_loop3A_1231 = arith.constant 0 : i32
      %parallel_loop3A_1232 = tpu.memref_slice %arg5[%parallel_loop3A_489, %parallel_loop3A_1230, %parallel_loop3A_1231] : memref<2x16x512xf32, #tpu.memory_space<vmem>> -> memref<1x16x512xf32, #tpu.memory_space<vmem>>
      %parallel_loop3A_1233 = tpu.memref_squeeze %parallel_loop3A_1232 : memref<1x16x512xf32, #tpu.memory_space<vmem>> -> memref<16x512xf32, #tpu.memory_space<vmem>>
      %parallel_loop3A_1234 = arith.index_cast %parallel_loop3A_1098 : i32 to index
      %parallel_loop3A_1235 = arith.index_cast %parallel_loop3A_1221 : i32 to index
      %parallel_loop3A_1236 = tpu.vector_load %parallel_loop3A_1233[%parallel_loop3A_1234, %parallel_loop3A_1235] {strides = array<i32>} : memref<16x512xf32, #tpu.memory_space<vmem>>, vector<1x16xf32>,
      %parallel_loop3A_1237 = vector.shape_cast %parallel_loop3A_1236 : vector<1x16xf32> to vector<16xf32>
      %parallel_loop3A_1238 = arith.subf %parallel_loop3A_1229, %parallel_loop3A_1237 : vector<16xf32>
      %parallel_loop3A_1239 = arith.constant 0.000000e+00 : f32
      %parallel_loop3A_1240 = vector.broadcast %parallel_loop3A_1239 : f32 to vector<16xf32>
      %parallel_loop3A_1241 = arith.cmpf ogt, %parallel_loop3A_1238, %parallel_loop3A_1240 : vector<16xf32>
      %parallel_loop3A_1242 = arith.constant 0 : i32
      %parallel_loop3A_1243 = arith.constant 0 : i32
      %parallel_loop3A_1244 = tpu.memref_slice %arg7[%parallel_loop3A_490, %parallel_loop3A_1242, %parallel_loop3A_1243] : memref<2x16x512xi32, #tpu.memory_space<vmem>> -> memref<1x16x512xi32, #tpu.memory_space<vmem>>
      %parallel_loop3A_1245 = tpu.memref_squeeze %parallel_loop3A_1244 : memref<1x16x512xi32, #tpu.memory_space<vmem>> -> memref<16x512xi32, #tpu.memory_space<vmem>>
      %parallel_loop3A_1246 = arith.index_cast %parallel_loop3A_1098 : i32 to index
      %parallel_loop3A_1247 = arith.index_cast %parallel_loop3A_1221 : i32 to index
      %parallel_loop3A_1248 = tpu.vector_load %parallel_loop3A_1245[%parallel_loop3A_1246, %parallel_loop3A_1247] {strides = array<i32>} : memref<16x512xi32, #tpu.memory_space<vmem>>, vector<1x16xi32>,
      %parallel_loop3A_1249 = vector.shape_cast %parallel_loop3A_1248 : vector<1x16xi32> to vector<16xi32>
      %parallel_loop3A_1250 = arith.constant 1 : i32
      %parallel_loop3A_1251 = arith.constant 0 : i32
      %parallel_loop3A_1252 = vector.broadcast %parallel_loop3A_1250 : i32 to vector<16xi32>
      %parallel_loop3A_1253 = vector.broadcast %parallel_loop3A_1251 : i32 to vector<16xi32>
      %parallel_loop3A_1254 = arith.select %parallel_loop3A_1241, %parallel_loop3A_1252, %parallel_loop3A_1253 : vector<16xi1>, vector<16xi32>
      %parallel_loop3A_1255 = arith.andi %parallel_loop3A_1254, %parallel_loop3A_1249 : vector<16xi32>
      %parallel_loop3A_1256 = arith.addi %parallel_loop3A_1088, %parallel_loop3A_1255 : vector<16xi32>
      %parallel_loop3A_1257 = arith.addi %parallel_loop3A_1092, %parallel_loop3A_1254 : vector<16xi32>
      %parallel_loop3A_1258 = arith.addi %parallel_loop3A_1096, %parallel_loop3A_1249 : vector<16xi32>
      scf.yield %parallel_loop3A_1139, %parallel_loop3A_1178, %parallel_loop3A_1217, %parallel_loop3A_1256, %parallel_loop3A_1140, %parallel_loop3A_1179, %parallel_loop3A_1218, %parallel_loop3A_1257, %parallel_loop3A_1141, %parallel_loop3A_1180, %parallel_loop3A_1219, %parallel_loop3A_1258 : vector<16xi32>, vector<16xi32>, vector<16xi32>, vector<16xi32>, vector<16xi32>, vector<16xi32>, vector<16xi32>, vector<16xi32>, vector<16xi32>, vector<16xi32>, vector<16xi32>, vector<16xi32>
    } {sc.loop_unroll_factor = 2 : i64, sc.parallel_access}
    %add3A_492 = arith.constant 80 : i32
    %add3A_493 = arith.addi %mul3A_32, %add3A_492 : i32
    %dma_start3A_494 = arith.constant 0 : i32
    %dma_start3A_495 = arith.constant 1 : i32
    %dma_start3A_496 = arith.constant 0 : i32
    %dma_start3A_497 = arith.constant 0 : i32
    %dma_start3A_498 = tpu.memref_slice %arg5[%dma_start3A_495, %dma_start3A_496, %dma_start3A_497] : memref<2x16x512xf32, #tpu.memory_space<vmem>> -> memref<1x16x512xf32, #tpu.memory_space<vmem>>
    %dma_start3A_499 = tpu.memref_squeeze %dma_start3A_498 : memref<1x16x512xf32, #tpu.memory_space<vmem>> -> memref<16x512xf32, #tpu.memory_space<vmem>>
    %dma_start3A_500 = arith.constant 0 : i32
    %dma_start3A_501 = tpu.memref_slice %arg2[%add3A, %dma_start3A_494, %add3A_493, %dma_start3A_500] : memref<16x2x512x512xf32, #tpu.memory_space<hbm>> -> memref<1x1x16x512xf32, #tpu.memory_space<hbm>>
    %dma_start3A_502 = tpu.memref_squeeze %dma_start3A_501 : memref<1x1x16x512xf32, #tpu.memory_space<hbm>> -> memref<16x512xf32, #tpu.memory_space<hbm>>
    %dma_start3A_503 = arith.constant 0 : i32
    %dma_start3A_504 = arith.constant 0 : i32
    %dma_start3A_505 = tpu.memref_slice %arg5[%dma_start3A_495, %dma_start3A_503, %dma_start3A_504] : memref<2x16x512xf32, #tpu.memory_space<vmem>> -> memref<1x16x512xf32, #tpu.memory_space<vmem>>
    %dma_start3A_506 = tpu.memref_squeeze %dma_start3A_505 : memref<1x16x512xf32, #tpu.memory_space<vmem>> -> memref<16x512xf32, #tpu.memory_space<vmem>>
    %dma_start3A_507 = arith.constant 0 : i32
    %dma_start3A_508 = tpu.memref_slice %arg2[%add3A, %dma_start3A_494, %add3A_493, %dma_start3A_507] : memref<16x2x512x512xf32, #tpu.memory_space<hbm>> -> memref<1x1x16x512xf32, #tpu.memory_space<hbm>>
    %dma_start3A_509 = tpu.memref_squeeze %dma_start3A_508 : memref<1x1x16x512xf32, #tpu.memory_space<hbm>> -> memref<16x512xf32, #tpu.memory_space<hbm>>
    tpu.enqueue_dma source(%dma_start3A_509 : memref<16x512xf32, #tpu.memory_space<hbm>>) target(%dma_start3A_506 : memref<16x512xf32, #tpu.memory_space<vmem>>) target_semaphore(%arg13 : memref<!tpu.dma_semaphore, #tpu.memory_space<semaphore_mem>>)
    %dma_start3A_510 = arith.constant 1 : i32
    %dma_start3A_511 = arith.constant 1 : i32
    %dma_start3A_512 = arith.constant 0 : i32
    %dma_start3A_513 = arith.constant 0 : i32
    %dma_start3A_514 = tpu.memref_slice %arg6[%dma_start3A_511, %dma_start3A_512, %dma_start3A_513] : memref<2x16x512xf32, #tpu.memory_space<vmem>> -> memref<1x16x512xf32, #tpu.memory_space<vmem>>
    %dma_start3A_515 = tpu.memref_squeeze %dma_start3A_514 : memref<1x16x512xf32, #tpu.memory_space<vmem>> -> memref<16x512xf32, #tpu.memory_space<vmem>>
    %dma_start3A_516 = arith.constant 0 : i32
    %dma_start3A_517 = tpu.memref_slice %arg2[%add3A, %dma_start3A_510, %add3A_493, %dma_start3A_516] : memref<16x2x512x512xf32, #tpu.memory_space<hbm>> -> memref<1x1x16x512xf32, #tpu.memory_space<hbm>>
    %dma_start3A_518 = tpu.memref_squeeze %dma_start3A_517 : memref<1x1x16x512xf32, #tpu.memory_space<hbm>> -> memref<16x512xf32, #tpu.memory_space<hbm>>
    %dma_start3A_519 = arith.constant 0 : i32
    %dma_start3A_520 = arith.constant 0 : i32
    %dma_start3A_521 = tpu.memref_slice %arg6[%dma_start3A_511, %dma_start3A_519, %dma_start3A_520] : memref<2x16x512xf32, #tpu.memory_space<vmem>> -> memref<1x16x512xf32, #tpu.memory_space<vmem>>
    %dma_start3A_522 = tpu.memref_squeeze %dma_start3A_521 : memref<1x16x512xf32, #tpu.memory_space<vmem>> -> memref<16x512xf32, #tpu.memory_space<vmem>>
    %dma_start3A_523 = arith.constant 0 : i32
    %dma_start3A_524 = tpu.memref_slice %arg2[%add3A, %dma_start3A_510, %add3A_493, %dma_start3A_523] : memref<16x2x512x512xf32, #tpu.memory_space<hbm>> -> memref<1x1x16x512xf32, #tpu.memory_space<hbm>>
    %dma_start3A_525 = tpu.memref_squeeze %dma_start3A_524 : memref<1x1x16x512xf32, #tpu.memory_space<hbm>> -> memref<16x512xf32, #tpu.memory_space<hbm>>
    tpu.enqueue_dma source(%dma_start3A_525 : memref<16x512xf32, #tpu.memory_space<hbm>>) target(%dma_start3A_522 : memref<16x512xf32, #tpu.memory_space<vmem>>) target_semaphore(%arg13 : memref<!tpu.dma_semaphore, #tpu.memory_space<semaphore_mem>>)
    %dma_start3A_526 = arith.constant 1 : i32
    %dma_start3A_527 = arith.constant 0 : i32
    %dma_start3A_528 = arith.constant 0 : i32
    %dma_start3A_529 = tpu.memref_slice %arg7[%dma_start3A_526, %dma_start3A_527, %dma_start3A_528] : memref<2x16x512xi32, #tpu.memory_space<vmem>> -> memref<1x16x512xi32, #tpu.memory_space<vmem>>
    %dma_start3A_530 = tpu.memref_squeeze %dma_start3A_529 : memref<1x16x512xi32, #tpu.memory_space<vmem>> -> memref<16x512xi32, #tpu.memory_space<vmem>>
    %dma_start3A_531 = arith.constant 0 : i32
    %dma_start3A_532 = tpu.memref_slice %arg3[%add3A, %add3A_493, %dma_start3A_531] : memref<16x512x512xi32, #tpu.memory_space<hbm>> -> memref<1x16x512xi32, #tpu.memory_space<hbm>>
    %dma_start3A_533 = tpu.memref_squeeze %dma_start3A_532 : memref<1x16x512xi32, #tpu.memory_space<hbm>> -> memref<16x512xi32, #tpu.memory_space<hbm>>
    %dma_start3A_534 = arith.constant 0 : i32
    %dma_start3A_535 = arith.constant 0 : i32
    %dma_start3A_536 = tpu.memref_slice %arg7[%dma_start3A_526, %dma_start3A_534, %dma_start3A_535] : memref<2x16x512xi32, #tpu.memory_space<vmem>> -> memref<1x16x512xi32, #tpu.memory_space<vmem>>
    %dma_start3A_537 = tpu.memref_squeeze %dma_start3A_536 : memref<1x16x512xi32, #tpu.memory_space<vmem>> -> memref<16x512xi32, #tpu.memory_space<vmem>>
    %dma_start3A_538 = arith.constant 0 : i32
    %dma_start3A_539 = tpu.memref_slice %arg3[%add3A, %add3A_493, %dma_start3A_538] : memref<16x512x512xi32, #tpu.memory_space<hbm>> -> memref<1x16x512xi32, #tpu.memory_space<hbm>>
    %dma_start3A_540 = tpu.memref_squeeze %dma_start3A_539 : memref<1x16x512xi32, #tpu.memory_space<hbm>> -> memref<16x512xi32, #tpu.memory_space<hbm>>
    tpu.enqueue_dma source(%dma_start3A_540 : memref<16x512xi32, #tpu.memory_space<hbm>>) target(%dma_start3A_537 : memref<16x512xi32, #tpu.memory_space<vmem>>) target_semaphore(%arg13 : memref<!tpu.dma_semaphore, #tpu.memory_space<semaphore_mem>>)
    %dma_wait3A_541 = arith.constant 0 : i32
    %dma_wait3A_542 = arith.constant 0 : i32
    %dma_wait3A_543 = arith.constant 0 : i32
    %dma_wait3A_544 = arith.constant 0 : i32
    %dma_wait3A_545 = tpu.memref_slice %arg5[%dma_wait3A_542, %dma_wait3A_543, %dma_wait3A_544] : memref<2x16x512xf32, #tpu.memory_space<vmem>> -> memref<1x16x512xf32, #tpu.memory_space<vmem>>
    %dma_wait3A_546 = tpu.memref_squeeze %dma_wait3A_545 : memref<1x16x512xf32, #tpu.memory_space<vmem>> -> memref<16x512xf32, #tpu.memory_space<vmem>>
    %dma_wait3A_547 = arith.constant 0 : i32
    %dma_wait3A_548 = tpu.memref_slice %arg2[%add3A, %dma_wait3A_541, %add3A_390, %dma_wait3A_547] : memref<16x2x512x512xf32, #tpu.memory_space<hbm>> -> memref<1x1x16x512xf32, #tpu.memory_space<hbm>>
    %dma_wait3A_549 = tpu.memref_squeeze %dma_wait3A_548 : memref<1x1x16x512xf32, #tpu.memory_space<hbm>> -> memref<16x512xf32, #tpu.memory_space<hbm>>
    %dma_wait3A_550 = arith.constant 0 : i32
    %dma_wait3A_551 = arith.constant 0 : i32
    %dma_wait3A_552 = tpu.memref_slice %arg5[%dma_wait3A_542, %dma_wait3A_550, %dma_wait3A_551] : memref<2x16x512xf32, #tpu.memory_space<vmem>> -> memref<1x16x512xf32, #tpu.memory_space<vmem>>
    %dma_wait3A_553 = tpu.memref_squeeze %dma_wait3A_552 : memref<1x16x512xf32, #tpu.memory_space<vmem>> -> memref<16x512xf32, #tpu.memory_space<vmem>>
    %dma_wait3A_554 = arith.constant 0 : i32
    %dma_wait3A_555 = tpu.memref_slice %arg2[%add3A, %dma_wait3A_541, %add3A_390, %dma_wait3A_554] : memref<16x2x512x512xf32, #tpu.memory_space<hbm>> -> memref<1x1x16x512xf32, #tpu.memory_space<hbm>>
    %dma_wait3A_556 = tpu.memref_squeeze %dma_wait3A_555 : memref<1x1x16x512xf32, #tpu.memory_space<hbm>> -> memref<16x512xf32, #tpu.memory_space<hbm>>
    tpu.wait_dma2 semaphore(%arg12 : memref<!tpu.dma_semaphore, #tpu.memory_space<semaphore_mem>>) src(%dma_wait3A_556 : memref<16x512xf32, #tpu.memory_space<hbm>>) dst(%dma_wait3A_553 : memref<16x512xf32, #tpu.memory_space<vmem>>)
    %dma_wait3A_557 = arith.constant 1 : i32
    %dma_wait3A_558 = arith.constant 0 : i32
    %dma_wait3A_559 = arith.constant 0 : i32
    %dma_wait3A_560 = arith.constant 0 : i32
    %dma_wait3A_561 = tpu.memref_slice %arg6[%dma_wait3A_558, %dma_wait3A_559, %dma_wait3A_560] : memref<2x16x512xf32, #tpu.memory_space<vmem>> -> memref<1x16x512xf32, #tpu.memory_space<vmem>>
    %dma_wait3A_562 = tpu.memref_squeeze %dma_wait3A_561 : memref<1x16x512xf32, #tpu.memory_space<vmem>> -> memref<16x512xf32, #tpu.memory_space<vmem>>
    %dma_wait3A_563 = arith.constant 0 : i32
    %dma_wait3A_564 = tpu.memref_slice %arg2[%add3A, %dma_wait3A_557, %add3A_390, %dma_wait3A_563] : memref<16x2x512x512xf32, #tpu.memory_space<hbm>> -> memref<1x1x16x512xf32, #tpu.memory_space<hbm>>
    %dma_wait3A_565 = tpu.memref_squeeze %dma_wait3A_564 : memref<1x1x16x512xf32, #tpu.memory_space<hbm>> -> memref<16x512xf32, #tpu.memory_space<hbm>>
    %dma_wait3A_566 = arith.constant 0 : i32
    %dma_wait3A_567 = arith.constant 0 : i32
    %dma_wait3A_568 = tpu.memref_slice %arg6[%dma_wait3A_558, %dma_wait3A_566, %dma_wait3A_567] : memref<2x16x512xf32, #tpu.memory_space<vmem>> -> memref<1x16x512xf32, #tpu.memory_space<vmem>>
    %dma_wait3A_569 = tpu.memref_squeeze %dma_wait3A_568 : memref<1x16x512xf32, #tpu.memory_space<vmem>> -> memref<16x512xf32, #tpu.memory_space<vmem>>
    %dma_wait3A_570 = arith.constant 0 : i32
    %dma_wait3A_571 = tpu.memref_slice %arg2[%add3A, %dma_wait3A_557, %add3A_390, %dma_wait3A_570] : memref<16x2x512x512xf32, #tpu.memory_space<hbm>> -> memref<1x1x16x512xf32, #tpu.memory_space<hbm>>
    %dma_wait3A_572 = tpu.memref_squeeze %dma_wait3A_571 : memref<1x1x16x512xf32, #tpu.memory_space<hbm>> -> memref<16x512xf32, #tpu.memory_space<hbm>>
    tpu.wait_dma2 semaphore(%arg12 : memref<!tpu.dma_semaphore, #tpu.memory_space<semaphore_mem>>) src(%dma_wait3A_572 : memref<16x512xf32, #tpu.memory_space<hbm>>) dst(%dma_wait3A_569 : memref<16x512xf32, #tpu.memory_space<vmem>>)
    %dma_wait3A_573 = arith.constant 0 : i32
    %dma_wait3A_574 = arith.constant 0 : i32
    %dma_wait3A_575 = arith.constant 0 : i32
    %dma_wait3A_576 = tpu.memref_slice %arg7[%dma_wait3A_573, %dma_wait3A_574, %dma_wait3A_575] : memref<2x16x512xi32, #tpu.memory_space<vmem>> -> memref<1x16x512xi32, #tpu.memory_space<vmem>>
    %dma_wait3A_577 = tpu.memref_squeeze %dma_wait3A_576 : memref<1x16x512xi32, #tpu.memory_space<vmem>> -> memref<16x512xi32, #tpu.memory_space<vmem>>
    %dma_wait3A_578 = arith.constant 0 : i32
    %dma_wait3A_579 = tpu.memref_slice %arg3[%add3A, %add3A_390, %dma_wait3A_578] : memref<16x512x512xi32, #tpu.memory_space<hbm>> -> memref<1x16x512xi32, #tpu.memory_space<hbm>>
    %dma_wait3A_580 = tpu.memref_squeeze %dma_wait3A_579 : memref<1x16x512xi32, #tpu.memory_space<hbm>> -> memref<16x512xi32, #tpu.memory_space<hbm>>
    %dma_wait3A_581 = arith.constant 0 : i32
    %dma_wait3A_582 = arith.constant 0 : i32
    %dma_wait3A_583 = tpu.memref_slice %arg7[%dma_wait3A_573, %dma_wait3A_581, %dma_wait3A_582] : memref<2x16x512xi32, #tpu.memory_space<vmem>> -> memref<1x16x512xi32, #tpu.memory_space<vmem>>
    %dma_wait3A_584 = tpu.memref_squeeze %dma_wait3A_583 : memref<1x16x512xi32, #tpu.memory_space<vmem>> -> memref<16x512xi32, #tpu.memory_space<vmem>>
    %dma_wait3A_585 = arith.constant 0 : i32
    %dma_wait3A_586 = tpu.memref_slice %arg3[%add3A, %add3A_390, %dma_wait3A_585] : memref<16x512x512xi32, #tpu.memory_space<hbm>> -> memref<1x16x512xi32, #tpu.memory_space<hbm>>
    %dma_wait3A_587 = tpu.memref_squeeze %dma_wait3A_586 : memref<1x16x512xi32, #tpu.memory_space<hbm>> -> memref<16x512xi32, #tpu.memory_space<hbm>>
    tpu.wait_dma2 semaphore(%arg12 : memref<!tpu.dma_semaphore, #tpu.memory_space<semaphore_mem>>) src(%dma_wait3A_587 : memref<16x512xi32, #tpu.memory_space<hbm>>) dst(%dma_wait3A_584 : memref<16x512xi32, #tpu.memory_space<vmem>>)
    %parallel_loop3A_588 = arith.constant 0 : i32
    %parallel_loop3A_589 = arith.constant 128 : i32
    %parallel_loop3A_590 = arith.constant 1 : i32
    %parallel_loop3A_591 = arith.constant 0 : i32
    %parallel_loop3A_592 = arith.constant 0 : i32
    %parallel_loop3A_593 = arith.constant 0 : i32
    %parallel_loop3A_594:12 = scf.for %parallel_loop3A_1084 = %parallel_loop3A_588 to %parallel_loop3A_589 step %parallel_loop3A_590 iter_args(%parallel_loop3A_1085 = %parallel_loop3A_491#0, %parallel_loop3A_1086 = %parallel_loop3A_491#1, %parallel_loop3A_1087 = %parallel_loop3A_491#2, %parallel_loop3A_1088 = %parallel_loop3A_491#3, %parallel_loop3A_1089 = %parallel_loop3A_491#4, %parallel_loop3A_1090 = %parallel_loop3A_491#5, %parallel_loop3A_1091 = %parallel_loop3A_491#6, %parallel_loop3A_1092 = %parallel_loop3A_491#7, %parallel_loop3A_1093 = %parallel_loop3A_491#8, %parallel_loop3A_1094 = %parallel_loop3A_491#9, %parallel_loop3A_1095 = %parallel_loop3A_491#10, %parallel_loop3A_1096 = %parallel_loop3A_491#11) -> (vector<16xi32>, vector<16xi32>, vector<16xi32>, vector<16xi32>, vector<16xi32>, vector<16xi32>, vector<16xi32>, vector<16xi32>, vector<16xi32>, vector<16xi32>, vector<16xi32>, vector<16xi32>)  : i32 {
      %parallel_loop3A_1097 = arith.constant 3 : i32
      %parallel_loop3A_1098 = arith.shrsi %parallel_loop3A_1084, %parallel_loop3A_1097 : i32
      %parallel_loop3A_1099 = arith.constant 7 : i32
      %parallel_loop3A_1100 = arith.andi %parallel_loop3A_1084, %parallel_loop3A_1099 : i32
      %parallel_loop3A_1101 = arith.constant 64 : i32
      %parallel_loop3A_1102 = arith.muli %parallel_loop3A_1100, %parallel_loop3A_1101 : i32
      %parallel_loop3A_1103 = arith.constant 0 : i32
      %parallel_loop3A_1104 = arith.addi %parallel_loop3A_1102, %parallel_loop3A_1103 : i32
      %parallel_loop3A_1105 = arith.constant 0 : i32
      %parallel_loop3A_1106 = arith.constant 0 : i32
      %parallel_loop3A_1107 = tpu.memref_slice %arg6[%parallel_loop3A_591, %parallel_loop3A_1105, %parallel_loop3A_1106] : memref<2x16x512xf32, #tpu.memory_space<vmem>> -> memref<1x16x512xf32, #tpu.memory_space<vmem>>
      %parallel_loop3A_1108 = tpu.memref_squeeze %parallel_loop3A_1107 : memref<1x16x512xf32, #tpu.memory_space<vmem>> -> memref<16x512xf32, #tpu.memory_space<vmem>>
      %parallel_loop3A_1109 = arith.index_cast %parallel_loop3A_1098 : i32 to index
      %parallel_loop3A_1110 = arith.index_cast %parallel_loop3A_1104 : i32 to index
      %parallel_loop3A_1111 = tpu.vector_load %parallel_loop3A_1108[%parallel_loop3A_1109, %parallel_loop3A_1110] {strides = array<i32>} : memref<16x512xf32, #tpu.memory_space<vmem>>, vector<1x16xf32>,
      %parallel_loop3A_1112 = vector.shape_cast %parallel_loop3A_1111 : vector<1x16xf32> to vector<16xf32>
      %parallel_loop3A_1113 = arith.constant 0 : i32
      %parallel_loop3A_1114 = arith.constant 0 : i32
      %parallel_loop3A_1115 = tpu.memref_slice %arg5[%parallel_loop3A_592, %parallel_loop3A_1113, %parallel_loop3A_1114] : memref<2x16x512xf32, #tpu.memory_space<vmem>> -> memref<1x16x512xf32, #tpu.memory_space<vmem>>
      %parallel_loop3A_1116 = tpu.memref_squeeze %parallel_loop3A_1115 : memref<1x16x512xf32, #tpu.memory_space<vmem>> -> memref<16x512xf32, #tpu.memory_space<vmem>>
      %parallel_loop3A_1117 = arith.index_cast %parallel_loop3A_1098 : i32 to index
      %parallel_loop3A_1118 = arith.index_cast %parallel_loop3A_1104 : i32 to index
      %parallel_loop3A_1119 = tpu.vector_load %parallel_loop3A_1116[%parallel_loop3A_1117, %parallel_loop3A_1118] {strides = array<i32>} : memref<16x512xf32, #tpu.memory_space<vmem>>, vector<1x16xf32>,
      %parallel_loop3A_1120 = vector.shape_cast %parallel_loop3A_1119 : vector<1x16xf32> to vector<16xf32>
      %parallel_loop3A_1121 = arith.subf %parallel_loop3A_1112, %parallel_loop3A_1120 : vector<16xf32>
      %parallel_loop3A_1122 = arith.constant 0.000000e+00 : f32
      %parallel_loop3A_1123 = vector.broadcast %parallel_loop3A_1122 : f32 to vector<16xf32>
      %parallel_loop3A_1124 = arith.cmpf ogt, %parallel_loop3A_1121, %parallel_loop3A_1123 : vector<16xf32>
      %parallel_loop3A_1125 = arith.constant 0 : i32
      %parallel_loop3A_1126 = arith.constant 0 : i32
      %parallel_loop3A_1127 = tpu.memref_slice %arg7[%parallel_loop3A_593, %parallel_loop3A_1125, %parallel_loop3A_1126] : memref<2x16x512xi32, #tpu.memory_space<vmem>> -> memref<1x16x512xi32, #tpu.memory_space<vmem>>
      %parallel_loop3A_1128 = tpu.memref_squeeze %parallel_loop3A_1127 : memref<1x16x512xi32, #tpu.memory_space<vmem>> -> memref<16x512xi32, #tpu.memory_space<vmem>>
      %parallel_loop3A_1129 = arith.index_cast %parallel_loop3A_1098 : i32 to index
      %parallel_loop3A_1130 = arith.index_cast %parallel_loop3A_1104 : i32 to index
      %parallel_loop3A_1131 = tpu.vector_load %parallel_loop3A_1128[%parallel_loop3A_1129, %parallel_loop3A_1130] {strides = array<i32>} : memref<16x512xi32, #tpu.memory_space<vmem>>, vector<1x16xi32>,
      %parallel_loop3A_1132 = vector.shape_cast %parallel_loop3A_1131 : vector<1x16xi32> to vector<16xi32>
      %parallel_loop3A_1133 = arith.constant 1 : i32
      %parallel_loop3A_1134 = arith.constant 0 : i32
      %parallel_loop3A_1135 = vector.broadcast %parallel_loop3A_1133 : i32 to vector<16xi32>
      %parallel_loop3A_1136 = vector.broadcast %parallel_loop3A_1134 : i32 to vector<16xi32>
      %parallel_loop3A_1137 = arith.select %parallel_loop3A_1124, %parallel_loop3A_1135, %parallel_loop3A_1136 : vector<16xi1>, vector<16xi32>
      %parallel_loop3A_1138 = arith.andi %parallel_loop3A_1137, %parallel_loop3A_1132 : vector<16xi32>
      %parallel_loop3A_1139 = arith.addi %parallel_loop3A_1085, %parallel_loop3A_1138 : vector<16xi32>
      %parallel_loop3A_1140 = arith.addi %parallel_loop3A_1089, %parallel_loop3A_1137 : vector<16xi32>
      %parallel_loop3A_1141 = arith.addi %parallel_loop3A_1093, %parallel_loop3A_1132 : vector<16xi32>
      %parallel_loop3A_1142 = arith.constant 16 : i32
      %parallel_loop3A_1143 = arith.addi %parallel_loop3A_1102, %parallel_loop3A_1142 : i32
      %parallel_loop3A_1144 = arith.constant 0 : i32
      %parallel_loop3A_1145 = arith.constant 0 : i32
      %parallel_loop3A_1146 = tpu.memref_slice %arg6[%parallel_loop3A_591, %parallel_loop3A_1144, %parallel_loop3A_1145] : memref<2x16x512xf32, #tpu.memory_space<vmem>> -> memref<1x16x512xf32, #tpu.memory_space<vmem>>
      %parallel_loop3A_1147 = tpu.memref_squeeze %parallel_loop3A_1146 : memref<1x16x512xf32, #tpu.memory_space<vmem>> -> memref<16x512xf32, #tpu.memory_space<vmem>>
      %parallel_loop3A_1148 = arith.index_cast %parallel_loop3A_1098 : i32 to index
      %parallel_loop3A_1149 = arith.index_cast %parallel_loop3A_1143 : i32 to index
      %parallel_loop3A_1150 = tpu.vector_load %parallel_loop3A_1147[%parallel_loop3A_1148, %parallel_loop3A_1149] {strides = array<i32>} : memref<16x512xf32, #tpu.memory_space<vmem>>, vector<1x16xf32>,
      %parallel_loop3A_1151 = vector.shape_cast %parallel_loop3A_1150 : vector<1x16xf32> to vector<16xf32>
      %parallel_loop3A_1152 = arith.constant 0 : i32
      %parallel_loop3A_1153 = arith.constant 0 : i32
      %parallel_loop3A_1154 = tpu.memref_slice %arg5[%parallel_loop3A_592, %parallel_loop3A_1152, %parallel_loop3A_1153] : memref<2x16x512xf32, #tpu.memory_space<vmem>> -> memref<1x16x512xf32, #tpu.memory_space<vmem>>
      %parallel_loop3A_1155 = tpu.memref_squeeze %parallel_loop3A_1154 : memref<1x16x512xf32, #tpu.memory_space<vmem>> -> memref<16x512xf32, #tpu.memory_space<vmem>>
      %parallel_loop3A_1156 = arith.index_cast %parallel_loop3A_1098 : i32 to index
      %parallel_loop3A_1157 = arith.index_cast %parallel_loop3A_1143 : i32 to index
      %parallel_loop3A_1158 = tpu.vector_load %parallel_loop3A_1155[%parallel_loop3A_1156, %parallel_loop3A_1157] {strides = array<i32>} : memref<16x512xf32, #tpu.memory_space<vmem>>, vector<1x16xf32>,
      %parallel_loop3A_1159 = vector.shape_cast %parallel_loop3A_1158 : vector<1x16xf32> to vector<16xf32>
      %parallel_loop3A_1160 = arith.subf %parallel_loop3A_1151, %parallel_loop3A_1159 : vector<16xf32>
      %parallel_loop3A_1161 = arith.constant 0.000000e+00 : f32
      %parallel_loop3A_1162 = vector.broadcast %parallel_loop3A_1161 : f32 to vector<16xf32>
      %parallel_loop3A_1163 = arith.cmpf ogt, %parallel_loop3A_1160, %parallel_loop3A_1162 : vector<16xf32>
      %parallel_loop3A_1164 = arith.constant 0 : i32
      %parallel_loop3A_1165 = arith.constant 0 : i32
      %parallel_loop3A_1166 = tpu.memref_slice %arg7[%parallel_loop3A_593, %parallel_loop3A_1164, %parallel_loop3A_1165] : memref<2x16x512xi32, #tpu.memory_space<vmem>> -> memref<1x16x512xi32, #tpu.memory_space<vmem>>
      %parallel_loop3A_1167 = tpu.memref_squeeze %parallel_loop3A_1166 : memref<1x16x512xi32, #tpu.memory_space<vmem>> -> memref<16x512xi32, #tpu.memory_space<vmem>>
      %parallel_loop3A_1168 = arith.index_cast %parallel_loop3A_1098 : i32 to index
      %parallel_loop3A_1169 = arith.index_cast %parallel_loop3A_1143 : i32 to index
      %parallel_loop3A_1170 = tpu.vector_load %parallel_loop3A_1167[%parallel_loop3A_1168, %parallel_loop3A_1169] {strides = array<i32>} : memref<16x512xi32, #tpu.memory_space<vmem>>, vector<1x16xi32>,
      %parallel_loop3A_1171 = vector.shape_cast %parallel_loop3A_1170 : vector<1x16xi32> to vector<16xi32>
      %parallel_loop3A_1172 = arith.constant 1 : i32
      %parallel_loop3A_1173 = arith.constant 0 : i32
      %parallel_loop3A_1174 = vector.broadcast %parallel_loop3A_1172 : i32 to vector<16xi32>
      %parallel_loop3A_1175 = vector.broadcast %parallel_loop3A_1173 : i32 to vector<16xi32>
      %parallel_loop3A_1176 = arith.select %parallel_loop3A_1163, %parallel_loop3A_1174, %parallel_loop3A_1175 : vector<16xi1>, vector<16xi32>
      %parallel_loop3A_1177 = arith.andi %parallel_loop3A_1176, %parallel_loop3A_1171 : vector<16xi32>
      %parallel_loop3A_1178 = arith.addi %parallel_loop3A_1086, %parallel_loop3A_1177 : vector<16xi32>
      %parallel_loop3A_1179 = arith.addi %parallel_loop3A_1090, %parallel_loop3A_1176 : vector<16xi32>
      %parallel_loop3A_1180 = arith.addi %parallel_loop3A_1094, %parallel_loop3A_1171 : vector<16xi32>
      %parallel_loop3A_1181 = arith.constant 32 : i32
      %parallel_loop3A_1182 = arith.addi %parallel_loop3A_1102, %parallel_loop3A_1181 : i32
      %parallel_loop3A_1183 = arith.constant 0 : i32
      %parallel_loop3A_1184 = arith.constant 0 : i32
      %parallel_loop3A_1185 = tpu.memref_slice %arg6[%parallel_loop3A_591, %parallel_loop3A_1183, %parallel_loop3A_1184] : memref<2x16x512xf32, #tpu.memory_space<vmem>> -> memref<1x16x512xf32, #tpu.memory_space<vmem>>
      %parallel_loop3A_1186 = tpu.memref_squeeze %parallel_loop3A_1185 : memref<1x16x512xf32, #tpu.memory_space<vmem>> -> memref<16x512xf32, #tpu.memory_space<vmem>>
      %parallel_loop3A_1187 = arith.index_cast %parallel_loop3A_1098 : i32 to index
      %parallel_loop3A_1188 = arith.index_cast %parallel_loop3A_1182 : i32 to index
      %parallel_loop3A_1189 = tpu.vector_load %parallel_loop3A_1186[%parallel_loop3A_1187, %parallel_loop3A_1188] {strides = array<i32>} : memref<16x512xf32, #tpu.memory_space<vmem>>, vector<1x16xf32>,
      %parallel_loop3A_1190 = vector.shape_cast %parallel_loop3A_1189 : vector<1x16xf32> to vector<16xf32>
      %parallel_loop3A_1191 = arith.constant 0 : i32
      %parallel_loop3A_1192 = arith.constant 0 : i32
      %parallel_loop3A_1193 = tpu.memref_slice %arg5[%parallel_loop3A_592, %parallel_loop3A_1191, %parallel_loop3A_1192] : memref<2x16x512xf32, #tpu.memory_space<vmem>> -> memref<1x16x512xf32, #tpu.memory_space<vmem>>
      %parallel_loop3A_1194 = tpu.memref_squeeze %parallel_loop3A_1193 : memref<1x16x512xf32, #tpu.memory_space<vmem>> -> memref<16x512xf32, #tpu.memory_space<vmem>>
      %parallel_loop3A_1195 = arith.index_cast %parallel_loop3A_1098 : i32 to index
      %parallel_loop3A_1196 = arith.index_cast %parallel_loop3A_1182 : i32 to index
      %parallel_loop3A_1197 = tpu.vector_load %parallel_loop3A_1194[%parallel_loop3A_1195, %parallel_loop3A_1196] {strides = array<i32>} : memref<16x512xf32, #tpu.memory_space<vmem>>, vector<1x16xf32>,
      %parallel_loop3A_1198 = vector.shape_cast %parallel_loop3A_1197 : vector<1x16xf32> to vector<16xf32>
      %parallel_loop3A_1199 = arith.subf %parallel_loop3A_1190, %parallel_loop3A_1198 : vector<16xf32>
      %parallel_loop3A_1200 = arith.constant 0.000000e+00 : f32
      %parallel_loop3A_1201 = vector.broadcast %parallel_loop3A_1200 : f32 to vector<16xf32>
      %parallel_loop3A_1202 = arith.cmpf ogt, %parallel_loop3A_1199, %parallel_loop3A_1201 : vector<16xf32>
      %parallel_loop3A_1203 = arith.constant 0 : i32
      %parallel_loop3A_1204 = arith.constant 0 : i32
      %parallel_loop3A_1205 = tpu.memref_slice %arg7[%parallel_loop3A_593, %parallel_loop3A_1203, %parallel_loop3A_1204] : memref<2x16x512xi32, #tpu.memory_space<vmem>> -> memref<1x16x512xi32, #tpu.memory_space<vmem>>
      %parallel_loop3A_1206 = tpu.memref_squeeze %parallel_loop3A_1205 : memref<1x16x512xi32, #tpu.memory_space<vmem>> -> memref<16x512xi32, #tpu.memory_space<vmem>>
      %parallel_loop3A_1207 = arith.index_cast %parallel_loop3A_1098 : i32 to index
      %parallel_loop3A_1208 = arith.index_cast %parallel_loop3A_1182 : i32 to index
      %parallel_loop3A_1209 = tpu.vector_load %parallel_loop3A_1206[%parallel_loop3A_1207, %parallel_loop3A_1208] {strides = array<i32>} : memref<16x512xi32, #tpu.memory_space<vmem>>, vector<1x16xi32>,
      %parallel_loop3A_1210 = vector.shape_cast %parallel_loop3A_1209 : vector<1x16xi32> to vector<16xi32>
      %parallel_loop3A_1211 = arith.constant 1 : i32
      %parallel_loop3A_1212 = arith.constant 0 : i32
      %parallel_loop3A_1213 = vector.broadcast %parallel_loop3A_1211 : i32 to vector<16xi32>
      %parallel_loop3A_1214 = vector.broadcast %parallel_loop3A_1212 : i32 to vector<16xi32>
      %parallel_loop3A_1215 = arith.select %parallel_loop3A_1202, %parallel_loop3A_1213, %parallel_loop3A_1214 : vector<16xi1>, vector<16xi32>
      %parallel_loop3A_1216 = arith.andi %parallel_loop3A_1215, %parallel_loop3A_1210 : vector<16xi32>
      %parallel_loop3A_1217 = arith.addi %parallel_loop3A_1087, %parallel_loop3A_1216 : vector<16xi32>
      %parallel_loop3A_1218 = arith.addi %parallel_loop3A_1091, %parallel_loop3A_1215 : vector<16xi32>
      %parallel_loop3A_1219 = arith.addi %parallel_loop3A_1095, %parallel_loop3A_1210 : vector<16xi32>
      %parallel_loop3A_1220 = arith.constant 48 : i32
      %parallel_loop3A_1221 = arith.addi %parallel_loop3A_1102, %parallel_loop3A_1220 : i32
      %parallel_loop3A_1222 = arith.constant 0 : i32
      %parallel_loop3A_1223 = arith.constant 0 : i32
      %parallel_loop3A_1224 = tpu.memref_slice %arg6[%parallel_loop3A_591, %parallel_loop3A_1222, %parallel_loop3A_1223] : memref<2x16x512xf32, #tpu.memory_space<vmem>> -> memref<1x16x512xf32, #tpu.memory_space<vmem>>
      %parallel_loop3A_1225 = tpu.memref_squeeze %parallel_loop3A_1224 : memref<1x16x512xf32, #tpu.memory_space<vmem>> -> memref<16x512xf32, #tpu.memory_space<vmem>>
      %parallel_loop3A_1226 = arith.index_cast %parallel_loop3A_1098 : i32 to index
      %parallel_loop3A_1227 = arith.index_cast %parallel_loop3A_1221 : i32 to index
      %parallel_loop3A_1228 = tpu.vector_load %parallel_loop3A_1225[%parallel_loop3A_1226, %parallel_loop3A_1227] {strides = array<i32>} : memref<16x512xf32, #tpu.memory_space<vmem>>, vector<1x16xf32>,
      %parallel_loop3A_1229 = vector.shape_cast %parallel_loop3A_1228 : vector<1x16xf32> to vector<16xf32>
      %parallel_loop3A_1230 = arith.constant 0 : i32
      %parallel_loop3A_1231 = arith.constant 0 : i32
      %parallel_loop3A_1232 = tpu.memref_slice %arg5[%parallel_loop3A_592, %parallel_loop3A_1230, %parallel_loop3A_1231] : memref<2x16x512xf32, #tpu.memory_space<vmem>> -> memref<1x16x512xf32, #tpu.memory_space<vmem>>
      %parallel_loop3A_1233 = tpu.memref_squeeze %parallel_loop3A_1232 : memref<1x16x512xf32, #tpu.memory_space<vmem>> -> memref<16x512xf32, #tpu.memory_space<vmem>>
      %parallel_loop3A_1234 = arith.index_cast %parallel_loop3A_1098 : i32 to index
      %parallel_loop3A_1235 = arith.index_cast %parallel_loop3A_1221 : i32 to index
      %parallel_loop3A_1236 = tpu.vector_load %parallel_loop3A_1233[%parallel_loop3A_1234, %parallel_loop3A_1235] {strides = array<i32>} : memref<16x512xf32, #tpu.memory_space<vmem>>, vector<1x16xf32>,
      %parallel_loop3A_1237 = vector.shape_cast %parallel_loop3A_1236 : vector<1x16xf32> to vector<16xf32>
      %parallel_loop3A_1238 = arith.subf %parallel_loop3A_1229, %parallel_loop3A_1237 : vector<16xf32>
      %parallel_loop3A_1239 = arith.constant 0.000000e+00 : f32
      %parallel_loop3A_1240 = vector.broadcast %parallel_loop3A_1239 : f32 to vector<16xf32>
      %parallel_loop3A_1241 = arith.cmpf ogt, %parallel_loop3A_1238, %parallel_loop3A_1240 : vector<16xf32>
      %parallel_loop3A_1242 = arith.constant 0 : i32
      %parallel_loop3A_1243 = arith.constant 0 : i32
      %parallel_loop3A_1244 = tpu.memref_slice %arg7[%parallel_loop3A_593, %parallel_loop3A_1242, %parallel_loop3A_1243] : memref<2x16x512xi32, #tpu.memory_space<vmem>> -> memref<1x16x512xi32, #tpu.memory_space<vmem>>
      %parallel_loop3A_1245 = tpu.memref_squeeze %parallel_loop3A_1244 : memref<1x16x512xi32, #tpu.memory_space<vmem>> -> memref<16x512xi32, #tpu.memory_space<vmem>>
      %parallel_loop3A_1246 = arith.index_cast %parallel_loop3A_1098 : i32 to index
      %parallel_loop3A_1247 = arith.index_cast %parallel_loop3A_1221 : i32 to index
      %parallel_loop3A_1248 = tpu.vector_load %parallel_loop3A_1245[%parallel_loop3A_1246, %parallel_loop3A_1247] {strides = array<i32>} : memref<16x512xi32, #tpu.memory_space<vmem>>, vector<1x16xi32>,
      %parallel_loop3A_1249 = vector.shape_cast %parallel_loop3A_1248 : vector<1x16xi32> to vector<16xi32>
      %parallel_loop3A_1250 = arith.constant 1 : i32
      %parallel_loop3A_1251 = arith.constant 0 : i32
      %parallel_loop3A_1252 = vector.broadcast %parallel_loop3A_1250 : i32 to vector<16xi32>
      %parallel_loop3A_1253 = vector.broadcast %parallel_loop3A_1251 : i32 to vector<16xi32>
      %parallel_loop3A_1254 = arith.select %parallel_loop3A_1241, %parallel_loop3A_1252, %parallel_loop3A_1253 : vector<16xi1>, vector<16xi32>
      %parallel_loop3A_1255 = arith.andi %parallel_loop3A_1254, %parallel_loop3A_1249 : vector<16xi32>
      %parallel_loop3A_1256 = arith.addi %parallel_loop3A_1088, %parallel_loop3A_1255 : vector<16xi32>
      %parallel_loop3A_1257 = arith.addi %parallel_loop3A_1092, %parallel_loop3A_1254 : vector<16xi32>
      %parallel_loop3A_1258 = arith.addi %parallel_loop3A_1096, %parallel_loop3A_1249 : vector<16xi32>
      scf.yield %parallel_loop3A_1139, %parallel_loop3A_1178, %parallel_loop3A_1217, %parallel_loop3A_1256, %parallel_loop3A_1140, %parallel_loop3A_1179, %parallel_loop3A_1218, %parallel_loop3A_1257, %parallel_loop3A_1141, %parallel_loop3A_1180, %parallel_loop3A_1219, %parallel_loop3A_1258 : vector<16xi32>, vector<16xi32>, vector<16xi32>, vector<16xi32>, vector<16xi32>, vector<16xi32>, vector<16xi32>, vector<16xi32>, vector<16xi32>, vector<16xi32>, vector<16xi32>, vector<16xi32>
    } {sc.loop_unroll_factor = 2 : i64, sc.parallel_access}
    %add3A_595 = arith.constant 96 : i32
    %add3A_596 = arith.addi %mul3A_32, %add3A_595 : i32
    %dma_start3A_597 = arith.constant 0 : i32
    %dma_start3A_598 = arith.constant 0 : i32
    %dma_start3A_599 = arith.constant 0 : i32
    %dma_start3A_600 = arith.constant 0 : i32
    %dma_start3A_601 = tpu.memref_slice %arg5[%dma_start3A_598, %dma_start3A_599, %dma_start3A_600] : memref<2x16x512xf32, #tpu.memory_space<vmem>> -> memref<1x16x512xf32, #tpu.memory_space<vmem>>
    %dma_start3A_602 = tpu.memref_squeeze %dma_start3A_601 : memref<1x16x512xf32, #tpu.memory_space<vmem>> -> memref<16x512xf32, #tpu.memory_space<vmem>>
    %dma_start3A_603 = arith.constant 0 : i32
    %dma_start3A_604 = tpu.memref_slice %arg2[%add3A, %dma_start3A_597, %add3A_596, %dma_start3A_603] : memref<16x2x512x512xf32, #tpu.memory_space<hbm>> -> memref<1x1x16x512xf32, #tpu.memory_space<hbm>>
    %dma_start3A_605 = tpu.memref_squeeze %dma_start3A_604 : memref<1x1x16x512xf32, #tpu.memory_space<hbm>> -> memref<16x512xf32, #tpu.memory_space<hbm>>
    %dma_start3A_606 = arith.constant 0 : i32
    %dma_start3A_607 = arith.constant 0 : i32
    %dma_start3A_608 = tpu.memref_slice %arg5[%dma_start3A_598, %dma_start3A_606, %dma_start3A_607] : memref<2x16x512xf32, #tpu.memory_space<vmem>> -> memref<1x16x512xf32, #tpu.memory_space<vmem>>
    %dma_start3A_609 = tpu.memref_squeeze %dma_start3A_608 : memref<1x16x512xf32, #tpu.memory_space<vmem>> -> memref<16x512xf32, #tpu.memory_space<vmem>>
    %dma_start3A_610 = arith.constant 0 : i32
    %dma_start3A_611 = tpu.memref_slice %arg2[%add3A, %dma_start3A_597, %add3A_596, %dma_start3A_610] : memref<16x2x512x512xf32, #tpu.memory_space<hbm>> -> memref<1x1x16x512xf32, #tpu.memory_space<hbm>>
    %dma_start3A_612 = tpu.memref_squeeze %dma_start3A_611 : memref<1x1x16x512xf32, #tpu.memory_space<hbm>> -> memref<16x512xf32, #tpu.memory_space<hbm>>
    tpu.enqueue_dma source(%dma_start3A_612 : memref<16x512xf32, #tpu.memory_space<hbm>>) target(%dma_start3A_609 : memref<16x512xf32, #tpu.memory_space<vmem>>) target_semaphore(%arg12 : memref<!tpu.dma_semaphore, #tpu.memory_space<semaphore_mem>>)
    %dma_start3A_613 = arith.constant 1 : i32
    %dma_start3A_614 = arith.constant 0 : i32
    %dma_start3A_615 = arith.constant 0 : i32
    %dma_start3A_616 = arith.constant 0 : i32
    %dma_start3A_617 = tpu.memref_slice %arg6[%dma_start3A_614, %dma_start3A_615, %dma_start3A_616] : memref<2x16x512xf32, #tpu.memory_space<vmem>> -> memref<1x16x512xf32, #tpu.memory_space<vmem>>
    %dma_start3A_618 = tpu.memref_squeeze %dma_start3A_617 : memref<1x16x512xf32, #tpu.memory_space<vmem>> -> memref<16x512xf32, #tpu.memory_space<vmem>>
    %dma_start3A_619 = arith.constant 0 : i32
    %dma_start3A_620 = tpu.memref_slice %arg2[%add3A, %dma_start3A_613, %add3A_596, %dma_start3A_619] : memref<16x2x512x512xf32, #tpu.memory_space<hbm>> -> memref<1x1x16x512xf32, #tpu.memory_space<hbm>>
    %dma_start3A_621 = tpu.memref_squeeze %dma_start3A_620 : memref<1x1x16x512xf32, #tpu.memory_space<hbm>> -> memref<16x512xf32, #tpu.memory_space<hbm>>
    %dma_start3A_622 = arith.constant 0 : i32
    %dma_start3A_623 = arith.constant 0 : i32
    %dma_start3A_624 = tpu.memref_slice %arg6[%dma_start3A_614, %dma_start3A_622, %dma_start3A_623] : memref<2x16x512xf32, #tpu.memory_space<vmem>> -> memref<1x16x512xf32, #tpu.memory_space<vmem>>
    %dma_start3A_625 = tpu.memref_squeeze %dma_start3A_624 : memref<1x16x512xf32, #tpu.memory_space<vmem>> -> memref<16x512xf32, #tpu.memory_space<vmem>>
    %dma_start3A_626 = arith.constant 0 : i32
    %dma_start3A_627 = tpu.memref_slice %arg2[%add3A, %dma_start3A_613, %add3A_596, %dma_start3A_626] : memref<16x2x512x512xf32, #tpu.memory_space<hbm>> -> memref<1x1x16x512xf32, #tpu.memory_space<hbm>>
    %dma_start3A_628 = tpu.memref_squeeze %dma_start3A_627 : memref<1x1x16x512xf32, #tpu.memory_space<hbm>> -> memref<16x512xf32, #tpu.memory_space<hbm>>
    tpu.enqueue_dma source(%dma_start3A_628 : memref<16x512xf32, #tpu.memory_space<hbm>>) target(%dma_start3A_625 : memref<16x512xf32, #tpu.memory_space<vmem>>) target_semaphore(%arg12 : memref<!tpu.dma_semaphore, #tpu.memory_space<semaphore_mem>>)
    %dma_start3A_629 = arith.constant 0 : i32
    %dma_start3A_630 = arith.constant 0 : i32
    %dma_start3A_631 = arith.constant 0 : i32
    %dma_start3A_632 = tpu.memref_slice %arg7[%dma_start3A_629, %dma_start3A_630, %dma_start3A_631] : memref<2x16x512xi32, #tpu.memory_space<vmem>> -> memref<1x16x512xi32, #tpu.memory_space<vmem>>
    %dma_start3A_633 = tpu.memref_squeeze %dma_start3A_632 : memref<1x16x512xi32, #tpu.memory_space<vmem>> -> memref<16x512xi32, #tpu.memory_space<vmem>>
    %dma_start3A_634 = arith.constant 0 : i32
    %dma_start3A_635 = tpu.memref_slice %arg3[%add3A, %add3A_596, %dma_start3A_634] : memref<16x512x512xi32, #tpu.memory_space<hbm>> -> memref<1x16x512xi32, #tpu.memory_space<hbm>>
    %dma_start3A_636 = tpu.memref_squeeze %dma_start3A_635 : memref<1x16x512xi32, #tpu.memory_space<hbm>> -> memref<16x512xi32, #tpu.memory_space<hbm>>
    %dma_start3A_637 = arith.constant 0 : i32
    %dma_start3A_638 = arith.constant 0 : i32
    %dma_start3A_639 = tpu.memref_slice %arg7[%dma_start3A_629, %dma_start3A_637, %dma_start3A_638] : memref<2x16x512xi32, #tpu.memory_space<vmem>> -> memref<1x16x512xi32, #tpu.memory_space<vmem>>
    %dma_start3A_640 = tpu.memref_squeeze %dma_start3A_639 : memref<1x16x512xi32, #tpu.memory_space<vmem>> -> memref<16x512xi32, #tpu.memory_space<vmem>>
    %dma_start3A_641 = arith.constant 0 : i32
    %dma_start3A_642 = tpu.memref_slice %arg3[%add3A, %add3A_596, %dma_start3A_641] : memref<16x512x512xi32, #tpu.memory_space<hbm>> -> memref<1x16x512xi32, #tpu.memory_space<hbm>>
    %dma_start3A_643 = tpu.memref_squeeze %dma_start3A_642 : memref<1x16x512xi32, #tpu.memory_space<hbm>> -> memref<16x512xi32, #tpu.memory_space<hbm>>
    tpu.enqueue_dma source(%dma_start3A_643 : memref<16x512xi32, #tpu.memory_space<hbm>>) target(%dma_start3A_640 : memref<16x512xi32, #tpu.memory_space<vmem>>) target_semaphore(%arg12 : memref<!tpu.dma_semaphore, #tpu.memory_space<semaphore_mem>>)
    %dma_wait3A_644 = arith.constant 0 : i32
    %dma_wait3A_645 = arith.constant 1 : i32
    %dma_wait3A_646 = arith.constant 0 : i32
    %dma_wait3A_647 = arith.constant 0 : i32
    %dma_wait3A_648 = tpu.memref_slice %arg5[%dma_wait3A_645, %dma_wait3A_646, %dma_wait3A_647] : memref<2x16x512xf32, #tpu.memory_space<vmem>> -> memref<1x16x512xf32, #tpu.memory_space<vmem>>
    %dma_wait3A_649 = tpu.memref_squeeze %dma_wait3A_648 : memref<1x16x512xf32, #tpu.memory_space<vmem>> -> memref<16x512xf32, #tpu.memory_space<vmem>>
    %dma_wait3A_650 = arith.constant 0 : i32
    %dma_wait3A_651 = tpu.memref_slice %arg2[%add3A, %dma_wait3A_644, %add3A_493, %dma_wait3A_650] : memref<16x2x512x512xf32, #tpu.memory_space<hbm>> -> memref<1x1x16x512xf32, #tpu.memory_space<hbm>>
    %dma_wait3A_652 = tpu.memref_squeeze %dma_wait3A_651 : memref<1x1x16x512xf32, #tpu.memory_space<hbm>> -> memref<16x512xf32, #tpu.memory_space<hbm>>
    %dma_wait3A_653 = arith.constant 0 : i32
    %dma_wait3A_654 = arith.constant 0 : i32
    %dma_wait3A_655 = tpu.memref_slice %arg5[%dma_wait3A_645, %dma_wait3A_653, %dma_wait3A_654] : memref<2x16x512xf32, #tpu.memory_space<vmem>> -> memref<1x16x512xf32, #tpu.memory_space<vmem>>
    %dma_wait3A_656 = tpu.memref_squeeze %dma_wait3A_655 : memref<1x16x512xf32, #tpu.memory_space<vmem>> -> memref<16x512xf32, #tpu.memory_space<vmem>>
    %dma_wait3A_657 = arith.constant 0 : i32
    %dma_wait3A_658 = tpu.memref_slice %arg2[%add3A, %dma_wait3A_644, %add3A_493, %dma_wait3A_657] : memref<16x2x512x512xf32, #tpu.memory_space<hbm>> -> memref<1x1x16x512xf32, #tpu.memory_space<hbm>>
    %dma_wait3A_659 = tpu.memref_squeeze %dma_wait3A_658 : memref<1x1x16x512xf32, #tpu.memory_space<hbm>> -> memref<16x512xf32, #tpu.memory_space<hbm>>
    tpu.wait_dma2 semaphore(%arg13 : memref<!tpu.dma_semaphore, #tpu.memory_space<semaphore_mem>>) src(%dma_wait3A_659 : memref<16x512xf32, #tpu.memory_space<hbm>>) dst(%dma_wait3A_656 : memref<16x512xf32, #tpu.memory_space<vmem>>)
    %dma_wait3A_660 = arith.constant 1 : i32
    %dma_wait3A_661 = arith.constant 1 : i32
    %dma_wait3A_662 = arith.constant 0 : i32
    %dma_wait3A_663 = arith.constant 0 : i32
    %dma_wait3A_664 = tpu.memref_slice %arg6[%dma_wait3A_661, %dma_wait3A_662, %dma_wait3A_663] : memref<2x16x512xf32, #tpu.memory_space<vmem>> -> memref<1x16x512xf32, #tpu.memory_space<vmem>>
    %dma_wait3A_665 = tpu.memref_squeeze %dma_wait3A_664 : memref<1x16x512xf32, #tpu.memory_space<vmem>> -> memref<16x512xf32, #tpu.memory_space<vmem>>
    %dma_wait3A_666 = arith.constant 0 : i32
    %dma_wait3A_667 = tpu.memref_slice %arg2[%add3A, %dma_wait3A_660, %add3A_493, %dma_wait3A_666] : memref<16x2x512x512xf32, #tpu.memory_space<hbm>> -> memref<1x1x16x512xf32, #tpu.memory_space<hbm>>
    %dma_wait3A_668 = tpu.memref_squeeze %dma_wait3A_667 : memref<1x1x16x512xf32, #tpu.memory_space<hbm>> -> memref<16x512xf32, #tpu.memory_space<hbm>>
    %dma_wait3A_669 = arith.constant 0 : i32
    %dma_wait3A_670 = arith.constant 0 : i32
    %dma_wait3A_671 = tpu.memref_slice %arg6[%dma_wait3A_661, %dma_wait3A_669, %dma_wait3A_670] : memref<2x16x512xf32, #tpu.memory_space<vmem>> -> memref<1x16x512xf32, #tpu.memory_space<vmem>>
    %dma_wait3A_672 = tpu.memref_squeeze %dma_wait3A_671 : memref<1x16x512xf32, #tpu.memory_space<vmem>> -> memref<16x512xf32, #tpu.memory_space<vmem>>
    %dma_wait3A_673 = arith.constant 0 : i32
    %dma_wait3A_674 = tpu.memref_slice %arg2[%add3A, %dma_wait3A_660, %add3A_493, %dma_wait3A_673] : memref<16x2x512x512xf32, #tpu.memory_space<hbm>> -> memref<1x1x16x512xf32, #tpu.memory_space<hbm>>
    %dma_wait3A_675 = tpu.memref_squeeze %dma_wait3A_674 : memref<1x1x16x512xf32, #tpu.memory_space<hbm>> -> memref<16x512xf32, #tpu.memory_space<hbm>>
    tpu.wait_dma2 semaphore(%arg13 : memref<!tpu.dma_semaphore, #tpu.memory_space<semaphore_mem>>) src(%dma_wait3A_675 : memref<16x512xf32, #tpu.memory_space<hbm>>) dst(%dma_wait3A_672 : memref<16x512xf32, #tpu.memory_space<vmem>>)
    %dma_wait3A_676 = arith.constant 1 : i32
    %dma_wait3A_677 = arith.constant 0 : i32
    %dma_wait3A_678 = arith.constant 0 : i32
    %dma_wait3A_679 = tpu.memref_slice %arg7[%dma_wait3A_676, %dma_wait3A_677, %dma_wait3A_678] : memref<2x16x512xi32, #tpu.memory_space<vmem>> -> memref<1x16x512xi32, #tpu.memory_space<vmem>>
    %dma_wait3A_680 = tpu.memref_squeeze %dma_wait3A_679 : memref<1x16x512xi32, #tpu.memory_space<vmem>> -> memref<16x512xi32, #tpu.memory_space<vmem>>
    %dma_wait3A_681 = arith.constant 0 : i32
    %dma_wait3A_682 = tpu.memref_slice %arg3[%add3A, %add3A_493, %dma_wait3A_681] : memref<16x512x512xi32, #tpu.memory_space<hbm>> -> memref<1x16x512xi32, #tpu.memory_space<hbm>>
    %dma_wait3A_683 = tpu.memref_squeeze %dma_wait3A_682 : memref<1x16x512xi32, #tpu.memory_space<hbm>> -> memref<16x512xi32, #tpu.memory_space<hbm>>
    %dma_wait3A_684 = arith.constant 0 : i32
    %dma_wait3A_685 = arith.constant 0 : i32
    %dma_wait3A_686 = tpu.memref_slice %arg7[%dma_wait3A_676, %dma_wait3A_684, %dma_wait3A_685] : memref<2x16x512xi32, #tpu.memory_space<vmem>> -> memref<1x16x512xi32, #tpu.memory_space<vmem>>
    %dma_wait3A_687 = tpu.memref_squeeze %dma_wait3A_686 : memref<1x16x512xi32, #tpu.memory_space<vmem>> -> memref<16x512xi32, #tpu.memory_space<vmem>>
    %dma_wait3A_688 = arith.constant 0 : i32
    %dma_wait3A_689 = tpu.memref_slice %arg3[%add3A, %add3A_493, %dma_wait3A_688] : memref<16x512x512xi32, #tpu.memory_space<hbm>> -> memref<1x16x512xi32, #tpu.memory_space<hbm>>
    %dma_wait3A_690 = tpu.memref_squeeze %dma_wait3A_689 : memref<1x16x512xi32, #tpu.memory_space<hbm>> -> memref<16x512xi32, #tpu.memory_space<hbm>>
    tpu.wait_dma2 semaphore(%arg13 : memref<!tpu.dma_semaphore, #tpu.memory_space<semaphore_mem>>) src(%dma_wait3A_690 : memref<16x512xi32, #tpu.memory_space<hbm>>) dst(%dma_wait3A_687 : memref<16x512xi32, #tpu.memory_space<vmem>>)
    %parallel_loop3A_691 = arith.constant 0 : i32
    %parallel_loop3A_692 = arith.constant 128 : i32
    %parallel_loop3A_693 = arith.constant 1 : i32
    %parallel_loop3A_694 = arith.constant 1 : i32
    %parallel_loop3A_695 = arith.constant 1 : i32
    %parallel_loop3A_696 = arith.constant 1 : i32
    %parallel_loop3A_697:12 = scf.for %parallel_loop3A_1084 = %parallel_loop3A_691 to %parallel_loop3A_692 step %parallel_loop3A_693 iter_args(%parallel_loop3A_1085 = %parallel_loop3A_594#0, %parallel_loop3A_1086 = %parallel_loop3A_594#1, %parallel_loop3A_1087 = %parallel_loop3A_594#2, %parallel_loop3A_1088 = %parallel_loop3A_594#3, %parallel_loop3A_1089 = %parallel_loop3A_594#4, %parallel_loop3A_1090 = %parallel_loop3A_594#5, %parallel_loop3A_1091 = %parallel_loop3A_594#6, %parallel_loop3A_1092 = %parallel_loop3A_594#7, %parallel_loop3A_1093 = %parallel_loop3A_594#8, %parallel_loop3A_1094 = %parallel_loop3A_594#9, %parallel_loop3A_1095 = %parallel_loop3A_594#10, %parallel_loop3A_1096 = %parallel_loop3A_594#11) -> (vector<16xi32>, vector<16xi32>, vector<16xi32>, vector<16xi32>, vector<16xi32>, vector<16xi32>, vector<16xi32>, vector<16xi32>, vector<16xi32>, vector<16xi32>, vector<16xi32>, vector<16xi32>)  : i32 {
      %parallel_loop3A_1097 = arith.constant 3 : i32
      %parallel_loop3A_1098 = arith.shrsi %parallel_loop3A_1084, %parallel_loop3A_1097 : i32
      %parallel_loop3A_1099 = arith.constant 7 : i32
      %parallel_loop3A_1100 = arith.andi %parallel_loop3A_1084, %parallel_loop3A_1099 : i32
      %parallel_loop3A_1101 = arith.constant 64 : i32
      %parallel_loop3A_1102 = arith.muli %parallel_loop3A_1100, %parallel_loop3A_1101 : i32
      %parallel_loop3A_1103 = arith.constant 0 : i32
      %parallel_loop3A_1104 = arith.addi %parallel_loop3A_1102, %parallel_loop3A_1103 : i32
      %parallel_loop3A_1105 = arith.constant 0 : i32
      %parallel_loop3A_1106 = arith.constant 0 : i32
      %parallel_loop3A_1107 = tpu.memref_slice %arg6[%parallel_loop3A_694, %parallel_loop3A_1105, %parallel_loop3A_1106] : memref<2x16x512xf32, #tpu.memory_space<vmem>> -> memref<1x16x512xf32, #tpu.memory_space<vmem>>
      %parallel_loop3A_1108 = tpu.memref_squeeze %parallel_loop3A_1107 : memref<1x16x512xf32, #tpu.memory_space<vmem>> -> memref<16x512xf32, #tpu.memory_space<vmem>>
      %parallel_loop3A_1109 = arith.index_cast %parallel_loop3A_1098 : i32 to index
      %parallel_loop3A_1110 = arith.index_cast %parallel_loop3A_1104 : i32 to index
      %parallel_loop3A_1111 = tpu.vector_load %parallel_loop3A_1108[%parallel_loop3A_1109, %parallel_loop3A_1110] {strides = array<i32>} : memref<16x512xf32, #tpu.memory_space<vmem>>, vector<1x16xf32>,
      %parallel_loop3A_1112 = vector.shape_cast %parallel_loop3A_1111 : vector<1x16xf32> to vector<16xf32>
      %parallel_loop3A_1113 = arith.constant 0 : i32
      %parallel_loop3A_1114 = arith.constant 0 : i32
      %parallel_loop3A_1115 = tpu.memref_slice %arg5[%parallel_loop3A_695, %parallel_loop3A_1113, %parallel_loop3A_1114] : memref<2x16x512xf32, #tpu.memory_space<vmem>> -> memref<1x16x512xf32, #tpu.memory_space<vmem>>
      %parallel_loop3A_1116 = tpu.memref_squeeze %parallel_loop3A_1115 : memref<1x16x512xf32, #tpu.memory_space<vmem>> -> memref<16x512xf32, #tpu.memory_space<vmem>>
      %parallel_loop3A_1117 = arith.index_cast %parallel_loop3A_1098 : i32 to index
      %parallel_loop3A_1118 = arith.index_cast %parallel_loop3A_1104 : i32 to index
      %parallel_loop3A_1119 = tpu.vector_load %parallel_loop3A_1116[%parallel_loop3A_1117, %parallel_loop3A_1118] {strides = array<i32>} : memref<16x512xf32, #tpu.memory_space<vmem>>, vector<1x16xf32>,
      %parallel_loop3A_1120 = vector.shape_cast %parallel_loop3A_1119 : vector<1x16xf32> to vector<16xf32>
      %parallel_loop3A_1121 = arith.subf %parallel_loop3A_1112, %parallel_loop3A_1120 : vector<16xf32>
      %parallel_loop3A_1122 = arith.constant 0.000000e+00 : f32
      %parallel_loop3A_1123 = vector.broadcast %parallel_loop3A_1122 : f32 to vector<16xf32>
      %parallel_loop3A_1124 = arith.cmpf ogt, %parallel_loop3A_1121, %parallel_loop3A_1123 : vector<16xf32>
      %parallel_loop3A_1125 = arith.constant 0 : i32
      %parallel_loop3A_1126 = arith.constant 0 : i32
      %parallel_loop3A_1127 = tpu.memref_slice %arg7[%parallel_loop3A_696, %parallel_loop3A_1125, %parallel_loop3A_1126] : memref<2x16x512xi32, #tpu.memory_space<vmem>> -> memref<1x16x512xi32, #tpu.memory_space<vmem>>
      %parallel_loop3A_1128 = tpu.memref_squeeze %parallel_loop3A_1127 : memref<1x16x512xi32, #tpu.memory_space<vmem>> -> memref<16x512xi32, #tpu.memory_space<vmem>>
      %parallel_loop3A_1129 = arith.index_cast %parallel_loop3A_1098 : i32 to index
      %parallel_loop3A_1130 = arith.index_cast %parallel_loop3A_1104 : i32 to index
      %parallel_loop3A_1131 = tpu.vector_load %parallel_loop3A_1128[%parallel_loop3A_1129, %parallel_loop3A_1130] {strides = array<i32>} : memref<16x512xi32, #tpu.memory_space<vmem>>, vector<1x16xi32>,
      %parallel_loop3A_1132 = vector.shape_cast %parallel_loop3A_1131 : vector<1x16xi32> to vector<16xi32>
      %parallel_loop3A_1133 = arith.constant 1 : i32
      %parallel_loop3A_1134 = arith.constant 0 : i32
      %parallel_loop3A_1135 = vector.broadcast %parallel_loop3A_1133 : i32 to vector<16xi32>
      %parallel_loop3A_1136 = vector.broadcast %parallel_loop3A_1134 : i32 to vector<16xi32>
      %parallel_loop3A_1137 = arith.select %parallel_loop3A_1124, %parallel_loop3A_1135, %parallel_loop3A_1136 : vector<16xi1>, vector<16xi32>
      %parallel_loop3A_1138 = arith.andi %parallel_loop3A_1137, %parallel_loop3A_1132 : vector<16xi32>
      %parallel_loop3A_1139 = arith.addi %parallel_loop3A_1085, %parallel_loop3A_1138 : vector<16xi32>
      %parallel_loop3A_1140 = arith.addi %parallel_loop3A_1089, %parallel_loop3A_1137 : vector<16xi32>
      %parallel_loop3A_1141 = arith.addi %parallel_loop3A_1093, %parallel_loop3A_1132 : vector<16xi32>
      %parallel_loop3A_1142 = arith.constant 16 : i32
      %parallel_loop3A_1143 = arith.addi %parallel_loop3A_1102, %parallel_loop3A_1142 : i32
      %parallel_loop3A_1144 = arith.constant 0 : i32
      %parallel_loop3A_1145 = arith.constant 0 : i32
      %parallel_loop3A_1146 = tpu.memref_slice %arg6[%parallel_loop3A_694, %parallel_loop3A_1144, %parallel_loop3A_1145] : memref<2x16x512xf32, #tpu.memory_space<vmem>> -> memref<1x16x512xf32, #tpu.memory_space<vmem>>
      %parallel_loop3A_1147 = tpu.memref_squeeze %parallel_loop3A_1146 : memref<1x16x512xf32, #tpu.memory_space<vmem>> -> memref<16x512xf32, #tpu.memory_space<vmem>>
      %parallel_loop3A_1148 = arith.index_cast %parallel_loop3A_1098 : i32 to index
      %parallel_loop3A_1149 = arith.index_cast %parallel_loop3A_1143 : i32 to index
      %parallel_loop3A_1150 = tpu.vector_load %parallel_loop3A_1147[%parallel_loop3A_1148, %parallel_loop3A_1149] {strides = array<i32>} : memref<16x512xf32, #tpu.memory_space<vmem>>, vector<1x16xf32>,
      %parallel_loop3A_1151 = vector.shape_cast %parallel_loop3A_1150 : vector<1x16xf32> to vector<16xf32>
      %parallel_loop3A_1152 = arith.constant 0 : i32
      %parallel_loop3A_1153 = arith.constant 0 : i32
      %parallel_loop3A_1154 = tpu.memref_slice %arg5[%parallel_loop3A_695, %parallel_loop3A_1152, %parallel_loop3A_1153] : memref<2x16x512xf32, #tpu.memory_space<vmem>> -> memref<1x16x512xf32, #tpu.memory_space<vmem>>
      %parallel_loop3A_1155 = tpu.memref_squeeze %parallel_loop3A_1154 : memref<1x16x512xf32, #tpu.memory_space<vmem>> -> memref<16x512xf32, #tpu.memory_space<vmem>>
      %parallel_loop3A_1156 = arith.index_cast %parallel_loop3A_1098 : i32 to index
      %parallel_loop3A_1157 = arith.index_cast %parallel_loop3A_1143 : i32 to index
      %parallel_loop3A_1158 = tpu.vector_load %parallel_loop3A_1155[%parallel_loop3A_1156, %parallel_loop3A_1157] {strides = array<i32>} : memref<16x512xf32, #tpu.memory_space<vmem>>, vector<1x16xf32>,
      %parallel_loop3A_1159 = vector.shape_cast %parallel_loop3A_1158 : vector<1x16xf32> to vector<16xf32>
      %parallel_loop3A_1160 = arith.subf %parallel_loop3A_1151, %parallel_loop3A_1159 : vector<16xf32>
      %parallel_loop3A_1161 = arith.constant 0.000000e+00 : f32
      %parallel_loop3A_1162 = vector.broadcast %parallel_loop3A_1161 : f32 to vector<16xf32>
      %parallel_loop3A_1163 = arith.cmpf ogt, %parallel_loop3A_1160, %parallel_loop3A_1162 : vector<16xf32>
      %parallel_loop3A_1164 = arith.constant 0 : i32
      %parallel_loop3A_1165 = arith.constant 0 : i32
      %parallel_loop3A_1166 = tpu.memref_slice %arg7[%parallel_loop3A_696, %parallel_loop3A_1164, %parallel_loop3A_1165] : memref<2x16x512xi32, #tpu.memory_space<vmem>> -> memref<1x16x512xi32, #tpu.memory_space<vmem>>
      %parallel_loop3A_1167 = tpu.memref_squeeze %parallel_loop3A_1166 : memref<1x16x512xi32, #tpu.memory_space<vmem>> -> memref<16x512xi32, #tpu.memory_space<vmem>>
      %parallel_loop3A_1168 = arith.index_cast %parallel_loop3A_1098 : i32 to index
      %parallel_loop3A_1169 = arith.index_cast %parallel_loop3A_1143 : i32 to index
      %parallel_loop3A_1170 = tpu.vector_load %parallel_loop3A_1167[%parallel_loop3A_1168, %parallel_loop3A_1169] {strides = array<i32>} : memref<16x512xi32, #tpu.memory_space<vmem>>, vector<1x16xi32>,
      %parallel_loop3A_1171 = vector.shape_cast %parallel_loop3A_1170 : vector<1x16xi32> to vector<16xi32>
      %parallel_loop3A_1172 = arith.constant 1 : i32
      %parallel_loop3A_1173 = arith.constant 0 : i32
      %parallel_loop3A_1174 = vector.broadcast %parallel_loop3A_1172 : i32 to vector<16xi32>
      %parallel_loop3A_1175 = vector.broadcast %parallel_loop3A_1173 : i32 to vector<16xi32>
      %parallel_loop3A_1176 = arith.select %parallel_loop3A_1163, %parallel_loop3A_1174, %parallel_loop3A_1175 : vector<16xi1>, vector<16xi32>
      %parallel_loop3A_1177 = arith.andi %parallel_loop3A_1176, %parallel_loop3A_1171 : vector<16xi32>
      %parallel_loop3A_1178 = arith.addi %parallel_loop3A_1086, %parallel_loop3A_1177 : vector<16xi32>
      %parallel_loop3A_1179 = arith.addi %parallel_loop3A_1090, %parallel_loop3A_1176 : vector<16xi32>
      %parallel_loop3A_1180 = arith.addi %parallel_loop3A_1094, %parallel_loop3A_1171 : vector<16xi32>
      %parallel_loop3A_1181 = arith.constant 32 : i32
      %parallel_loop3A_1182 = arith.addi %parallel_loop3A_1102, %parallel_loop3A_1181 : i32
      %parallel_loop3A_1183 = arith.constant 0 : i32
      %parallel_loop3A_1184 = arith.constant 0 : i32
      %parallel_loop3A_1185 = tpu.memref_slice %arg6[%parallel_loop3A_694, %parallel_loop3A_1183, %parallel_loop3A_1184] : memref<2x16x512xf32, #tpu.memory_space<vmem>> -> memref<1x16x512xf32, #tpu.memory_space<vmem>>
      %parallel_loop3A_1186 = tpu.memref_squeeze %parallel_loop3A_1185 : memref<1x16x512xf32, #tpu.memory_space<vmem>> -> memref<16x512xf32, #tpu.memory_space<vmem>>
      %parallel_loop3A_1187 = arith.index_cast %parallel_loop3A_1098 : i32 to index
      %parallel_loop3A_1188 = arith.index_cast %parallel_loop3A_1182 : i32 to index
      %parallel_loop3A_1189 = tpu.vector_load %parallel_loop3A_1186[%parallel_loop3A_1187, %parallel_loop3A_1188] {strides = array<i32>} : memref<16x512xf32, #tpu.memory_space<vmem>>, vector<1x16xf32>,
      %parallel_loop3A_1190 = vector.shape_cast %parallel_loop3A_1189 : vector<1x16xf32> to vector<16xf32>
      %parallel_loop3A_1191 = arith.constant 0 : i32
      %parallel_loop3A_1192 = arith.constant 0 : i32
      %parallel_loop3A_1193 = tpu.memref_slice %arg5[%parallel_loop3A_695, %parallel_loop3A_1191, %parallel_loop3A_1192] : memref<2x16x512xf32, #tpu.memory_space<vmem>> -> memref<1x16x512xf32, #tpu.memory_space<vmem>>
      %parallel_loop3A_1194 = tpu.memref_squeeze %parallel_loop3A_1193 : memref<1x16x512xf32, #tpu.memory_space<vmem>> -> memref<16x512xf32, #tpu.memory_space<vmem>>
      %parallel_loop3A_1195 = arith.index_cast %parallel_loop3A_1098 : i32 to index
      %parallel_loop3A_1196 = arith.index_cast %parallel_loop3A_1182 : i32 to index
      %parallel_loop3A_1197 = tpu.vector_load %parallel_loop3A_1194[%parallel_loop3A_1195, %parallel_loop3A_1196] {strides = array<i32>} : memref<16x512xf32, #tpu.memory_space<vmem>>, vector<1x16xf32>,
      %parallel_loop3A_1198 = vector.shape_cast %parallel_loop3A_1197 : vector<1x16xf32> to vector<16xf32>
      %parallel_loop3A_1199 = arith.subf %parallel_loop3A_1190, %parallel_loop3A_1198 : vector<16xf32>
      %parallel_loop3A_1200 = arith.constant 0.000000e+00 : f32
      %parallel_loop3A_1201 = vector.broadcast %parallel_loop3A_1200 : f32 to vector<16xf32>
      %parallel_loop3A_1202 = arith.cmpf ogt, %parallel_loop3A_1199, %parallel_loop3A_1201 : vector<16xf32>
      %parallel_loop3A_1203 = arith.constant 0 : i32
      %parallel_loop3A_1204 = arith.constant 0 : i32
      %parallel_loop3A_1205 = tpu.memref_slice %arg7[%parallel_loop3A_696, %parallel_loop3A_1203, %parallel_loop3A_1204] : memref<2x16x512xi32, #tpu.memory_space<vmem>> -> memref<1x16x512xi32, #tpu.memory_space<vmem>>
      %parallel_loop3A_1206 = tpu.memref_squeeze %parallel_loop3A_1205 : memref<1x16x512xi32, #tpu.memory_space<vmem>> -> memref<16x512xi32, #tpu.memory_space<vmem>>
      %parallel_loop3A_1207 = arith.index_cast %parallel_loop3A_1098 : i32 to index
      %parallel_loop3A_1208 = arith.index_cast %parallel_loop3A_1182 : i32 to index
      %parallel_loop3A_1209 = tpu.vector_load %parallel_loop3A_1206[%parallel_loop3A_1207, %parallel_loop3A_1208] {strides = array<i32>} : memref<16x512xi32, #tpu.memory_space<vmem>>, vector<1x16xi32>,
      %parallel_loop3A_1210 = vector.shape_cast %parallel_loop3A_1209 : vector<1x16xi32> to vector<16xi32>
      %parallel_loop3A_1211 = arith.constant 1 : i32
      %parallel_loop3A_1212 = arith.constant 0 : i32
      %parallel_loop3A_1213 = vector.broadcast %parallel_loop3A_1211 : i32 to vector<16xi32>
      %parallel_loop3A_1214 = vector.broadcast %parallel_loop3A_1212 : i32 to vector<16xi32>
      %parallel_loop3A_1215 = arith.select %parallel_loop3A_1202, %parallel_loop3A_1213, %parallel_loop3A_1214 : vector<16xi1>, vector<16xi32>
      %parallel_loop3A_1216 = arith.andi %parallel_loop3A_1215, %parallel_loop3A_1210 : vector<16xi32>
      %parallel_loop3A_1217 = arith.addi %parallel_loop3A_1087, %parallel_loop3A_1216 : vector<16xi32>
      %parallel_loop3A_1218 = arith.addi %parallel_loop3A_1091, %parallel_loop3A_1215 : vector<16xi32>
      %parallel_loop3A_1219 = arith.addi %parallel_loop3A_1095, %parallel_loop3A_1210 : vector<16xi32>
      %parallel_loop3A_1220 = arith.constant 48 : i32
      %parallel_loop3A_1221 = arith.addi %parallel_loop3A_1102, %parallel_loop3A_1220 : i32
      %parallel_loop3A_1222 = arith.constant 0 : i32
      %parallel_loop3A_1223 = arith.constant 0 : i32
      %parallel_loop3A_1224 = tpu.memref_slice %arg6[%parallel_loop3A_694, %parallel_loop3A_1222, %parallel_loop3A_1223] : memref<2x16x512xf32, #tpu.memory_space<vmem>> -> memref<1x16x512xf32, #tpu.memory_space<vmem>>
      %parallel_loop3A_1225 = tpu.memref_squeeze %parallel_loop3A_1224 : memref<1x16x512xf32, #tpu.memory_space<vmem>> -> memref<16x512xf32, #tpu.memory_space<vmem>>
      %parallel_loop3A_1226 = arith.index_cast %parallel_loop3A_1098 : i32 to index
      %parallel_loop3A_1227 = arith.index_cast %parallel_loop3A_1221 : i32 to index
      %parallel_loop3A_1228 = tpu.vector_load %parallel_loop3A_1225[%parallel_loop3A_1226, %parallel_loop3A_1227] {strides = array<i32>} : memref<16x512xf32, #tpu.memory_space<vmem>>, vector<1x16xf32>,
      %parallel_loop3A_1229 = vector.shape_cast %parallel_loop3A_1228 : vector<1x16xf32> to vector<16xf32>
      %parallel_loop3A_1230 = arith.constant 0 : i32
      %parallel_loop3A_1231 = arith.constant 0 : i32
      %parallel_loop3A_1232 = tpu.memref_slice %arg5[%parallel_loop3A_695, %parallel_loop3A_1230, %parallel_loop3A_1231] : memref<2x16x512xf32, #tpu.memory_space<vmem>> -> memref<1x16x512xf32, #tpu.memory_space<vmem>>
      %parallel_loop3A_1233 = tpu.memref_squeeze %parallel_loop3A_1232 : memref<1x16x512xf32, #tpu.memory_space<vmem>> -> memref<16x512xf32, #tpu.memory_space<vmem>>
      %parallel_loop3A_1234 = arith.index_cast %parallel_loop3A_1098 : i32 to index
      %parallel_loop3A_1235 = arith.index_cast %parallel_loop3A_1221 : i32 to index
      %parallel_loop3A_1236 = tpu.vector_load %parallel_loop3A_1233[%parallel_loop3A_1234, %parallel_loop3A_1235] {strides = array<i32>} : memref<16x512xf32, #tpu.memory_space<vmem>>, vector<1x16xf32>,
      %parallel_loop3A_1237 = vector.shape_cast %parallel_loop3A_1236 : vector<1x16xf32> to vector<16xf32>
      %parallel_loop3A_1238 = arith.subf %parallel_loop3A_1229, %parallel_loop3A_1237 : vector<16xf32>
      %parallel_loop3A_1239 = arith.constant 0.000000e+00 : f32
      %parallel_loop3A_1240 = vector.broadcast %parallel_loop3A_1239 : f32 to vector<16xf32>
      %parallel_loop3A_1241 = arith.cmpf ogt, %parallel_loop3A_1238, %parallel_loop3A_1240 : vector<16xf32>
      %parallel_loop3A_1242 = arith.constant 0 : i32
      %parallel_loop3A_1243 = arith.constant 0 : i32
      %parallel_loop3A_1244 = tpu.memref_slice %arg7[%parallel_loop3A_696, %parallel_loop3A_1242, %parallel_loop3A_1243] : memref<2x16x512xi32, #tpu.memory_space<vmem>> -> memref<1x16x512xi32, #tpu.memory_space<vmem>>
      %parallel_loop3A_1245 = tpu.memref_squeeze %parallel_loop3A_1244 : memref<1x16x512xi32, #tpu.memory_space<vmem>> -> memref<16x512xi32, #tpu.memory_space<vmem>>
      %parallel_loop3A_1246 = arith.index_cast %parallel_loop3A_1098 : i32 to index
      %parallel_loop3A_1247 = arith.index_cast %parallel_loop3A_1221 : i32 to index
      %parallel_loop3A_1248 = tpu.vector_load %parallel_loop3A_1245[%parallel_loop3A_1246, %parallel_loop3A_1247] {strides = array<i32>} : memref<16x512xi32, #tpu.memory_space<vmem>>, vector<1x16xi32>,
      %parallel_loop3A_1249 = vector.shape_cast %parallel_loop3A_1248 : vector<1x16xi32> to vector<16xi32>
      %parallel_loop3A_1250 = arith.constant 1 : i32
      %parallel_loop3A_1251 = arith.constant 0 : i32
      %parallel_loop3A_1252 = vector.broadcast %parallel_loop3A_1250 : i32 to vector<16xi32>
      %parallel_loop3A_1253 = vector.broadcast %parallel_loop3A_1251 : i32 to vector<16xi32>
      %parallel_loop3A_1254 = arith.select %parallel_loop3A_1241, %parallel_loop3A_1252, %parallel_loop3A_1253 : vector<16xi1>, vector<16xi32>
      %parallel_loop3A_1255 = arith.andi %parallel_loop3A_1254, %parallel_loop3A_1249 : vector<16xi32>
      %parallel_loop3A_1256 = arith.addi %parallel_loop3A_1088, %parallel_loop3A_1255 : vector<16xi32>
      %parallel_loop3A_1257 = arith.addi %parallel_loop3A_1092, %parallel_loop3A_1254 : vector<16xi32>
      %parallel_loop3A_1258 = arith.addi %parallel_loop3A_1096, %parallel_loop3A_1249 : vector<16xi32>
      scf.yield %parallel_loop3A_1139, %parallel_loop3A_1178, %parallel_loop3A_1217, %parallel_loop3A_1256, %parallel_loop3A_1140, %parallel_loop3A_1179, %parallel_loop3A_1218, %parallel_loop3A_1257, %parallel_loop3A_1141, %parallel_loop3A_1180, %parallel_loop3A_1219, %parallel_loop3A_1258 : vector<16xi32>, vector<16xi32>, vector<16xi32>, vector<16xi32>, vector<16xi32>, vector<16xi32>, vector<16xi32>, vector<16xi32>, vector<16xi32>, vector<16xi32>, vector<16xi32>, vector<16xi32>
    } {sc.loop_unroll_factor = 2 : i64, sc.parallel_access}
    %add3A_698 = arith.constant 112 : i32
    %add3A_699 = arith.addi %mul3A_32, %add3A_698 : i32
    %dma_start3A_700 = arith.constant 0 : i32
    %dma_start3A_701 = arith.constant 1 : i32
    %dma_start3A_702 = arith.constant 0 : i32
    %dma_start3A_703 = arith.constant 0 : i32
    %dma_start3A_704 = tpu.memref_slice %arg5[%dma_start3A_701, %dma_start3A_702, %dma_start3A_703] : memref<2x16x512xf32, #tpu.memory_space<vmem>> -> memref<1x16x512xf32, #tpu.memory_space<vmem>>
    %dma_start3A_705 = tpu.memref_squeeze %dma_start3A_704 : memref<1x16x512xf32, #tpu.memory_space<vmem>> -> memref<16x512xf32, #tpu.memory_space<vmem>>
    %dma_start3A_706 = arith.constant 0 : i32
    %dma_start3A_707 = tpu.memref_slice %arg2[%add3A, %dma_start3A_700, %add3A_699, %dma_start3A_706] : memref<16x2x512x512xf32, #tpu.memory_space<hbm>> -> memref<1x1x16x512xf32, #tpu.memory_space<hbm>>
    %dma_start3A_708 = tpu.memref_squeeze %dma_start3A_707 : memref<1x1x16x512xf32, #tpu.memory_space<hbm>> -> memref<16x512xf32, #tpu.memory_space<hbm>>
    %dma_start3A_709 = arith.constant 0 : i32
    %dma_start3A_710 = arith.constant 0 : i32
    %dma_start3A_711 = tpu.memref_slice %arg5[%dma_start3A_701, %dma_start3A_709, %dma_start3A_710] : memref<2x16x512xf32, #tpu.memory_space<vmem>> -> memref<1x16x512xf32, #tpu.memory_space<vmem>>
    %dma_start3A_712 = tpu.memref_squeeze %dma_start3A_711 : memref<1x16x512xf32, #tpu.memory_space<vmem>> -> memref<16x512xf32, #tpu.memory_space<vmem>>
    %dma_start3A_713 = arith.constant 0 : i32
    %dma_start3A_714 = tpu.memref_slice %arg2[%add3A, %dma_start3A_700, %add3A_699, %dma_start3A_713] : memref<16x2x512x512xf32, #tpu.memory_space<hbm>> -> memref<1x1x16x512xf32, #tpu.memory_space<hbm>>
    %dma_start3A_715 = tpu.memref_squeeze %dma_start3A_714 : memref<1x1x16x512xf32, #tpu.memory_space<hbm>> -> memref<16x512xf32, #tpu.memory_space<hbm>>
    tpu.enqueue_dma source(%dma_start3A_715 : memref<16x512xf32, #tpu.memory_space<hbm>>) target(%dma_start3A_712 : memref<16x512xf32, #tpu.memory_space<vmem>>) target_semaphore(%arg13 : memref<!tpu.dma_semaphore, #tpu.memory_space<semaphore_mem>>)
    %dma_start3A_716 = arith.constant 1 : i32
    %dma_start3A_717 = arith.constant 1 : i32
    %dma_start3A_718 = arith.constant 0 : i32
    %dma_start3A_719 = arith.constant 0 : i32
    %dma_start3A_720 = tpu.memref_slice %arg6[%dma_start3A_717, %dma_start3A_718, %dma_start3A_719] : memref<2x16x512xf32, #tpu.memory_space<vmem>> -> memref<1x16x512xf32, #tpu.memory_space<vmem>>
    %dma_start3A_721 = tpu.memref_squeeze %dma_start3A_720 : memref<1x16x512xf32, #tpu.memory_space<vmem>> -> memref<16x512xf32, #tpu.memory_space<vmem>>
    %dma_start3A_722 = arith.constant 0 : i32
    %dma_start3A_723 = tpu.memref_slice %arg2[%add3A, %dma_start3A_716, %add3A_699, %dma_start3A_722] : memref<16x2x512x512xf32, #tpu.memory_space<hbm>> -> memref<1x1x16x512xf32, #tpu.memory_space<hbm>>
    %dma_start3A_724 = tpu.memref_squeeze %dma_start3A_723 : memref<1x1x16x512xf32, #tpu.memory_space<hbm>> -> memref<16x512xf32, #tpu.memory_space<hbm>>
    %dma_start3A_725 = arith.constant 0 : i32
    %dma_start3A_726 = arith.constant 0 : i32
    %dma_start3A_727 = tpu.memref_slice %arg6[%dma_start3A_717, %dma_start3A_725, %dma_start3A_726] : memref<2x16x512xf32, #tpu.memory_space<vmem>> -> memref<1x16x512xf32, #tpu.memory_space<vmem>>
    %dma_start3A_728 = tpu.memref_squeeze %dma_start3A_727 : memref<1x16x512xf32, #tpu.memory_space<vmem>> -> memref<16x512xf32, #tpu.memory_space<vmem>>
    %dma_start3A_729 = arith.constant 0 : i32
    %dma_start3A_730 = tpu.memref_slice %arg2[%add3A, %dma_start3A_716, %add3A_699, %dma_start3A_729] : memref<16x2x512x512xf32, #tpu.memory_space<hbm>> -> memref<1x1x16x512xf32, #tpu.memory_space<hbm>>
    %dma_start3A_731 = tpu.memref_squeeze %dma_start3A_730 : memref<1x1x16x512xf32, #tpu.memory_space<hbm>> -> memref<16x512xf32, #tpu.memory_space<hbm>>
    tpu.enqueue_dma source(%dma_start3A_731 : memref<16x512xf32, #tpu.memory_space<hbm>>) target(%dma_start3A_728 : memref<16x512xf32, #tpu.memory_space<vmem>>) target_semaphore(%arg13 : memref<!tpu.dma_semaphore, #tpu.memory_space<semaphore_mem>>)
    %dma_start3A_732 = arith.constant 1 : i32
    %dma_start3A_733 = arith.constant 0 : i32
    %dma_start3A_734 = arith.constant 0 : i32
    %dma_start3A_735 = tpu.memref_slice %arg7[%dma_start3A_732, %dma_start3A_733, %dma_start3A_734] : memref<2x16x512xi32, #tpu.memory_space<vmem>> -> memref<1x16x512xi32, #tpu.memory_space<vmem>>
    %dma_start3A_736 = tpu.memref_squeeze %dma_start3A_735 : memref<1x16x512xi32, #tpu.memory_space<vmem>> -> memref<16x512xi32, #tpu.memory_space<vmem>>
    %dma_start3A_737 = arith.constant 0 : i32
    %dma_start3A_738 = tpu.memref_slice %arg3[%add3A, %add3A_699, %dma_start3A_737] : memref<16x512x512xi32, #tpu.memory_space<hbm>> -> memref<1x16x512xi32, #tpu.memory_space<hbm>>
    %dma_start3A_739 = tpu.memref_squeeze %dma_start3A_738 : memref<1x16x512xi32, #tpu.memory_space<hbm>> -> memref<16x512xi32, #tpu.memory_space<hbm>>
    %dma_start3A_740 = arith.constant 0 : i32
    %dma_start3A_741 = arith.constant 0 : i32
    %dma_start3A_742 = tpu.memref_slice %arg7[%dma_start3A_732, %dma_start3A_740, %dma_start3A_741] : memref<2x16x512xi32, #tpu.memory_space<vmem>> -> memref<1x16x512xi32, #tpu.memory_space<vmem>>
    %dma_start3A_743 = tpu.memref_squeeze %dma_start3A_742 : memref<1x16x512xi32, #tpu.memory_space<vmem>> -> memref<16x512xi32, #tpu.memory_space<vmem>>
    %dma_start3A_744 = arith.constant 0 : i32
    %dma_start3A_745 = tpu.memref_slice %arg3[%add3A, %add3A_699, %dma_start3A_744] : memref<16x512x512xi32, #tpu.memory_space<hbm>> -> memref<1x16x512xi32, #tpu.memory_space<hbm>>
    %dma_start3A_746 = tpu.memref_squeeze %dma_start3A_745 : memref<1x16x512xi32, #tpu.memory_space<hbm>> -> memref<16x512xi32, #tpu.memory_space<hbm>>
    tpu.enqueue_dma source(%dma_start3A_746 : memref<16x512xi32, #tpu.memory_space<hbm>>) target(%dma_start3A_743 : memref<16x512xi32, #tpu.memory_space<vmem>>) target_semaphore(%arg13 : memref<!tpu.dma_semaphore, #tpu.memory_space<semaphore_mem>>)
    %dma_wait3A_747 = arith.constant 0 : i32
    %dma_wait3A_748 = arith.constant 0 : i32
    %dma_wait3A_749 = arith.constant 0 : i32
    %dma_wait3A_750 = arith.constant 0 : i32
    %dma_wait3A_751 = tpu.memref_slice %arg5[%dma_wait3A_748, %dma_wait3A_749, %dma_wait3A_750] : memref<2x16x512xf32, #tpu.memory_space<vmem>> -> memref<1x16x512xf32, #tpu.memory_space<vmem>>
    %dma_wait3A_752 = tpu.memref_squeeze %dma_wait3A_751 : memref<1x16x512xf32, #tpu.memory_space<vmem>> -> memref<16x512xf32, #tpu.memory_space<vmem>>
    %dma_wait3A_753 = arith.constant 0 : i32
    %dma_wait3A_754 = tpu.memref_slice %arg2[%add3A, %dma_wait3A_747, %add3A_596, %dma_wait3A_753] : memref<16x2x512x512xf32, #tpu.memory_space<hbm>> -> memref<1x1x16x512xf32, #tpu.memory_space<hbm>>
    %dma_wait3A_755 = tpu.memref_squeeze %dma_wait3A_754 : memref<1x1x16x512xf32, #tpu.memory_space<hbm>> -> memref<16x512xf32, #tpu.memory_space<hbm>>
    %dma_wait3A_756 = arith.constant 0 : i32
    %dma_wait3A_757 = arith.constant 0 : i32
    %dma_wait3A_758 = tpu.memref_slice %arg5[%dma_wait3A_748, %dma_wait3A_756, %dma_wait3A_757] : memref<2x16x512xf32, #tpu.memory_space<vmem>> -> memref<1x16x512xf32, #tpu.memory_space<vmem>>
    %dma_wait3A_759 = tpu.memref_squeeze %dma_wait3A_758 : memref<1x16x512xf32, #tpu.memory_space<vmem>> -> memref<16x512xf32, #tpu.memory_space<vmem>>
    %dma_wait3A_760 = arith.constant 0 : i32
    %dma_wait3A_761 = tpu.memref_slice %arg2[%add3A, %dma_wait3A_747, %add3A_596, %dma_wait3A_760] : memref<16x2x512x512xf32, #tpu.memory_space<hbm>> -> memref<1x1x16x512xf32, #tpu.memory_space<hbm>>
    %dma_wait3A_762 = tpu.memref_squeeze %dma_wait3A_761 : memref<1x1x16x512xf32, #tpu.memory_space<hbm>> -> memref<16x512xf32, #tpu.memory_space<hbm>>
    tpu.wait_dma2 semaphore(%arg12 : memref<!tpu.dma_semaphore, #tpu.memory_space<semaphore_mem>>) src(%dma_wait3A_762 : memref<16x512xf32, #tpu.memory_space<hbm>>) dst(%dma_wait3A_759 : memref<16x512xf32, #tpu.memory_space<vmem>>)
    %dma_wait3A_763 = arith.constant 1 : i32
    %dma_wait3A_764 = arith.constant 0 : i32
    %dma_wait3A_765 = arith.constant 0 : i32
    %dma_wait3A_766 = arith.constant 0 : i32
    %dma_wait3A_767 = tpu.memref_slice %arg6[%dma_wait3A_764, %dma_wait3A_765, %dma_wait3A_766] : memref<2x16x512xf32, #tpu.memory_space<vmem>> -> memref<1x16x512xf32, #tpu.memory_space<vmem>>
    %dma_wait3A_768 = tpu.memref_squeeze %dma_wait3A_767 : memref<1x16x512xf32, #tpu.memory_space<vmem>> -> memref<16x512xf32, #tpu.memory_space<vmem>>
    %dma_wait3A_769 = arith.constant 0 : i32
    %dma_wait3A_770 = tpu.memref_slice %arg2[%add3A, %dma_wait3A_763, %add3A_596, %dma_wait3A_769] : memref<16x2x512x512xf32, #tpu.memory_space<hbm>> -> memref<1x1x16x512xf32, #tpu.memory_space<hbm>>
    %dma_wait3A_771 = tpu.memref_squeeze %dma_wait3A_770 : memref<1x1x16x512xf32, #tpu.memory_space<hbm>> -> memref<16x512xf32, #tpu.memory_space<hbm>>
    %dma_wait3A_772 = arith.constant 0 : i32
    %dma_wait3A_773 = arith.constant 0 : i32
    %dma_wait3A_774 = tpu.memref_slice %arg6[%dma_wait3A_764, %dma_wait3A_772, %dma_wait3A_773] : memref<2x16x512xf32, #tpu.memory_space<vmem>> -> memref<1x16x512xf32, #tpu.memory_space<vmem>>
    %dma_wait3A_775 = tpu.memref_squeeze %dma_wait3A_774 : memref<1x16x512xf32, #tpu.memory_space<vmem>> -> memref<16x512xf32, #tpu.memory_space<vmem>>
    %dma_wait3A_776 = arith.constant 0 : i32
    %dma_wait3A_777 = tpu.memref_slice %arg2[%add3A, %dma_wait3A_763, %add3A_596, %dma_wait3A_776] : memref<16x2x512x512xf32, #tpu.memory_space<hbm>> -> memref<1x1x16x512xf32, #tpu.memory_space<hbm>>
    %dma_wait3A_778 = tpu.memref_squeeze %dma_wait3A_777 : memref<1x1x16x512xf32, #tpu.memory_space<hbm>> -> memref<16x512xf32, #tpu.memory_space<hbm>>
    tpu.wait_dma2 semaphore(%arg12 : memref<!tpu.dma_semaphore, #tpu.memory_space<semaphore_mem>>) src(%dma_wait3A_778 : memref<16x512xf32, #tpu.memory_space<hbm>>) dst(%dma_wait3A_775 : memref<16x512xf32, #tpu.memory_space<vmem>>)
    %dma_wait3A_779 = arith.constant 0 : i32
    %dma_wait3A_780 = arith.constant 0 : i32
    %dma_wait3A_781 = arith.constant 0 : i32
    %dma_wait3A_782 = tpu.memref_slice %arg7[%dma_wait3A_779, %dma_wait3A_780, %dma_wait3A_781] : memref<2x16x512xi32, #tpu.memory_space<vmem>> -> memref<1x16x512xi32, #tpu.memory_space<vmem>>
    %dma_wait3A_783 = tpu.memref_squeeze %dma_wait3A_782 : memref<1x16x512xi32, #tpu.memory_space<vmem>> -> memref<16x512xi32, #tpu.memory_space<vmem>>
    %dma_wait3A_784 = arith.constant 0 : i32
    %dma_wait3A_785 = tpu.memref_slice %arg3[%add3A, %add3A_596, %dma_wait3A_784] : memref<16x512x512xi32, #tpu.memory_space<hbm>> -> memref<1x16x512xi32, #tpu.memory_space<hbm>>
    %dma_wait3A_786 = tpu.memref_squeeze %dma_wait3A_785 : memref<1x16x512xi32, #tpu.memory_space<hbm>> -> memref<16x512xi32, #tpu.memory_space<hbm>>
    %dma_wait3A_787 = arith.constant 0 : i32
    %dma_wait3A_788 = arith.constant 0 : i32
    %dma_wait3A_789 = tpu.memref_slice %arg7[%dma_wait3A_779, %dma_wait3A_787, %dma_wait3A_788] : memref<2x16x512xi32, #tpu.memory_space<vmem>> -> memref<1x16x512xi32, #tpu.memory_space<vmem>>
    %dma_wait3A_790 = tpu.memref_squeeze %dma_wait3A_789 : memref<1x16x512xi32, #tpu.memory_space<vmem>> -> memref<16x512xi32, #tpu.memory_space<vmem>>
    %dma_wait3A_791 = arith.constant 0 : i32
    %dma_wait3A_792 = tpu.memref_slice %arg3[%add3A, %add3A_596, %dma_wait3A_791] : memref<16x512x512xi32, #tpu.memory_space<hbm>> -> memref<1x16x512xi32, #tpu.memory_space<hbm>>
    %dma_wait3A_793 = tpu.memref_squeeze %dma_wait3A_792 : memref<1x16x512xi32, #tpu.memory_space<hbm>> -> memref<16x512xi32, #tpu.memory_space<hbm>>
    tpu.wait_dma2 semaphore(%arg12 : memref<!tpu.dma_semaphore, #tpu.memory_space<semaphore_mem>>) src(%dma_wait3A_793 : memref<16x512xi32, #tpu.memory_space<hbm>>) dst(%dma_wait3A_790 : memref<16x512xi32, #tpu.memory_space<vmem>>)
    %parallel_loop3A_794 = arith.constant 0 : i32
    %parallel_loop3A_795 = arith.constant 128 : i32
    %parallel_loop3A_796 = arith.constant 1 : i32
    %parallel_loop3A_797 = arith.constant 0 : i32
    %parallel_loop3A_798 = arith.constant 0 : i32
    %parallel_loop3A_799 = arith.constant 0 : i32
    %parallel_loop3A_800:12 = scf.for %parallel_loop3A_1084 = %parallel_loop3A_794 to %parallel_loop3A_795 step %parallel_loop3A_796 iter_args(%parallel_loop3A_1085 = %parallel_loop3A_697#0, %parallel_loop3A_1086 = %parallel_loop3A_697#1, %parallel_loop3A_1087 = %parallel_loop3A_697#2, %parallel_loop3A_1088 = %parallel_loop3A_697#3, %parallel_loop3A_1089 = %parallel_loop3A_697#4, %parallel_loop3A_1090 = %parallel_loop3A_697#5, %parallel_loop3A_1091 = %parallel_loop3A_697#6, %parallel_loop3A_1092 = %parallel_loop3A_697#7, %parallel_loop3A_1093 = %parallel_loop3A_697#8, %parallel_loop3A_1094 = %parallel_loop3A_697#9, %parallel_loop3A_1095 = %parallel_loop3A_697#10, %parallel_loop3A_1096 = %parallel_loop3A_697#11) -> (vector<16xi32>, vector<16xi32>, vector<16xi32>, vector<16xi32>, vector<16xi32>, vector<16xi32>, vector<16xi32>, vector<16xi32>, vector<16xi32>, vector<16xi32>, vector<16xi32>, vector<16xi32>)  : i32 {
      %parallel_loop3A_1097 = arith.constant 3 : i32
      %parallel_loop3A_1098 = arith.shrsi %parallel_loop3A_1084, %parallel_loop3A_1097 : i32
      %parallel_loop3A_1099 = arith.constant 7 : i32
      %parallel_loop3A_1100 = arith.andi %parallel_loop3A_1084, %parallel_loop3A_1099 : i32
      %parallel_loop3A_1101 = arith.constant 64 : i32
      %parallel_loop3A_1102 = arith.muli %parallel_loop3A_1100, %parallel_loop3A_1101 : i32
      %parallel_loop3A_1103 = arith.constant 0 : i32
      %parallel_loop3A_1104 = arith.addi %parallel_loop3A_1102, %parallel_loop3A_1103 : i32
      %parallel_loop3A_1105 = arith.constant 0 : i32
      %parallel_loop3A_1106 = arith.constant 0 : i32
      %parallel_loop3A_1107 = tpu.memref_slice %arg6[%parallel_loop3A_797, %parallel_loop3A_1105, %parallel_loop3A_1106] : memref<2x16x512xf32, #tpu.memory_space<vmem>> -> memref<1x16x512xf32, #tpu.memory_space<vmem>>
      %parallel_loop3A_1108 = tpu.memref_squeeze %parallel_loop3A_1107 : memref<1x16x512xf32, #tpu.memory_space<vmem>> -> memref<16x512xf32, #tpu.memory_space<vmem>>
      %parallel_loop3A_1109 = arith.index_cast %parallel_loop3A_1098 : i32 to index
      %parallel_loop3A_1110 = arith.index_cast %parallel_loop3A_1104 : i32 to index
      %parallel_loop3A_1111 = tpu.vector_load %parallel_loop3A_1108[%parallel_loop3A_1109, %parallel_loop3A_1110] {strides = array<i32>} : memref<16x512xf32, #tpu.memory_space<vmem>>, vector<1x16xf32>,
      %parallel_loop3A_1112 = vector.shape_cast %parallel_loop3A_1111 : vector<1x16xf32> to vector<16xf32>
      %parallel_loop3A_1113 = arith.constant 0 : i32
      %parallel_loop3A_1114 = arith.constant 0 : i32
      %parallel_loop3A_1115 = tpu.memref_slice %arg5[%parallel_loop3A_798, %parallel_loop3A_1113, %parallel_loop3A_1114] : memref<2x16x512xf32, #tpu.memory_space<vmem>> -> memref<1x16x512xf32, #tpu.memory_space<vmem>>
      %parallel_loop3A_1116 = tpu.memref_squeeze %parallel_loop3A_1115 : memref<1x16x512xf32, #tpu.memory_space<vmem>> -> memref<16x512xf32, #tpu.memory_space<vmem>>
      %parallel_loop3A_1117 = arith.index_cast %parallel_loop3A_1098 : i32 to index
      %parallel_loop3A_1118 = arith.index_cast %parallel_loop3A_1104 : i32 to index
      %parallel_loop3A_1119 = tpu.vector_load %parallel_loop3A_1116[%parallel_loop3A_1117, %parallel_loop3A_1118] {strides = array<i32>} : memref<16x512xf32, #tpu.memory_space<vmem>>, vector<1x16xf32>,
      %parallel_loop3A_1120 = vector.shape_cast %parallel_loop3A_1119 : vector<1x16xf32> to vector<16xf32>
      %parallel_loop3A_1121 = arith.subf %parallel_loop3A_1112, %parallel_loop3A_1120 : vector<16xf32>
      %parallel_loop3A_1122 = arith.constant 0.000000e+00 : f32
      %parallel_loop3A_1123 = vector.broadcast %parallel_loop3A_1122 : f32 to vector<16xf32>
      %parallel_loop3A_1124 = arith.cmpf ogt, %parallel_loop3A_1121, %parallel_loop3A_1123 : vector<16xf32>
      %parallel_loop3A_1125 = arith.constant 0 : i32
      %parallel_loop3A_1126 = arith.constant 0 : i32
      %parallel_loop3A_1127 = tpu.memref_slice %arg7[%parallel_loop3A_799, %parallel_loop3A_1125, %parallel_loop3A_1126] : memref<2x16x512xi32, #tpu.memory_space<vmem>> -> memref<1x16x512xi32, #tpu.memory_space<vmem>>
      %parallel_loop3A_1128 = tpu.memref_squeeze %parallel_loop3A_1127 : memref<1x16x512xi32, #tpu.memory_space<vmem>> -> memref<16x512xi32, #tpu.memory_space<vmem>>
      %parallel_loop3A_1129 = arith.index_cast %parallel_loop3A_1098 : i32 to index
      %parallel_loop3A_1130 = arith.index_cast %parallel_loop3A_1104 : i32 to index
      %parallel_loop3A_1131 = tpu.vector_load %parallel_loop3A_1128[%parallel_loop3A_1129, %parallel_loop3A_1130] {strides = array<i32>} : memref<16x512xi32, #tpu.memory_space<vmem>>, vector<1x16xi32>,
      %parallel_loop3A_1132 = vector.shape_cast %parallel_loop3A_1131 : vector<1x16xi32> to vector<16xi32>
      %parallel_loop3A_1133 = arith.constant 1 : i32
      %parallel_loop3A_1134 = arith.constant 0 : i32
      %parallel_loop3A_1135 = vector.broadcast %parallel_loop3A_1133 : i32 to vector<16xi32>
      %parallel_loop3A_1136 = vector.broadcast %parallel_loop3A_1134 : i32 to vector<16xi32>
      %parallel_loop3A_1137 = arith.select %parallel_loop3A_1124, %parallel_loop3A_1135, %parallel_loop3A_1136 : vector<16xi1>, vector<16xi32>
      %parallel_loop3A_1138 = arith.andi %parallel_loop3A_1137, %parallel_loop3A_1132 : vector<16xi32>
      %parallel_loop3A_1139 = arith.addi %parallel_loop3A_1085, %parallel_loop3A_1138 : vector<16xi32>
      %parallel_loop3A_1140 = arith.addi %parallel_loop3A_1089, %parallel_loop3A_1137 : vector<16xi32>
      %parallel_loop3A_1141 = arith.addi %parallel_loop3A_1093, %parallel_loop3A_1132 : vector<16xi32>
      %parallel_loop3A_1142 = arith.constant 16 : i32
      %parallel_loop3A_1143 = arith.addi %parallel_loop3A_1102, %parallel_loop3A_1142 : i32
      %parallel_loop3A_1144 = arith.constant 0 : i32
      %parallel_loop3A_1145 = arith.constant 0 : i32
      %parallel_loop3A_1146 = tpu.memref_slice %arg6[%parallel_loop3A_797, %parallel_loop3A_1144, %parallel_loop3A_1145] : memref<2x16x512xf32, #tpu.memory_space<vmem>> -> memref<1x16x512xf32, #tpu.memory_space<vmem>>
      %parallel_loop3A_1147 = tpu.memref_squeeze %parallel_loop3A_1146 : memref<1x16x512xf32, #tpu.memory_space<vmem>> -> memref<16x512xf32, #tpu.memory_space<vmem>>
      %parallel_loop3A_1148 = arith.index_cast %parallel_loop3A_1098 : i32 to index
      %parallel_loop3A_1149 = arith.index_cast %parallel_loop3A_1143 : i32 to index
      %parallel_loop3A_1150 = tpu.vector_load %parallel_loop3A_1147[%parallel_loop3A_1148, %parallel_loop3A_1149] {strides = array<i32>} : memref<16x512xf32, #tpu.memory_space<vmem>>, vector<1x16xf32>,
      %parallel_loop3A_1151 = vector.shape_cast %parallel_loop3A_1150 : vector<1x16xf32> to vector<16xf32>
      %parallel_loop3A_1152 = arith.constant 0 : i32
      %parallel_loop3A_1153 = arith.constant 0 : i32
      %parallel_loop3A_1154 = tpu.memref_slice %arg5[%parallel_loop3A_798, %parallel_loop3A_1152, %parallel_loop3A_1153] : memref<2x16x512xf32, #tpu.memory_space<vmem>> -> memref<1x16x512xf32, #tpu.memory_space<vmem>>
      %parallel_loop3A_1155 = tpu.memref_squeeze %parallel_loop3A_1154 : memref<1x16x512xf32, #tpu.memory_space<vmem>> -> memref<16x512xf32, #tpu.memory_space<vmem>>
      %parallel_loop3A_1156 = arith.index_cast %parallel_loop3A_1098 : i32 to index
      %parallel_loop3A_1157 = arith.index_cast %parallel_loop3A_1143 : i32 to index
      %parallel_loop3A_1158 = tpu.vector_load %parallel_loop3A_1155[%parallel_loop3A_1156, %parallel_loop3A_1157] {strides = array<i32>} : memref<16x512xf32, #tpu.memory_space<vmem>>, vector<1x16xf32>,
      %parallel_loop3A_1159 = vector.shape_cast %parallel_loop3A_1158 : vector<1x16xf32> to vector<16xf32>
      %parallel_loop3A_1160 = arith.subf %parallel_loop3A_1151, %parallel_loop3A_1159 : vector<16xf32>
      %parallel_loop3A_1161 = arith.constant 0.000000e+00 : f32
      %parallel_loop3A_1162 = vector.broadcast %parallel_loop3A_1161 : f32 to vector<16xf32>
      %parallel_loop3A_1163 = arith.cmpf ogt, %parallel_loop3A_1160, %parallel_loop3A_1162 : vector<16xf32>
      %parallel_loop3A_1164 = arith.constant 0 : i32
      %parallel_loop3A_1165 = arith.constant 0 : i32
      %parallel_loop3A_1166 = tpu.memref_slice %arg7[%parallel_loop3A_799, %parallel_loop3A_1164, %parallel_loop3A_1165] : memref<2x16x512xi32, #tpu.memory_space<vmem>> -> memref<1x16x512xi32, #tpu.memory_space<vmem>>
      %parallel_loop3A_1167 = tpu.memref_squeeze %parallel_loop3A_1166 : memref<1x16x512xi32, #tpu.memory_space<vmem>> -> memref<16x512xi32, #tpu.memory_space<vmem>>
      %parallel_loop3A_1168 = arith.index_cast %parallel_loop3A_1098 : i32 to index
      %parallel_loop3A_1169 = arith.index_cast %parallel_loop3A_1143 : i32 to index
      %parallel_loop3A_1170 = tpu.vector_load %parallel_loop3A_1167[%parallel_loop3A_1168, %parallel_loop3A_1169] {strides = array<i32>} : memref<16x512xi32, #tpu.memory_space<vmem>>, vector<1x16xi32>,
      %parallel_loop3A_1171 = vector.shape_cast %parallel_loop3A_1170 : vector<1x16xi32> to vector<16xi32>
      %parallel_loop3A_1172 = arith.constant 1 : i32
      %parallel_loop3A_1173 = arith.constant 0 : i32
      %parallel_loop3A_1174 = vector.broadcast %parallel_loop3A_1172 : i32 to vector<16xi32>
      %parallel_loop3A_1175 = vector.broadcast %parallel_loop3A_1173 : i32 to vector<16xi32>
      %parallel_loop3A_1176 = arith.select %parallel_loop3A_1163, %parallel_loop3A_1174, %parallel_loop3A_1175 : vector<16xi1>, vector<16xi32>
      %parallel_loop3A_1177 = arith.andi %parallel_loop3A_1176, %parallel_loop3A_1171 : vector<16xi32>
      %parallel_loop3A_1178 = arith.addi %parallel_loop3A_1086, %parallel_loop3A_1177 : vector<16xi32>
      %parallel_loop3A_1179 = arith.addi %parallel_loop3A_1090, %parallel_loop3A_1176 : vector<16xi32>
      %parallel_loop3A_1180 = arith.addi %parallel_loop3A_1094, %parallel_loop3A_1171 : vector<16xi32>
      %parallel_loop3A_1181 = arith.constant 32 : i32
      %parallel_loop3A_1182 = arith.addi %parallel_loop3A_1102, %parallel_loop3A_1181 : i32
      %parallel_loop3A_1183 = arith.constant 0 : i32
      %parallel_loop3A_1184 = arith.constant 0 : i32
      %parallel_loop3A_1185 = tpu.memref_slice %arg6[%parallel_loop3A_797, %parallel_loop3A_1183, %parallel_loop3A_1184] : memref<2x16x512xf32, #tpu.memory_space<vmem>> -> memref<1x16x512xf32, #tpu.memory_space<vmem>>
      %parallel_loop3A_1186 = tpu.memref_squeeze %parallel_loop3A_1185 : memref<1x16x512xf32, #tpu.memory_space<vmem>> -> memref<16x512xf32, #tpu.memory_space<vmem>>
      %parallel_loop3A_1187 = arith.index_cast %parallel_loop3A_1098 : i32 to index
      %parallel_loop3A_1188 = arith.index_cast %parallel_loop3A_1182 : i32 to index
      %parallel_loop3A_1189 = tpu.vector_load %parallel_loop3A_1186[%parallel_loop3A_1187, %parallel_loop3A_1188] {strides = array<i32>} : memref<16x512xf32, #tpu.memory_space<vmem>>, vector<1x16xf32>,
      %parallel_loop3A_1190 = vector.shape_cast %parallel_loop3A_1189 : vector<1x16xf32> to vector<16xf32>
      %parallel_loop3A_1191 = arith.constant 0 : i32
      %parallel_loop3A_1192 = arith.constant 0 : i32
      %parallel_loop3A_1193 = tpu.memref_slice %arg5[%parallel_loop3A_798, %parallel_loop3A_1191, %parallel_loop3A_1192] : memref<2x16x512xf32, #tpu.memory_space<vmem>> -> memref<1x16x512xf32, #tpu.memory_space<vmem>>
      %parallel_loop3A_1194 = tpu.memref_squeeze %parallel_loop3A_1193 : memref<1x16x512xf32, #tpu.memory_space<vmem>> -> memref<16x512xf32, #tpu.memory_space<vmem>>
      %parallel_loop3A_1195 = arith.index_cast %parallel_loop3A_1098 : i32 to index
      %parallel_loop3A_1196 = arith.index_cast %parallel_loop3A_1182 : i32 to index
      %parallel_loop3A_1197 = tpu.vector_load %parallel_loop3A_1194[%parallel_loop3A_1195, %parallel_loop3A_1196] {strides = array<i32>} : memref<16x512xf32, #tpu.memory_space<vmem>>, vector<1x16xf32>,
      %parallel_loop3A_1198 = vector.shape_cast %parallel_loop3A_1197 : vector<1x16xf32> to vector<16xf32>
      %parallel_loop3A_1199 = arith.subf %parallel_loop3A_1190, %parallel_loop3A_1198 : vector<16xf32>
      %parallel_loop3A_1200 = arith.constant 0.000000e+00 : f32
      %parallel_loop3A_1201 = vector.broadcast %parallel_loop3A_1200 : f32 to vector<16xf32>
      %parallel_loop3A_1202 = arith.cmpf ogt, %parallel_loop3A_1199, %parallel_loop3A_1201 : vector<16xf32>
      %parallel_loop3A_1203 = arith.constant 0 : i32
      %parallel_loop3A_1204 = arith.constant 0 : i32
      %parallel_loop3A_1205 = tpu.memref_slice %arg7[%parallel_loop3A_799, %parallel_loop3A_1203, %parallel_loop3A_1204] : memref<2x16x512xi32, #tpu.memory_space<vmem>> -> memref<1x16x512xi32, #tpu.memory_space<vmem>>
      %parallel_loop3A_1206 = tpu.memref_squeeze %parallel_loop3A_1205 : memref<1x16x512xi32, #tpu.memory_space<vmem>> -> memref<16x512xi32, #tpu.memory_space<vmem>>
      %parallel_loop3A_1207 = arith.index_cast %parallel_loop3A_1098 : i32 to index
      %parallel_loop3A_1208 = arith.index_cast %parallel_loop3A_1182 : i32 to index
      %parallel_loop3A_1209 = tpu.vector_load %parallel_loop3A_1206[%parallel_loop3A_1207, %parallel_loop3A_1208] {strides = array<i32>} : memref<16x512xi32, #tpu.memory_space<vmem>>, vector<1x16xi32>,
      %parallel_loop3A_1210 = vector.shape_cast %parallel_loop3A_1209 : vector<1x16xi32> to vector<16xi32>
      %parallel_loop3A_1211 = arith.constant 1 : i32
      %parallel_loop3A_1212 = arith.constant 0 : i32
      %parallel_loop3A_1213 = vector.broadcast %parallel_loop3A_1211 : i32 to vector<16xi32>
      %parallel_loop3A_1214 = vector.broadcast %parallel_loop3A_1212 : i32 to vector<16xi32>
      %parallel_loop3A_1215 = arith.select %parallel_loop3A_1202, %parallel_loop3A_1213, %parallel_loop3A_1214 : vector<16xi1>, vector<16xi32>
      %parallel_loop3A_1216 = arith.andi %parallel_loop3A_1215, %parallel_loop3A_1210 : vector<16xi32>
      %parallel_loop3A_1217 = arith.addi %parallel_loop3A_1087, %parallel_loop3A_1216 : vector<16xi32>
      %parallel_loop3A_1218 = arith.addi %parallel_loop3A_1091, %parallel_loop3A_1215 : vector<16xi32>
      %parallel_loop3A_1219 = arith.addi %parallel_loop3A_1095, %parallel_loop3A_1210 : vector<16xi32>
      %parallel_loop3A_1220 = arith.constant 48 : i32
      %parallel_loop3A_1221 = arith.addi %parallel_loop3A_1102, %parallel_loop3A_1220 : i32
      %parallel_loop3A_1222 = arith.constant 0 : i32
      %parallel_loop3A_1223 = arith.constant 0 : i32
      %parallel_loop3A_1224 = tpu.memref_slice %arg6[%parallel_loop3A_797, %parallel_loop3A_1222, %parallel_loop3A_1223] : memref<2x16x512xf32, #tpu.memory_space<vmem>> -> memref<1x16x512xf32, #tpu.memory_space<vmem>>
      %parallel_loop3A_1225 = tpu.memref_squeeze %parallel_loop3A_1224 : memref<1x16x512xf32, #tpu.memory_space<vmem>> -> memref<16x512xf32, #tpu.memory_space<vmem>>
      %parallel_loop3A_1226 = arith.index_cast %parallel_loop3A_1098 : i32 to index
      %parallel_loop3A_1227 = arith.index_cast %parallel_loop3A_1221 : i32 to index
      %parallel_loop3A_1228 = tpu.vector_load %parallel_loop3A_1225[%parallel_loop3A_1226, %parallel_loop3A_1227] {strides = array<i32>} : memref<16x512xf32, #tpu.memory_space<vmem>>, vector<1x16xf32>,
      %parallel_loop3A_1229 = vector.shape_cast %parallel_loop3A_1228 : vector<1x16xf32> to vector<16xf32>
      %parallel_loop3A_1230 = arith.constant 0 : i32
      %parallel_loop3A_1231 = arith.constant 0 : i32
      %parallel_loop3A_1232 = tpu.memref_slice %arg5[%parallel_loop3A_798, %parallel_loop3A_1230, %parallel_loop3A_1231] : memref<2x16x512xf32, #tpu.memory_space<vmem>> -> memref<1x16x512xf32, #tpu.memory_space<vmem>>
      %parallel_loop3A_1233 = tpu.memref_squeeze %parallel_loop3A_1232 : memref<1x16x512xf32, #tpu.memory_space<vmem>> -> memref<16x512xf32, #tpu.memory_space<vmem>>
      %parallel_loop3A_1234 = arith.index_cast %parallel_loop3A_1098 : i32 to index
      %parallel_loop3A_1235 = arith.index_cast %parallel_loop3A_1221 : i32 to index
      %parallel_loop3A_1236 = tpu.vector_load %parallel_loop3A_1233[%parallel_loop3A_1234, %parallel_loop3A_1235] {strides = array<i32>} : memref<16x512xf32, #tpu.memory_space<vmem>>, vector<1x16xf32>,
      %parallel_loop3A_1237 = vector.shape_cast %parallel_loop3A_1236 : vector<1x16xf32> to vector<16xf32>
      %parallel_loop3A_1238 = arith.subf %parallel_loop3A_1229, %parallel_loop3A_1237 : vector<16xf32>
      %parallel_loop3A_1239 = arith.constant 0.000000e+00 : f32
      %parallel_loop3A_1240 = vector.broadcast %parallel_loop3A_1239 : f32 to vector<16xf32>
      %parallel_loop3A_1241 = arith.cmpf ogt, %parallel_loop3A_1238, %parallel_loop3A_1240 : vector<16xf32>
      %parallel_loop3A_1242 = arith.constant 0 : i32
      %parallel_loop3A_1243 = arith.constant 0 : i32
      %parallel_loop3A_1244 = tpu.memref_slice %arg7[%parallel_loop3A_799, %parallel_loop3A_1242, %parallel_loop3A_1243] : memref<2x16x512xi32, #tpu.memory_space<vmem>> -> memref<1x16x512xi32, #tpu.memory_space<vmem>>
      %parallel_loop3A_1245 = tpu.memref_squeeze %parallel_loop3A_1244 : memref<1x16x512xi32, #tpu.memory_space<vmem>> -> memref<16x512xi32, #tpu.memory_space<vmem>>
      %parallel_loop3A_1246 = arith.index_cast %parallel_loop3A_1098 : i32 to index
      %parallel_loop3A_1247 = arith.index_cast %parallel_loop3A_1221 : i32 to index
      %parallel_loop3A_1248 = tpu.vector_load %parallel_loop3A_1245[%parallel_loop3A_1246, %parallel_loop3A_1247] {strides = array<i32>} : memref<16x512xi32, #tpu.memory_space<vmem>>, vector<1x16xi32>,
      %parallel_loop3A_1249 = vector.shape_cast %parallel_loop3A_1248 : vector<1x16xi32> to vector<16xi32>
      %parallel_loop3A_1250 = arith.constant 1 : i32
      %parallel_loop3A_1251 = arith.constant 0 : i32
      %parallel_loop3A_1252 = vector.broadcast %parallel_loop3A_1250 : i32 to vector<16xi32>
      %parallel_loop3A_1253 = vector.broadcast %parallel_loop3A_1251 : i32 to vector<16xi32>
      %parallel_loop3A_1254 = arith.select %parallel_loop3A_1241, %parallel_loop3A_1252, %parallel_loop3A_1253 : vector<16xi1>, vector<16xi32>
      %parallel_loop3A_1255 = arith.andi %parallel_loop3A_1254, %parallel_loop3A_1249 : vector<16xi32>
      %parallel_loop3A_1256 = arith.addi %parallel_loop3A_1088, %parallel_loop3A_1255 : vector<16xi32>
      %parallel_loop3A_1257 = arith.addi %parallel_loop3A_1092, %parallel_loop3A_1254 : vector<16xi32>
      %parallel_loop3A_1258 = arith.addi %parallel_loop3A_1096, %parallel_loop3A_1249 : vector<16xi32>
      scf.yield %parallel_loop3A_1139, %parallel_loop3A_1178, %parallel_loop3A_1217, %parallel_loop3A_1256, %parallel_loop3A_1140, %parallel_loop3A_1179, %parallel_loop3A_1218, %parallel_loop3A_1257, %parallel_loop3A_1141, %parallel_loop3A_1180, %parallel_loop3A_1219, %parallel_loop3A_1258 : vector<16xi32>, vector<16xi32>, vector<16xi32>, vector<16xi32>, vector<16xi32>, vector<16xi32>, vector<16xi32>, vector<16xi32>, vector<16xi32>, vector<16xi32>, vector<16xi32>, vector<16xi32>
    } {sc.loop_unroll_factor = 2 : i64, sc.parallel_access}
    %dma_wait3A_801 = arith.constant 0 : i32
    %dma_wait3A_802 = arith.constant 1 : i32
    %dma_wait3A_803 = arith.constant 0 : i32
    %dma_wait3A_804 = arith.constant 0 : i32
    %dma_wait3A_805 = tpu.memref_slice %arg5[%dma_wait3A_802, %dma_wait3A_803, %dma_wait3A_804] : memref<2x16x512xf32, #tpu.memory_space<vmem>> -> memref<1x16x512xf32, #tpu.memory_space<vmem>>
    %dma_wait3A_806 = tpu.memref_squeeze %dma_wait3A_805 : memref<1x16x512xf32, #tpu.memory_space<vmem>> -> memref<16x512xf32, #tpu.memory_space<vmem>>
    %dma_wait3A_807 = arith.constant 0 : i32
    %dma_wait3A_808 = tpu.memref_slice %arg2[%add3A, %dma_wait3A_801, %add3A_699, %dma_wait3A_807] : memref<16x2x512x512xf32, #tpu.memory_space<hbm>> -> memref<1x1x16x512xf32, #tpu.memory_space<hbm>>
    %dma_wait3A_809 = tpu.memref_squeeze %dma_wait3A_808 : memref<1x1x16x512xf32, #tpu.memory_space<hbm>> -> memref<16x512xf32, #tpu.memory_space<hbm>>
    %dma_wait3A_810 = arith.constant 0 : i32
    %dma_wait3A_811 = arith.constant 0 : i32
    %dma_wait3A_812 = tpu.memref_slice %arg5[%dma_wait3A_802, %dma_wait3A_810, %dma_wait3A_811] : memref<2x16x512xf32, #tpu.memory_space<vmem>> -> memref<1x16x512xf32, #tpu.memory_space<vmem>>
    %dma_wait3A_813 = tpu.memref_squeeze %dma_wait3A_812 : memref<1x16x512xf32, #tpu.memory_space<vmem>> -> memref<16x512xf32, #tpu.memory_space<vmem>>
    %dma_wait3A_814 = arith.constant 0 : i32
    %dma_wait3A_815 = tpu.memref_slice %arg2[%add3A, %dma_wait3A_801, %add3A_699, %dma_wait3A_814] : memref<16x2x512x512xf32, #tpu.memory_space<hbm>> -> memref<1x1x16x512xf32, #tpu.memory_space<hbm>>
    %dma_wait3A_816 = tpu.memref_squeeze %dma_wait3A_815 : memref<1x1x16x512xf32, #tpu.memory_space<hbm>> -> memref<16x512xf32, #tpu.memory_space<hbm>>
    tpu.wait_dma2 semaphore(%arg13 : memref<!tpu.dma_semaphore, #tpu.memory_space<semaphore_mem>>) src(%dma_wait3A_816 : memref<16x512xf32, #tpu.memory_space<hbm>>) dst(%dma_wait3A_813 : memref<16x512xf32, #tpu.memory_space<vmem>>)
    %dma_wait3A_817 = arith.constant 1 : i32
    %dma_wait3A_818 = arith.constant 1 : i32
    %dma_wait3A_819 = arith.constant 0 : i32
    %dma_wait3A_820 = arith.constant 0 : i32
    %dma_wait3A_821 = tpu.memref_slice %arg6[%dma_wait3A_818, %dma_wait3A_819, %dma_wait3A_820] : memref<2x16x512xf32, #tpu.memory_space<vmem>> -> memref<1x16x512xf32, #tpu.memory_space<vmem>>
    %dma_wait3A_822 = tpu.memref_squeeze %dma_wait3A_821 : memref<1x16x512xf32, #tpu.memory_space<vmem>> -> memref<16x512xf32, #tpu.memory_space<vmem>>
    %dma_wait3A_823 = arith.constant 0 : i32
    %dma_wait3A_824 = tpu.memref_slice %arg2[%add3A, %dma_wait3A_817, %add3A_699, %dma_wait3A_823] : memref<16x2x512x512xf32, #tpu.memory_space<hbm>> -> memref<1x1x16x512xf32, #tpu.memory_space<hbm>>
    %dma_wait3A_825 = tpu.memref_squeeze %dma_wait3A_824 : memref<1x1x16x512xf32, #tpu.memory_space<hbm>> -> memref<16x512xf32, #tpu.memory_space<hbm>>
    %dma_wait3A_826 = arith.constant 0 : i32
    %dma_wait3A_827 = arith.constant 0 : i32
    %dma_wait3A_828 = tpu.memref_slice %arg6[%dma_wait3A_818, %dma_wait3A_826, %dma_wait3A_827] : memref<2x16x512xf32, #tpu.memory_space<vmem>> -> memref<1x16x512xf32, #tpu.memory_space<vmem>>
    %dma_wait3A_829 = tpu.memref_squeeze %dma_wait3A_828 : memref<1x16x512xf32, #tpu.memory_space<vmem>> -> memref<16x512xf32, #tpu.memory_space<vmem>>
    %dma_wait3A_830 = arith.constant 0 : i32
    %dma_wait3A_831 = tpu.memref_slice %arg2[%add3A, %dma_wait3A_817, %add3A_699, %dma_wait3A_830] : memref<16x2x512x512xf32, #tpu.memory_space<hbm>> -> memref<1x1x16x512xf32, #tpu.memory_space<hbm>>
    %dma_wait3A_832 = tpu.memref_squeeze %dma_wait3A_831 : memref<1x1x16x512xf32, #tpu.memory_space<hbm>> -> memref<16x512xf32, #tpu.memory_space<hbm>>
    tpu.wait_dma2 semaphore(%arg13 : memref<!tpu.dma_semaphore, #tpu.memory_space<semaphore_mem>>) src(%dma_wait3A_832 : memref<16x512xf32, #tpu.memory_space<hbm>>) dst(%dma_wait3A_829 : memref<16x512xf32, #tpu.memory_space<vmem>>)
    %dma_wait3A_833 = arith.constant 1 : i32
    %dma_wait3A_834 = arith.constant 0 : i32
    %dma_wait3A_835 = arith.constant 0 : i32
    %dma_wait3A_836 = tpu.memref_slice %arg7[%dma_wait3A_833, %dma_wait3A_834, %dma_wait3A_835] : memref<2x16x512xi32, #tpu.memory_space<vmem>> -> memref<1x16x512xi32, #tpu.memory_space<vmem>>
    %dma_wait3A_837 = tpu.memref_squeeze %dma_wait3A_836 : memref<1x16x512xi32, #tpu.memory_space<vmem>> -> memref<16x512xi32, #tpu.memory_space<vmem>>
    %dma_wait3A_838 = arith.constant 0 : i32
    %dma_wait3A_839 = tpu.memref_slice %arg3[%add3A, %add3A_699, %dma_wait3A_838] : memref<16x512x512xi32, #tpu.memory_space<hbm>> -> memref<1x16x512xi32, #tpu.memory_space<hbm>>
    %dma_wait3A_840 = tpu.memref_squeeze %dma_wait3A_839 : memref<1x16x512xi32, #tpu.memory_space<hbm>> -> memref<16x512xi32, #tpu.memory_space<hbm>>
    %dma_wait3A_841 = arith.constant 0 : i32
    %dma_wait3A_842 = arith.constant 0 : i32
    %dma_wait3A_843 = tpu.memref_slice %arg7[%dma_wait3A_833, %dma_wait3A_841, %dma_wait3A_842] : memref<2x16x512xi32, #tpu.memory_space<vmem>> -> memref<1x16x512xi32, #tpu.memory_space<vmem>>
    %dma_wait3A_844 = tpu.memref_squeeze %dma_wait3A_843 : memref<1x16x512xi32, #tpu.memory_space<vmem>> -> memref<16x512xi32, #tpu.memory_space<vmem>>
    %dma_wait3A_845 = arith.constant 0 : i32
    %dma_wait3A_846 = tpu.memref_slice %arg3[%add3A, %add3A_699, %dma_wait3A_845] : memref<16x512x512xi32, #tpu.memory_space<hbm>> -> memref<1x16x512xi32, #tpu.memory_space<hbm>>
    %dma_wait3A_847 = tpu.memref_squeeze %dma_wait3A_846 : memref<1x16x512xi32, #tpu.memory_space<hbm>> -> memref<16x512xi32, #tpu.memory_space<hbm>>
    tpu.wait_dma2 semaphore(%arg13 : memref<!tpu.dma_semaphore, #tpu.memory_space<semaphore_mem>>) src(%dma_wait3A_847 : memref<16x512xi32, #tpu.memory_space<hbm>>) dst(%dma_wait3A_844 : memref<16x512xi32, #tpu.memory_space<vmem>>)
    %parallel_loop3A_848 = arith.constant 0 : i32
    %parallel_loop3A_849 = arith.constant 128 : i32
    %parallel_loop3A_850 = arith.constant 1 : i32
    %parallel_loop3A_851 = arith.constant 1 : i32
    %parallel_loop3A_852 = arith.constant 1 : i32
    %parallel_loop3A_853 = arith.constant 1 : i32
    %parallel_loop3A_854:12 = scf.for %parallel_loop3A_1084 = %parallel_loop3A_848 to %parallel_loop3A_849 step %parallel_loop3A_850 iter_args(%parallel_loop3A_1085 = %parallel_loop3A_800#0, %parallel_loop3A_1086 = %parallel_loop3A_800#1, %parallel_loop3A_1087 = %parallel_loop3A_800#2, %parallel_loop3A_1088 = %parallel_loop3A_800#3, %parallel_loop3A_1089 = %parallel_loop3A_800#4, %parallel_loop3A_1090 = %parallel_loop3A_800#5, %parallel_loop3A_1091 = %parallel_loop3A_800#6, %parallel_loop3A_1092 = %parallel_loop3A_800#7, %parallel_loop3A_1093 = %parallel_loop3A_800#8, %parallel_loop3A_1094 = %parallel_loop3A_800#9, %parallel_loop3A_1095 = %parallel_loop3A_800#10, %parallel_loop3A_1096 = %parallel_loop3A_800#11) -> (vector<16xi32>, vector<16xi32>, vector<16xi32>, vector<16xi32>, vector<16xi32>, vector<16xi32>, vector<16xi32>, vector<16xi32>, vector<16xi32>, vector<16xi32>, vector<16xi32>, vector<16xi32>)  : i32 {
      %parallel_loop3A_1097 = arith.constant 3 : i32
      %parallel_loop3A_1098 = arith.shrsi %parallel_loop3A_1084, %parallel_loop3A_1097 : i32
      %parallel_loop3A_1099 = arith.constant 7 : i32
      %parallel_loop3A_1100 = arith.andi %parallel_loop3A_1084, %parallel_loop3A_1099 : i32
      %parallel_loop3A_1101 = arith.constant 64 : i32
      %parallel_loop3A_1102 = arith.muli %parallel_loop3A_1100, %parallel_loop3A_1101 : i32
      %parallel_loop3A_1103 = arith.constant 0 : i32
      %parallel_loop3A_1104 = arith.addi %parallel_loop3A_1102, %parallel_loop3A_1103 : i32
      %parallel_loop3A_1105 = arith.constant 0 : i32
      %parallel_loop3A_1106 = arith.constant 0 : i32
      %parallel_loop3A_1107 = tpu.memref_slice %arg6[%parallel_loop3A_851, %parallel_loop3A_1105, %parallel_loop3A_1106] : memref<2x16x512xf32, #tpu.memory_space<vmem>> -> memref<1x16x512xf32, #tpu.memory_space<vmem>>
      %parallel_loop3A_1108 = tpu.memref_squeeze %parallel_loop3A_1107 : memref<1x16x512xf32, #tpu.memory_space<vmem>> -> memref<16x512xf32, #tpu.memory_space<vmem>>
      %parallel_loop3A_1109 = arith.index_cast %parallel_loop3A_1098 : i32 to index
      %parallel_loop3A_1110 = arith.index_cast %parallel_loop3A_1104 : i32 to index
      %parallel_loop3A_1111 = tpu.vector_load %parallel_loop3A_1108[%parallel_loop3A_1109, %parallel_loop3A_1110] {strides = array<i32>} : memref<16x512xf32, #tpu.memory_space<vmem>>, vector<1x16xf32>,
      %parallel_loop3A_1112 = vector.shape_cast %parallel_loop3A_1111 : vector<1x16xf32> to vector<16xf32>
      %parallel_loop3A_1113 = arith.constant 0 : i32
      %parallel_loop3A_1114 = arith.constant 0 : i32
      %parallel_loop3A_1115 = tpu.memref_slice %arg5[%parallel_loop3A_852, %parallel_loop3A_1113, %parallel_loop3A_1114] : memref<2x16x512xf32, #tpu.memory_space<vmem>> -> memref<1x16x512xf32, #tpu.memory_space<vmem>>
      %parallel_loop3A_1116 = tpu.memref_squeeze %parallel_loop3A_1115 : memref<1x16x512xf32, #tpu.memory_space<vmem>> -> memref<16x512xf32, #tpu.memory_space<vmem>>
      %parallel_loop3A_1117 = arith.index_cast %parallel_loop3A_1098 : i32 to index
      %parallel_loop3A_1118 = arith.index_cast %parallel_loop3A_1104 : i32 to index
      %parallel_loop3A_1119 = tpu.vector_load %parallel_loop3A_1116[%parallel_loop3A_1117, %parallel_loop3A_1118] {strides = array<i32>} : memref<16x512xf32, #tpu.memory_space<vmem>>, vector<1x16xf32>,
      %parallel_loop3A_1120 = vector.shape_cast %parallel_loop3A_1119 : vector<1x16xf32> to vector<16xf32>
      %parallel_loop3A_1121 = arith.subf %parallel_loop3A_1112, %parallel_loop3A_1120 : vector<16xf32>
      %parallel_loop3A_1122 = arith.constant 0.000000e+00 : f32
      %parallel_loop3A_1123 = vector.broadcast %parallel_loop3A_1122 : f32 to vector<16xf32>
      %parallel_loop3A_1124 = arith.cmpf ogt, %parallel_loop3A_1121, %parallel_loop3A_1123 : vector<16xf32>
      %parallel_loop3A_1125 = arith.constant 0 : i32
      %parallel_loop3A_1126 = arith.constant 0 : i32
      %parallel_loop3A_1127 = tpu.memref_slice %arg7[%parallel_loop3A_853, %parallel_loop3A_1125, %parallel_loop3A_1126] : memref<2x16x512xi32, #tpu.memory_space<vmem>> -> memref<1x16x512xi32, #tpu.memory_space<vmem>>
      %parallel_loop3A_1128 = tpu.memref_squeeze %parallel_loop3A_1127 : memref<1x16x512xi32, #tpu.memory_space<vmem>> -> memref<16x512xi32, #tpu.memory_space<vmem>>
      %parallel_loop3A_1129 = arith.index_cast %parallel_loop3A_1098 : i32 to index
      %parallel_loop3A_1130 = arith.index_cast %parallel_loop3A_1104 : i32 to index
      %parallel_loop3A_1131 = tpu.vector_load %parallel_loop3A_1128[%parallel_loop3A_1129, %parallel_loop3A_1130] {strides = array<i32>} : memref<16x512xi32, #tpu.memory_space<vmem>>, vector<1x16xi32>,
      %parallel_loop3A_1132 = vector.shape_cast %parallel_loop3A_1131 : vector<1x16xi32> to vector<16xi32>
      %parallel_loop3A_1133 = arith.constant 1 : i32
      %parallel_loop3A_1134 = arith.constant 0 : i32
      %parallel_loop3A_1135 = vector.broadcast %parallel_loop3A_1133 : i32 to vector<16xi32>
      %parallel_loop3A_1136 = vector.broadcast %parallel_loop3A_1134 : i32 to vector<16xi32>
      %parallel_loop3A_1137 = arith.select %parallel_loop3A_1124, %parallel_loop3A_1135, %parallel_loop3A_1136 : vector<16xi1>, vector<16xi32>
      %parallel_loop3A_1138 = arith.andi %parallel_loop3A_1137, %parallel_loop3A_1132 : vector<16xi32>
      %parallel_loop3A_1139 = arith.addi %parallel_loop3A_1085, %parallel_loop3A_1138 : vector<16xi32>
      %parallel_loop3A_1140 = arith.addi %parallel_loop3A_1089, %parallel_loop3A_1137 : vector<16xi32>
      %parallel_loop3A_1141 = arith.addi %parallel_loop3A_1093, %parallel_loop3A_1132 : vector<16xi32>
      %parallel_loop3A_1142 = arith.constant 16 : i32
      %parallel_loop3A_1143 = arith.addi %parallel_loop3A_1102, %parallel_loop3A_1142 : i32
      %parallel_loop3A_1144 = arith.constant 0 : i32
      %parallel_loop3A_1145 = arith.constant 0 : i32
      %parallel_loop3A_1146 = tpu.memref_slice %arg6[%parallel_loop3A_851, %parallel_loop3A_1144, %parallel_loop3A_1145] : memref<2x16x512xf32, #tpu.memory_space<vmem>> -> memref<1x16x512xf32, #tpu.memory_space<vmem>>
      %parallel_loop3A_1147 = tpu.memref_squeeze %parallel_loop3A_1146 : memref<1x16x512xf32, #tpu.memory_space<vmem>> -> memref<16x512xf32, #tpu.memory_space<vmem>>
      %parallel_loop3A_1148 = arith.index_cast %parallel_loop3A_1098 : i32 to index
      %parallel_loop3A_1149 = arith.index_cast %parallel_loop3A_1143 : i32 to index
      %parallel_loop3A_1150 = tpu.vector_load %parallel_loop3A_1147[%parallel_loop3A_1148, %parallel_loop3A_1149] {strides = array<i32>} : memref<16x512xf32, #tpu.memory_space<vmem>>, vector<1x16xf32>,
      %parallel_loop3A_1151 = vector.shape_cast %parallel_loop3A_1150 : vector<1x16xf32> to vector<16xf32>
      %parallel_loop3A_1152 = arith.constant 0 : i32
      %parallel_loop3A_1153 = arith.constant 0 : i32
      %parallel_loop3A_1154 = tpu.memref_slice %arg5[%parallel_loop3A_852, %parallel_loop3A_1152, %parallel_loop3A_1153] : memref<2x16x512xf32, #tpu.memory_space<vmem>> -> memref<1x16x512xf32, #tpu.memory_space<vmem>>
      %parallel_loop3A_1155 = tpu.memref_squeeze %parallel_loop3A_1154 : memref<1x16x512xf32, #tpu.memory_space<vmem>> -> memref<16x512xf32, #tpu.memory_space<vmem>>
      %parallel_loop3A_1156 = arith.index_cast %parallel_loop3A_1098 : i32 to index
      %parallel_loop3A_1157 = arith.index_cast %parallel_loop3A_1143 : i32 to index
      %parallel_loop3A_1158 = tpu.vector_load %parallel_loop3A_1155[%parallel_loop3A_1156, %parallel_loop3A_1157] {strides = array<i32>} : memref<16x512xf32, #tpu.memory_space<vmem>>, vector<1x16xf32>,
      %parallel_loop3A_1159 = vector.shape_cast %parallel_loop3A_1158 : vector<1x16xf32> to vector<16xf32>
      %parallel_loop3A_1160 = arith.subf %parallel_loop3A_1151, %parallel_loop3A_1159 : vector<16xf32>
      %parallel_loop3A_1161 = arith.constant 0.000000e+00 : f32
      %parallel_loop3A_1162 = vector.broadcast %parallel_loop3A_1161 : f32 to vector<16xf32>
      %parallel_loop3A_1163 = arith.cmpf ogt, %parallel_loop3A_1160, %parallel_loop3A_1162 : vector<16xf32>
      %parallel_loop3A_1164 = arith.constant 0 : i32
      %parallel_loop3A_1165 = arith.constant 0 : i32
      %parallel_loop3A_1166 = tpu.memref_slice %arg7[%parallel_loop3A_853, %parallel_loop3A_1164, %parallel_loop3A_1165] : memref<2x16x512xi32, #tpu.memory_space<vmem>> -> memref<1x16x512xi32, #tpu.memory_space<vmem>>
      %parallel_loop3A_1167 = tpu.memref_squeeze %parallel_loop3A_1166 : memref<1x16x512xi32, #tpu.memory_space<vmem>> -> memref<16x512xi32, #tpu.memory_space<vmem>>
      %parallel_loop3A_1168 = arith.index_cast %parallel_loop3A_1098 : i32 to index
      %parallel_loop3A_1169 = arith.index_cast %parallel_loop3A_1143 : i32 to index
      %parallel_loop3A_1170 = tpu.vector_load %parallel_loop3A_1167[%parallel_loop3A_1168, %parallel_loop3A_1169] {strides = array<i32>} : memref<16x512xi32, #tpu.memory_space<vmem>>, vector<1x16xi32>,
      %parallel_loop3A_1171 = vector.shape_cast %parallel_loop3A_1170 : vector<1x16xi32> to vector<16xi32>
      %parallel_loop3A_1172 = arith.constant 1 : i32
      %parallel_loop3A_1173 = arith.constant 0 : i32
      %parallel_loop3A_1174 = vector.broadcast %parallel_loop3A_1172 : i32 to vector<16xi32>
      %parallel_loop3A_1175 = vector.broadcast %parallel_loop3A_1173 : i32 to vector<16xi32>
      %parallel_loop3A_1176 = arith.select %parallel_loop3A_1163, %parallel_loop3A_1174, %parallel_loop3A_1175 : vector<16xi1>, vector<16xi32>
      %parallel_loop3A_1177 = arith.andi %parallel_loop3A_1176, %parallel_loop3A_1171 : vector<16xi32>
      %parallel_loop3A_1178 = arith.addi %parallel_loop3A_1086, %parallel_loop3A_1177 : vector<16xi32>
      %parallel_loop3A_1179 = arith.addi %parallel_loop3A_1090, %parallel_loop3A_1176 : vector<16xi32>
      %parallel_loop3A_1180 = arith.addi %parallel_loop3A_1094, %parallel_loop3A_1171 : vector<16xi32>
      %parallel_loop3A_1181 = arith.constant 32 : i32
      %parallel_loop3A_1182 = arith.addi %parallel_loop3A_1102, %parallel_loop3A_1181 : i32
      %parallel_loop3A_1183 = arith.constant 0 : i32
      %parallel_loop3A_1184 = arith.constant 0 : i32
      %parallel_loop3A_1185 = tpu.memref_slice %arg6[%parallel_loop3A_851, %parallel_loop3A_1183, %parallel_loop3A_1184] : memref<2x16x512xf32, #tpu.memory_space<vmem>> -> memref<1x16x512xf32, #tpu.memory_space<vmem>>
      %parallel_loop3A_1186 = tpu.memref_squeeze %parallel_loop3A_1185 : memref<1x16x512xf32, #tpu.memory_space<vmem>> -> memref<16x512xf32, #tpu.memory_space<vmem>>
      %parallel_loop3A_1187 = arith.index_cast %parallel_loop3A_1098 : i32 to index
      %parallel_loop3A_1188 = arith.index_cast %parallel_loop3A_1182 : i32 to index
      %parallel_loop3A_1189 = tpu.vector_load %parallel_loop3A_1186[%parallel_loop3A_1187, %parallel_loop3A_1188] {strides = array<i32>} : memref<16x512xf32, #tpu.memory_space<vmem>>, vector<1x16xf32>,
      %parallel_loop3A_1190 = vector.shape_cast %parallel_loop3A_1189 : vector<1x16xf32> to vector<16xf32>
      %parallel_loop3A_1191 = arith.constant 0 : i32
      %parallel_loop3A_1192 = arith.constant 0 : i32
      %parallel_loop3A_1193 = tpu.memref_slice %arg5[%parallel_loop3A_852, %parallel_loop3A_1191, %parallel_loop3A_1192] : memref<2x16x512xf32, #tpu.memory_space<vmem>> -> memref<1x16x512xf32, #tpu.memory_space<vmem>>
      %parallel_loop3A_1194 = tpu.memref_squeeze %parallel_loop3A_1193 : memref<1x16x512xf32, #tpu.memory_space<vmem>> -> memref<16x512xf32, #tpu.memory_space<vmem>>
      %parallel_loop3A_1195 = arith.index_cast %parallel_loop3A_1098 : i32 to index
      %parallel_loop3A_1196 = arith.index_cast %parallel_loop3A_1182 : i32 to index
      %parallel_loop3A_1197 = tpu.vector_load %parallel_loop3A_1194[%parallel_loop3A_1195, %parallel_loop3A_1196] {strides = array<i32>} : memref<16x512xf32, #tpu.memory_space<vmem>>, vector<1x16xf32>,
      %parallel_loop3A_1198 = vector.shape_cast %parallel_loop3A_1197 : vector<1x16xf32> to vector<16xf32>
      %parallel_loop3A_1199 = arith.subf %parallel_loop3A_1190, %parallel_loop3A_1198 : vector<16xf32>
      %parallel_loop3A_1200 = arith.constant 0.000000e+00 : f32
      %parallel_loop3A_1201 = vector.broadcast %parallel_loop3A_1200 : f32 to vector<16xf32>
      %parallel_loop3A_1202 = arith.cmpf ogt, %parallel_loop3A_1199, %parallel_loop3A_1201 : vector<16xf32>
      %parallel_loop3A_1203 = arith.constant 0 : i32
      %parallel_loop3A_1204 = arith.constant 0 : i32
      %parallel_loop3A_1205 = tpu.memref_slice %arg7[%parallel_loop3A_853, %parallel_loop3A_1203, %parallel_loop3A_1204] : memref<2x16x512xi32, #tpu.memory_space<vmem>> -> memref<1x16x512xi32, #tpu.memory_space<vmem>>
      %parallel_loop3A_1206 = tpu.memref_squeeze %parallel_loop3A_1205 : memref<1x16x512xi32, #tpu.memory_space<vmem>> -> memref<16x512xi32, #tpu.memory_space<vmem>>
      %parallel_loop3A_1207 = arith.index_cast %parallel_loop3A_1098 : i32 to index
      %parallel_loop3A_1208 = arith.index_cast %parallel_loop3A_1182 : i32 to index
      %parallel_loop3A_1209 = tpu.vector_load %parallel_loop3A_1206[%parallel_loop3A_1207, %parallel_loop3A_1208] {strides = array<i32>} : memref<16x512xi32, #tpu.memory_space<vmem>>, vector<1x16xi32>,
      %parallel_loop3A_1210 = vector.shape_cast %parallel_loop3A_1209 : vector<1x16xi32> to vector<16xi32>
      %parallel_loop3A_1211 = arith.constant 1 : i32
      %parallel_loop3A_1212 = arith.constant 0 : i32
      %parallel_loop3A_1213 = vector.broadcast %parallel_loop3A_1211 : i32 to vector<16xi32>
      %parallel_loop3A_1214 = vector.broadcast %parallel_loop3A_1212 : i32 to vector<16xi32>
      %parallel_loop3A_1215 = arith.select %parallel_loop3A_1202, %parallel_loop3A_1213, %parallel_loop3A_1214 : vector<16xi1>, vector<16xi32>
      %parallel_loop3A_1216 = arith.andi %parallel_loop3A_1215, %parallel_loop3A_1210 : vector<16xi32>
      %parallel_loop3A_1217 = arith.addi %parallel_loop3A_1087, %parallel_loop3A_1216 : vector<16xi32>
      %parallel_loop3A_1218 = arith.addi %parallel_loop3A_1091, %parallel_loop3A_1215 : vector<16xi32>
      %parallel_loop3A_1219 = arith.addi %parallel_loop3A_1095, %parallel_loop3A_1210 : vector<16xi32>
      %parallel_loop3A_1220 = arith.constant 48 : i32
      %parallel_loop3A_1221 = arith.addi %parallel_loop3A_1102, %parallel_loop3A_1220 : i32
      %parallel_loop3A_1222 = arith.constant 0 : i32
      %parallel_loop3A_1223 = arith.constant 0 : i32
      %parallel_loop3A_1224 = tpu.memref_slice %arg6[%parallel_loop3A_851, %parallel_loop3A_1222, %parallel_loop3A_1223] : memref<2x16x512xf32, #tpu.memory_space<vmem>> -> memref<1x16x512xf32, #tpu.memory_space<vmem>>
      %parallel_loop3A_1225 = tpu.memref_squeeze %parallel_loop3A_1224 : memref<1x16x512xf32, #tpu.memory_space<vmem>> -> memref<16x512xf32, #tpu.memory_space<vmem>>
      %parallel_loop3A_1226 = arith.index_cast %parallel_loop3A_1098 : i32 to index
      %parallel_loop3A_1227 = arith.index_cast %parallel_loop3A_1221 : i32 to index
      %parallel_loop3A_1228 = tpu.vector_load %parallel_loop3A_1225[%parallel_loop3A_1226, %parallel_loop3A_1227] {strides = array<i32>} : memref<16x512xf32, #tpu.memory_space<vmem>>, vector<1x16xf32>,
      %parallel_loop3A_1229 = vector.shape_cast %parallel_loop3A_1228 : vector<1x16xf32> to vector<16xf32>
      %parallel_loop3A_1230 = arith.constant 0 : i32
      %parallel_loop3A_1231 = arith.constant 0 : i32
      %parallel_loop3A_1232 = tpu.memref_slice %arg5[%parallel_loop3A_852, %parallel_loop3A_1230, %parallel_loop3A_1231] : memref<2x16x512xf32, #tpu.memory_space<vmem>> -> memref<1x16x512xf32, #tpu.memory_space<vmem>>
      %parallel_loop3A_1233 = tpu.memref_squeeze %parallel_loop3A_1232 : memref<1x16x512xf32, #tpu.memory_space<vmem>> -> memref<16x512xf32, #tpu.memory_space<vmem>>
      %parallel_loop3A_1234 = arith.index_cast %parallel_loop3A_1098 : i32 to index
      %parallel_loop3A_1235 = arith.index_cast %parallel_loop3A_1221 : i32 to index
      %parallel_loop3A_1236 = tpu.vector_load %parallel_loop3A_1233[%parallel_loop3A_1234, %parallel_loop3A_1235] {strides = array<i32>} : memref<16x512xf32, #tpu.memory_space<vmem>>, vector<1x16xf32>,
      %parallel_loop3A_1237 = vector.shape_cast %parallel_loop3A_1236 : vector<1x16xf32> to vector<16xf32>
      %parallel_loop3A_1238 = arith.subf %parallel_loop3A_1229, %parallel_loop3A_1237 : vector<16xf32>
      %parallel_loop3A_1239 = arith.constant 0.000000e+00 : f32
      %parallel_loop3A_1240 = vector.broadcast %parallel_loop3A_1239 : f32 to vector<16xf32>
      %parallel_loop3A_1241 = arith.cmpf ogt, %parallel_loop3A_1238, %parallel_loop3A_1240 : vector<16xf32>
      %parallel_loop3A_1242 = arith.constant 0 : i32
      %parallel_loop3A_1243 = arith.constant 0 : i32
      %parallel_loop3A_1244 = tpu.memref_slice %arg7[%parallel_loop3A_853, %parallel_loop3A_1242, %parallel_loop3A_1243] : memref<2x16x512xi32, #tpu.memory_space<vmem>> -> memref<1x16x512xi32, #tpu.memory_space<vmem>>
      %parallel_loop3A_1245 = tpu.memref_squeeze %parallel_loop3A_1244 : memref<1x16x512xi32, #tpu.memory_space<vmem>> -> memref<16x512xi32, #tpu.memory_space<vmem>>
      %parallel_loop3A_1246 = arith.index_cast %parallel_loop3A_1098 : i32 to index
      %parallel_loop3A_1247 = arith.index_cast %parallel_loop3A_1221 : i32 to index
      %parallel_loop3A_1248 = tpu.vector_load %parallel_loop3A_1245[%parallel_loop3A_1246, %parallel_loop3A_1247] {strides = array<i32>} : memref<16x512xi32, #tpu.memory_space<vmem>>, vector<1x16xi32>,
      %parallel_loop3A_1249 = vector.shape_cast %parallel_loop3A_1248 : vector<1x16xi32> to vector<16xi32>
      %parallel_loop3A_1250 = arith.constant 1 : i32
      %parallel_loop3A_1251 = arith.constant 0 : i32
      %parallel_loop3A_1252 = vector.broadcast %parallel_loop3A_1250 : i32 to vector<16xi32>
      %parallel_loop3A_1253 = vector.broadcast %parallel_loop3A_1251 : i32 to vector<16xi32>
      %parallel_loop3A_1254 = arith.select %parallel_loop3A_1241, %parallel_loop3A_1252, %parallel_loop3A_1253 : vector<16xi1>, vector<16xi32>
      %parallel_loop3A_1255 = arith.andi %parallel_loop3A_1254, %parallel_loop3A_1249 : vector<16xi32>
      %parallel_loop3A_1256 = arith.addi %parallel_loop3A_1088, %parallel_loop3A_1255 : vector<16xi32>
      %parallel_loop3A_1257 = arith.addi %parallel_loop3A_1092, %parallel_loop3A_1254 : vector<16xi32>
      %parallel_loop3A_1258 = arith.addi %parallel_loop3A_1096, %parallel_loop3A_1249 : vector<16xi32>
      scf.yield %parallel_loop3A_1139, %parallel_loop3A_1178, %parallel_loop3A_1217, %parallel_loop3A_1256, %parallel_loop3A_1140, %parallel_loop3A_1179, %parallel_loop3A_1218, %parallel_loop3A_1257, %parallel_loop3A_1141, %parallel_loop3A_1180, %parallel_loop3A_1219, %parallel_loop3A_1258 : vector<16xi32>, vector<16xi32>, vector<16xi32>, vector<16xi32>, vector<16xi32>, vector<16xi32>, vector<16xi32>, vector<16xi32>, vector<16xi32>, vector<16xi32>, vector<16xi32>, vector<16xi32>
    } {sc.loop_unroll_factor = 2 : i64, sc.parallel_access}
    %add3A_855 = arith.addi %parallel_loop3A_854#0, %parallel_loop3A_854#1 : vector<16xi32>
    %add3A_856 = arith.addi %add3A_855, %parallel_loop3A_854#2 : vector<16xi32>
    %add3A_857 = arith.addi %add3A_856, %parallel_loop3A_854#3 : vector<16xi32>
    %convert_element_type3A = arith.sitofp %add3A_857 : vector<16xi32> to vector<16xf32>
    %add3A_858 = arith.addi %parallel_loop3A_854#4, %parallel_loop3A_854#5 : vector<16xi32>
    %add3A_859 = arith.addi %add3A_858, %parallel_loop3A_854#6 : vector<16xi32>
    %add3A_860 = arith.addi %add3A_859, %parallel_loop3A_854#7 : vector<16xi32>
    %convert_element_type3A_861 = arith.sitofp %add3A_860 : vector<16xi32> to vector<16xf32>
    %add3A_862 = arith.addi %parallel_loop3A_854#8, %parallel_loop3A_854#9 : vector<16xi32>
    %add3A_863 = arith.addi %add3A_862, %parallel_loop3A_854#10 : vector<16xi32>
    %add3A_864 = arith.addi %add3A_863, %parallel_loop3A_854#11 : vector<16xi32>
    %convert_element_type3A_865 = arith.sitofp %add3A_864 : vector<16xi32> to vector<16xf32>
    %iota3A = tpu.iota {dimensions = array<i32: 0>} : vector<16xi32>
    %xor3A = arith.constant 8 : i32
    %xor3A_866 = vector.broadcast %xor3A : i32 to vector<16xi32>
    %xor3A_867 = arith.xori %iota3A, %xor3A_866 : vector<16xi32>
    %lt3A_868 = arith.constant 0 : i32
    %lt3A_869 = vector.broadcast %lt3A_868 : i32 to vector<16xi32>
    %lt3A_870 = arith.cmpi slt, %xor3A_867, %lt3A_869 : vector<16xi32>
    %add3A_871 = arith.constant 16 : i32
    %add3A_872 = vector.broadcast %add3A_871 : i32 to vector<16xi32>
    %add3A_873 = arith.addi %xor3A_867, %add3A_872 : vector<16xi32>
    %select_n3A_874 = arith.select %lt3A_870, %add3A_873, %xor3A_867 : vector<16xi1>, vector<16xi32>
    %broadcast_in_dim3A_875 = vector.shape_cast %select_n3A_874 : vector<16xi32> to vector<16x1xi32>
    %gather3A = vector.shape_cast %broadcast_in_dim3A_875 : vector<16x1xi32> to vector<16xi32>
    %gather3A_876 = tpu.dynamic_gather %convert_element_type3A[%gather3A] in [0] : vector<16xf32>, vector<16xi32> -> vector<16xf32>
    %add3A_877 = arith.addf %convert_element_type3A, %gather3A_876 : vector<16xf32>
    %xor3A_878 = arith.constant 4 : i32
    %xor3A_879 = vector.broadcast %xor3A_878 : i32 to vector<16xi32>
    %xor3A_880 = arith.xori %iota3A, %xor3A_879 : vector<16xi32>
    %lt3A_881 = arith.constant 0 : i32
    %lt3A_882 = vector.broadcast %lt3A_881 : i32 to vector<16xi32>
    %lt3A_883 = arith.cmpi slt, %xor3A_880, %lt3A_882 : vector<16xi32>
    %add3A_884 = arith.constant 16 : i32
    %add3A_885 = vector.broadcast %add3A_884 : i32 to vector<16xi32>
    %add3A_886 = arith.addi %xor3A_880, %add3A_885 : vector<16xi32>
    %select_n3A_887 = arith.select %lt3A_883, %add3A_886, %xor3A_880 : vector<16xi1>, vector<16xi32>
    %broadcast_in_dim3A_888 = vector.shape_cast %select_n3A_887 : vector<16xi32> to vector<16x1xi32>
    %gather3A_889 = vector.shape_cast %broadcast_in_dim3A_888 : vector<16x1xi32> to vector<16xi32>
    %gather3A_890 = tpu.dynamic_gather %add3A_877[%gather3A_889] in [0] : vector<16xf32>, vector<16xi32> -> vector<16xf32>
    %add3A_891 = arith.addf %add3A_877, %gather3A_890 : vector<16xf32>
    %xor3A_892 = arith.constant 2 : i32
    %xor3A_893 = vector.broadcast %xor3A_892 : i32 to vector<16xi32>
    %xor3A_894 = arith.xori %iota3A, %xor3A_893 : vector<16xi32>
    %lt3A_895 = arith.constant 0 : i32
    %lt3A_896 = vector.broadcast %lt3A_895 : i32 to vector<16xi32>
    %lt3A_897 = arith.cmpi slt, %xor3A_894, %lt3A_896 : vector<16xi32>
    %add3A_898 = arith.constant 16 : i32
    %add3A_899 = vector.broadcast %add3A_898 : i32 to vector<16xi32>
    %add3A_900 = arith.addi %xor3A_894, %add3A_899 : vector<16xi32>
    %select_n3A_901 = arith.select %lt3A_897, %add3A_900, %xor3A_894 : vector<16xi1>, vector<16xi32>
    %broadcast_in_dim3A_902 = vector.shape_cast %select_n3A_901 : vector<16xi32> to vector<16x1xi32>
    %gather3A_903 = vector.shape_cast %broadcast_in_dim3A_902 : vector<16x1xi32> to vector<16xi32>
    %gather3A_904 = tpu.dynamic_gather %add3A_891[%gather3A_903] in [0] : vector<16xf32>, vector<16xi32> -> vector<16xf32>
    %add3A_905 = arith.addf %add3A_891, %gather3A_904 : vector<16xf32>
    %xor3A_906 = arith.constant 1 : i32
    %xor3A_907 = vector.broadcast %xor3A_906 : i32 to vector<16xi32>
    %xor3A_908 = arith.xori %iota3A, %xor3A_907 : vector<16xi32>
    %lt3A_909 = arith.constant 0 : i32
    %lt3A_910 = vector.broadcast %lt3A_909 : i32 to vector<16xi32>
    %lt3A_911 = arith.cmpi slt, %xor3A_908, %lt3A_910 : vector<16xi32>
    %add3A_912 = arith.constant 16 : i32
    %add3A_913 = vector.broadcast %add3A_912 : i32 to vector<16xi32>
    %add3A_914 = arith.addi %xor3A_908, %add3A_913 : vector<16xi32>
    %select_n3A_915 = arith.select %lt3A_911, %add3A_914, %xor3A_908 : vector<16xi1>, vector<16xi32>
    %broadcast_in_dim3A_916 = vector.shape_cast %select_n3A_915 : vector<16xi32> to vector<16x1xi32>
    %gather3A_917 = vector.shape_cast %broadcast_in_dim3A_916 : vector<16x1xi32> to vector<16xi32>
    %gather3A_918 = tpu.dynamic_gather %add3A_905[%gather3A_917] in [0] : vector<16xf32>, vector<16xi32> -> vector<16xf32>
    %add3A_919 = arith.addf %add3A_905, %gather3A_918 : vector<16xf32>
    %xor3A_920 = arith.constant 8 : i32
    %xor3A_921 = vector.broadcast %xor3A_920 : i32 to vector<16xi32>
    %xor3A_922 = arith.xori %iota3A, %xor3A_921 : vector<16xi32>
    %lt3A_923 = arith.constant 0 : i32
    %lt3A_924 = vector.broadcast %lt3A_923 : i32 to vector<16xi32>
    %lt3A_925 = arith.cmpi slt, %xor3A_922, %lt3A_924 : vector<16xi32>
    %add3A_926 = arith.constant 16 : i32
    %add3A_927 = vector.broadcast %add3A_926 : i32 to vector<16xi32>
    %add3A_928 = arith.addi %xor3A_922, %add3A_927 : vector<16xi32>
    %select_n3A_929 = arith.select %lt3A_925, %add3A_928, %xor3A_922 : vector<16xi1>, vector<16xi32>
    %broadcast_in_dim3A_930 = vector.shape_cast %select_n3A_929 : vector<16xi32> to vector<16x1xi32>
    %gather3A_931 = vector.shape_cast %broadcast_in_dim3A_930 : vector<16x1xi32> to vector<16xi32>
    %gather3A_932 = tpu.dynamic_gather %convert_element_type3A_861[%gather3A_931] in [0] : vector<16xf32>, vector<16xi32> -> vector<16xf32>
    %add3A_933 = arith.addf %convert_element_type3A_861, %gather3A_932 : vector<16xf32>
    %xor3A_934 = arith.constant 4 : i32
    %xor3A_935 = vector.broadcast %xor3A_934 : i32 to vector<16xi32>
    %xor3A_936 = arith.xori %iota3A, %xor3A_935 : vector<16xi32>
    %lt3A_937 = arith.constant 0 : i32
    %lt3A_938 = vector.broadcast %lt3A_937 : i32 to vector<16xi32>
    %lt3A_939 = arith.cmpi slt, %xor3A_936, %lt3A_938 : vector<16xi32>
    %add3A_940 = arith.constant 16 : i32
    %add3A_941 = vector.broadcast %add3A_940 : i32 to vector<16xi32>
    %add3A_942 = arith.addi %xor3A_936, %add3A_941 : vector<16xi32>
    %select_n3A_943 = arith.select %lt3A_939, %add3A_942, %xor3A_936 : vector<16xi1>, vector<16xi32>
    %broadcast_in_dim3A_944 = vector.shape_cast %select_n3A_943 : vector<16xi32> to vector<16x1xi32>
    %gather3A_945 = vector.shape_cast %broadcast_in_dim3A_944 : vector<16x1xi32> to vector<16xi32>
    %gather3A_946 = tpu.dynamic_gather %add3A_933[%gather3A_945] in [0] : vector<16xf32>, vector<16xi32> -> vector<16xf32>
    %add3A_947 = arith.addf %add3A_933, %gather3A_946 : vector<16xf32>
    %xor3A_948 = arith.constant 2 : i32
    %xor3A_949 = vector.broadcast %xor3A_948 : i32 to vector<16xi32>
    %xor3A_950 = arith.xori %iota3A, %xor3A_949 : vector<16xi32>
    %lt3A_951 = arith.constant 0 : i32
    %lt3A_952 = vector.broadcast %lt3A_951 : i32 to vector<16xi32>
    %lt3A_953 = arith.cmpi slt, %xor3A_950, %lt3A_952 : vector<16xi32>
    %add3A_954 = arith.constant 16 : i32
    %add3A_955 = vector.broadcast %add3A_954 : i32 to vector<16xi32>
    %add3A_956 = arith.addi %xor3A_950, %add3A_955 : vector<16xi32>
    %select_n3A_957 = arith.select %lt3A_953, %add3A_956, %xor3A_950 : vector<16xi1>, vector<16xi32>
    %broadcast_in_dim3A_958 = vector.shape_cast %select_n3A_957 : vector<16xi32> to vector<16x1xi32>
    %gather3A_959 = vector.shape_cast %broadcast_in_dim3A_958 : vector<16x1xi32> to vector<16xi32>
    %gather3A_960 = tpu.dynamic_gather %add3A_947[%gather3A_959] in [0] : vector<16xf32>, vector<16xi32> -> vector<16xf32>
    %add3A_961 = arith.addf %add3A_947, %gather3A_960 : vector<16xf32>
    %xor3A_962 = arith.constant 1 : i32
    %xor3A_963 = vector.broadcast %xor3A_962 : i32 to vector<16xi32>
    %xor3A_964 = arith.xori %iota3A, %xor3A_963 : vector<16xi32>
    %lt3A_965 = arith.constant 0 : i32
    %lt3A_966 = vector.broadcast %lt3A_965 : i32 to vector<16xi32>
    %lt3A_967 = arith.cmpi slt, %xor3A_964, %lt3A_966 : vector<16xi32>
    %add3A_968 = arith.constant 16 : i32
    %add3A_969 = vector.broadcast %add3A_968 : i32 to vector<16xi32>
    %add3A_970 = arith.addi %xor3A_964, %add3A_969 : vector<16xi32>
    %select_n3A_971 = arith.select %lt3A_967, %add3A_970, %xor3A_964 : vector<16xi1>, vector<16xi32>
    %broadcast_in_dim3A_972 = vector.shape_cast %select_n3A_971 : vector<16xi32> to vector<16x1xi32>
    %gather3A_973 = vector.shape_cast %broadcast_in_dim3A_972 : vector<16x1xi32> to vector<16xi32>
    %gather3A_974 = tpu.dynamic_gather %add3A_961[%gather3A_973] in [0] : vector<16xf32>, vector<16xi32> -> vector<16xf32>
    %add3A_975 = arith.addf %add3A_961, %gather3A_974 : vector<16xf32>
    %xor3A_976 = arith.constant 8 : i32
    %xor3A_977 = vector.broadcast %xor3A_976 : i32 to vector<16xi32>
    %xor3A_978 = arith.xori %iota3A, %xor3A_977 : vector<16xi32>
    %lt3A_979 = arith.constant 0 : i32
    %lt3A_980 = vector.broadcast %lt3A_979 : i32 to vector<16xi32>
    %lt3A_981 = arith.cmpi slt, %xor3A_978, %lt3A_980 : vector<16xi32>
    %add3A_982 = arith.constant 16 : i32
    %add3A_983 = vector.broadcast %add3A_982 : i32 to vector<16xi32>
    %add3A_984 = arith.addi %xor3A_978, %add3A_983 : vector<16xi32>
    %select_n3A_985 = arith.select %lt3A_981, %add3A_984, %xor3A_978 : vector<16xi1>, vector<16xi32>
    %broadcast_in_dim3A_986 = vector.shape_cast %select_n3A_985 : vector<16xi32> to vector<16x1xi32>
    %gather3A_987 = vector.shape_cast %broadcast_in_dim3A_986 : vector<16x1xi32> to vector<16xi32>
    %gather3A_988 = tpu.dynamic_gather %convert_element_type3A_865[%gather3A_987] in [0] : vector<16xf32>, vector<16xi32> -> vector<16xf32>
    %add3A_989 = arith.addf %convert_element_type3A_865, %gather3A_988 : vector<16xf32>
    %xor3A_990 = arith.constant 4 : i32
    %xor3A_991 = vector.broadcast %xor3A_990 : i32 to vector<16xi32>
    %xor3A_992 = arith.xori %iota3A, %xor3A_991 : vector<16xi32>
    %lt3A_993 = arith.constant 0 : i32
    %lt3A_994 = vector.broadcast %lt3A_993 : i32 to vector<16xi32>
    %lt3A_995 = arith.cmpi slt, %xor3A_992, %lt3A_994 : vector<16xi32>
    %add3A_996 = arith.constant 16 : i32
    %add3A_997 = vector.broadcast %add3A_996 : i32 to vector<16xi32>
    %add3A_998 = arith.addi %xor3A_992, %add3A_997 : vector<16xi32>
    %select_n3A_999 = arith.select %lt3A_995, %add3A_998, %xor3A_992 : vector<16xi1>, vector<16xi32>
    %broadcast_in_dim3A_1000 = vector.shape_cast %select_n3A_999 : vector<16xi32> to vector<16x1xi32>
    %gather3A_1001 = vector.shape_cast %broadcast_in_dim3A_1000 : vector<16x1xi32> to vector<16xi32>
    %gather3A_1002 = tpu.dynamic_gather %add3A_989[%gather3A_1001] in [0] : vector<16xf32>, vector<16xi32> -> vector<16xf32>
    %add3A_1003 = arith.addf %add3A_989, %gather3A_1002 : vector<16xf32>
    %xor3A_1004 = arith.constant 2 : i32
    %xor3A_1005 = vector.broadcast %xor3A_1004 : i32 to vector<16xi32>
    %xor3A_1006 = arith.xori %iota3A, %xor3A_1005 : vector<16xi32>
    %lt3A_1007 = arith.constant 0 : i32
    %lt3A_1008 = vector.broadcast %lt3A_1007 : i32 to vector<16xi32>
    %lt3A_1009 = arith.cmpi slt, %xor3A_1006, %lt3A_1008 : vector<16xi32>
    %add3A_1010 = arith.constant 16 : i32
    %add3A_1011 = vector.broadcast %add3A_1010 : i32 to vector<16xi32>
    %add3A_1012 = arith.addi %xor3A_1006, %add3A_1011 : vector<16xi32>
    %select_n3A_1013 = arith.select %lt3A_1009, %add3A_1012, %xor3A_1006 : vector<16xi1>, vector<16xi32>
    %broadcast_in_dim3A_1014 = vector.shape_cast %select_n3A_1013 : vector<16xi32> to vector<16x1xi32>
    %gather3A_1015 = vector.shape_cast %broadcast_in_dim3A_1014 : vector<16x1xi32> to vector<16xi32>
    %gather3A_1016 = tpu.dynamic_gather %add3A_1003[%gather3A_1015] in [0] : vector<16xf32>, vector<16xi32> -> vector<16xf32>
    %add3A_1017 = arith.addf %add3A_1003, %gather3A_1016 : vector<16xf32>
    %xor3A_1018 = arith.constant 1 : i32
    %xor3A_1019 = vector.broadcast %xor3A_1018 : i32 to vector<16xi32>
    %xor3A_1020 = arith.xori %iota3A, %xor3A_1019 : vector<16xi32>
    %lt3A_1021 = arith.constant 0 : i32
    %lt3A_1022 = vector.broadcast %lt3A_1021 : i32 to vector<16xi32>
    %lt3A_1023 = arith.cmpi slt, %xor3A_1020, %lt3A_1022 : vector<16xi32>
    %add3A_1024 = arith.constant 16 : i32
    %add3A_1025 = vector.broadcast %add3A_1024 : i32 to vector<16xi32>
    %add3A_1026 = arith.addi %xor3A_1020, %add3A_1025 : vector<16xi32>
    %select_n3A_1027 = arith.select %lt3A_1023, %add3A_1026, %xor3A_1020 : vector<16xi1>, vector<16xi32>
    %broadcast_in_dim3A_1028 = vector.shape_cast %select_n3A_1027 : vector<16xi32> to vector<16x1xi32>
    %gather3A_1029 = vector.shape_cast %broadcast_in_dim3A_1028 : vector<16x1xi32> to vector<16xi32>
    %gather3A_1030 = tpu.dynamic_gather %add3A_1017[%gather3A_1029] in [0] : vector<16xf32>, vector<16xi32> -> vector<16xf32>
    %add3A_1031 = arith.addf %add3A_1017, %gather3A_1030 : vector<16xf32>
    %jit3A_1032 = arith.constant 4 : i32
    %div3A_1033 = arith.divsi %arg1, %jit3A_1032 : i32
    %sign3A_1034 = arith.constant 0 : i32
    %sign3A_1035 = arith.cmpi sgt, %arg1, %sign3A_1034 : i32
    %sign3A_1036 = arith.extui %sign3A_1035 : i1 to i32
    %sign3A_1037 = arith.constant 0 : i32
    %sign3A_1038 = arith.cmpi slt, %arg1, %sign3A_1037 : i32
    %sign3A_1039 = arith.extui %sign3A_1038 : i1 to i32
    %sign3A_1040 = arith.subi %sign3A_1036, %sign3A_1039 : i32
    %sign3A_1041 = arith.constant 0 : i32
    %sign3A_1042 = arith.cmpi sgt, %jit3A_1032, %sign3A_1041 : i32
    %sign3A_1043 = arith.extui %sign3A_1042 : i1 to i32
    %sign3A_1044 = arith.constant 0 : i32
    %sign3A_1045 = arith.cmpi slt, %jit3A_1032, %sign3A_1044 : i32
    %sign3A_1046 = arith.extui %sign3A_1045 : i1 to i32
    %sign3A_1047 = arith.subi %sign3A_1043, %sign3A_1046 : i32
    %ne3A_1048 = arith.cmpi ne, %sign3A_1040, %sign3A_1047 : i32
    %rem3A_1049 = arith.remsi %arg1, %jit3A_1032 : i32
    %ne3A_1050 = arith.constant 0 : i32
    %ne3A_1051 = arith.cmpi ne, %rem3A_1049, %ne3A_1050 : i32
    %and3A_1052 = arith.andi %ne3A_1048, %ne3A_1051 : i1
    %sub3A_1053 = arith.constant 1 : i32
    %sub3A_1054 = arith.subi %div3A_1033, %sub3A_1053 : i32
    %select_n3A_1055 = arith.select %and3A_1052, %sub3A_1054, %div3A_1033 : i32
    %eq3A_1056 = vector.broadcast %select_n3A_1055 : i32 to vector<16xi32>
    %eq3A_1057 = arith.cmpi eq, %iota3A, %eq3A_1056 : vector<16xi32>
    %jit3A_1058 = arith.constant 0.000000e+00 : f32
    %broadcast_in_dim3A_1059 = vector.broadcast %jit3A_1058 : f32 to vector<16xf32>
    %select_n3A_1060 = arith.select %eq3A_1057, %add3A_919, %broadcast_in_dim3A_1059 : vector<16xi1>, vector<16xf32>
    %swap3A = arith.constant 0 : index
    %swap3A_1061 = tpu.vector_load %arg9[%swap3A] {strides = array<i32>} : memref<48xf32, #tpu.memory_space<vmem>>, vector<16xf32>,
    %swap3A_1062 = vector.shape_cast %swap3A_1061 : vector<16xf32> to vector<16xf32>
    %swap3A_1063 = vector.shape_cast %select_n3A_1060 : vector<16xf32> to vector<16xf32>
    tpu.vector_store %arg9[%swap3A], %swap3A_1063 {strides = array<i32>} : memref<48xf32, #tpu.memory_space<vmem>>, vector<16xf32>,
    %jit3A_1064 = arith.constant 0.000000e+00 : f32
    %broadcast_in_dim3A_1065 = vector.broadcast %jit3A_1064 : f32 to vector<16xf32>
    %select_n3A_1066 = arith.select %eq3A_1057, %add3A_975, %broadcast_in_dim3A_1065 : vector<16xi1>, vector<16xf32>
    %swap3A_1067 = arith.constant 16 : index
    %swap3A_1068 = tpu.vector_load %arg9[%swap3A_1067] {strides = array<i32>} : memref<48xf32, #tpu.memory_space<vmem>>, vector<16xf32>,
    %swap3A_1069 = vector.shape_cast %swap3A_1068 : vector<16xf32> to vector<16xf32>
    %swap3A_1070 = vector.shape_cast %select_n3A_1066 : vector<16xf32> to vector<16xf32>
    tpu.vector_store %arg9[%swap3A_1067], %swap3A_1070 {strides = array<i32>} : memref<48xf32, #tpu.memory_space<vmem>>, vector<16xf32>,
    %jit3A_1071 = arith.constant 0.000000e+00 : f32
    %broadcast_in_dim3A_1072 = vector.broadcast %jit3A_1071 : f32 to vector<16xf32>
    %select_n3A_1073 = arith.select %eq3A_1057, %add3A_1031, %broadcast_in_dim3A_1072 : vector<16xi1>, vector<16xf32>
    %swap3A_1074 = arith.constant 32 : index
    %swap3A_1075 = tpu.vector_load %arg9[%swap3A_1074] {strides = array<i32>} : memref<48xf32, #tpu.memory_space<vmem>>, vector<16xf32>,
    %swap3A_1076 = vector.shape_cast %swap3A_1075 : vector<16xf32> to vector<16xf32>
    %swap3A_1077 = vector.shape_cast %select_n3A_1073 : vector<16xf32> to vector<16xf32>
    tpu.vector_store %arg9[%swap3A_1074], %swap3A_1077 {strides = array<i32>} : memref<48xf32, #tpu.memory_space<vmem>>, vector<16xf32>,
    %mul3A_1078 = arith.constant 48 : i32
    %mul3A_1079 = arith.muli %arg1, %mul3A_1078 : i32
    "tpu.region"() ({
      %run_scoped3A = tpu.sem_alloc : memref<!tpu.dma_semaphore, #tpu.memory_space<semaphore_mem>>
      %dma_start3A_1084 = tpu.memref_slice %arg11[%mul3A_1079] : memref<768xf32, #tpu.memory_space<vmem_shared>> -> memref<48xf32, #tpu.memory_space<vmem_shared>>
      %dma_start3A_1085 = tpu.memref_slice %arg11[%mul3A_1079] : memref<768xf32, #tpu.memory_space<vmem_shared>> -> memref<48xf32, #tpu.memory_space<vmem_shared>>
      tpu.enqueue_dma source(%arg9 : memref<48xf32, #tpu.memory_space<vmem>>) target(%dma_start3A_1085 : memref<48xf32, #tpu.memory_space<vmem_shared>>) target_semaphore(%run_scoped3A : memref<!tpu.dma_semaphore, #tpu.memory_space<semaphore_mem>>)
      %dma_wait3A_1086 = tpu.memref_slice %arg11[%mul3A_1079] : memref<768xf32, #tpu.memory_space<vmem_shared>> -> memref<48xf32, #tpu.memory_space<vmem_shared>>
      %dma_wait3A_1087 = tpu.memref_slice %arg11[%mul3A_1079] : memref<768xf32, #tpu.memory_space<vmem_shared>> -> memref<48xf32, #tpu.memory_space<vmem_shared>>
      tpu.wait_dma2 semaphore(%run_scoped3A : memref<!tpu.dma_semaphore, #tpu.memory_space<semaphore_mem>>) src(%arg9 : memref<48xf32, #tpu.memory_space<vmem>>) dst(%dma_wait3A_1087 : memref<48xf32, #tpu.memory_space<vmem_shared>>)
      tpu.yield
    }) : () -> ()
    %barrier3A = arith.constant 0 : index
    tpu.barrier barrier_id(%barrier3A)
    %eq3A_1080 = arith.constant 0 : i32
    %eq3A_1081 = arith.cmpi eq, %arg1, %eq3A_1080 : i32
    %convert_element_type3A_1082 = arith.extui %eq3A_1081 : i1 to i32
    %cond3A = arith.constant 0 : i32
    %cond3A_1083 = arith.cmpi ne, %convert_element_type3A_1082, %cond3A : i32
    scf.if %cond3A_1083 {
      "tpu.region"() ({
        %run_scoped3A = tpu.sem_alloc : memref<!tpu.dma_semaphore, #tpu.memory_space<semaphore_mem>>
        tpu.enqueue_dma source(%arg11 : memref<768xf32, #tpu.memory_space<vmem_shared>>) target(%arg8 : memref<768xf32, #tpu.memory_space<vmem>>) target_semaphore(%run_scoped3A : memref<!tpu.dma_semaphore, #tpu.memory_space<semaphore_mem>>)
        tpu.wait_dma2 semaphore(%run_scoped3A : memref<!tpu.dma_semaphore, #tpu.memory_space<semaphore_mem>>) src(%arg11 : memref<768xf32, #tpu.memory_space<vmem_shared>>) dst(%arg8 : memref<768xf32, #tpu.memory_space<vmem>>)
        tpu.yield
      }) : () -> ()
      %broadcast_in_dim3A_1084 = arith.constant 0.000000e+00 : f32
      %broadcast_in_dim3A_1085 = vector.broadcast %broadcast_in_dim3A_1084 : f32 to vector<16xf32>
      %get3A = arith.constant 0 : index
      %get3A_1086 = tpu.vector_load %arg8[%get3A] {strides = array<i32>} : memref<768xf32, #tpu.memory_space<vmem>>, vector<16xf32>,
      %get3A_1087 = vector.shape_cast %get3A_1086 : vector<16xf32> to vector<16xf32>
      %add3A_1088 = arith.addf %broadcast_in_dim3A_1085, %get3A_1087 : vector<16xf32>
      %get3A_1089 = arith.constant 16 : index
      %get3A_1090 = tpu.vector_load %arg8[%get3A_1089] {strides = array<i32>} : memref<768xf32, #tpu.memory_space<vmem>>, vector<16xf32>,
      %get3A_1091 = vector.shape_cast %get3A_1090 : vector<16xf32> to vector<16xf32>
      %add3A_1092 = arith.addf %broadcast_in_dim3A_1085, %get3A_1091 : vector<16xf32>
      %get3A_1093 = arith.constant 32 : index
      %get3A_1094 = tpu.vector_load %arg8[%get3A_1093] {strides = array<i32>} : memref<768xf32, #tpu.memory_space<vmem>>, vector<16xf32>,
      %get3A_1095 = vector.shape_cast %get3A_1094 : vector<16xf32> to vector<16xf32>
      %add3A_1096 = arith.addf %broadcast_in_dim3A_1085, %get3A_1095 : vector<16xf32>
      %get3A_1097 = arith.constant 48 : index
      %get3A_1098 = tpu.vector_load %arg8[%get3A_1097] {strides = array<i32>} : memref<768xf32, #tpu.memory_space<vmem>>, vector<16xf32>,
      %get3A_1099 = vector.shape_cast %get3A_1098 : vector<16xf32> to vector<16xf32>
      %add3A_1100 = arith.addf %add3A_1088, %get3A_1099 : vector<16xf32>
      %get3A_1101 = arith.constant 64 : index
      %get3A_1102 = tpu.vector_load %arg8[%get3A_1101] {strides = array<i32>} : memref<768xf32, #tpu.memory_space<vmem>>, vector<16xf32>,
      %get3A_1103 = vector.shape_cast %get3A_1102 : vector<16xf32> to vector<16xf32>
      %add3A_1104 = arith.addf %add3A_1092, %get3A_1103 : vector<16xf32>
      %get3A_1105 = arith.constant 80 : index
      %get3A_1106 = tpu.vector_load %arg8[%get3A_1105] {strides = array<i32>} : memref<768xf32, #tpu.memory_space<vmem>>, vector<16xf32>,
      %get3A_1107 = vector.shape_cast %get3A_1106 : vector<16xf32> to vector<16xf32>
      %add3A_1108 = arith.addf %add3A_1096, %get3A_1107 : vector<16xf32>
      %get3A_1109 = arith.constant 96 : index
      %get3A_1110 = tpu.vector_load %arg8[%get3A_1109] {strides = array<i32>} : memref<768xf32, #tpu.memory_space<vmem>>, vector<16xf32>,
      %get3A_1111 = vector.shape_cast %get3A_1110 : vector<16xf32> to vector<16xf32>
      %add3A_1112 = arith.addf %add3A_1100, %get3A_1111 : vector<16xf32>
      %get3A_1113 = arith.constant 112 : index
      %get3A_1114 = tpu.vector_load %arg8[%get3A_1113] {strides = array<i32>} : memref<768xf32, #tpu.memory_space<vmem>>, vector<16xf32>,
      %get3A_1115 = vector.shape_cast %get3A_1114 : vector<16xf32> to vector<16xf32>
      %add3A_1116 = arith.addf %add3A_1104, %get3A_1115 : vector<16xf32>
      %get3A_1117 = arith.constant 128 : index
      %get3A_1118 = tpu.vector_load %arg8[%get3A_1117] {strides = array<i32>} : memref<768xf32, #tpu.memory_space<vmem>>, vector<16xf32>,
      %get3A_1119 = vector.shape_cast %get3A_1118 : vector<16xf32> to vector<16xf32>
      %add3A_1120 = arith.addf %add3A_1108, %get3A_1119 : vector<16xf32>
      %get3A_1121 = arith.constant 144 : index
      %get3A_1122 = tpu.vector_load %arg8[%get3A_1121] {strides = array<i32>} : memref<768xf32, #tpu.memory_space<vmem>>, vector<16xf32>,
      %get3A_1123 = vector.shape_cast %get3A_1122 : vector<16xf32> to vector<16xf32>
      %add3A_1124 = arith.addf %add3A_1112, %get3A_1123 : vector<16xf32>
      %get3A_1125 = arith.constant 160 : index
      %get3A_1126 = tpu.vector_load %arg8[%get3A_1125] {strides = array<i32>} : memref<768xf32, #tpu.memory_space<vmem>>, vector<16xf32>,
      %get3A_1127 = vector.shape_cast %get3A_1126 : vector<16xf32> to vector<16xf32>
      %add3A_1128 = arith.addf %add3A_1116, %get3A_1127 : vector<16xf32>
      %get3A_1129 = arith.constant 176 : index
      %get3A_1130 = tpu.vector_load %arg8[%get3A_1129] {strides = array<i32>} : memref<768xf32, #tpu.memory_space<vmem>>, vector<16xf32>,
      %get3A_1131 = vector.shape_cast %get3A_1130 : vector<16xf32> to vector<16xf32>
      %add3A_1132 = arith.addf %add3A_1120, %get3A_1131 : vector<16xf32>
      %get3A_1133 = arith.constant 192 : index
      %get3A_1134 = tpu.vector_load %arg8[%get3A_1133] {strides = array<i32>} : memref<768xf32, #tpu.memory_space<vmem>>, vector<16xf32>,
      %get3A_1135 = vector.shape_cast %get3A_1134 : vector<16xf32> to vector<16xf32>
      %add3A_1136 = arith.addf %add3A_1124, %get3A_1135 : vector<16xf32>
      %get3A_1137 = arith.constant 208 : index
      %get3A_1138 = tpu.vector_load %arg8[%get3A_1137] {strides = array<i32>} : memref<768xf32, #tpu.memory_space<vmem>>, vector<16xf32>,
      %get3A_1139 = vector.shape_cast %get3A_1138 : vector<16xf32> to vector<16xf32>
      %add3A_1140 = arith.addf %add3A_1128, %get3A_1139 : vector<16xf32>
      %get3A_1141 = arith.constant 224 : index
      %get3A_1142 = tpu.vector_load %arg8[%get3A_1141] {strides = array<i32>} : memref<768xf32, #tpu.memory_space<vmem>>, vector<16xf32>,
      %get3A_1143 = vector.shape_cast %get3A_1142 : vector<16xf32> to vector<16xf32>
      %add3A_1144 = arith.addf %add3A_1132, %get3A_1143 : vector<16xf32>
      %get3A_1145 = arith.constant 240 : index
      %get3A_1146 = tpu.vector_load %arg8[%get3A_1145] {strides = array<i32>} : memref<768xf32, #tpu.memory_space<vmem>>, vector<16xf32>,
      %get3A_1147 = vector.shape_cast %get3A_1146 : vector<16xf32> to vector<16xf32>
      %add3A_1148 = arith.addf %add3A_1136, %get3A_1147 : vector<16xf32>
      %get3A_1149 = arith.constant 256 : index
      %get3A_1150 = tpu.vector_load %arg8[%get3A_1149] {strides = array<i32>} : memref<768xf32, #tpu.memory_space<vmem>>, vector<16xf32>,
      %get3A_1151 = vector.shape_cast %get3A_1150 : vector<16xf32> to vector<16xf32>
      %add3A_1152 = arith.addf %add3A_1140, %get3A_1151 : vector<16xf32>
      %get3A_1153 = arith.constant 272 : index
      %get3A_1154 = tpu.vector_load %arg8[%get3A_1153] {strides = array<i32>} : memref<768xf32, #tpu.memory_space<vmem>>, vector<16xf32>,
      %get3A_1155 = vector.shape_cast %get3A_1154 : vector<16xf32> to vector<16xf32>
      %add3A_1156 = arith.addf %add3A_1144, %get3A_1155 : vector<16xf32>
      %get3A_1157 = arith.constant 288 : index
      %get3A_1158 = tpu.vector_load %arg8[%get3A_1157] {strides = array<i32>} : memref<768xf32, #tpu.memory_space<vmem>>, vector<16xf32>,
      %get3A_1159 = vector.shape_cast %get3A_1158 : vector<16xf32> to vector<16xf32>
      %add3A_1160 = arith.addf %add3A_1148, %get3A_1159 : vector<16xf32>
      %get3A_1161 = arith.constant 304 : index
      %get3A_1162 = tpu.vector_load %arg8[%get3A_1161] {strides = array<i32>} : memref<768xf32, #tpu.memory_space<vmem>>, vector<16xf32>,
      %get3A_1163 = vector.shape_cast %get3A_1162 : vector<16xf32> to vector<16xf32>
      %add3A_1164 = arith.addf %add3A_1152, %get3A_1163 : vector<16xf32>
      %get3A_1165 = arith.constant 320 : index
      %get3A_1166 = tpu.vector_load %arg8[%get3A_1165] {strides = array<i32>} : memref<768xf32, #tpu.memory_space<vmem>>, vector<16xf32>,
      %get3A_1167 = vector.shape_cast %get3A_1166 : vector<16xf32> to vector<16xf32>
      %add3A_1168 = arith.addf %add3A_1156, %get3A_1167 : vector<16xf32>
      %get3A_1169 = arith.constant 336 : index
      %get3A_1170 = tpu.vector_load %arg8[%get3A_1169] {strides = array<i32>} : memref<768xf32, #tpu.memory_space<vmem>>, vector<16xf32>,
      %get3A_1171 = vector.shape_cast %get3A_1170 : vector<16xf32> to vector<16xf32>
      %add3A_1172 = arith.addf %add3A_1160, %get3A_1171 : vector<16xf32>
      %get3A_1173 = arith.constant 352 : index
      %get3A_1174 = tpu.vector_load %arg8[%get3A_1173] {strides = array<i32>} : memref<768xf32, #tpu.memory_space<vmem>>, vector<16xf32>,
      %get3A_1175 = vector.shape_cast %get3A_1174 : vector<16xf32> to vector<16xf32>
      %add3A_1176 = arith.addf %add3A_1164, %get3A_1175 : vector<16xf32>
      %get3A_1177 = arith.constant 368 : index
      %get3A_1178 = tpu.vector_load %arg8[%get3A_1177] {strides = array<i32>} : memref<768xf32, #tpu.memory_space<vmem>>, vector<16xf32>,
      %get3A_1179 = vector.shape_cast %get3A_1178 : vector<16xf32> to vector<16xf32>
      %add3A_1180 = arith.addf %add3A_1168, %get3A_1179 : vector<16xf32>
      %get3A_1181 = arith.constant 384 : index
      %get3A_1182 = tpu.vector_load %arg8[%get3A_1181] {strides = array<i32>} : memref<768xf32, #tpu.memory_space<vmem>>, vector<16xf32>,
      %get3A_1183 = vector.shape_cast %get3A_1182 : vector<16xf32> to vector<16xf32>
      %add3A_1184 = arith.addf %add3A_1172, %get3A_1183 : vector<16xf32>
      %get3A_1185 = arith.constant 400 : index
      %get3A_1186 = tpu.vector_load %arg8[%get3A_1185] {strides = array<i32>} : memref<768xf32, #tpu.memory_space<vmem>>, vector<16xf32>,
      %get3A_1187 = vector.shape_cast %get3A_1186 : vector<16xf32> to vector<16xf32>
      %add3A_1188 = arith.addf %add3A_1176, %get3A_1187 : vector<16xf32>
      %get3A_1189 = arith.constant 416 : index
      %get3A_1190 = tpu.vector_load %arg8[%get3A_1189] {strides = array<i32>} : memref<768xf32, #tpu.memory_space<vmem>>, vector<16xf32>,
      %get3A_1191 = vector.shape_cast %get3A_1190 : vector<16xf32> to vector<16xf32>
      %add3A_1192 = arith.addf %add3A_1180, %get3A_1191 : vector<16xf32>
      %get3A_1193 = arith.constant 432 : index
      %get3A_1194 = tpu.vector_load %arg8[%get3A_1193] {strides = array<i32>} : memref<768xf32, #tpu.memory_space<vmem>>, vector<16xf32>,
      %get3A_1195 = vector.shape_cast %get3A_1194 : vector<16xf32> to vector<16xf32>
      %add3A_1196 = arith.addf %add3A_1184, %get3A_1195 : vector<16xf32>
      %get3A_1197 = arith.constant 448 : index
      %get3A_1198 = tpu.vector_load %arg8[%get3A_1197] {strides = array<i32>} : memref<768xf32, #tpu.memory_space<vmem>>, vector<16xf32>,
      %get3A_1199 = vector.shape_cast %get3A_1198 : vector<16xf32> to vector<16xf32>
      %add3A_1200 = arith.addf %add3A_1188, %get3A_1199 : vector<16xf32>
      %get3A_1201 = arith.constant 464 : index
      %get3A_1202 = tpu.vector_load %arg8[%get3A_1201] {strides = array<i32>} : memref<768xf32, #tpu.memory_space<vmem>>, vector<16xf32>,
      %get3A_1203 = vector.shape_cast %get3A_1202 : vector<16xf32> to vector<16xf32>
      %add3A_1204 = arith.addf %add3A_1192, %get3A_1203 : vector<16xf32>
      %get3A_1205 = arith.constant 480 : index
      %get3A_1206 = tpu.vector_load %arg8[%get3A_1205] {strides = array<i32>} : memref<768xf32, #tpu.memory_space<vmem>>, vector<16xf32>,
      %get3A_1207 = vector.shape_cast %get3A_1206 : vector<16xf32> to vector<16xf32>
      %add3A_1208 = arith.addf %add3A_1196, %get3A_1207 : vector<16xf32>
      %get3A_1209 = arith.constant 496 : index
      %get3A_1210 = tpu.vector_load %arg8[%get3A_1209] {strides = array<i32>} : memref<768xf32, #tpu.memory_space<vmem>>, vector<16xf32>,
      %get3A_1211 = vector.shape_cast %get3A_1210 : vector<16xf32> to vector<16xf32>
      %add3A_1212 = arith.addf %add3A_1200, %get3A_1211 : vector<16xf32>
      %get3A_1213 = arith.constant 512 : index
      %get3A_1214 = tpu.vector_load %arg8[%get3A_1213] {strides = array<i32>} : memref<768xf32, #tpu.memory_space<vmem>>, vector<16xf32>,
      %get3A_1215 = vector.shape_cast %get3A_1214 : vector<16xf32> to vector<16xf32>
      %add3A_1216 = arith.addf %add3A_1204, %get3A_1215 : vector<16xf32>
      %get3A_1217 = arith.constant 528 : index
      %get3A_1218 = tpu.vector_load %arg8[%get3A_1217] {strides = array<i32>} : memref<768xf32, #tpu.memory_space<vmem>>, vector<16xf32>,
      %get3A_1219 = vector.shape_cast %get3A_1218 : vector<16xf32> to vector<16xf32>
      %add3A_1220 = arith.addf %add3A_1208, %get3A_1219 : vector<16xf32>
      %get3A_1221 = arith.constant 544 : index
      %get3A_1222 = tpu.vector_load %arg8[%get3A_1221] {strides = array<i32>} : memref<768xf32, #tpu.memory_space<vmem>>, vector<16xf32>,
      %get3A_1223 = vector.shape_cast %get3A_1222 : vector<16xf32> to vector<16xf32>
      %add3A_1224 = arith.addf %add3A_1212, %get3A_1223 : vector<16xf32>
      %get3A_1225 = arith.constant 560 : index
      %get3A_1226 = tpu.vector_load %arg8[%get3A_1225] {strides = array<i32>} : memref<768xf32, #tpu.memory_space<vmem>>, vector<16xf32>,
      %get3A_1227 = vector.shape_cast %get3A_1226 : vector<16xf32> to vector<16xf32>
      %add3A_1228 = arith.addf %add3A_1216, %get3A_1227 : vector<16xf32>
      %get3A_1229 = arith.constant 576 : index
      %get3A_1230 = tpu.vector_load %arg8[%get3A_1229] {strides = array<i32>} : memref<768xf32, #tpu.memory_space<vmem>>, vector<16xf32>,
      %get3A_1231 = vector.shape_cast %get3A_1230 : vector<16xf32> to vector<16xf32>
      %add3A_1232 = arith.addf %add3A_1220, %get3A_1231 : vector<16xf32>
      %get3A_1233 = arith.constant 592 : index
      %get3A_1234 = tpu.vector_load %arg8[%get3A_1233] {strides = array<i32>} : memref<768xf32, #tpu.memory_space<vmem>>, vector<16xf32>,
      %get3A_1235 = vector.shape_cast %get3A_1234 : vector<16xf32> to vector<16xf32>
      %add3A_1236 = arith.addf %add3A_1224, %get3A_1235 : vector<16xf32>
      %get3A_1237 = arith.constant 608 : index
      %get3A_1238 = tpu.vector_load %arg8[%get3A_1237] {strides = array<i32>} : memref<768xf32, #tpu.memory_space<vmem>>, vector<16xf32>,
      %get3A_1239 = vector.shape_cast %get3A_1238 : vector<16xf32> to vector<16xf32>
      %add3A_1240 = arith.addf %add3A_1228, %get3A_1239 : vector<16xf32>
      %get3A_1241 = arith.constant 624 : index
      %get3A_1242 = tpu.vector_load %arg8[%get3A_1241] {strides = array<i32>} : memref<768xf32, #tpu.memory_space<vmem>>, vector<16xf32>,
      %get3A_1243 = vector.shape_cast %get3A_1242 : vector<16xf32> to vector<16xf32>
      %add3A_1244 = arith.addf %add3A_1232, %get3A_1243 : vector<16xf32>
      %get3A_1245 = arith.constant 640 : index
      %get3A_1246 = tpu.vector_load %arg8[%get3A_1245] {strides = array<i32>} : memref<768xf32, #tpu.memory_space<vmem>>, vector<16xf32>,
      %get3A_1247 = vector.shape_cast %get3A_1246 : vector<16xf32> to vector<16xf32>
      %add3A_1248 = arith.addf %add3A_1236, %get3A_1247 : vector<16xf32>
      %get3A_1249 = arith.constant 656 : index
      %get3A_1250 = tpu.vector_load %arg8[%get3A_1249] {strides = array<i32>} : memref<768xf32, #tpu.memory_space<vmem>>, vector<16xf32>,
      %get3A_1251 = vector.shape_cast %get3A_1250 : vector<16xf32> to vector<16xf32>
      %add3A_1252 = arith.addf %add3A_1240, %get3A_1251 : vector<16xf32>
      %get3A_1253 = arith.constant 672 : index
      %get3A_1254 = tpu.vector_load %arg8[%get3A_1253] {strides = array<i32>} : memref<768xf32, #tpu.memory_space<vmem>>, vector<16xf32>,
      %get3A_1255 = vector.shape_cast %get3A_1254 : vector<16xf32> to vector<16xf32>
      %add3A_1256 = arith.addf %add3A_1244, %get3A_1255 : vector<16xf32>
      %get3A_1257 = arith.constant 688 : index
      %get3A_1258 = tpu.vector_load %arg8[%get3A_1257] {strides = array<i32>} : memref<768xf32, #tpu.memory_space<vmem>>, vector<16xf32>,
      %get3A_1259 = vector.shape_cast %get3A_1258 : vector<16xf32> to vector<16xf32>
      %add3A_1260 = arith.addf %add3A_1248, %get3A_1259 : vector<16xf32>
      %get3A_1261 = arith.constant 704 : index
      %get3A_1262 = tpu.vector_load %arg8[%get3A_1261] {strides = array<i32>} : memref<768xf32, #tpu.memory_space<vmem>>, vector<16xf32>,
      %get3A_1263 = vector.shape_cast %get3A_1262 : vector<16xf32> to vector<16xf32>
      %add3A_1264 = arith.addf %add3A_1252, %get3A_1263 : vector<16xf32>
      %get3A_1265 = arith.constant 720 : index
      %get3A_1266 = tpu.vector_load %arg8[%get3A_1265] {strides = array<i32>} : memref<768xf32, #tpu.memory_space<vmem>>, vector<16xf32>,
      %get3A_1267 = vector.shape_cast %get3A_1266 : vector<16xf32> to vector<16xf32>
      %add3A_1268 = arith.addf %add3A_1256, %get3A_1267 : vector<16xf32>
      %get3A_1269 = arith.constant 736 : index
      %get3A_1270 = tpu.vector_load %arg8[%get3A_1269] {strides = array<i32>} : memref<768xf32, #tpu.memory_space<vmem>>, vector<16xf32>,
      %get3A_1271 = vector.shape_cast %get3A_1270 : vector<16xf32> to vector<16xf32>
      %add3A_1272 = arith.addf %add3A_1260, %get3A_1271 : vector<16xf32>
      %get3A_1273 = arith.constant 752 : index
      %get3A_1274 = tpu.vector_load %arg8[%get3A_1273] {strides = array<i32>} : memref<768xf32, #tpu.memory_space<vmem>>, vector<16xf32>,
      %get3A_1275 = vector.shape_cast %get3A_1274 : vector<16xf32> to vector<16xf32>
      %add3A_1276 = arith.addf %add3A_1264, %get3A_1275 : vector<16xf32>
      %add3A_1277 = arith.addf %add3A_1272, %add3A_1276 : vector<16xf32>
      %sub3A_1278 = arith.subf %add3A_1277, %add3A_1268 : vector<16xf32>
      %gt3A = arith.constant 0.000000e+00 : f32
      %gt3A_1279 = vector.broadcast %gt3A : f32 to vector<16xf32>
      %gt3A_1280 = arith.cmpf ogt, %sub3A_1278, %gt3A_1279 : vector<16xf32>
      %jit3A_1281 = arith.constant 1.000000e+00 : f32
      %broadcast_in_dim3A_1282 = vector.broadcast %jit3A_1281 : f32 to vector<16xf32>
      %select_n3A_1283 = arith.select %gt3A_1280, %sub3A_1278, %broadcast_in_dim3A_1282 : vector<16xi1>, vector<16xf32>
      %div3A_1284 = arith.divf %add3A_1268, %select_n3A_1283 : vector<16xf32>
      %jit3A_1285 = arith.constant 0.000000e+00 : f32
      %broadcast_in_dim3A_1286 = vector.broadcast %jit3A_1285 : f32 to vector<16xf32>
      %select_n3A_1287 = arith.select %gt3A_1280, %div3A_1284, %broadcast_in_dim3A_1286 : vector<16xi1>, vector<16xf32>
      %swap3A_1288 = arith.constant 0 : index
      %swap3A_1289 = tpu.vector_load %arg10[%swap3A_1288] {strides = array<i32>} : memref<16xf32, #tpu.memory_space<vmem>>, vector<16xf32>,
      %swap3A_1290 = vector.shape_cast %swap3A_1289 : vector<16xf32> to vector<16xf32>
      %swap3A_1291 = vector.shape_cast %select_n3A_1287 : vector<16xf32> to vector<16xf32>
      tpu.vector_store %arg10[%swap3A_1288], %swap3A_1291 {strides = array<i32>} : memref<16xf32, #tpu.memory_space<vmem>>, vector<16xf32>,
      %mul3A_1292 = arith.constant 8 : i32
      %mul3A_1293 = arith.muli %arg0, %mul3A_1292 : i32
      "tpu.region"() ({
        %run_scoped3A = tpu.sem_alloc : memref<!tpu.dma_semaphore, #tpu.memory_space<semaphore_mem>>
        %dma_start3A_1294 = arith.constant 0 : i32
        %dma_start3A_1295 = tpu.memref_slice %arg10[%dma_start3A_1294] : memref<16xf32, #tpu.memory_space<vmem>> -> memref<8xf32, #tpu.memory_space<vmem>>
        %dma_start3A_1296 = tpu.memref_slice %arg4[%mul3A_1293] : memref<16xf32, #tpu.memory_space<hbm>> -> memref<8xf32, #tpu.memory_space<hbm>>
        %dma_start3A_1297 = tpu.memref_slice %arg4[%mul3A_1293] : memref<16xf32, #tpu.memory_space<hbm>> -> memref<8xf32, #tpu.memory_space<hbm>>
        %dma_start3A_1298 = arith.constant 0 : i32
        %dma_start3A_1299 = tpu.memref_slice %arg10[%dma_start3A_1298] : memref<16xf32, #tpu.memory_space<vmem>> -> memref<8xf32, #tpu.memory_space<vmem>>
        tpu.enqueue_dma source(%dma_start3A_1299 : memref<8xf32, #tpu.memory_space<vmem>>) target(%dma_start3A_1297 : memref<8xf32, #tpu.memory_space<hbm>>) target_semaphore(%run_scoped3A : memref<!tpu.dma_semaphore, #tpu.memory_space<semaphore_mem>>)
        %dma_wait3A_1300 = arith.constant 0 : i32
        %dma_wait3A_1301 = tpu.memref_slice %arg10[%dma_wait3A_1300] : memref<16xf32, #tpu.memory_space<vmem>> -> memref<8xf32, #tpu.memory_space<vmem>>
        %dma_wait3A_1302 = tpu.memref_slice %arg4[%mul3A_1293] : memref<16xf32, #tpu.memory_space<hbm>> -> memref<8xf32, #tpu.memory_space<hbm>>
        %dma_wait3A_1303 = tpu.memref_slice %arg4[%mul3A_1293] : memref<16xf32, #tpu.memory_space<hbm>> -> memref<8xf32, #tpu.memory_space<hbm>>
        %dma_wait3A_1304 = arith.constant 0 : i32
        %dma_wait3A_1305 = tpu.memref_slice %arg10[%dma_wait3A_1304] : memref<16xf32, #tpu.memory_space<vmem>> -> memref<8xf32, #tpu.memory_space<vmem>>
        tpu.wait_dma2 semaphore(%run_scoped3A : memref<!tpu.dma_semaphore, #tpu.memory_space<semaphore_mem>>) src(%dma_wait3A_1305 : memref<8xf32, #tpu.memory_space<vmem>>) dst(%dma_wait3A_1303 : memref<8xf32, #tpu.memory_space<hbm>>)
        tpu.yield
      }) : () -> ()
    } else {
    }
    return
  }
}

module attributes {stable_mosaic.version = 14 : i64} {
  func.func @_tc_body(%arg0: i32, %arg1: i32, %arg2: memref<1x1x512x512xf32, #tpu.memory_space<vmem>>, %arg3: memref<1x1x512x512xf32, #tpu.memory_space<vmem>>, %arg4: memref<1x512x512xi32, #tpu.memory_space<vmem>>, %arg5: memref<1x8x128xf32, #tpu.memory_space<vmem>>, %arg6: memref<8x512xi32, #tpu.memory_space<vmem>>, %arg7: memref<8x512xi32, #tpu.memory_space<vmem>>, %arg8: memref<8x512xi32, #tpu.memory_space<vmem>>) attributes {dimension_semantics = [#tpu.dimension_semantics<arbitrary>, #tpu.dimension_semantics<arbitrary>], iteration_bounds = array<i64: 8, 1>, scalar_prefetch = 0 : i64, scratch_operands = 3 : i64, tpu.core_type = #tpu.core_type<tc>, window_params = [{transform_indices = @transform_0, window_bounds = array<i64: 1, 1, 512, 512>}, {transform_indices = @transform_1, window_bounds = array<i64: 1, 1, 512, 512>}, {transform_indices = @transform_2, window_bounds = array<i64: 1, 512, 512>}, {transform_indices = @transform_3, window_bounds = array<i64: 1, 8, 128>}]} {
    %get3A = arith.constant 0 : index
    %get3A_0 = arith.constant 0 : index
    %get3A_1 = arith.constant 0 : index
    %get3A_2 = arith.constant 0 : index
    %get3A_3 = vector.load %arg2[%get3A, %get3A_0, %get3A_1, %get3A_2] : memref<1x1x512x512xf32, #tpu.memory_space<vmem>>, vector<1x1x512x512xf32>
    %get3A_4 = vector.shape_cast %get3A_3 : vector<1x1x512x512xf32> to vector<512x512xf32>
    %get3A_5 = arith.constant 0 : index
    %get3A_6 = arith.constant 0 : index
    %get3A_7 = arith.constant 0 : index
    %get3A_8 = arith.constant 0 : index
    %get3A_9 = vector.load %arg3[%get3A_5, %get3A_6, %get3A_7, %get3A_8] : memref<1x1x512x512xf32, #tpu.memory_space<vmem>>, vector<1x1x512x512xf32>
    %get3A_10 = vector.shape_cast %get3A_9 : vector<1x1x512x512xf32> to vector<512x512xf32>
    %get3A_11 = arith.constant 0 : index
    %get3A_12 = arith.constant 0 : index
    %get3A_13 = arith.constant 0 : index
    %get3A_14 = vector.load %arg4[%get3A_11, %get3A_12, %get3A_13] : memref<1x512x512xi32, #tpu.memory_space<vmem>>, vector<1x512x512xi32>
    %get3A_15 = vector.shape_cast %get3A_14 : vector<1x512x512xi32> to vector<512x512xi32>
    %sub3A = arith.subf %get3A_10, %get3A_4 : vector<512x512xf32>
    %gt3A = arith.constant 0.000000e+00 : f32
    %gt3A_16 = vector.broadcast %gt3A : f32 to vector<512x512xf32>
    %gt3A_17 = arith.cmpf ogt, %sub3A, %gt3A_16 : vector<512x512xf32>
    %jit3A = arith.constant 1 : i32
    %jit3A_18 = arith.constant 0 : i32
    %broadcast_in_dim3A = vector.broadcast %jit3A : i32 to vector<512x512xi32>
    %broadcast_in_dim3A_19 = vector.broadcast %jit3A_18 : i32 to vector<512x512xi32>
    %select_n3A = arith.select %gt3A_17, %broadcast_in_dim3A, %broadcast_in_dim3A_19 : vector<512x512xi1>, vector<512x512xi32>
    %and3A = arith.andi %select_n3A, %get3A_15 : vector<512x512xi32>
    %eq3A = arith.constant 0 : i32
    %eq3A_20 = arith.cmpi eq, %arg1, %eq3A : i32
    %convert_element_type3A = arith.extui %eq3A_20 : i1 to i32
    %cond3A = arith.constant 0 : i32
    %cond3A_21 = arith.cmpi ne, %convert_element_type3A, %cond3A : i32
    scf.if %cond3A_21 {
      %slice3A = vector.extract_strided_slice %and3A {offsets = [0, 0], sizes = [8, 512], strides = [1, 1]} : vector<512x512xi32> to vector<8x512xi32>
      %slice3A_32 = vector.extract_strided_slice %and3A {offsets = [8, 0], sizes = [8, 512], strides = [1, 1]} : vector<512x512xi32> to vector<8x512xi32>
      %add3A = arith.addi %slice3A, %slice3A_32 : vector<8x512xi32>
      %slice3A_33 = vector.extract_strided_slice %and3A {offsets = [16, 0], sizes = [8, 512], strides = [1, 1]} : vector<512x512xi32> to vector<8x512xi32>
      %add3A_34 = arith.addi %add3A, %slice3A_33 : vector<8x512xi32>
      %slice3A_35 = vector.extract_strided_slice %and3A {offsets = [24, 0], sizes = [8, 512], strides = [1, 1]} : vector<512x512xi32> to vector<8x512xi32>
      %add3A_36 = arith.addi %add3A_34, %slice3A_35 : vector<8x512xi32>
      %slice3A_37 = vector.extract_strided_slice %and3A {offsets = [32, 0], sizes = [8, 512], strides = [1, 1]} : vector<512x512xi32> to vector<8x512xi32>
      %add3A_38 = arith.addi %add3A_36, %slice3A_37 : vector<8x512xi32>
      %slice3A_39 = vector.extract_strided_slice %and3A {offsets = [40, 0], sizes = [8, 512], strides = [1, 1]} : vector<512x512xi32> to vector<8x512xi32>
      %add3A_40 = arith.addi %add3A_38, %slice3A_39 : vector<8x512xi32>
      %slice3A_41 = vector.extract_strided_slice %and3A {offsets = [48, 0], sizes = [8, 512], strides = [1, 1]} : vector<512x512xi32> to vector<8x512xi32>
      %add3A_42 = arith.addi %add3A_40, %slice3A_41 : vector<8x512xi32>
      %slice3A_43 = vector.extract_strided_slice %and3A {offsets = [56, 0], sizes = [8, 512], strides = [1, 1]} : vector<512x512xi32> to vector<8x512xi32>
      %add3A_44 = arith.addi %add3A_42, %slice3A_43 : vector<8x512xi32>
      %slice3A_45 = vector.extract_strided_slice %and3A {offsets = [64, 0], sizes = [8, 512], strides = [1, 1]} : vector<512x512xi32> to vector<8x512xi32>
      %add3A_46 = arith.addi %add3A_44, %slice3A_45 : vector<8x512xi32>
      %slice3A_47 = vector.extract_strided_slice %and3A {offsets = [72, 0], sizes = [8, 512], strides = [1, 1]} : vector<512x512xi32> to vector<8x512xi32>
      %add3A_48 = arith.addi %add3A_46, %slice3A_47 : vector<8x512xi32>
      %slice3A_49 = vector.extract_strided_slice %and3A {offsets = [80, 0], sizes = [8, 512], strides = [1, 1]} : vector<512x512xi32> to vector<8x512xi32>
      %add3A_50 = arith.addi %add3A_48, %slice3A_49 : vector<8x512xi32>
      %slice3A_51 = vector.extract_strided_slice %and3A {offsets = [88, 0], sizes = [8, 512], strides = [1, 1]} : vector<512x512xi32> to vector<8x512xi32>
      %add3A_52 = arith.addi %add3A_50, %slice3A_51 : vector<8x512xi32>
      %slice3A_53 = vector.extract_strided_slice %and3A {offsets = [96, 0], sizes = [8, 512], strides = [1, 1]} : vector<512x512xi32> to vector<8x512xi32>
      %add3A_54 = arith.addi %add3A_52, %slice3A_53 : vector<8x512xi32>
      %slice3A_55 = vector.extract_strided_slice %and3A {offsets = [104, 0], sizes = [8, 512], strides = [1, 1]} : vector<512x512xi32> to vector<8x512xi32>
      %add3A_56 = arith.addi %add3A_54, %slice3A_55 : vector<8x512xi32>
      %slice3A_57 = vector.extract_strided_slice %and3A {offsets = [112, 0], sizes = [8, 512], strides = [1, 1]} : vector<512x512xi32> to vector<8x512xi32>
      %add3A_58 = arith.addi %add3A_56, %slice3A_57 : vector<8x512xi32>
      %slice3A_59 = vector.extract_strided_slice %and3A {offsets = [120, 0], sizes = [8, 512], strides = [1, 1]} : vector<512x512xi32> to vector<8x512xi32>
      %add3A_60 = arith.addi %add3A_58, %slice3A_59 : vector<8x512xi32>
      %slice3A_61 = vector.extract_strided_slice %and3A {offsets = [128, 0], sizes = [8, 512], strides = [1, 1]} : vector<512x512xi32> to vector<8x512xi32>
      %add3A_62 = arith.addi %add3A_60, %slice3A_61 : vector<8x512xi32>
      %slice3A_63 = vector.extract_strided_slice %and3A {offsets = [136, 0], sizes = [8, 512], strides = [1, 1]} : vector<512x512xi32> to vector<8x512xi32>
      %add3A_64 = arith.addi %add3A_62, %slice3A_63 : vector<8x512xi32>
      %slice3A_65 = vector.extract_strided_slice %and3A {offsets = [144, 0], sizes = [8, 512], strides = [1, 1]} : vector<512x512xi32> to vector<8x512xi32>
      %add3A_66 = arith.addi %add3A_64, %slice3A_65 : vector<8x512xi32>
      %slice3A_67 = vector.extract_strided_slice %and3A {offsets = [152, 0], sizes = [8, 512], strides = [1, 1]} : vector<512x512xi32> to vector<8x512xi32>
      %add3A_68 = arith.addi %add3A_66, %slice3A_67 : vector<8x512xi32>
      %slice3A_69 = vector.extract_strided_slice %and3A {offsets = [160, 0], sizes = [8, 512], strides = [1, 1]} : vector<512x512xi32> to vector<8x512xi32>
      %add3A_70 = arith.addi %add3A_68, %slice3A_69 : vector<8x512xi32>
      %slice3A_71 = vector.extract_strided_slice %and3A {offsets = [168, 0], sizes = [8, 512], strides = [1, 1]} : vector<512x512xi32> to vector<8x512xi32>
      %add3A_72 = arith.addi %add3A_70, %slice3A_71 : vector<8x512xi32>
      %slice3A_73 = vector.extract_strided_slice %and3A {offsets = [176, 0], sizes = [8, 512], strides = [1, 1]} : vector<512x512xi32> to vector<8x512xi32>
      %add3A_74 = arith.addi %add3A_72, %slice3A_73 : vector<8x512xi32>
      %slice3A_75 = vector.extract_strided_slice %and3A {offsets = [184, 0], sizes = [8, 512], strides = [1, 1]} : vector<512x512xi32> to vector<8x512xi32>
      %add3A_76 = arith.addi %add3A_74, %slice3A_75 : vector<8x512xi32>
      %slice3A_77 = vector.extract_strided_slice %and3A {offsets = [192, 0], sizes = [8, 512], strides = [1, 1]} : vector<512x512xi32> to vector<8x512xi32>
      %add3A_78 = arith.addi %add3A_76, %slice3A_77 : vector<8x512xi32>
      %slice3A_79 = vector.extract_strided_slice %and3A {offsets = [200, 0], sizes = [8, 512], strides = [1, 1]} : vector<512x512xi32> to vector<8x512xi32>
      %add3A_80 = arith.addi %add3A_78, %slice3A_79 : vector<8x512xi32>
      %slice3A_81 = vector.extract_strided_slice %and3A {offsets = [208, 0], sizes = [8, 512], strides = [1, 1]} : vector<512x512xi32> to vector<8x512xi32>
      %add3A_82 = arith.addi %add3A_80, %slice3A_81 : vector<8x512xi32>
      %slice3A_83 = vector.extract_strided_slice %and3A {offsets = [216, 0], sizes = [8, 512], strides = [1, 1]} : vector<512x512xi32> to vector<8x512xi32>
      %add3A_84 = arith.addi %add3A_82, %slice3A_83 : vector<8x512xi32>
      %slice3A_85 = vector.extract_strided_slice %and3A {offsets = [224, 0], sizes = [8, 512], strides = [1, 1]} : vector<512x512xi32> to vector<8x512xi32>
      %add3A_86 = arith.addi %add3A_84, %slice3A_85 : vector<8x512xi32>
      %slice3A_87 = vector.extract_strided_slice %and3A {offsets = [232, 0], sizes = [8, 512], strides = [1, 1]} : vector<512x512xi32> to vector<8x512xi32>
      %add3A_88 = arith.addi %add3A_86, %slice3A_87 : vector<8x512xi32>
      %slice3A_89 = vector.extract_strided_slice %and3A {offsets = [240, 0], sizes = [8, 512], strides = [1, 1]} : vector<512x512xi32> to vector<8x512xi32>
      %add3A_90 = arith.addi %add3A_88, %slice3A_89 : vector<8x512xi32>
      %slice3A_91 = vector.extract_strided_slice %and3A {offsets = [248, 0], sizes = [8, 512], strides = [1, 1]} : vector<512x512xi32> to vector<8x512xi32>
      %add3A_92 = arith.addi %add3A_90, %slice3A_91 : vector<8x512xi32>
      %slice3A_93 = vector.extract_strided_slice %and3A {offsets = [256, 0], sizes = [8, 512], strides = [1, 1]} : vector<512x512xi32> to vector<8x512xi32>
      %add3A_94 = arith.addi %add3A_92, %slice3A_93 : vector<8x512xi32>
      %slice3A_95 = vector.extract_strided_slice %and3A {offsets = [264, 0], sizes = [8, 512], strides = [1, 1]} : vector<512x512xi32> to vector<8x512xi32>
      %add3A_96 = arith.addi %add3A_94, %slice3A_95 : vector<8x512xi32>
      %slice3A_97 = vector.extract_strided_slice %and3A {offsets = [272, 0], sizes = [8, 512], strides = [1, 1]} : vector<512x512xi32> to vector<8x512xi32>
      %add3A_98 = arith.addi %add3A_96, %slice3A_97 : vector<8x512xi32>
      %slice3A_99 = vector.extract_strided_slice %and3A {offsets = [280, 0], sizes = [8, 512], strides = [1, 1]} : vector<512x512xi32> to vector<8x512xi32>
      %add3A_100 = arith.addi %add3A_98, %slice3A_99 : vector<8x512xi32>
      %slice3A_101 = vector.extract_strided_slice %and3A {offsets = [288, 0], sizes = [8, 512], strides = [1, 1]} : vector<512x512xi32> to vector<8x512xi32>
      %add3A_102 = arith.addi %add3A_100, %slice3A_101 : vector<8x512xi32>
      %slice3A_103 = vector.extract_strided_slice %and3A {offsets = [296, 0], sizes = [8, 512], strides = [1, 1]} : vector<512x512xi32> to vector<8x512xi32>
      %add3A_104 = arith.addi %add3A_102, %slice3A_103 : vector<8x512xi32>
      %slice3A_105 = vector.extract_strided_slice %and3A {offsets = [304, 0], sizes = [8, 512], strides = [1, 1]} : vector<512x512xi32> to vector<8x512xi32>
      %add3A_106 = arith.addi %add3A_104, %slice3A_105 : vector<8x512xi32>
      %slice3A_107 = vector.extract_strided_slice %and3A {offsets = [312, 0], sizes = [8, 512], strides = [1, 1]} : vector<512x512xi32> to vector<8x512xi32>
      %add3A_108 = arith.addi %add3A_106, %slice3A_107 : vector<8x512xi32>
      %slice3A_109 = vector.extract_strided_slice %and3A {offsets = [320, 0], sizes = [8, 512], strides = [1, 1]} : vector<512x512xi32> to vector<8x512xi32>
      %add3A_110 = arith.addi %add3A_108, %slice3A_109 : vector<8x512xi32>
      %slice3A_111 = vector.extract_strided_slice %and3A {offsets = [328, 0], sizes = [8, 512], strides = [1, 1]} : vector<512x512xi32> to vector<8x512xi32>
      %add3A_112 = arith.addi %add3A_110, %slice3A_111 : vector<8x512xi32>
      %slice3A_113 = vector.extract_strided_slice %and3A {offsets = [336, 0], sizes = [8, 512], strides = [1, 1]} : vector<512x512xi32> to vector<8x512xi32>
      %add3A_114 = arith.addi %add3A_112, %slice3A_113 : vector<8x512xi32>
      %slice3A_115 = vector.extract_strided_slice %and3A {offsets = [344, 0], sizes = [8, 512], strides = [1, 1]} : vector<512x512xi32> to vector<8x512xi32>
      %add3A_116 = arith.addi %add3A_114, %slice3A_115 : vector<8x512xi32>
      %slice3A_117 = vector.extract_strided_slice %and3A {offsets = [352, 0], sizes = [8, 512], strides = [1, 1]} : vector<512x512xi32> to vector<8x512xi32>
      %add3A_118 = arith.addi %add3A_116, %slice3A_117 : vector<8x512xi32>
      %slice3A_119 = vector.extract_strided_slice %and3A {offsets = [360, 0], sizes = [8, 512], strides = [1, 1]} : vector<512x512xi32> to vector<8x512xi32>
      %add3A_120 = arith.addi %add3A_118, %slice3A_119 : vector<8x512xi32>
      %slice3A_121 = vector.extract_strided_slice %and3A {offsets = [368, 0], sizes = [8, 512], strides = [1, 1]} : vector<512x512xi32> to vector<8x512xi32>
      %add3A_122 = arith.addi %add3A_120, %slice3A_121 : vector<8x512xi32>
      %slice3A_123 = vector.extract_strided_slice %and3A {offsets = [376, 0], sizes = [8, 512], strides = [1, 1]} : vector<512x512xi32> to vector<8x512xi32>
      %add3A_124 = arith.addi %add3A_122, %slice3A_123 : vector<8x512xi32>
      %slice3A_125 = vector.extract_strided_slice %and3A {offsets = [384, 0], sizes = [8, 512], strides = [1, 1]} : vector<512x512xi32> to vector<8x512xi32>
      %add3A_126 = arith.addi %add3A_124, %slice3A_125 : vector<8x512xi32>
      %slice3A_127 = vector.extract_strided_slice %and3A {offsets = [392, 0], sizes = [8, 512], strides = [1, 1]} : vector<512x512xi32> to vector<8x512xi32>
      %add3A_128 = arith.addi %add3A_126, %slice3A_127 : vector<8x512xi32>
      %slice3A_129 = vector.extract_strided_slice %and3A {offsets = [400, 0], sizes = [8, 512], strides = [1, 1]} : vector<512x512xi32> to vector<8x512xi32>
      %add3A_130 = arith.addi %add3A_128, %slice3A_129 : vector<8x512xi32>
      %slice3A_131 = vector.extract_strided_slice %and3A {offsets = [408, 0], sizes = [8, 512], strides = [1, 1]} : vector<512x512xi32> to vector<8x512xi32>
      %add3A_132 = arith.addi %add3A_130, %slice3A_131 : vector<8x512xi32>
      %slice3A_133 = vector.extract_strided_slice %and3A {offsets = [416, 0], sizes = [8, 512], strides = [1, 1]} : vector<512x512xi32> to vector<8x512xi32>
      %add3A_134 = arith.addi %add3A_132, %slice3A_133 : vector<8x512xi32>
      %slice3A_135 = vector.extract_strided_slice %and3A {offsets = [424, 0], sizes = [8, 512], strides = [1, 1]} : vector<512x512xi32> to vector<8x512xi32>
      %add3A_136 = arith.addi %add3A_134, %slice3A_135 : vector<8x512xi32>
      %slice3A_137 = vector.extract_strided_slice %and3A {offsets = [432, 0], sizes = [8, 512], strides = [1, 1]} : vector<512x512xi32> to vector<8x512xi32>
      %add3A_138 = arith.addi %add3A_136, %slice3A_137 : vector<8x512xi32>
      %slice3A_139 = vector.extract_strided_slice %and3A {offsets = [440, 0], sizes = [8, 512], strides = [1, 1]} : vector<512x512xi32> to vector<8x512xi32>
      %add3A_140 = arith.addi %add3A_138, %slice3A_139 : vector<8x512xi32>
      %slice3A_141 = vector.extract_strided_slice %and3A {offsets = [448, 0], sizes = [8, 512], strides = [1, 1]} : vector<512x512xi32> to vector<8x512xi32>
      %add3A_142 = arith.addi %add3A_140, %slice3A_141 : vector<8x512xi32>
      %slice3A_143 = vector.extract_strided_slice %and3A {offsets = [456, 0], sizes = [8, 512], strides = [1, 1]} : vector<512x512xi32> to vector<8x512xi32>
      %add3A_144 = arith.addi %add3A_142, %slice3A_143 : vector<8x512xi32>
      %slice3A_145 = vector.extract_strided_slice %and3A {offsets = [464, 0], sizes = [8, 512], strides = [1, 1]} : vector<512x512xi32> to vector<8x512xi32>
      %add3A_146 = arith.addi %add3A_144, %slice3A_145 : vector<8x512xi32>
      %slice3A_147 = vector.extract_strided_slice %and3A {offsets = [472, 0], sizes = [8, 512], strides = [1, 1]} : vector<512x512xi32> to vector<8x512xi32>
      %add3A_148 = arith.addi %add3A_146, %slice3A_147 : vector<8x512xi32>
      %slice3A_149 = vector.extract_strided_slice %and3A {offsets = [480, 0], sizes = [8, 512], strides = [1, 1]} : vector<512x512xi32> to vector<8x512xi32>
      %add3A_150 = arith.addi %add3A_148, %slice3A_149 : vector<8x512xi32>
      %slice3A_151 = vector.extract_strided_slice %and3A {offsets = [488, 0], sizes = [8, 512], strides = [1, 1]} : vector<512x512xi32> to vector<8x512xi32>
      %add3A_152 = arith.addi %add3A_150, %slice3A_151 : vector<8x512xi32>
      %slice3A_153 = vector.extract_strided_slice %and3A {offsets = [496, 0], sizes = [8, 512], strides = [1, 1]} : vector<512x512xi32> to vector<8x512xi32>
      %add3A_154 = arith.addi %add3A_152, %slice3A_153 : vector<8x512xi32>
      %slice3A_155 = vector.extract_strided_slice %and3A {offsets = [504, 0], sizes = [8, 512], strides = [1, 1]} : vector<512x512xi32> to vector<8x512xi32>
      %add3A_156 = arith.addi %add3A_154, %slice3A_155 : vector<8x512xi32>
      %swap3A = arith.constant 0 : index
      %swap3A_157 = arith.constant 0 : index
      %swap3A_158 = vector.load %arg6[%swap3A, %swap3A_157] : memref<8x512xi32, #tpu.memory_space<vmem>>, vector<8x512xi32>
      tpu.vector_store %arg6[%swap3A, %swap3A_157], %add3A_156 {strides = array<i32>} : memref<8x512xi32, #tpu.memory_space<vmem>>, vector<8x512xi32>,
      %slice3A_159 = vector.extract_strided_slice %select_n3A {offsets = [0, 0], sizes = [8, 512], strides = [1, 1]} : vector<512x512xi32> to vector<8x512xi32>
      %slice3A_160 = vector.extract_strided_slice %select_n3A {offsets = [8, 0], sizes = [8, 512], strides = [1, 1]} : vector<512x512xi32> to vector<8x512xi32>
      %add3A_161 = arith.addi %slice3A_159, %slice3A_160 : vector<8x512xi32>
      %slice3A_162 = vector.extract_strided_slice %select_n3A {offsets = [16, 0], sizes = [8, 512], strides = [1, 1]} : vector<512x512xi32> to vector<8x512xi32>
      %add3A_163 = arith.addi %add3A_161, %slice3A_162 : vector<8x512xi32>
      %slice3A_164 = vector.extract_strided_slice %select_n3A {offsets = [24, 0], sizes = [8, 512], strides = [1, 1]} : vector<512x512xi32> to vector<8x512xi32>
      %add3A_165 = arith.addi %add3A_163, %slice3A_164 : vector<8x512xi32>
      %slice3A_166 = vector.extract_strided_slice %select_n3A {offsets = [32, 0], sizes = [8, 512], strides = [1, 1]} : vector<512x512xi32> to vector<8x512xi32>
      %add3A_167 = arith.addi %add3A_165, %slice3A_166 : vector<8x512xi32>
      %slice3A_168 = vector.extract_strided_slice %select_n3A {offsets = [40, 0], sizes = [8, 512], strides = [1, 1]} : vector<512x512xi32> to vector<8x512xi32>
      %add3A_169 = arith.addi %add3A_167, %slice3A_168 : vector<8x512xi32>
      %slice3A_170 = vector.extract_strided_slice %select_n3A {offsets = [48, 0], sizes = [8, 512], strides = [1, 1]} : vector<512x512xi32> to vector<8x512xi32>
      %add3A_171 = arith.addi %add3A_169, %slice3A_170 : vector<8x512xi32>
      %slice3A_172 = vector.extract_strided_slice %select_n3A {offsets = [56, 0], sizes = [8, 512], strides = [1, 1]} : vector<512x512xi32> to vector<8x512xi32>
      %add3A_173 = arith.addi %add3A_171, %slice3A_172 : vector<8x512xi32>
      %slice3A_174 = vector.extract_strided_slice %select_n3A {offsets = [64, 0], sizes = [8, 512], strides = [1, 1]} : vector<512x512xi32> to vector<8x512xi32>
      %add3A_175 = arith.addi %add3A_173, %slice3A_174 : vector<8x512xi32>
      %slice3A_176 = vector.extract_strided_slice %select_n3A {offsets = [72, 0], sizes = [8, 512], strides = [1, 1]} : vector<512x512xi32> to vector<8x512xi32>
      %add3A_177 = arith.addi %add3A_175, %slice3A_176 : vector<8x512xi32>
      %slice3A_178 = vector.extract_strided_slice %select_n3A {offsets = [80, 0], sizes = [8, 512], strides = [1, 1]} : vector<512x512xi32> to vector<8x512xi32>
      %add3A_179 = arith.addi %add3A_177, %slice3A_178 : vector<8x512xi32>
      %slice3A_180 = vector.extract_strided_slice %select_n3A {offsets = [88, 0], sizes = [8, 512], strides = [1, 1]} : vector<512x512xi32> to vector<8x512xi32>
      %add3A_181 = arith.addi %add3A_179, %slice3A_180 : vector<8x512xi32>
      %slice3A_182 = vector.extract_strided_slice %select_n3A {offsets = [96, 0], sizes = [8, 512], strides = [1, 1]} : vector<512x512xi32> to vector<8x512xi32>
      %add3A_183 = arith.addi %add3A_181, %slice3A_182 : vector<8x512xi32>
      %slice3A_184 = vector.extract_strided_slice %select_n3A {offsets = [104, 0], sizes = [8, 512], strides = [1, 1]} : vector<512x512xi32> to vector<8x512xi32>
      %add3A_185 = arith.addi %add3A_183, %slice3A_184 : vector<8x512xi32>
      %slice3A_186 = vector.extract_strided_slice %select_n3A {offsets = [112, 0], sizes = [8, 512], strides = [1, 1]} : vector<512x512xi32> to vector<8x512xi32>
      %add3A_187 = arith.addi %add3A_185, %slice3A_186 : vector<8x512xi32>
      %slice3A_188 = vector.extract_strided_slice %select_n3A {offsets = [120, 0], sizes = [8, 512], strides = [1, 1]} : vector<512x512xi32> to vector<8x512xi32>
      %add3A_189 = arith.addi %add3A_187, %slice3A_188 : vector<8x512xi32>
      %slice3A_190 = vector.extract_strided_slice %select_n3A {offsets = [128, 0], sizes = [8, 512], strides = [1, 1]} : vector<512x512xi32> to vector<8x512xi32>
      %add3A_191 = arith.addi %add3A_189, %slice3A_190 : vector<8x512xi32>
      %slice3A_192 = vector.extract_strided_slice %select_n3A {offsets = [136, 0], sizes = [8, 512], strides = [1, 1]} : vector<512x512xi32> to vector<8x512xi32>
      %add3A_193 = arith.addi %add3A_191, %slice3A_192 : vector<8x512xi32>
      %slice3A_194 = vector.extract_strided_slice %select_n3A {offsets = [144, 0], sizes = [8, 512], strides = [1, 1]} : vector<512x512xi32> to vector<8x512xi32>
      %add3A_195 = arith.addi %add3A_193, %slice3A_194 : vector<8x512xi32>
      %slice3A_196 = vector.extract_strided_slice %select_n3A {offsets = [152, 0], sizes = [8, 512], strides = [1, 1]} : vector<512x512xi32> to vector<8x512xi32>
      %add3A_197 = arith.addi %add3A_195, %slice3A_196 : vector<8x512xi32>
      %slice3A_198 = vector.extract_strided_slice %select_n3A {offsets = [160, 0], sizes = [8, 512], strides = [1, 1]} : vector<512x512xi32> to vector<8x512xi32>
      %add3A_199 = arith.addi %add3A_197, %slice3A_198 : vector<8x512xi32>
      %slice3A_200 = vector.extract_strided_slice %select_n3A {offsets = [168, 0], sizes = [8, 512], strides = [1, 1]} : vector<512x512xi32> to vector<8x512xi32>
      %add3A_201 = arith.addi %add3A_199, %slice3A_200 : vector<8x512xi32>
      %slice3A_202 = vector.extract_strided_slice %select_n3A {offsets = [176, 0], sizes = [8, 512], strides = [1, 1]} : vector<512x512xi32> to vector<8x512xi32>
      %add3A_203 = arith.addi %add3A_201, %slice3A_202 : vector<8x512xi32>
      %slice3A_204 = vector.extract_strided_slice %select_n3A {offsets = [184, 0], sizes = [8, 512], strides = [1, 1]} : vector<512x512xi32> to vector<8x512xi32>
      %add3A_205 = arith.addi %add3A_203, %slice3A_204 : vector<8x512xi32>
      %slice3A_206 = vector.extract_strided_slice %select_n3A {offsets = [192, 0], sizes = [8, 512], strides = [1, 1]} : vector<512x512xi32> to vector<8x512xi32>
      %add3A_207 = arith.addi %add3A_205, %slice3A_206 : vector<8x512xi32>
      %slice3A_208 = vector.extract_strided_slice %select_n3A {offsets = [200, 0], sizes = [8, 512], strides = [1, 1]} : vector<512x512xi32> to vector<8x512xi32>
      %add3A_209 = arith.addi %add3A_207, %slice3A_208 : vector<8x512xi32>
      %slice3A_210 = vector.extract_strided_slice %select_n3A {offsets = [208, 0], sizes = [8, 512], strides = [1, 1]} : vector<512x512xi32> to vector<8x512xi32>
      %add3A_211 = arith.addi %add3A_209, %slice3A_210 : vector<8x512xi32>
      %slice3A_212 = vector.extract_strided_slice %select_n3A {offsets = [216, 0], sizes = [8, 512], strides = [1, 1]} : vector<512x512xi32> to vector<8x512xi32>
      %add3A_213 = arith.addi %add3A_211, %slice3A_212 : vector<8x512xi32>
      %slice3A_214 = vector.extract_strided_slice %select_n3A {offsets = [224, 0], sizes = [8, 512], strides = [1, 1]} : vector<512x512xi32> to vector<8x512xi32>
      %add3A_215 = arith.addi %add3A_213, %slice3A_214 : vector<8x512xi32>
      %slice3A_216 = vector.extract_strided_slice %select_n3A {offsets = [232, 0], sizes = [8, 512], strides = [1, 1]} : vector<512x512xi32> to vector<8x512xi32>
      %add3A_217 = arith.addi %add3A_215, %slice3A_216 : vector<8x512xi32>
      %slice3A_218 = vector.extract_strided_slice %select_n3A {offsets = [240, 0], sizes = [8, 512], strides = [1, 1]} : vector<512x512xi32> to vector<8x512xi32>
      %add3A_219 = arith.addi %add3A_217, %slice3A_218 : vector<8x512xi32>
      %slice3A_220 = vector.extract_strided_slice %select_n3A {offsets = [248, 0], sizes = [8, 512], strides = [1, 1]} : vector<512x512xi32> to vector<8x512xi32>
      %add3A_221 = arith.addi %add3A_219, %slice3A_220 : vector<8x512xi32>
      %slice3A_222 = vector.extract_strided_slice %select_n3A {offsets = [256, 0], sizes = [8, 512], strides = [1, 1]} : vector<512x512xi32> to vector<8x512xi32>
      %add3A_223 = arith.addi %add3A_221, %slice3A_222 : vector<8x512xi32>
      %slice3A_224 = vector.extract_strided_slice %select_n3A {offsets = [264, 0], sizes = [8, 512], strides = [1, 1]} : vector<512x512xi32> to vector<8x512xi32>
      %add3A_225 = arith.addi %add3A_223, %slice3A_224 : vector<8x512xi32>
      %slice3A_226 = vector.extract_strided_slice %select_n3A {offsets = [272, 0], sizes = [8, 512], strides = [1, 1]} : vector<512x512xi32> to vector<8x512xi32>
      %add3A_227 = arith.addi %add3A_225, %slice3A_226 : vector<8x512xi32>
      %slice3A_228 = vector.extract_strided_slice %select_n3A {offsets = [280, 0], sizes = [8, 512], strides = [1, 1]} : vector<512x512xi32> to vector<8x512xi32>
      %add3A_229 = arith.addi %add3A_227, %slice3A_228 : vector<8x512xi32>
      %slice3A_230 = vector.extract_strided_slice %select_n3A {offsets = [288, 0], sizes = [8, 512], strides = [1, 1]} : vector<512x512xi32> to vector<8x512xi32>
      %add3A_231 = arith.addi %add3A_229, %slice3A_230 : vector<8x512xi32>
      %slice3A_232 = vector.extract_strided_slice %select_n3A {offsets = [296, 0], sizes = [8, 512], strides = [1, 1]} : vector<512x512xi32> to vector<8x512xi32>
      %add3A_233 = arith.addi %add3A_231, %slice3A_232 : vector<8x512xi32>
      %slice3A_234 = vector.extract_strided_slice %select_n3A {offsets = [304, 0], sizes = [8, 512], strides = [1, 1]} : vector<512x512xi32> to vector<8x512xi32>
      %add3A_235 = arith.addi %add3A_233, %slice3A_234 : vector<8x512xi32>
      %slice3A_236 = vector.extract_strided_slice %select_n3A {offsets = [312, 0], sizes = [8, 512], strides = [1, 1]} : vector<512x512xi32> to vector<8x512xi32>
      %add3A_237 = arith.addi %add3A_235, %slice3A_236 : vector<8x512xi32>
      %slice3A_238 = vector.extract_strided_slice %select_n3A {offsets = [320, 0], sizes = [8, 512], strides = [1, 1]} : vector<512x512xi32> to vector<8x512xi32>
      %add3A_239 = arith.addi %add3A_237, %slice3A_238 : vector<8x512xi32>
      %slice3A_240 = vector.extract_strided_slice %select_n3A {offsets = [328, 0], sizes = [8, 512], strides = [1, 1]} : vector<512x512xi32> to vector<8x512xi32>
      %add3A_241 = arith.addi %add3A_239, %slice3A_240 : vector<8x512xi32>
      %slice3A_242 = vector.extract_strided_slice %select_n3A {offsets = [336, 0], sizes = [8, 512], strides = [1, 1]} : vector<512x512xi32> to vector<8x512xi32>
      %add3A_243 = arith.addi %add3A_241, %slice3A_242 : vector<8x512xi32>
      %slice3A_244 = vector.extract_strided_slice %select_n3A {offsets = [344, 0], sizes = [8, 512], strides = [1, 1]} : vector<512x512xi32> to vector<8x512xi32>
      %add3A_245 = arith.addi %add3A_243, %slice3A_244 : vector<8x512xi32>
      %slice3A_246 = vector.extract_strided_slice %select_n3A {offsets = [352, 0], sizes = [8, 512], strides = [1, 1]} : vector<512x512xi32> to vector<8x512xi32>
      %add3A_247 = arith.addi %add3A_245, %slice3A_246 : vector<8x512xi32>
      %slice3A_248 = vector.extract_strided_slice %select_n3A {offsets = [360, 0], sizes = [8, 512], strides = [1, 1]} : vector<512x512xi32> to vector<8x512xi32>
      %add3A_249 = arith.addi %add3A_247, %slice3A_248 : vector<8x512xi32>
      %slice3A_250 = vector.extract_strided_slice %select_n3A {offsets = [368, 0], sizes = [8, 512], strides = [1, 1]} : vector<512x512xi32> to vector<8x512xi32>
      %add3A_251 = arith.addi %add3A_249, %slice3A_250 : vector<8x512xi32>
      %slice3A_252 = vector.extract_strided_slice %select_n3A {offsets = [376, 0], sizes = [8, 512], strides = [1, 1]} : vector<512x512xi32> to vector<8x512xi32>
      %add3A_253 = arith.addi %add3A_251, %slice3A_252 : vector<8x512xi32>
      %slice3A_254 = vector.extract_strided_slice %select_n3A {offsets = [384, 0], sizes = [8, 512], strides = [1, 1]} : vector<512x512xi32> to vector<8x512xi32>
      %add3A_255 = arith.addi %add3A_253, %slice3A_254 : vector<8x512xi32>
      %slice3A_256 = vector.extract_strided_slice %select_n3A {offsets = [392, 0], sizes = [8, 512], strides = [1, 1]} : vector<512x512xi32> to vector<8x512xi32>
      %add3A_257 = arith.addi %add3A_255, %slice3A_256 : vector<8x512xi32>
      %slice3A_258 = vector.extract_strided_slice %select_n3A {offsets = [400, 0], sizes = [8, 512], strides = [1, 1]} : vector<512x512xi32> to vector<8x512xi32>
      %add3A_259 = arith.addi %add3A_257, %slice3A_258 : vector<8x512xi32>
      %slice3A_260 = vector.extract_strided_slice %select_n3A {offsets = [408, 0], sizes = [8, 512], strides = [1, 1]} : vector<512x512xi32> to vector<8x512xi32>
      %add3A_261 = arith.addi %add3A_259, %slice3A_260 : vector<8x512xi32>
      %slice3A_262 = vector.extract_strided_slice %select_n3A {offsets = [416, 0], sizes = [8, 512], strides = [1, 1]} : vector<512x512xi32> to vector<8x512xi32>
      %add3A_263 = arith.addi %add3A_261, %slice3A_262 : vector<8x512xi32>
      %slice3A_264 = vector.extract_strided_slice %select_n3A {offsets = [424, 0], sizes = [8, 512], strides = [1, 1]} : vector<512x512xi32> to vector<8x512xi32>
      %add3A_265 = arith.addi %add3A_263, %slice3A_264 : vector<8x512xi32>
      %slice3A_266 = vector.extract_strided_slice %select_n3A {offsets = [432, 0], sizes = [8, 512], strides = [1, 1]} : vector<512x512xi32> to vector<8x512xi32>
      %add3A_267 = arith.addi %add3A_265, %slice3A_266 : vector<8x512xi32>
      %slice3A_268 = vector.extract_strided_slice %select_n3A {offsets = [440, 0], sizes = [8, 512], strides = [1, 1]} : vector<512x512xi32> to vector<8x512xi32>
      %add3A_269 = arith.addi %add3A_267, %slice3A_268 : vector<8x512xi32>
      %slice3A_270 = vector.extract_strided_slice %select_n3A {offsets = [448, 0], sizes = [8, 512], strides = [1, 1]} : vector<512x512xi32> to vector<8x512xi32>
      %add3A_271 = arith.addi %add3A_269, %slice3A_270 : vector<8x512xi32>
      %slice3A_272 = vector.extract_strided_slice %select_n3A {offsets = [456, 0], sizes = [8, 512], strides = [1, 1]} : vector<512x512xi32> to vector<8x512xi32>
      %add3A_273 = arith.addi %add3A_271, %slice3A_272 : vector<8x512xi32>
      %slice3A_274 = vector.extract_strided_slice %select_n3A {offsets = [464, 0], sizes = [8, 512], strides = [1, 1]} : vector<512x512xi32> to vector<8x512xi32>
      %add3A_275 = arith.addi %add3A_273, %slice3A_274 : vector<8x512xi32>
      %slice3A_276 = vector.extract_strided_slice %select_n3A {offsets = [472, 0], sizes = [8, 512], strides = [1, 1]} : vector<512x512xi32> to vector<8x512xi32>
      %add3A_277 = arith.addi %add3A_275, %slice3A_276 : vector<8x512xi32>
      %slice3A_278 = vector.extract_strided_slice %select_n3A {offsets = [480, 0], sizes = [8, 512], strides = [1, 1]} : vector<512x512xi32> to vector<8x512xi32>
      %add3A_279 = arith.addi %add3A_277, %slice3A_278 : vector<8x512xi32>
      %slice3A_280 = vector.extract_strided_slice %select_n3A {offsets = [488, 0], sizes = [8, 512], strides = [1, 1]} : vector<512x512xi32> to vector<8x512xi32>
      %add3A_281 = arith.addi %add3A_279, %slice3A_280 : vector<8x512xi32>
      %slice3A_282 = vector.extract_strided_slice %select_n3A {offsets = [496, 0], sizes = [8, 512], strides = [1, 1]} : vector<512x512xi32> to vector<8x512xi32>
      %add3A_283 = arith.addi %add3A_281, %slice3A_282 : vector<8x512xi32>
      %slice3A_284 = vector.extract_strided_slice %select_n3A {offsets = [504, 0], sizes = [8, 512], strides = [1, 1]} : vector<512x512xi32> to vector<8x512xi32>
      %add3A_285 = arith.addi %add3A_283, %slice3A_284 : vector<8x512xi32>
      %swap3A_286 = arith.constant 0 : index
      %swap3A_287 = arith.constant 0 : index
      %swap3A_288 = vector.load %arg7[%swap3A_286, %swap3A_287] : memref<8x512xi32, #tpu.memory_space<vmem>>, vector<8x512xi32>
      tpu.vector_store %arg7[%swap3A_286, %swap3A_287], %add3A_285 {strides = array<i32>} : memref<8x512xi32, #tpu.memory_space<vmem>>, vector<8x512xi32>,
      %slice3A_289 = vector.extract_strided_slice %get3A_15 {offsets = [0, 0], sizes = [8, 512], strides = [1, 1]} : vector<512x512xi32> to vector<8x512xi32>
      %slice3A_290 = vector.extract_strided_slice %get3A_15 {offsets = [8, 0], sizes = [8, 512], strides = [1, 1]} : vector<512x512xi32> to vector<8x512xi32>
      %add3A_291 = arith.addi %slice3A_289, %slice3A_290 : vector<8x512xi32>
      %slice3A_292 = vector.extract_strided_slice %get3A_15 {offsets = [16, 0], sizes = [8, 512], strides = [1, 1]} : vector<512x512xi32> to vector<8x512xi32>
      %add3A_293 = arith.addi %add3A_291, %slice3A_292 : vector<8x512xi32>
      %slice3A_294 = vector.extract_strided_slice %get3A_15 {offsets = [24, 0], sizes = [8, 512], strides = [1, 1]} : vector<512x512xi32> to vector<8x512xi32>
      %add3A_295 = arith.addi %add3A_293, %slice3A_294 : vector<8x512xi32>
      %slice3A_296 = vector.extract_strided_slice %get3A_15 {offsets = [32, 0], sizes = [8, 512], strides = [1, 1]} : vector<512x512xi32> to vector<8x512xi32>
      %add3A_297 = arith.addi %add3A_295, %slice3A_296 : vector<8x512xi32>
      %slice3A_298 = vector.extract_strided_slice %get3A_15 {offsets = [40, 0], sizes = [8, 512], strides = [1, 1]} : vector<512x512xi32> to vector<8x512xi32>
      %add3A_299 = arith.addi %add3A_297, %slice3A_298 : vector<8x512xi32>
      %slice3A_300 = vector.extract_strided_slice %get3A_15 {offsets = [48, 0], sizes = [8, 512], strides = [1, 1]} : vector<512x512xi32> to vector<8x512xi32>
      %add3A_301 = arith.addi %add3A_299, %slice3A_300 : vector<8x512xi32>
      %slice3A_302 = vector.extract_strided_slice %get3A_15 {offsets = [56, 0], sizes = [8, 512], strides = [1, 1]} : vector<512x512xi32> to vector<8x512xi32>
      %add3A_303 = arith.addi %add3A_301, %slice3A_302 : vector<8x512xi32>
      %slice3A_304 = vector.extract_strided_slice %get3A_15 {offsets = [64, 0], sizes = [8, 512], strides = [1, 1]} : vector<512x512xi32> to vector<8x512xi32>
      %add3A_305 = arith.addi %add3A_303, %slice3A_304 : vector<8x512xi32>
      %slice3A_306 = vector.extract_strided_slice %get3A_15 {offsets = [72, 0], sizes = [8, 512], strides = [1, 1]} : vector<512x512xi32> to vector<8x512xi32>
      %add3A_307 = arith.addi %add3A_305, %slice3A_306 : vector<8x512xi32>
      %slice3A_308 = vector.extract_strided_slice %get3A_15 {offsets = [80, 0], sizes = [8, 512], strides = [1, 1]} : vector<512x512xi32> to vector<8x512xi32>
      %add3A_309 = arith.addi %add3A_307, %slice3A_308 : vector<8x512xi32>
      %slice3A_310 = vector.extract_strided_slice %get3A_15 {offsets = [88, 0], sizes = [8, 512], strides = [1, 1]} : vector<512x512xi32> to vector<8x512xi32>
      %add3A_311 = arith.addi %add3A_309, %slice3A_310 : vector<8x512xi32>
      %slice3A_312 = vector.extract_strided_slice %get3A_15 {offsets = [96, 0], sizes = [8, 512], strides = [1, 1]} : vector<512x512xi32> to vector<8x512xi32>
      %add3A_313 = arith.addi %add3A_311, %slice3A_312 : vector<8x512xi32>
      %slice3A_314 = vector.extract_strided_slice %get3A_15 {offsets = [104, 0], sizes = [8, 512], strides = [1, 1]} : vector<512x512xi32> to vector<8x512xi32>
      %add3A_315 = arith.addi %add3A_313, %slice3A_314 : vector<8x512xi32>
      %slice3A_316 = vector.extract_strided_slice %get3A_15 {offsets = [112, 0], sizes = [8, 512], strides = [1, 1]} : vector<512x512xi32> to vector<8x512xi32>
      %add3A_317 = arith.addi %add3A_315, %slice3A_316 : vector<8x512xi32>
      %slice3A_318 = vector.extract_strided_slice %get3A_15 {offsets = [120, 0], sizes = [8, 512], strides = [1, 1]} : vector<512x512xi32> to vector<8x512xi32>
      %add3A_319 = arith.addi %add3A_317, %slice3A_318 : vector<8x512xi32>
      %slice3A_320 = vector.extract_strided_slice %get3A_15 {offsets = [128, 0], sizes = [8, 512], strides = [1, 1]} : vector<512x512xi32> to vector<8x512xi32>
      %add3A_321 = arith.addi %add3A_319, %slice3A_320 : vector<8x512xi32>
      %slice3A_322 = vector.extract_strided_slice %get3A_15 {offsets = [136, 0], sizes = [8, 512], strides = [1, 1]} : vector<512x512xi32> to vector<8x512xi32>
      %add3A_323 = arith.addi %add3A_321, %slice3A_322 : vector<8x512xi32>
      %slice3A_324 = vector.extract_strided_slice %get3A_15 {offsets = [144, 0], sizes = [8, 512], strides = [1, 1]} : vector<512x512xi32> to vector<8x512xi32>
      %add3A_325 = arith.addi %add3A_323, %slice3A_324 : vector<8x512xi32>
      %slice3A_326 = vector.extract_strided_slice %get3A_15 {offsets = [152, 0], sizes = [8, 512], strides = [1, 1]} : vector<512x512xi32> to vector<8x512xi32>
      %add3A_327 = arith.addi %add3A_325, %slice3A_326 : vector<8x512xi32>
      %slice3A_328 = vector.extract_strided_slice %get3A_15 {offsets = [160, 0], sizes = [8, 512], strides = [1, 1]} : vector<512x512xi32> to vector<8x512xi32>
      %add3A_329 = arith.addi %add3A_327, %slice3A_328 : vector<8x512xi32>
      %slice3A_330 = vector.extract_strided_slice %get3A_15 {offsets = [168, 0], sizes = [8, 512], strides = [1, 1]} : vector<512x512xi32> to vector<8x512xi32>
      %add3A_331 = arith.addi %add3A_329, %slice3A_330 : vector<8x512xi32>
      %slice3A_332 = vector.extract_strided_slice %get3A_15 {offsets = [176, 0], sizes = [8, 512], strides = [1, 1]} : vector<512x512xi32> to vector<8x512xi32>
      %add3A_333 = arith.addi %add3A_331, %slice3A_332 : vector<8x512xi32>
      %slice3A_334 = vector.extract_strided_slice %get3A_15 {offsets = [184, 0], sizes = [8, 512], strides = [1, 1]} : vector<512x512xi32> to vector<8x512xi32>
      %add3A_335 = arith.addi %add3A_333, %slice3A_334 : vector<8x512xi32>
      %slice3A_336 = vector.extract_strided_slice %get3A_15 {offsets = [192, 0], sizes = [8, 512], strides = [1, 1]} : vector<512x512xi32> to vector<8x512xi32>
      %add3A_337 = arith.addi %add3A_335, %slice3A_336 : vector<8x512xi32>
      %slice3A_338 = vector.extract_strided_slice %get3A_15 {offsets = [200, 0], sizes = [8, 512], strides = [1, 1]} : vector<512x512xi32> to vector<8x512xi32>
      %add3A_339 = arith.addi %add3A_337, %slice3A_338 : vector<8x512xi32>
      %slice3A_340 = vector.extract_strided_slice %get3A_15 {offsets = [208, 0], sizes = [8, 512], strides = [1, 1]} : vector<512x512xi32> to vector<8x512xi32>
      %add3A_341 = arith.addi %add3A_339, %slice3A_340 : vector<8x512xi32>
      %slice3A_342 = vector.extract_strided_slice %get3A_15 {offsets = [216, 0], sizes = [8, 512], strides = [1, 1]} : vector<512x512xi32> to vector<8x512xi32>
      %add3A_343 = arith.addi %add3A_341, %slice3A_342 : vector<8x512xi32>
      %slice3A_344 = vector.extract_strided_slice %get3A_15 {offsets = [224, 0], sizes = [8, 512], strides = [1, 1]} : vector<512x512xi32> to vector<8x512xi32>
      %add3A_345 = arith.addi %add3A_343, %slice3A_344 : vector<8x512xi32>
      %slice3A_346 = vector.extract_strided_slice %get3A_15 {offsets = [232, 0], sizes = [8, 512], strides = [1, 1]} : vector<512x512xi32> to vector<8x512xi32>
      %add3A_347 = arith.addi %add3A_345, %slice3A_346 : vector<8x512xi32>
      %slice3A_348 = vector.extract_strided_slice %get3A_15 {offsets = [240, 0], sizes = [8, 512], strides = [1, 1]} : vector<512x512xi32> to vector<8x512xi32>
      %add3A_349 = arith.addi %add3A_347, %slice3A_348 : vector<8x512xi32>
      %slice3A_350 = vector.extract_strided_slice %get3A_15 {offsets = [248, 0], sizes = [8, 512], strides = [1, 1]} : vector<512x512xi32> to vector<8x512xi32>
      %add3A_351 = arith.addi %add3A_349, %slice3A_350 : vector<8x512xi32>
      %slice3A_352 = vector.extract_strided_slice %get3A_15 {offsets = [256, 0], sizes = [8, 512], strides = [1, 1]} : vector<512x512xi32> to vector<8x512xi32>
      %add3A_353 = arith.addi %add3A_351, %slice3A_352 : vector<8x512xi32>
      %slice3A_354 = vector.extract_strided_slice %get3A_15 {offsets = [264, 0], sizes = [8, 512], strides = [1, 1]} : vector<512x512xi32> to vector<8x512xi32>
      %add3A_355 = arith.addi %add3A_353, %slice3A_354 : vector<8x512xi32>
      %slice3A_356 = vector.extract_strided_slice %get3A_15 {offsets = [272, 0], sizes = [8, 512], strides = [1, 1]} : vector<512x512xi32> to vector<8x512xi32>
      %add3A_357 = arith.addi %add3A_355, %slice3A_356 : vector<8x512xi32>
      %slice3A_358 = vector.extract_strided_slice %get3A_15 {offsets = [280, 0], sizes = [8, 512], strides = [1, 1]} : vector<512x512xi32> to vector<8x512xi32>
      %add3A_359 = arith.addi %add3A_357, %slice3A_358 : vector<8x512xi32>
      %slice3A_360 = vector.extract_strided_slice %get3A_15 {offsets = [288, 0], sizes = [8, 512], strides = [1, 1]} : vector<512x512xi32> to vector<8x512xi32>
      %add3A_361 = arith.addi %add3A_359, %slice3A_360 : vector<8x512xi32>
      %slice3A_362 = vector.extract_strided_slice %get3A_15 {offsets = [296, 0], sizes = [8, 512], strides = [1, 1]} : vector<512x512xi32> to vector<8x512xi32>
      %add3A_363 = arith.addi %add3A_361, %slice3A_362 : vector<8x512xi32>
      %slice3A_364 = vector.extract_strided_slice %get3A_15 {offsets = [304, 0], sizes = [8, 512], strides = [1, 1]} : vector<512x512xi32> to vector<8x512xi32>
      %add3A_365 = arith.addi %add3A_363, %slice3A_364 : vector<8x512xi32>
      %slice3A_366 = vector.extract_strided_slice %get3A_15 {offsets = [312, 0], sizes = [8, 512], strides = [1, 1]} : vector<512x512xi32> to vector<8x512xi32>
      %add3A_367 = arith.addi %add3A_365, %slice3A_366 : vector<8x512xi32>
      %slice3A_368 = vector.extract_strided_slice %get3A_15 {offsets = [320, 0], sizes = [8, 512], strides = [1, 1]} : vector<512x512xi32> to vector<8x512xi32>
      %add3A_369 = arith.addi %add3A_367, %slice3A_368 : vector<8x512xi32>
      %slice3A_370 = vector.extract_strided_slice %get3A_15 {offsets = [328, 0], sizes = [8, 512], strides = [1, 1]} : vector<512x512xi32> to vector<8x512xi32>
      %add3A_371 = arith.addi %add3A_369, %slice3A_370 : vector<8x512xi32>
      %slice3A_372 = vector.extract_strided_slice %get3A_15 {offsets = [336, 0], sizes = [8, 512], strides = [1, 1]} : vector<512x512xi32> to vector<8x512xi32>
      %add3A_373 = arith.addi %add3A_371, %slice3A_372 : vector<8x512xi32>
      %slice3A_374 = vector.extract_strided_slice %get3A_15 {offsets = [344, 0], sizes = [8, 512], strides = [1, 1]} : vector<512x512xi32> to vector<8x512xi32>
      %add3A_375 = arith.addi %add3A_373, %slice3A_374 : vector<8x512xi32>
      %slice3A_376 = vector.extract_strided_slice %get3A_15 {offsets = [352, 0], sizes = [8, 512], strides = [1, 1]} : vector<512x512xi32> to vector<8x512xi32>
      %add3A_377 = arith.addi %add3A_375, %slice3A_376 : vector<8x512xi32>
      %slice3A_378 = vector.extract_strided_slice %get3A_15 {offsets = [360, 0], sizes = [8, 512], strides = [1, 1]} : vector<512x512xi32> to vector<8x512xi32>
      %add3A_379 = arith.addi %add3A_377, %slice3A_378 : vector<8x512xi32>
      %slice3A_380 = vector.extract_strided_slice %get3A_15 {offsets = [368, 0], sizes = [8, 512], strides = [1, 1]} : vector<512x512xi32> to vector<8x512xi32>
      %add3A_381 = arith.addi %add3A_379, %slice3A_380 : vector<8x512xi32>
      %slice3A_382 = vector.extract_strided_slice %get3A_15 {offsets = [376, 0], sizes = [8, 512], strides = [1, 1]} : vector<512x512xi32> to vector<8x512xi32>
      %add3A_383 = arith.addi %add3A_381, %slice3A_382 : vector<8x512xi32>
      %slice3A_384 = vector.extract_strided_slice %get3A_15 {offsets = [384, 0], sizes = [8, 512], strides = [1, 1]} : vector<512x512xi32> to vector<8x512xi32>
      %add3A_385 = arith.addi %add3A_383, %slice3A_384 : vector<8x512xi32>
      %slice3A_386 = vector.extract_strided_slice %get3A_15 {offsets = [392, 0], sizes = [8, 512], strides = [1, 1]} : vector<512x512xi32> to vector<8x512xi32>
      %add3A_387 = arith.addi %add3A_385, %slice3A_386 : vector<8x512xi32>
      %slice3A_388 = vector.extract_strided_slice %get3A_15 {offsets = [400, 0], sizes = [8, 512], strides = [1, 1]} : vector<512x512xi32> to vector<8x512xi32>
      %add3A_389 = arith.addi %add3A_387, %slice3A_388 : vector<8x512xi32>
      %slice3A_390 = vector.extract_strided_slice %get3A_15 {offsets = [408, 0], sizes = [8, 512], strides = [1, 1]} : vector<512x512xi32> to vector<8x512xi32>
      %add3A_391 = arith.addi %add3A_389, %slice3A_390 : vector<8x512xi32>
      %slice3A_392 = vector.extract_strided_slice %get3A_15 {offsets = [416, 0], sizes = [8, 512], strides = [1, 1]} : vector<512x512xi32> to vector<8x512xi32>
      %add3A_393 = arith.addi %add3A_391, %slice3A_392 : vector<8x512xi32>
      %slice3A_394 = vector.extract_strided_slice %get3A_15 {offsets = [424, 0], sizes = [8, 512], strides = [1, 1]} : vector<512x512xi32> to vector<8x512xi32>
      %add3A_395 = arith.addi %add3A_393, %slice3A_394 : vector<8x512xi32>
      %slice3A_396 = vector.extract_strided_slice %get3A_15 {offsets = [432, 0], sizes = [8, 512], strides = [1, 1]} : vector<512x512xi32> to vector<8x512xi32>
      %add3A_397 = arith.addi %add3A_395, %slice3A_396 : vector<8x512xi32>
      %slice3A_398 = vector.extract_strided_slice %get3A_15 {offsets = [440, 0], sizes = [8, 512], strides = [1, 1]} : vector<512x512xi32> to vector<8x512xi32>
      %add3A_399 = arith.addi %add3A_397, %slice3A_398 : vector<8x512xi32>
      %slice3A_400 = vector.extract_strided_slice %get3A_15 {offsets = [448, 0], sizes = [8, 512], strides = [1, 1]} : vector<512x512xi32> to vector<8x512xi32>
      %add3A_401 = arith.addi %add3A_399, %slice3A_400 : vector<8x512xi32>
      %slice3A_402 = vector.extract_strided_slice %get3A_15 {offsets = [456, 0], sizes = [8, 512], strides = [1, 1]} : vector<512x512xi32> to vector<8x512xi32>
      %add3A_403 = arith.addi %add3A_401, %slice3A_402 : vector<8x512xi32>
      %slice3A_404 = vector.extract_strided_slice %get3A_15 {offsets = [464, 0], sizes = [8, 512], strides = [1, 1]} : vector<512x512xi32> to vector<8x512xi32>
      %add3A_405 = arith.addi %add3A_403, %slice3A_404 : vector<8x512xi32>
      %slice3A_406 = vector.extract_strided_slice %get3A_15 {offsets = [472, 0], sizes = [8, 512], strides = [1, 1]} : vector<512x512xi32> to vector<8x512xi32>
      %add3A_407 = arith.addi %add3A_405, %slice3A_406 : vector<8x512xi32>
      %slice3A_408 = vector.extract_strided_slice %get3A_15 {offsets = [480, 0], sizes = [8, 512], strides = [1, 1]} : vector<512x512xi32> to vector<8x512xi32>
      %add3A_409 = arith.addi %add3A_407, %slice3A_408 : vector<8x512xi32>
      %slice3A_410 = vector.extract_strided_slice %get3A_15 {offsets = [488, 0], sizes = [8, 512], strides = [1, 1]} : vector<512x512xi32> to vector<8x512xi32>
      %add3A_411 = arith.addi %add3A_409, %slice3A_410 : vector<8x512xi32>
      %slice3A_412 = vector.extract_strided_slice %get3A_15 {offsets = [496, 0], sizes = [8, 512], strides = [1, 1]} : vector<512x512xi32> to vector<8x512xi32>
      %add3A_413 = arith.addi %add3A_411, %slice3A_412 : vector<8x512xi32>
      %slice3A_414 = vector.extract_strided_slice %get3A_15 {offsets = [504, 0], sizes = [8, 512], strides = [1, 1]} : vector<512x512xi32> to vector<8x512xi32>
      %add3A_415 = arith.addi %add3A_413, %slice3A_414 : vector<8x512xi32>
      %swap3A_416 = arith.constant 0 : index
      %swap3A_417 = arith.constant 0 : index
      %swap3A_418 = vector.load %arg8[%swap3A_416, %swap3A_417] : memref<8x512xi32, #tpu.memory_space<vmem>>, vector<8x512xi32>
      tpu.vector_store %arg8[%swap3A_416, %swap3A_417], %add3A_415 {strides = array<i32>} : memref<8x512xi32, #tpu.memory_space<vmem>>, vector<8x512xi32>,
    } else {
    }
    %gt3A_22 = arith.constant 0 : i32
    %gt3A_23 = arith.cmpi sgt, %arg1, %gt3A_22 : i32
    %convert_element_type3A_24 = arith.extui %gt3A_23 : i1 to i32
    %cond3A_25 = arith.constant 0 : i32
    %cond3A_26 = arith.cmpi ne, %convert_element_type3A_24, %cond3A_25 : i32
    scf.if %cond3A_26 {
      %get3A_32 = arith.constant 0 : index
      %get3A_33 = arith.constant 0 : index
      %get3A_34 = vector.load %arg6[%get3A_32, %get3A_33] : memref<8x512xi32, #tpu.memory_space<vmem>>, vector<8x512xi32>
      %slice3A = vector.extract_strided_slice %and3A {offsets = [0, 0], sizes = [8, 512], strides = [1, 1]} : vector<512x512xi32> to vector<8x512xi32>
      %slice3A_35 = vector.extract_strided_slice %and3A {offsets = [8, 0], sizes = [8, 512], strides = [1, 1]} : vector<512x512xi32> to vector<8x512xi32>
      %add3A = arith.addi %slice3A, %slice3A_35 : vector<8x512xi32>
      %slice3A_36 = vector.extract_strided_slice %and3A {offsets = [16, 0], sizes = [8, 512], strides = [1, 1]} : vector<512x512xi32> to vector<8x512xi32>
      %add3A_37 = arith.addi %add3A, %slice3A_36 : vector<8x512xi32>
      %slice3A_38 = vector.extract_strided_slice %and3A {offsets = [24, 0], sizes = [8, 512], strides = [1, 1]} : vector<512x512xi32> to vector<8x512xi32>
      %add3A_39 = arith.addi %add3A_37, %slice3A_38 : vector<8x512xi32>
      %slice3A_40 = vector.extract_strided_slice %and3A {offsets = [32, 0], sizes = [8, 512], strides = [1, 1]} : vector<512x512xi32> to vector<8x512xi32>
      %add3A_41 = arith.addi %add3A_39, %slice3A_40 : vector<8x512xi32>
      %slice3A_42 = vector.extract_strided_slice %and3A {offsets = [40, 0], sizes = [8, 512], strides = [1, 1]} : vector<512x512xi32> to vector<8x512xi32>
      %add3A_43 = arith.addi %add3A_41, %slice3A_42 : vector<8x512xi32>
      %slice3A_44 = vector.extract_strided_slice %and3A {offsets = [48, 0], sizes = [8, 512], strides = [1, 1]} : vector<512x512xi32> to vector<8x512xi32>
      %add3A_45 = arith.addi %add3A_43, %slice3A_44 : vector<8x512xi32>
      %slice3A_46 = vector.extract_strided_slice %and3A {offsets = [56, 0], sizes = [8, 512], strides = [1, 1]} : vector<512x512xi32> to vector<8x512xi32>
      %add3A_47 = arith.addi %add3A_45, %slice3A_46 : vector<8x512xi32>
      %slice3A_48 = vector.extract_strided_slice %and3A {offsets = [64, 0], sizes = [8, 512], strides = [1, 1]} : vector<512x512xi32> to vector<8x512xi32>
      %add3A_49 = arith.addi %add3A_47, %slice3A_48 : vector<8x512xi32>
      %slice3A_50 = vector.extract_strided_slice %and3A {offsets = [72, 0], sizes = [8, 512], strides = [1, 1]} : vector<512x512xi32> to vector<8x512xi32>
      %add3A_51 = arith.addi %add3A_49, %slice3A_50 : vector<8x512xi32>
      %slice3A_52 = vector.extract_strided_slice %and3A {offsets = [80, 0], sizes = [8, 512], strides = [1, 1]} : vector<512x512xi32> to vector<8x512xi32>
      %add3A_53 = arith.addi %add3A_51, %slice3A_52 : vector<8x512xi32>
      %slice3A_54 = vector.extract_strided_slice %and3A {offsets = [88, 0], sizes = [8, 512], strides = [1, 1]} : vector<512x512xi32> to vector<8x512xi32>
      %add3A_55 = arith.addi %add3A_53, %slice3A_54 : vector<8x512xi32>
      %slice3A_56 = vector.extract_strided_slice %and3A {offsets = [96, 0], sizes = [8, 512], strides = [1, 1]} : vector<512x512xi32> to vector<8x512xi32>
      %add3A_57 = arith.addi %add3A_55, %slice3A_56 : vector<8x512xi32>
      %slice3A_58 = vector.extract_strided_slice %and3A {offsets = [104, 0], sizes = [8, 512], strides = [1, 1]} : vector<512x512xi32> to vector<8x512xi32>
      %add3A_59 = arith.addi %add3A_57, %slice3A_58 : vector<8x512xi32>
      %slice3A_60 = vector.extract_strided_slice %and3A {offsets = [112, 0], sizes = [8, 512], strides = [1, 1]} : vector<512x512xi32> to vector<8x512xi32>
      %add3A_61 = arith.addi %add3A_59, %slice3A_60 : vector<8x512xi32>
      %slice3A_62 = vector.extract_strided_slice %and3A {offsets = [120, 0], sizes = [8, 512], strides = [1, 1]} : vector<512x512xi32> to vector<8x512xi32>
      %add3A_63 = arith.addi %add3A_61, %slice3A_62 : vector<8x512xi32>
      %slice3A_64 = vector.extract_strided_slice %and3A {offsets = [128, 0], sizes = [8, 512], strides = [1, 1]} : vector<512x512xi32> to vector<8x512xi32>
      %add3A_65 = arith.addi %add3A_63, %slice3A_64 : vector<8x512xi32>
      %slice3A_66 = vector.extract_strided_slice %and3A {offsets = [136, 0], sizes = [8, 512], strides = [1, 1]} : vector<512x512xi32> to vector<8x512xi32>
      %add3A_67 = arith.addi %add3A_65, %slice3A_66 : vector<8x512xi32>
      %slice3A_68 = vector.extract_strided_slice %and3A {offsets = [144, 0], sizes = [8, 512], strides = [1, 1]} : vector<512x512xi32> to vector<8x512xi32>
      %add3A_69 = arith.addi %add3A_67, %slice3A_68 : vector<8x512xi32>
      %slice3A_70 = vector.extract_strided_slice %and3A {offsets = [152, 0], sizes = [8, 512], strides = [1, 1]} : vector<512x512xi32> to vector<8x512xi32>
      %add3A_71 = arith.addi %add3A_69, %slice3A_70 : vector<8x512xi32>
      %slice3A_72 = vector.extract_strided_slice %and3A {offsets = [160, 0], sizes = [8, 512], strides = [1, 1]} : vector<512x512xi32> to vector<8x512xi32>
      %add3A_73 = arith.addi %add3A_71, %slice3A_72 : vector<8x512xi32>
      %slice3A_74 = vector.extract_strided_slice %and3A {offsets = [168, 0], sizes = [8, 512], strides = [1, 1]} : vector<512x512xi32> to vector<8x512xi32>
      %add3A_75 = arith.addi %add3A_73, %slice3A_74 : vector<8x512xi32>
      %slice3A_76 = vector.extract_strided_slice %and3A {offsets = [176, 0], sizes = [8, 512], strides = [1, 1]} : vector<512x512xi32> to vector<8x512xi32>
      %add3A_77 = arith.addi %add3A_75, %slice3A_76 : vector<8x512xi32>
      %slice3A_78 = vector.extract_strided_slice %and3A {offsets = [184, 0], sizes = [8, 512], strides = [1, 1]} : vector<512x512xi32> to vector<8x512xi32>
      %add3A_79 = arith.addi %add3A_77, %slice3A_78 : vector<8x512xi32>
      %slice3A_80 = vector.extract_strided_slice %and3A {offsets = [192, 0], sizes = [8, 512], strides = [1, 1]} : vector<512x512xi32> to vector<8x512xi32>
      %add3A_81 = arith.addi %add3A_79, %slice3A_80 : vector<8x512xi32>
      %slice3A_82 = vector.extract_strided_slice %and3A {offsets = [200, 0], sizes = [8, 512], strides = [1, 1]} : vector<512x512xi32> to vector<8x512xi32>
      %add3A_83 = arith.addi %add3A_81, %slice3A_82 : vector<8x512xi32>
      %slice3A_84 = vector.extract_strided_slice %and3A {offsets = [208, 0], sizes = [8, 512], strides = [1, 1]} : vector<512x512xi32> to vector<8x512xi32>
      %add3A_85 = arith.addi %add3A_83, %slice3A_84 : vector<8x512xi32>
      %slice3A_86 = vector.extract_strided_slice %and3A {offsets = [216, 0], sizes = [8, 512], strides = [1, 1]} : vector<512x512xi32> to vector<8x512xi32>
      %add3A_87 = arith.addi %add3A_85, %slice3A_86 : vector<8x512xi32>
      %slice3A_88 = vector.extract_strided_slice %and3A {offsets = [224, 0], sizes = [8, 512], strides = [1, 1]} : vector<512x512xi32> to vector<8x512xi32>
      %add3A_89 = arith.addi %add3A_87, %slice3A_88 : vector<8x512xi32>
      %slice3A_90 = vector.extract_strided_slice %and3A {offsets = [232, 0], sizes = [8, 512], strides = [1, 1]} : vector<512x512xi32> to vector<8x512xi32>
      %add3A_91 = arith.addi %add3A_89, %slice3A_90 : vector<8x512xi32>
      %slice3A_92 = vector.extract_strided_slice %and3A {offsets = [240, 0], sizes = [8, 512], strides = [1, 1]} : vector<512x512xi32> to vector<8x512xi32>
      %add3A_93 = arith.addi %add3A_91, %slice3A_92 : vector<8x512xi32>
      %slice3A_94 = vector.extract_strided_slice %and3A {offsets = [248, 0], sizes = [8, 512], strides = [1, 1]} : vector<512x512xi32> to vector<8x512xi32>
      %add3A_95 = arith.addi %add3A_93, %slice3A_94 : vector<8x512xi32>
      %slice3A_96 = vector.extract_strided_slice %and3A {offsets = [256, 0], sizes = [8, 512], strides = [1, 1]} : vector<512x512xi32> to vector<8x512xi32>
      %add3A_97 = arith.addi %add3A_95, %slice3A_96 : vector<8x512xi32>
      %slice3A_98 = vector.extract_strided_slice %and3A {offsets = [264, 0], sizes = [8, 512], strides = [1, 1]} : vector<512x512xi32> to vector<8x512xi32>
      %add3A_99 = arith.addi %add3A_97, %slice3A_98 : vector<8x512xi32>
      %slice3A_100 = vector.extract_strided_slice %and3A {offsets = [272, 0], sizes = [8, 512], strides = [1, 1]} : vector<512x512xi32> to vector<8x512xi32>
      %add3A_101 = arith.addi %add3A_99, %slice3A_100 : vector<8x512xi32>
      %slice3A_102 = vector.extract_strided_slice %and3A {offsets = [280, 0], sizes = [8, 512], strides = [1, 1]} : vector<512x512xi32> to vector<8x512xi32>
      %add3A_103 = arith.addi %add3A_101, %slice3A_102 : vector<8x512xi32>
      %slice3A_104 = vector.extract_strided_slice %and3A {offsets = [288, 0], sizes = [8, 512], strides = [1, 1]} : vector<512x512xi32> to vector<8x512xi32>
      %add3A_105 = arith.addi %add3A_103, %slice3A_104 : vector<8x512xi32>
      %slice3A_106 = vector.extract_strided_slice %and3A {offsets = [296, 0], sizes = [8, 512], strides = [1, 1]} : vector<512x512xi32> to vector<8x512xi32>
      %add3A_107 = arith.addi %add3A_105, %slice3A_106 : vector<8x512xi32>
      %slice3A_108 = vector.extract_strided_slice %and3A {offsets = [304, 0], sizes = [8, 512], strides = [1, 1]} : vector<512x512xi32> to vector<8x512xi32>
      %add3A_109 = arith.addi %add3A_107, %slice3A_108 : vector<8x512xi32>
      %slice3A_110 = vector.extract_strided_slice %and3A {offsets = [312, 0], sizes = [8, 512], strides = [1, 1]} : vector<512x512xi32> to vector<8x512xi32>
      %add3A_111 = arith.addi %add3A_109, %slice3A_110 : vector<8x512xi32>
      %slice3A_112 = vector.extract_strided_slice %and3A {offsets = [320, 0], sizes = [8, 512], strides = [1, 1]} : vector<512x512xi32> to vector<8x512xi32>
      %add3A_113 = arith.addi %add3A_111, %slice3A_112 : vector<8x512xi32>
      %slice3A_114 = vector.extract_strided_slice %and3A {offsets = [328, 0], sizes = [8, 512], strides = [1, 1]} : vector<512x512xi32> to vector<8x512xi32>
      %add3A_115 = arith.addi %add3A_113, %slice3A_114 : vector<8x512xi32>
      %slice3A_116 = vector.extract_strided_slice %and3A {offsets = [336, 0], sizes = [8, 512], strides = [1, 1]} : vector<512x512xi32> to vector<8x512xi32>
      %add3A_117 = arith.addi %add3A_115, %slice3A_116 : vector<8x512xi32>
      %slice3A_118 = vector.extract_strided_slice %and3A {offsets = [344, 0], sizes = [8, 512], strides = [1, 1]} : vector<512x512xi32> to vector<8x512xi32>
      %add3A_119 = arith.addi %add3A_117, %slice3A_118 : vector<8x512xi32>
      %slice3A_120 = vector.extract_strided_slice %and3A {offsets = [352, 0], sizes = [8, 512], strides = [1, 1]} : vector<512x512xi32> to vector<8x512xi32>
      %add3A_121 = arith.addi %add3A_119, %slice3A_120 : vector<8x512xi32>
      %slice3A_122 = vector.extract_strided_slice %and3A {offsets = [360, 0], sizes = [8, 512], strides = [1, 1]} : vector<512x512xi32> to vector<8x512xi32>
      %add3A_123 = arith.addi %add3A_121, %slice3A_122 : vector<8x512xi32>
      %slice3A_124 = vector.extract_strided_slice %and3A {offsets = [368, 0], sizes = [8, 512], strides = [1, 1]} : vector<512x512xi32> to vector<8x512xi32>
      %add3A_125 = arith.addi %add3A_123, %slice3A_124 : vector<8x512xi32>
      %slice3A_126 = vector.extract_strided_slice %and3A {offsets = [376, 0], sizes = [8, 512], strides = [1, 1]} : vector<512x512xi32> to vector<8x512xi32>
      %add3A_127 = arith.addi %add3A_125, %slice3A_126 : vector<8x512xi32>
      %slice3A_128 = vector.extract_strided_slice %and3A {offsets = [384, 0], sizes = [8, 512], strides = [1, 1]} : vector<512x512xi32> to vector<8x512xi32>
      %add3A_129 = arith.addi %add3A_127, %slice3A_128 : vector<8x512xi32>
      %slice3A_130 = vector.extract_strided_slice %and3A {offsets = [392, 0], sizes = [8, 512], strides = [1, 1]} : vector<512x512xi32> to vector<8x512xi32>
      %add3A_131 = arith.addi %add3A_129, %slice3A_130 : vector<8x512xi32>
      %slice3A_132 = vector.extract_strided_slice %and3A {offsets = [400, 0], sizes = [8, 512], strides = [1, 1]} : vector<512x512xi32> to vector<8x512xi32>
      %add3A_133 = arith.addi %add3A_131, %slice3A_132 : vector<8x512xi32>
      %slice3A_134 = vector.extract_strided_slice %and3A {offsets = [408, 0], sizes = [8, 512], strides = [1, 1]} : vector<512x512xi32> to vector<8x512xi32>
      %add3A_135 = arith.addi %add3A_133, %slice3A_134 : vector<8x512xi32>
      %slice3A_136 = vector.extract_strided_slice %and3A {offsets = [416, 0], sizes = [8, 512], strides = [1, 1]} : vector<512x512xi32> to vector<8x512xi32>
      %add3A_137 = arith.addi %add3A_135, %slice3A_136 : vector<8x512xi32>
      %slice3A_138 = vector.extract_strided_slice %and3A {offsets = [424, 0], sizes = [8, 512], strides = [1, 1]} : vector<512x512xi32> to vector<8x512xi32>
      %add3A_139 = arith.addi %add3A_137, %slice3A_138 : vector<8x512xi32>
      %slice3A_140 = vector.extract_strided_slice %and3A {offsets = [432, 0], sizes = [8, 512], strides = [1, 1]} : vector<512x512xi32> to vector<8x512xi32>
      %add3A_141 = arith.addi %add3A_139, %slice3A_140 : vector<8x512xi32>
      %slice3A_142 = vector.extract_strided_slice %and3A {offsets = [440, 0], sizes = [8, 512], strides = [1, 1]} : vector<512x512xi32> to vector<8x512xi32>
      %add3A_143 = arith.addi %add3A_141, %slice3A_142 : vector<8x512xi32>
      %slice3A_144 = vector.extract_strided_slice %and3A {offsets = [448, 0], sizes = [8, 512], strides = [1, 1]} : vector<512x512xi32> to vector<8x512xi32>
      %add3A_145 = arith.addi %add3A_143, %slice3A_144 : vector<8x512xi32>
      %slice3A_146 = vector.extract_strided_slice %and3A {offsets = [456, 0], sizes = [8, 512], strides = [1, 1]} : vector<512x512xi32> to vector<8x512xi32>
      %add3A_147 = arith.addi %add3A_145, %slice3A_146 : vector<8x512xi32>
      %slice3A_148 = vector.extract_strided_slice %and3A {offsets = [464, 0], sizes = [8, 512], strides = [1, 1]} : vector<512x512xi32> to vector<8x512xi32>
      %add3A_149 = arith.addi %add3A_147, %slice3A_148 : vector<8x512xi32>
      %slice3A_150 = vector.extract_strided_slice %and3A {offsets = [472, 0], sizes = [8, 512], strides = [1, 1]} : vector<512x512xi32> to vector<8x512xi32>
      %add3A_151 = arith.addi %add3A_149, %slice3A_150 : vector<8x512xi32>
      %slice3A_152 = vector.extract_strided_slice %and3A {offsets = [480, 0], sizes = [8, 512], strides = [1, 1]} : vector<512x512xi32> to vector<8x512xi32>
      %add3A_153 = arith.addi %add3A_151, %slice3A_152 : vector<8x512xi32>
      %slice3A_154 = vector.extract_strided_slice %and3A {offsets = [488, 0], sizes = [8, 512], strides = [1, 1]} : vector<512x512xi32> to vector<8x512xi32>
      %add3A_155 = arith.addi %add3A_153, %slice3A_154 : vector<8x512xi32>
      %slice3A_156 = vector.extract_strided_slice %and3A {offsets = [496, 0], sizes = [8, 512], strides = [1, 1]} : vector<512x512xi32> to vector<8x512xi32>
      %add3A_157 = arith.addi %add3A_155, %slice3A_156 : vector<8x512xi32>
      %slice3A_158 = vector.extract_strided_slice %and3A {offsets = [504, 0], sizes = [8, 512], strides = [1, 1]} : vector<512x512xi32> to vector<8x512xi32>
      %add3A_159 = arith.addi %add3A_157, %slice3A_158 : vector<8x512xi32>
      %add3A_160 = arith.addi %get3A_34, %add3A_159 : vector<8x512xi32>
      %swap3A = arith.constant 0 : index
      %swap3A_161 = arith.constant 0 : index
      %swap3A_162 = vector.load %arg6[%swap3A, %swap3A_161] : memref<8x512xi32, #tpu.memory_space<vmem>>, vector<8x512xi32>
      tpu.vector_store %arg6[%swap3A, %swap3A_161], %add3A_160 {strides = array<i32>} : memref<8x512xi32, #tpu.memory_space<vmem>>, vector<8x512xi32>,
      %get3A_163 = arith.constant 0 : index
      %get3A_164 = arith.constant 0 : index
      %get3A_165 = vector.load %arg7[%get3A_163, %get3A_164] : memref<8x512xi32, #tpu.memory_space<vmem>>, vector<8x512xi32>
      %slice3A_166 = vector.extract_strided_slice %select_n3A {offsets = [0, 0], sizes = [8, 512], strides = [1, 1]} : vector<512x512xi32> to vector<8x512xi32>
      %slice3A_167 = vector.extract_strided_slice %select_n3A {offsets = [8, 0], sizes = [8, 512], strides = [1, 1]} : vector<512x512xi32> to vector<8x512xi32>
      %add3A_168 = arith.addi %slice3A_166, %slice3A_167 : vector<8x512xi32>
      %slice3A_169 = vector.extract_strided_slice %select_n3A {offsets = [16, 0], sizes = [8, 512], strides = [1, 1]} : vector<512x512xi32> to vector<8x512xi32>
      %add3A_170 = arith.addi %add3A_168, %slice3A_169 : vector<8x512xi32>
      %slice3A_171 = vector.extract_strided_slice %select_n3A {offsets = [24, 0], sizes = [8, 512], strides = [1, 1]} : vector<512x512xi32> to vector<8x512xi32>
      %add3A_172 = arith.addi %add3A_170, %slice3A_171 : vector<8x512xi32>
      %slice3A_173 = vector.extract_strided_slice %select_n3A {offsets = [32, 0], sizes = [8, 512], strides = [1, 1]} : vector<512x512xi32> to vector<8x512xi32>
      %add3A_174 = arith.addi %add3A_172, %slice3A_173 : vector<8x512xi32>
      %slice3A_175 = vector.extract_strided_slice %select_n3A {offsets = [40, 0], sizes = [8, 512], strides = [1, 1]} : vector<512x512xi32> to vector<8x512xi32>
      %add3A_176 = arith.addi %add3A_174, %slice3A_175 : vector<8x512xi32>
      %slice3A_177 = vector.extract_strided_slice %select_n3A {offsets = [48, 0], sizes = [8, 512], strides = [1, 1]} : vector<512x512xi32> to vector<8x512xi32>
      %add3A_178 = arith.addi %add3A_176, %slice3A_177 : vector<8x512xi32>
      %slice3A_179 = vector.extract_strided_slice %select_n3A {offsets = [56, 0], sizes = [8, 512], strides = [1, 1]} : vector<512x512xi32> to vector<8x512xi32>
      %add3A_180 = arith.addi %add3A_178, %slice3A_179 : vector<8x512xi32>
      %slice3A_181 = vector.extract_strided_slice %select_n3A {offsets = [64, 0], sizes = [8, 512], strides = [1, 1]} : vector<512x512xi32> to vector<8x512xi32>
      %add3A_182 = arith.addi %add3A_180, %slice3A_181 : vector<8x512xi32>
      %slice3A_183 = vector.extract_strided_slice %select_n3A {offsets = [72, 0], sizes = [8, 512], strides = [1, 1]} : vector<512x512xi32> to vector<8x512xi32>
      %add3A_184 = arith.addi %add3A_182, %slice3A_183 : vector<8x512xi32>
      %slice3A_185 = vector.extract_strided_slice %select_n3A {offsets = [80, 0], sizes = [8, 512], strides = [1, 1]} : vector<512x512xi32> to vector<8x512xi32>
      %add3A_186 = arith.addi %add3A_184, %slice3A_185 : vector<8x512xi32>
      %slice3A_187 = vector.extract_strided_slice %select_n3A {offsets = [88, 0], sizes = [8, 512], strides = [1, 1]} : vector<512x512xi32> to vector<8x512xi32>
      %add3A_188 = arith.addi %add3A_186, %slice3A_187 : vector<8x512xi32>
      %slice3A_189 = vector.extract_strided_slice %select_n3A {offsets = [96, 0], sizes = [8, 512], strides = [1, 1]} : vector<512x512xi32> to vector<8x512xi32>
      %add3A_190 = arith.addi %add3A_188, %slice3A_189 : vector<8x512xi32>
      %slice3A_191 = vector.extract_strided_slice %select_n3A {offsets = [104, 0], sizes = [8, 512], strides = [1, 1]} : vector<512x512xi32> to vector<8x512xi32>
      %add3A_192 = arith.addi %add3A_190, %slice3A_191 : vector<8x512xi32>
      %slice3A_193 = vector.extract_strided_slice %select_n3A {offsets = [112, 0], sizes = [8, 512], strides = [1, 1]} : vector<512x512xi32> to vector<8x512xi32>
      %add3A_194 = arith.addi %add3A_192, %slice3A_193 : vector<8x512xi32>
      %slice3A_195 = vector.extract_strided_slice %select_n3A {offsets = [120, 0], sizes = [8, 512], strides = [1, 1]} : vector<512x512xi32> to vector<8x512xi32>
      %add3A_196 = arith.addi %add3A_194, %slice3A_195 : vector<8x512xi32>
      %slice3A_197 = vector.extract_strided_slice %select_n3A {offsets = [128, 0], sizes = [8, 512], strides = [1, 1]} : vector<512x512xi32> to vector<8x512xi32>
      %add3A_198 = arith.addi %add3A_196, %slice3A_197 : vector<8x512xi32>
      %slice3A_199 = vector.extract_strided_slice %select_n3A {offsets = [136, 0], sizes = [8, 512], strides = [1, 1]} : vector<512x512xi32> to vector<8x512xi32>
      %add3A_200 = arith.addi %add3A_198, %slice3A_199 : vector<8x512xi32>
      %slice3A_201 = vector.extract_strided_slice %select_n3A {offsets = [144, 0], sizes = [8, 512], strides = [1, 1]} : vector<512x512xi32> to vector<8x512xi32>
      %add3A_202 = arith.addi %add3A_200, %slice3A_201 : vector<8x512xi32>
      %slice3A_203 = vector.extract_strided_slice %select_n3A {offsets = [152, 0], sizes = [8, 512], strides = [1, 1]} : vector<512x512xi32> to vector<8x512xi32>
      %add3A_204 = arith.addi %add3A_202, %slice3A_203 : vector<8x512xi32>
      %slice3A_205 = vector.extract_strided_slice %select_n3A {offsets = [160, 0], sizes = [8, 512], strides = [1, 1]} : vector<512x512xi32> to vector<8x512xi32>
      %add3A_206 = arith.addi %add3A_204, %slice3A_205 : vector<8x512xi32>
      %slice3A_207 = vector.extract_strided_slice %select_n3A {offsets = [168, 0], sizes = [8, 512], strides = [1, 1]} : vector<512x512xi32> to vector<8x512xi32>
      %add3A_208 = arith.addi %add3A_206, %slice3A_207 : vector<8x512xi32>
      %slice3A_209 = vector.extract_strided_slice %select_n3A {offsets = [176, 0], sizes = [8, 512], strides = [1, 1]} : vector<512x512xi32> to vector<8x512xi32>
      %add3A_210 = arith.addi %add3A_208, %slice3A_209 : vector<8x512xi32>
      %slice3A_211 = vector.extract_strided_slice %select_n3A {offsets = [184, 0], sizes = [8, 512], strides = [1, 1]} : vector<512x512xi32> to vector<8x512xi32>
      %add3A_212 = arith.addi %add3A_210, %slice3A_211 : vector<8x512xi32>
      %slice3A_213 = vector.extract_strided_slice %select_n3A {offsets = [192, 0], sizes = [8, 512], strides = [1, 1]} : vector<512x512xi32> to vector<8x512xi32>
      %add3A_214 = arith.addi %add3A_212, %slice3A_213 : vector<8x512xi32>
      %slice3A_215 = vector.extract_strided_slice %select_n3A {offsets = [200, 0], sizes = [8, 512], strides = [1, 1]} : vector<512x512xi32> to vector<8x512xi32>
      %add3A_216 = arith.addi %add3A_214, %slice3A_215 : vector<8x512xi32>
      %slice3A_217 = vector.extract_strided_slice %select_n3A {offsets = [208, 0], sizes = [8, 512], strides = [1, 1]} : vector<512x512xi32> to vector<8x512xi32>
      %add3A_218 = arith.addi %add3A_216, %slice3A_217 : vector<8x512xi32>
      %slice3A_219 = vector.extract_strided_slice %select_n3A {offsets = [216, 0], sizes = [8, 512], strides = [1, 1]} : vector<512x512xi32> to vector<8x512xi32>
      %add3A_220 = arith.addi %add3A_218, %slice3A_219 : vector<8x512xi32>
      %slice3A_221 = vector.extract_strided_slice %select_n3A {offsets = [224, 0], sizes = [8, 512], strides = [1, 1]} : vector<512x512xi32> to vector<8x512xi32>
      %add3A_222 = arith.addi %add3A_220, %slice3A_221 : vector<8x512xi32>
      %slice3A_223 = vector.extract_strided_slice %select_n3A {offsets = [232, 0], sizes = [8, 512], strides = [1, 1]} : vector<512x512xi32> to vector<8x512xi32>
      %add3A_224 = arith.addi %add3A_222, %slice3A_223 : vector<8x512xi32>
      %slice3A_225 = vector.extract_strided_slice %select_n3A {offsets = [240, 0], sizes = [8, 512], strides = [1, 1]} : vector<512x512xi32> to vector<8x512xi32>
      %add3A_226 = arith.addi %add3A_224, %slice3A_225 : vector<8x512xi32>
      %slice3A_227 = vector.extract_strided_slice %select_n3A {offsets = [248, 0], sizes = [8, 512], strides = [1, 1]} : vector<512x512xi32> to vector<8x512xi32>
      %add3A_228 = arith.addi %add3A_226, %slice3A_227 : vector<8x512xi32>
      %slice3A_229 = vector.extract_strided_slice %select_n3A {offsets = [256, 0], sizes = [8, 512], strides = [1, 1]} : vector<512x512xi32> to vector<8x512xi32>
      %add3A_230 = arith.addi %add3A_228, %slice3A_229 : vector<8x512xi32>
      %slice3A_231 = vector.extract_strided_slice %select_n3A {offsets = [264, 0], sizes = [8, 512], strides = [1, 1]} : vector<512x512xi32> to vector<8x512xi32>
      %add3A_232 = arith.addi %add3A_230, %slice3A_231 : vector<8x512xi32>
      %slice3A_233 = vector.extract_strided_slice %select_n3A {offsets = [272, 0], sizes = [8, 512], strides = [1, 1]} : vector<512x512xi32> to vector<8x512xi32>
      %add3A_234 = arith.addi %add3A_232, %slice3A_233 : vector<8x512xi32>
      %slice3A_235 = vector.extract_strided_slice %select_n3A {offsets = [280, 0], sizes = [8, 512], strides = [1, 1]} : vector<512x512xi32> to vector<8x512xi32>
      %add3A_236 = arith.addi %add3A_234, %slice3A_235 : vector<8x512xi32>
      %slice3A_237 = vector.extract_strided_slice %select_n3A {offsets = [288, 0], sizes = [8, 512], strides = [1, 1]} : vector<512x512xi32> to vector<8x512xi32>
      %add3A_238 = arith.addi %add3A_236, %slice3A_237 : vector<8x512xi32>
      %slice3A_239 = vector.extract_strided_slice %select_n3A {offsets = [296, 0], sizes = [8, 512], strides = [1, 1]} : vector<512x512xi32> to vector<8x512xi32>
      %add3A_240 = arith.addi %add3A_238, %slice3A_239 : vector<8x512xi32>
      %slice3A_241 = vector.extract_strided_slice %select_n3A {offsets = [304, 0], sizes = [8, 512], strides = [1, 1]} : vector<512x512xi32> to vector<8x512xi32>
      %add3A_242 = arith.addi %add3A_240, %slice3A_241 : vector<8x512xi32>
      %slice3A_243 = vector.extract_strided_slice %select_n3A {offsets = [312, 0], sizes = [8, 512], strides = [1, 1]} : vector<512x512xi32> to vector<8x512xi32>
      %add3A_244 = arith.addi %add3A_242, %slice3A_243 : vector<8x512xi32>
      %slice3A_245 = vector.extract_strided_slice %select_n3A {offsets = [320, 0], sizes = [8, 512], strides = [1, 1]} : vector<512x512xi32> to vector<8x512xi32>
      %add3A_246 = arith.addi %add3A_244, %slice3A_245 : vector<8x512xi32>
      %slice3A_247 = vector.extract_strided_slice %select_n3A {offsets = [328, 0], sizes = [8, 512], strides = [1, 1]} : vector<512x512xi32> to vector<8x512xi32>
      %add3A_248 = arith.addi %add3A_246, %slice3A_247 : vector<8x512xi32>
      %slice3A_249 = vector.extract_strided_slice %select_n3A {offsets = [336, 0], sizes = [8, 512], strides = [1, 1]} : vector<512x512xi32> to vector<8x512xi32>
      %add3A_250 = arith.addi %add3A_248, %slice3A_249 : vector<8x512xi32>
      %slice3A_251 = vector.extract_strided_slice %select_n3A {offsets = [344, 0], sizes = [8, 512], strides = [1, 1]} : vector<512x512xi32> to vector<8x512xi32>
      %add3A_252 = arith.addi %add3A_250, %slice3A_251 : vector<8x512xi32>
      %slice3A_253 = vector.extract_strided_slice %select_n3A {offsets = [352, 0], sizes = [8, 512], strides = [1, 1]} : vector<512x512xi32> to vector<8x512xi32>
      %add3A_254 = arith.addi %add3A_252, %slice3A_253 : vector<8x512xi32>
      %slice3A_255 = vector.extract_strided_slice %select_n3A {offsets = [360, 0], sizes = [8, 512], strides = [1, 1]} : vector<512x512xi32> to vector<8x512xi32>
      %add3A_256 = arith.addi %add3A_254, %slice3A_255 : vector<8x512xi32>
      %slice3A_257 = vector.extract_strided_slice %select_n3A {offsets = [368, 0], sizes = [8, 512], strides = [1, 1]} : vector<512x512xi32> to vector<8x512xi32>
      %add3A_258 = arith.addi %add3A_256, %slice3A_257 : vector<8x512xi32>
      %slice3A_259 = vector.extract_strided_slice %select_n3A {offsets = [376, 0], sizes = [8, 512], strides = [1, 1]} : vector<512x512xi32> to vector<8x512xi32>
      %add3A_260 = arith.addi %add3A_258, %slice3A_259 : vector<8x512xi32>
      %slice3A_261 = vector.extract_strided_slice %select_n3A {offsets = [384, 0], sizes = [8, 512], strides = [1, 1]} : vector<512x512xi32> to vector<8x512xi32>
      %add3A_262 = arith.addi %add3A_260, %slice3A_261 : vector<8x512xi32>
      %slice3A_263 = vector.extract_strided_slice %select_n3A {offsets = [392, 0], sizes = [8, 512], strides = [1, 1]} : vector<512x512xi32> to vector<8x512xi32>
      %add3A_264 = arith.addi %add3A_262, %slice3A_263 : vector<8x512xi32>
      %slice3A_265 = vector.extract_strided_slice %select_n3A {offsets = [400, 0], sizes = [8, 512], strides = [1, 1]} : vector<512x512xi32> to vector<8x512xi32>
      %add3A_266 = arith.addi %add3A_264, %slice3A_265 : vector<8x512xi32>
      %slice3A_267 = vector.extract_strided_slice %select_n3A {offsets = [408, 0], sizes = [8, 512], strides = [1, 1]} : vector<512x512xi32> to vector<8x512xi32>
      %add3A_268 = arith.addi %add3A_266, %slice3A_267 : vector<8x512xi32>
      %slice3A_269 = vector.extract_strided_slice %select_n3A {offsets = [416, 0], sizes = [8, 512], strides = [1, 1]} : vector<512x512xi32> to vector<8x512xi32>
      %add3A_270 = arith.addi %add3A_268, %slice3A_269 : vector<8x512xi32>
      %slice3A_271 = vector.extract_strided_slice %select_n3A {offsets = [424, 0], sizes = [8, 512], strides = [1, 1]} : vector<512x512xi32> to vector<8x512xi32>
      %add3A_272 = arith.addi %add3A_270, %slice3A_271 : vector<8x512xi32>
      %slice3A_273 = vector.extract_strided_slice %select_n3A {offsets = [432, 0], sizes = [8, 512], strides = [1, 1]} : vector<512x512xi32> to vector<8x512xi32>
      %add3A_274 = arith.addi %add3A_272, %slice3A_273 : vector<8x512xi32>
      %slice3A_275 = vector.extract_strided_slice %select_n3A {offsets = [440, 0], sizes = [8, 512], strides = [1, 1]} : vector<512x512xi32> to vector<8x512xi32>
      %add3A_276 = arith.addi %add3A_274, %slice3A_275 : vector<8x512xi32>
      %slice3A_277 = vector.extract_strided_slice %select_n3A {offsets = [448, 0], sizes = [8, 512], strides = [1, 1]} : vector<512x512xi32> to vector<8x512xi32>
      %add3A_278 = arith.addi %add3A_276, %slice3A_277 : vector<8x512xi32>
      %slice3A_279 = vector.extract_strided_slice %select_n3A {offsets = [456, 0], sizes = [8, 512], strides = [1, 1]} : vector<512x512xi32> to vector<8x512xi32>
      %add3A_280 = arith.addi %add3A_278, %slice3A_279 : vector<8x512xi32>
      %slice3A_281 = vector.extract_strided_slice %select_n3A {offsets = [464, 0], sizes = [8, 512], strides = [1, 1]} : vector<512x512xi32> to vector<8x512xi32>
      %add3A_282 = arith.addi %add3A_280, %slice3A_281 : vector<8x512xi32>
      %slice3A_283 = vector.extract_strided_slice %select_n3A {offsets = [472, 0], sizes = [8, 512], strides = [1, 1]} : vector<512x512xi32> to vector<8x512xi32>
      %add3A_284 = arith.addi %add3A_282, %slice3A_283 : vector<8x512xi32>
      %slice3A_285 = vector.extract_strided_slice %select_n3A {offsets = [480, 0], sizes = [8, 512], strides = [1, 1]} : vector<512x512xi32> to vector<8x512xi32>
      %add3A_286 = arith.addi %add3A_284, %slice3A_285 : vector<8x512xi32>
      %slice3A_287 = vector.extract_strided_slice %select_n3A {offsets = [488, 0], sizes = [8, 512], strides = [1, 1]} : vector<512x512xi32> to vector<8x512xi32>
      %add3A_288 = arith.addi %add3A_286, %slice3A_287 : vector<8x512xi32>
      %slice3A_289 = vector.extract_strided_slice %select_n3A {offsets = [496, 0], sizes = [8, 512], strides = [1, 1]} : vector<512x512xi32> to vector<8x512xi32>
      %add3A_290 = arith.addi %add3A_288, %slice3A_289 : vector<8x512xi32>
      %slice3A_291 = vector.extract_strided_slice %select_n3A {offsets = [504, 0], sizes = [8, 512], strides = [1, 1]} : vector<512x512xi32> to vector<8x512xi32>
      %add3A_292 = arith.addi %add3A_290, %slice3A_291 : vector<8x512xi32>
      %add3A_293 = arith.addi %get3A_165, %add3A_292 : vector<8x512xi32>
      %swap3A_294 = arith.constant 0 : index
      %swap3A_295 = arith.constant 0 : index
      %swap3A_296 = vector.load %arg7[%swap3A_294, %swap3A_295] : memref<8x512xi32, #tpu.memory_space<vmem>>, vector<8x512xi32>
      tpu.vector_store %arg7[%swap3A_294, %swap3A_295], %add3A_293 {strides = array<i32>} : memref<8x512xi32, #tpu.memory_space<vmem>>, vector<8x512xi32>,
      %get3A_297 = arith.constant 0 : index
      %get3A_298 = arith.constant 0 : index
      %get3A_299 = vector.load %arg8[%get3A_297, %get3A_298] : memref<8x512xi32, #tpu.memory_space<vmem>>, vector<8x512xi32>
      %slice3A_300 = vector.extract_strided_slice %get3A_15 {offsets = [0, 0], sizes = [8, 512], strides = [1, 1]} : vector<512x512xi32> to vector<8x512xi32>
      %slice3A_301 = vector.extract_strided_slice %get3A_15 {offsets = [8, 0], sizes = [8, 512], strides = [1, 1]} : vector<512x512xi32> to vector<8x512xi32>
      %add3A_302 = arith.addi %slice3A_300, %slice3A_301 : vector<8x512xi32>
      %slice3A_303 = vector.extract_strided_slice %get3A_15 {offsets = [16, 0], sizes = [8, 512], strides = [1, 1]} : vector<512x512xi32> to vector<8x512xi32>
      %add3A_304 = arith.addi %add3A_302, %slice3A_303 : vector<8x512xi32>
      %slice3A_305 = vector.extract_strided_slice %get3A_15 {offsets = [24, 0], sizes = [8, 512], strides = [1, 1]} : vector<512x512xi32> to vector<8x512xi32>
      %add3A_306 = arith.addi %add3A_304, %slice3A_305 : vector<8x512xi32>
      %slice3A_307 = vector.extract_strided_slice %get3A_15 {offsets = [32, 0], sizes = [8, 512], strides = [1, 1]} : vector<512x512xi32> to vector<8x512xi32>
      %add3A_308 = arith.addi %add3A_306, %slice3A_307 : vector<8x512xi32>
      %slice3A_309 = vector.extract_strided_slice %get3A_15 {offsets = [40, 0], sizes = [8, 512], strides = [1, 1]} : vector<512x512xi32> to vector<8x512xi32>
      %add3A_310 = arith.addi %add3A_308, %slice3A_309 : vector<8x512xi32>
      %slice3A_311 = vector.extract_strided_slice %get3A_15 {offsets = [48, 0], sizes = [8, 512], strides = [1, 1]} : vector<512x512xi32> to vector<8x512xi32>
      %add3A_312 = arith.addi %add3A_310, %slice3A_311 : vector<8x512xi32>
      %slice3A_313 = vector.extract_strided_slice %get3A_15 {offsets = [56, 0], sizes = [8, 512], strides = [1, 1]} : vector<512x512xi32> to vector<8x512xi32>
      %add3A_314 = arith.addi %add3A_312, %slice3A_313 : vector<8x512xi32>
      %slice3A_315 = vector.extract_strided_slice %get3A_15 {offsets = [64, 0], sizes = [8, 512], strides = [1, 1]} : vector<512x512xi32> to vector<8x512xi32>
      %add3A_316 = arith.addi %add3A_314, %slice3A_315 : vector<8x512xi32>
      %slice3A_317 = vector.extract_strided_slice %get3A_15 {offsets = [72, 0], sizes = [8, 512], strides = [1, 1]} : vector<512x512xi32> to vector<8x512xi32>
      %add3A_318 = arith.addi %add3A_316, %slice3A_317 : vector<8x512xi32>
      %slice3A_319 = vector.extract_strided_slice %get3A_15 {offsets = [80, 0], sizes = [8, 512], strides = [1, 1]} : vector<512x512xi32> to vector<8x512xi32>
      %add3A_320 = arith.addi %add3A_318, %slice3A_319 : vector<8x512xi32>
      %slice3A_321 = vector.extract_strided_slice %get3A_15 {offsets = [88, 0], sizes = [8, 512], strides = [1, 1]} : vector<512x512xi32> to vector<8x512xi32>
      %add3A_322 = arith.addi %add3A_320, %slice3A_321 : vector<8x512xi32>
      %slice3A_323 = vector.extract_strided_slice %get3A_15 {offsets = [96, 0], sizes = [8, 512], strides = [1, 1]} : vector<512x512xi32> to vector<8x512xi32>
      %add3A_324 = arith.addi %add3A_322, %slice3A_323 : vector<8x512xi32>
      %slice3A_325 = vector.extract_strided_slice %get3A_15 {offsets = [104, 0], sizes = [8, 512], strides = [1, 1]} : vector<512x512xi32> to vector<8x512xi32>
      %add3A_326 = arith.addi %add3A_324, %slice3A_325 : vector<8x512xi32>
      %slice3A_327 = vector.extract_strided_slice %get3A_15 {offsets = [112, 0], sizes = [8, 512], strides = [1, 1]} : vector<512x512xi32> to vector<8x512xi32>
      %add3A_328 = arith.addi %add3A_326, %slice3A_327 : vector<8x512xi32>
      %slice3A_329 = vector.extract_strided_slice %get3A_15 {offsets = [120, 0], sizes = [8, 512], strides = [1, 1]} : vector<512x512xi32> to vector<8x512xi32>
      %add3A_330 = arith.addi %add3A_328, %slice3A_329 : vector<8x512xi32>
      %slice3A_331 = vector.extract_strided_slice %get3A_15 {offsets = [128, 0], sizes = [8, 512], strides = [1, 1]} : vector<512x512xi32> to vector<8x512xi32>
      %add3A_332 = arith.addi %add3A_330, %slice3A_331 : vector<8x512xi32>
      %slice3A_333 = vector.extract_strided_slice %get3A_15 {offsets = [136, 0], sizes = [8, 512], strides = [1, 1]} : vector<512x512xi32> to vector<8x512xi32>
      %add3A_334 = arith.addi %add3A_332, %slice3A_333 : vector<8x512xi32>
      %slice3A_335 = vector.extract_strided_slice %get3A_15 {offsets = [144, 0], sizes = [8, 512], strides = [1, 1]} : vector<512x512xi32> to vector<8x512xi32>
      %add3A_336 = arith.addi %add3A_334, %slice3A_335 : vector<8x512xi32>
      %slice3A_337 = vector.extract_strided_slice %get3A_15 {offsets = [152, 0], sizes = [8, 512], strides = [1, 1]} : vector<512x512xi32> to vector<8x512xi32>
      %add3A_338 = arith.addi %add3A_336, %slice3A_337 : vector<8x512xi32>
      %slice3A_339 = vector.extract_strided_slice %get3A_15 {offsets = [160, 0], sizes = [8, 512], strides = [1, 1]} : vector<512x512xi32> to vector<8x512xi32>
      %add3A_340 = arith.addi %add3A_338, %slice3A_339 : vector<8x512xi32>
      %slice3A_341 = vector.extract_strided_slice %get3A_15 {offsets = [168, 0], sizes = [8, 512], strides = [1, 1]} : vector<512x512xi32> to vector<8x512xi32>
      %add3A_342 = arith.addi %add3A_340, %slice3A_341 : vector<8x512xi32>
      %slice3A_343 = vector.extract_strided_slice %get3A_15 {offsets = [176, 0], sizes = [8, 512], strides = [1, 1]} : vector<512x512xi32> to vector<8x512xi32>
      %add3A_344 = arith.addi %add3A_342, %slice3A_343 : vector<8x512xi32>
      %slice3A_345 = vector.extract_strided_slice %get3A_15 {offsets = [184, 0], sizes = [8, 512], strides = [1, 1]} : vector<512x512xi32> to vector<8x512xi32>
      %add3A_346 = arith.addi %add3A_344, %slice3A_345 : vector<8x512xi32>
      %slice3A_347 = vector.extract_strided_slice %get3A_15 {offsets = [192, 0], sizes = [8, 512], strides = [1, 1]} : vector<512x512xi32> to vector<8x512xi32>
      %add3A_348 = arith.addi %add3A_346, %slice3A_347 : vector<8x512xi32>
      %slice3A_349 = vector.extract_strided_slice %get3A_15 {offsets = [200, 0], sizes = [8, 512], strides = [1, 1]} : vector<512x512xi32> to vector<8x512xi32>
      %add3A_350 = arith.addi %add3A_348, %slice3A_349 : vector<8x512xi32>
      %slice3A_351 = vector.extract_strided_slice %get3A_15 {offsets = [208, 0], sizes = [8, 512], strides = [1, 1]} : vector<512x512xi32> to vector<8x512xi32>
      %add3A_352 = arith.addi %add3A_350, %slice3A_351 : vector<8x512xi32>
      %slice3A_353 = vector.extract_strided_slice %get3A_15 {offsets = [216, 0], sizes = [8, 512], strides = [1, 1]} : vector<512x512xi32> to vector<8x512xi32>
      %add3A_354 = arith.addi %add3A_352, %slice3A_353 : vector<8x512xi32>
      %slice3A_355 = vector.extract_strided_slice %get3A_15 {offsets = [224, 0], sizes = [8, 512], strides = [1, 1]} : vector<512x512xi32> to vector<8x512xi32>
      %add3A_356 = arith.addi %add3A_354, %slice3A_355 : vector<8x512xi32>
      %slice3A_357 = vector.extract_strided_slice %get3A_15 {offsets = [232, 0], sizes = [8, 512], strides = [1, 1]} : vector<512x512xi32> to vector<8x512xi32>
      %add3A_358 = arith.addi %add3A_356, %slice3A_357 : vector<8x512xi32>
      %slice3A_359 = vector.extract_strided_slice %get3A_15 {offsets = [240, 0], sizes = [8, 512], strides = [1, 1]} : vector<512x512xi32> to vector<8x512xi32>
      %add3A_360 = arith.addi %add3A_358, %slice3A_359 : vector<8x512xi32>
      %slice3A_361 = vector.extract_strided_slice %get3A_15 {offsets = [248, 0], sizes = [8, 512], strides = [1, 1]} : vector<512x512xi32> to vector<8x512xi32>
      %add3A_362 = arith.addi %add3A_360, %slice3A_361 : vector<8x512xi32>
      %slice3A_363 = vector.extract_strided_slice %get3A_15 {offsets = [256, 0], sizes = [8, 512], strides = [1, 1]} : vector<512x512xi32> to vector<8x512xi32>
      %add3A_364 = arith.addi %add3A_362, %slice3A_363 : vector<8x512xi32>
      %slice3A_365 = vector.extract_strided_slice %get3A_15 {offsets = [264, 0], sizes = [8, 512], strides = [1, 1]} : vector<512x512xi32> to vector<8x512xi32>
      %add3A_366 = arith.addi %add3A_364, %slice3A_365 : vector<8x512xi32>
      %slice3A_367 = vector.extract_strided_slice %get3A_15 {offsets = [272, 0], sizes = [8, 512], strides = [1, 1]} : vector<512x512xi32> to vector<8x512xi32>
      %add3A_368 = arith.addi %add3A_366, %slice3A_367 : vector<8x512xi32>
      %slice3A_369 = vector.extract_strided_slice %get3A_15 {offsets = [280, 0], sizes = [8, 512], strides = [1, 1]} : vector<512x512xi32> to vector<8x512xi32>
      %add3A_370 = arith.addi %add3A_368, %slice3A_369 : vector<8x512xi32>
      %slice3A_371 = vector.extract_strided_slice %get3A_15 {offsets = [288, 0], sizes = [8, 512], strides = [1, 1]} : vector<512x512xi32> to vector<8x512xi32>
      %add3A_372 = arith.addi %add3A_370, %slice3A_371 : vector<8x512xi32>
      %slice3A_373 = vector.extract_strided_slice %get3A_15 {offsets = [296, 0], sizes = [8, 512], strides = [1, 1]} : vector<512x512xi32> to vector<8x512xi32>
      %add3A_374 = arith.addi %add3A_372, %slice3A_373 : vector<8x512xi32>
      %slice3A_375 = vector.extract_strided_slice %get3A_15 {offsets = [304, 0], sizes = [8, 512], strides = [1, 1]} : vector<512x512xi32> to vector<8x512xi32>
      %add3A_376 = arith.addi %add3A_374, %slice3A_375 : vector<8x512xi32>
      %slice3A_377 = vector.extract_strided_slice %get3A_15 {offsets = [312, 0], sizes = [8, 512], strides = [1, 1]} : vector<512x512xi32> to vector<8x512xi32>
      %add3A_378 = arith.addi %add3A_376, %slice3A_377 : vector<8x512xi32>
      %slice3A_379 = vector.extract_strided_slice %get3A_15 {offsets = [320, 0], sizes = [8, 512], strides = [1, 1]} : vector<512x512xi32> to vector<8x512xi32>
      %add3A_380 = arith.addi %add3A_378, %slice3A_379 : vector<8x512xi32>
      %slice3A_381 = vector.extract_strided_slice %get3A_15 {offsets = [328, 0], sizes = [8, 512], strides = [1, 1]} : vector<512x512xi32> to vector<8x512xi32>
      %add3A_382 = arith.addi %add3A_380, %slice3A_381 : vector<8x512xi32>
      %slice3A_383 = vector.extract_strided_slice %get3A_15 {offsets = [336, 0], sizes = [8, 512], strides = [1, 1]} : vector<512x512xi32> to vector<8x512xi32>
      %add3A_384 = arith.addi %add3A_382, %slice3A_383 : vector<8x512xi32>
      %slice3A_385 = vector.extract_strided_slice %get3A_15 {offsets = [344, 0], sizes = [8, 512], strides = [1, 1]} : vector<512x512xi32> to vector<8x512xi32>
      %add3A_386 = arith.addi %add3A_384, %slice3A_385 : vector<8x512xi32>
      %slice3A_387 = vector.extract_strided_slice %get3A_15 {offsets = [352, 0], sizes = [8, 512], strides = [1, 1]} : vector<512x512xi32> to vector<8x512xi32>
      %add3A_388 = arith.addi %add3A_386, %slice3A_387 : vector<8x512xi32>
      %slice3A_389 = vector.extract_strided_slice %get3A_15 {offsets = [360, 0], sizes = [8, 512], strides = [1, 1]} : vector<512x512xi32> to vector<8x512xi32>
      %add3A_390 = arith.addi %add3A_388, %slice3A_389 : vector<8x512xi32>
      %slice3A_391 = vector.extract_strided_slice %get3A_15 {offsets = [368, 0], sizes = [8, 512], strides = [1, 1]} : vector<512x512xi32> to vector<8x512xi32>
      %add3A_392 = arith.addi %add3A_390, %slice3A_391 : vector<8x512xi32>
      %slice3A_393 = vector.extract_strided_slice %get3A_15 {offsets = [376, 0], sizes = [8, 512], strides = [1, 1]} : vector<512x512xi32> to vector<8x512xi32>
      %add3A_394 = arith.addi %add3A_392, %slice3A_393 : vector<8x512xi32>
      %slice3A_395 = vector.extract_strided_slice %get3A_15 {offsets = [384, 0], sizes = [8, 512], strides = [1, 1]} : vector<512x512xi32> to vector<8x512xi32>
      %add3A_396 = arith.addi %add3A_394, %slice3A_395 : vector<8x512xi32>
      %slice3A_397 = vector.extract_strided_slice %get3A_15 {offsets = [392, 0], sizes = [8, 512], strides = [1, 1]} : vector<512x512xi32> to vector<8x512xi32>
      %add3A_398 = arith.addi %add3A_396, %slice3A_397 : vector<8x512xi32>
      %slice3A_399 = vector.extract_strided_slice %get3A_15 {offsets = [400, 0], sizes = [8, 512], strides = [1, 1]} : vector<512x512xi32> to vector<8x512xi32>
      %add3A_400 = arith.addi %add3A_398, %slice3A_399 : vector<8x512xi32>
      %slice3A_401 = vector.extract_strided_slice %get3A_15 {offsets = [408, 0], sizes = [8, 512], strides = [1, 1]} : vector<512x512xi32> to vector<8x512xi32>
      %add3A_402 = arith.addi %add3A_400, %slice3A_401 : vector<8x512xi32>
      %slice3A_403 = vector.extract_strided_slice %get3A_15 {offsets = [416, 0], sizes = [8, 512], strides = [1, 1]} : vector<512x512xi32> to vector<8x512xi32>
      %add3A_404 = arith.addi %add3A_402, %slice3A_403 : vector<8x512xi32>
      %slice3A_405 = vector.extract_strided_slice %get3A_15 {offsets = [424, 0], sizes = [8, 512], strides = [1, 1]} : vector<512x512xi32> to vector<8x512xi32>
      %add3A_406 = arith.addi %add3A_404, %slice3A_405 : vector<8x512xi32>
      %slice3A_407 = vector.extract_strided_slice %get3A_15 {offsets = [432, 0], sizes = [8, 512], strides = [1, 1]} : vector<512x512xi32> to vector<8x512xi32>
      %add3A_408 = arith.addi %add3A_406, %slice3A_407 : vector<8x512xi32>
      %slice3A_409 = vector.extract_strided_slice %get3A_15 {offsets = [440, 0], sizes = [8, 512], strides = [1, 1]} : vector<512x512xi32> to vector<8x512xi32>
      %add3A_410 = arith.addi %add3A_408, %slice3A_409 : vector<8x512xi32>
      %slice3A_411 = vector.extract_strided_slice %get3A_15 {offsets = [448, 0], sizes = [8, 512], strides = [1, 1]} : vector<512x512xi32> to vector<8x512xi32>
      %add3A_412 = arith.addi %add3A_410, %slice3A_411 : vector<8x512xi32>
      %slice3A_413 = vector.extract_strided_slice %get3A_15 {offsets = [456, 0], sizes = [8, 512], strides = [1, 1]} : vector<512x512xi32> to vector<8x512xi32>
      %add3A_414 = arith.addi %add3A_412, %slice3A_413 : vector<8x512xi32>
      %slice3A_415 = vector.extract_strided_slice %get3A_15 {offsets = [464, 0], sizes = [8, 512], strides = [1, 1]} : vector<512x512xi32> to vector<8x512xi32>
      %add3A_416 = arith.addi %add3A_414, %slice3A_415 : vector<8x512xi32>
      %slice3A_417 = vector.extract_strided_slice %get3A_15 {offsets = [472, 0], sizes = [8, 512], strides = [1, 1]} : vector<512x512xi32> to vector<8x512xi32>
      %add3A_418 = arith.addi %add3A_416, %slice3A_417 : vector<8x512xi32>
      %slice3A_419 = vector.extract_strided_slice %get3A_15 {offsets = [480, 0], sizes = [8, 512], strides = [1, 1]} : vector<512x512xi32> to vector<8x512xi32>
      %add3A_420 = arith.addi %add3A_418, %slice3A_419 : vector<8x512xi32>
      %slice3A_421 = vector.extract_strided_slice %get3A_15 {offsets = [488, 0], sizes = [8, 512], strides = [1, 1]} : vector<512x512xi32> to vector<8x512xi32>
      %add3A_422 = arith.addi %add3A_420, %slice3A_421 : vector<8x512xi32>
      %slice3A_423 = vector.extract_strided_slice %get3A_15 {offsets = [496, 0], sizes = [8, 512], strides = [1, 1]} : vector<512x512xi32> to vector<8x512xi32>
      %add3A_424 = arith.addi %add3A_422, %slice3A_423 : vector<8x512xi32>
      %slice3A_425 = vector.extract_strided_slice %get3A_15 {offsets = [504, 0], sizes = [8, 512], strides = [1, 1]} : vector<512x512xi32> to vector<8x512xi32>
      %add3A_426 = arith.addi %add3A_424, %slice3A_425 : vector<8x512xi32>
      %add3A_427 = arith.addi %get3A_299, %add3A_426 : vector<8x512xi32>
      %swap3A_428 = arith.constant 0 : index
      %swap3A_429 = arith.constant 0 : index
      %swap3A_430 = vector.load %arg8[%swap3A_428, %swap3A_429] : memref<8x512xi32, #tpu.memory_space<vmem>>, vector<8x512xi32>
      tpu.vector_store %arg8[%swap3A_428, %swap3A_429], %add3A_427 {strides = array<i32>} : memref<8x512xi32, #tpu.memory_space<vmem>>, vector<8x512xi32>,
    } else {
    }
    %eq3A_27 = arith.constant 0 : i32
    %eq3A_28 = arith.cmpi eq, %arg1, %eq3A_27 : i32
    %convert_element_type3A_29 = arith.extui %eq3A_28 : i1 to i32
    %cond3A_30 = arith.constant 0 : i32
    %cond3A_31 = arith.cmpi ne, %convert_element_type3A_29, %cond3A_30 : i32
    scf.if %cond3A_31 {
      %get3A_32 = arith.constant 0 : index
      %get3A_33 = arith.constant 0 : index
      %get3A_34 = vector.load %arg6[%get3A_32, %get3A_33] : memref<8x512xi32, #tpu.memory_space<vmem>>, vector<8x512xi32>
      %reduce_sum3A = vector.shape_cast %get3A_34 : vector<8x512xi32> to vector<1x8x512xi32>
      %reduce_sum3A_35 = arith.constant dense<0> : vector<1xi32>
      %reduce_sum3A_36 = vector.multi_reduction <add>, %reduce_sum3A, %reduce_sum3A_35 [1, 2] : vector<1x8x512xi32> to vector<1xi32>
      %reduce_sum3A_37 = vector.shape_cast %reduce_sum3A_36 : vector<1xi32> to vector<1x1x1xi32>
      %reduce_sum3A_38 = vector.extract %reduce_sum3A_37[0, 0, 0] : i32 from vector<1x1x1xi32>
      %convert_element_type3A_39 = arith.sitofp %reduce_sum3A_38 : i32 to f32
      %get3A_40 = arith.constant 0 : index
      %get3A_41 = arith.constant 0 : index
      %get3A_42 = vector.load %arg7[%get3A_40, %get3A_41] : memref<8x512xi32, #tpu.memory_space<vmem>>, vector<8x512xi32>
      %reduce_sum3A_43 = vector.shape_cast %get3A_42 : vector<8x512xi32> to vector<1x8x512xi32>
      %reduce_sum3A_44 = arith.constant dense<0> : vector<1xi32>
      %reduce_sum3A_45 = vector.multi_reduction <add>, %reduce_sum3A_43, %reduce_sum3A_44 [1, 2] : vector<1x8x512xi32> to vector<1xi32>
      %reduce_sum3A_46 = vector.shape_cast %reduce_sum3A_45 : vector<1xi32> to vector<1x1x1xi32>
      %reduce_sum3A_47 = vector.extract %reduce_sum3A_46[0, 0, 0] : i32 from vector<1x1x1xi32>
      %convert_element_type3A_48 = arith.sitofp %reduce_sum3A_47 : i32 to f32
      %get3A_49 = arith.constant 0 : index
      %get3A_50 = arith.constant 0 : index
      %get3A_51 = vector.load %arg8[%get3A_49, %get3A_50] : memref<8x512xi32, #tpu.memory_space<vmem>>, vector<8x512xi32>
      %reduce_sum3A_52 = vector.shape_cast %get3A_51 : vector<8x512xi32> to vector<1x8x512xi32>
      %reduce_sum3A_53 = arith.constant dense<0> : vector<1xi32>
      %reduce_sum3A_54 = vector.multi_reduction <add>, %reduce_sum3A_52, %reduce_sum3A_53 [1, 2] : vector<1x8x512xi32> to vector<1xi32>
      %reduce_sum3A_55 = vector.shape_cast %reduce_sum3A_54 : vector<1xi32> to vector<1x1x1xi32>
      %reduce_sum3A_56 = vector.extract %reduce_sum3A_55[0, 0, 0] : i32 from vector<1x1x1xi32>
      %convert_element_type3A_57 = arith.sitofp %reduce_sum3A_56 : i32 to f32
      %add3A = arith.addf %convert_element_type3A_48, %convert_element_type3A_57 : f32
      %sub3A_58 = arith.subf %add3A, %convert_element_type3A_39 : f32
      %gt3A_59 = arith.constant 0.000000e+00 : f32
      %gt3A_60 = arith.cmpf ogt, %sub3A_58, %gt3A_59 : f32
      %jit3A_61 = arith.constant 1.000000e+00 : f32
      %select_n3A_62 = arith.select %gt3A_60, %sub3A_58, %jit3A_61 : f32
      %div3A = arith.divf %convert_element_type3A_39, %select_n3A_62 : f32
      %jit3A_63 = arith.constant 0.000000e+00 : f32
      %select_n3A_64 = arith.select %gt3A_60, %div3A, %jit3A_63 : f32
      %broadcast_in_dim3A_65 = arith.constant 0.000000e+00 : f32
      %broadcast_in_dim3A_66 = vector.broadcast %broadcast_in_dim3A_65 : f32 to vector<1x8x128xf32>
      %add3A_67 = vector.broadcast %select_n3A_64 : f32 to vector<1x8x128xf32>
      %add3A_68 = arith.addf %broadcast_in_dim3A_66, %add3A_67 : vector<1x8x128xf32>
      %swap3A = arith.constant 0 : index
      %swap3A_69 = arith.constant 0 : index
      %swap3A_70 = arith.constant 0 : index
      %swap3A_71 = vector.load %arg5[%swap3A, %swap3A_69, %swap3A_70] : memref<1x8x128xf32, #tpu.memory_space<vmem>>, vector<1x8x128xf32>
      tpu.vector_store %arg5[%swap3A, %swap3A_69, %swap3A_70], %add3A_68 {strides = array<i32>} : memref<1x8x128xf32, #tpu.memory_space<vmem>>, vector<1x8x128xf32>,
    } else {
    }
    return
  }
  func.func @transform_0(%arg0: i32, %arg1: i32) -> (i32, i32, i32, i32) {
    %add3A = arith.constant 8 : i32
    %add3A_0 = arith.addi %add3A, %arg0 : i32
    %c0_i32 = arith.constant 0 : i32
    %c0_i32_1 = arith.constant 0 : i32
    %c0_i32_2 = arith.constant 0 : i32
    return %add3A_0, %c0_i32, %arg1, %c0_i32_1 : i32, i32, i32, i32
  }
  func.func @transform_1(%arg0: i32, %arg1: i32) -> (i32, i32, i32, i32) {
    %add3A = arith.constant 8 : i32
    %add3A_0 = arith.addi %add3A, %arg0 : i32
    %c1_i32 = arith.constant 1 : i32
    %c0_i32 = arith.constant 0 : i32
    %c0_i32_1 = arith.constant 0 : i32
    return %add3A_0, %c1_i32, %arg1, %c0_i32 : i32, i32, i32, i32
  }
  func.func @transform_2(%arg0: i32, %arg1: i32) -> (i32, i32, i32) {
    %add3A = arith.constant 8 : i32
    %add3A_0 = arith.addi %add3A, %arg0 : i32
    %c0_i32 = arith.constant 0 : i32
    %c0_i32_1 = arith.constant 0 : i32
    return %add3A_0, %arg1, %c0_i32 : i32, i32, i32
  }
  func.func @transform_3(%arg0: i32, %arg1: i32) -> (i32, i32, i32) {
    %c0_i32 = arith.constant 0 : i32
    %c0_i32_0 = arith.constant 0 : i32
    %c0_i32_1 = arith.constant 0 : i32
    return %arg0, %c0_i32, %c0_i32_0 : i32, i32, i32
  }
}

</mosaic_0001>

<sc_bundles>
// kernel: _iou.4.cloned.1.call-start
scs
__scs_entry_jumppad:
0x0: {  	(pc) =	sbr.rel $0x88, $3  }
0x1: {  	(tag) =	ssettag $0x0;
	lr =	simm.s32 $0x1  }
0x2: {  	[smem:$0x3F9F] =	sst lr;
	_ =	strace $0xD0000000  }
0x3: {  	_ = 	snop  }
0x4: {  	_ = 	snop  }
0x5: {  	_ = 	snop  }
0x6: {  	_ = 	snop  }
0x7: {  	_ = 	snop  }
__scs_overlays_trampoline_lowered:
0x8: {  	[smem:$0x3FAE] =	sst s0  }
0x9: {  	[smem:$0x3FAF] =	sst s1  }
0xa: {  	[smem:$0x3FB0] =	sst s2  }
0xb: {  	[smem:$0x3FB1] =	sst s3  }
0xc: {  	[smem:$0x3FB2] =	sst s4  }
0xd: {  	[smem:$0x3FB3] =	sst s5  }
0xe: {  	[smem:$0x3FB4] =	sst s6  }
0xf: {  	[smem:$0x3FB5] =	sst s7  }
0x10: {  	[smem:$0x3FB6] =	sst s8  }
0x11: {  	[smem:$0x3FB7] =	sst s9;
	s0 =	simm.s32 @!p0 $0x0  }
0x12: {  	s1 =	sld [smem:$0x3F9D];
	s0 =	simm.s32 @p0 $0x1  }
0x13: {  	[smem:$0x3FB8] =	sst s0;
	s0 =	simm.s32 @!p1 $0x0  }
0x14: {  	s2 =	sld [smem:$0x3F9C];
	s0 =	simm.s32 @p1 $0x1  }
0x15: {  	[smem:$0x3FB9] =	sst s0;
	s0 =	simm.s32 @!p2 $0x0  }
0x16: {  	s3 =	sld [smem:$0x3FDB];
	s0 =	simm.s32 @p2 $0x1  }
0x17: {  	s4 =	simm.s32 $0x1BF5;
	[smem:$0x3FBB] =	sst s0  }
0x18: {  	s0 =	sld [smem:$0x3F9E];
	_ =	swait.ge [sflag:s4], $0x0  }
0x19: {  	s7 =	sld [smem:$0x3F9F]  }
0x1a: {  	s8 =	sadd.s32 $0xFFFFE003, lr  }
0x1b: {  	s9 =	sadd.s32 $0xFFFFFEF7, lr;
	s5 =	simm.s32 $0xFFFFFFFF;
	p2 =	slt.u32 s8, $0xFFFFF086  }
0x1c: {  	p1 =	slt.u32 s9, $0xF7A;
	s5 =	simm.s32 @!p2 $0x0  }
0x1d: {  	s5 =	simm.s32 @p1 $0x1;
	p0 =	seq.s32 s7, s2  }
0x1e: {  	s7 =	smul.u32 @!p0 $0xF7A, s2;
	p2 =	seq.s32 @!p0 s5, $0x0  }
0x1f: {  	s9 =	smul.u32 $0xF7A, s1;
	s8 =	simm.s32 @!p0 $0x1BF5;
	p2 =	por !p2, p0  }
0x20: {  	[sflag:s8] =	ssyncset.s32 @!p0 $0xFFFFF086;
	s6 =	sadd.s32 @!p0 s3, s7;
	s7 =	simm.s32 @!p0 $0x108  }
0x21: {  	s3 =	sadd.s32 s3, s9;
	s6 =	sadd.s32 @!p0 $0x88, s6;
	s7 =	simm.s32 @p2 $0x1082  }
0x22: {  	[simem:s7], [sflag:s8] =	dma.local @!p0 [hbm:s6], $0xF7A  }
0x23: {  	s9 =	sor.u32 $0xD0000000, s2;
	s6 =	simm.s32 $0x108;
	_ =	swait.ge @!p0 [sflag:s8], $0x0  }
0x24: {  	s3 =	sadd.s32 $0x88, s3;
	s6 =	simm.s32 @!p1 $0x1082;
	[sflag:s4] =	ssyncset.s32 $0xFFFFF086  }
0x25: {  	[simem:s6], [sflag:s4] =	dma.local [hbm:s3], $0xF7A  }
0x26: {  	[smem:$0x3F9F] =	sst s1;
	(tag) =	ssettag s2;
	_ =	strace s9  }
0x27: {  	s1 =	sld [smem:$0x3FAF]  }
0x28: {  	s2 =	sld [smem:$0x3FB0]  }
0x29: {  	s4 =	sld [smem:$0x3FB2]  }
0x2a: {  	p0 =	seq.s32 s5, $0x0;
	s5 =	sld [smem:$0x3FB3]  }
0x2b: {  	s6 =	sld [smem:$0x3FB4]  }
0x2c: {  	s7 =	sld [smem:$0x3FB5]  }
0x2d: {  	s3 =	simm.s32 $0x108;
	s8 =	sld [smem:$0x3FB6]  }
0x2e: {  	s3 =	simm.s32 @!p0 $0x1082;
	s9 =	sld [smem:$0x3FB7]  }
0x2f: {  	lr =	sadd.s32 s0, s3;
	s0 =	sld [smem:$0x3FAE]  }
0x30: {  	s3 =	sld [smem:$0x3FB1]  }
0x31: {  	[smem:$0x3FBA] =	sst s10  }
0x32: {  	s10 =	sld [smem:$0x3FB8];
	_ =	sdelay $0x3  }
0x33: {  	p0 =	seq.s32 s10, $0x1;
	s10 =	sld [smem:$0x3FBA];
	_ =	sdelay $0x3  }
0x34: {  	[smem:$0x3FBA] =	sst s10  }
0x35: {  	s10 =	sld [smem:$0x3FB9];
	_ =	sdelay $0x3  }
0x36: {  	p1 =	seq.s32 s10, $0x1;
	s10 =	sld [smem:$0x3FBA];
	_ =	sdelay $0x3  }
0x37: {  	[smem:$0x3FBA] =	sst s10  }
0x38: {  	s10 =	sld [smem:$0x3FBB]  }
0x39: {  	_ = 	snop;
	(pc) =	sbr.ind lr, $3  }
0x3a: {  	_ = 	snop  }
0x3b: {  	_ = 	snop  }
0x3c: {  	p2 =	seq.s32 s10, $0x1;
	s10 =	sld [smem:$0x3FBA]  }
0x3d: {  	_ =	shalt  }
0x3e: {  	_ =	shalt  }
0x3f: {  	_ =	shalt  }
0x40: {  	_ =	shalt  }
0x41: {  	_ =	shalt  }
0x42: {  	_ =	shalt  }
0x43: {  	_ =	shalt  }
0x44: {  	_ =	shalt  }
0x45: {  	_ =	shalt  }
0x46: {  	_ =	shalt  }
0x47: {  	_ =	shalt  }
0x48: {  	_ =	shalt  }
0x49: {  	_ =	shalt  }
0x4a: {  	_ =	shalt  }
0x4b: {  	_ =	shalt  }
0x4c: {  	_ =	shalt  }
0x4d: {  	_ =	shalt  }
0x4e: {  	_ =	shalt  }
0x4f: {  	_ =	shalt  }
0x50: {  	_ =	shalt  }
0x51: {  	_ =	shalt  }
0x52: {  	_ =	shalt  }
0x53: {  	_ =	shalt  }
0x54: {  	_ =	shalt  }
0x55: {  	_ =	shalt  }
0x56: {  	_ =	shalt  }
0x57: {  	_ =	shalt  }
0x58: {  	_ =	shalt  }
0x59: {  	_ =	shalt  }
0x5a: {  	_ =	shalt  }
0x5b: {  	_ =	shalt  }
0x5c: {  	_ =	shalt  }
0x5d: {  	_ =	shalt  }
0x5e: {  	_ =	shalt  }
0x5f: {  	_ =	shalt  }
0x60: {  	_ =	shalt  }
0x61: {  	_ =	shalt  }
0x62: {  	_ =	shalt  }
0x63: {  	_ =	shalt  }
0x64: {  	_ =	shalt  }
0x65: {  	_ =	shalt  }
0x66: {  	_ =	shalt  }
0x67: {  	_ =	shalt  }
0x68: {  	_ =	shalt  }
0x69: {  	_ =	shalt  }
0x6a: {  	_ =	shalt  }
0x6b: {  	_ =	shalt  }
0x6c: {  	_ =	shalt  }
0x6d: {  	_ =	shalt  }
0x6e: {  	_ =	shalt  }
0x6f: {  	_ =	shalt  }
0x70: {  	_ =	shalt  }
0x71: {  	_ =	shalt  }
0x72: {  	_ =	shalt  }
0x73: {  	_ =	shalt  }
0x74: {  	_ =	shalt  }
0x75: {  	_ =	shalt  }
0x76: {  	_ =	shalt  }
0x77: {  	_ =	shalt  }
0x78: {  	_ =	shalt  }
0x79: {  	_ =	shalt  }
0x7a: {  	_ =	shalt  }
0x7b: {  	_ =	shalt  }
0x7c: {  	_ =	shalt  }
0x7d: {  	_ =	shalt  }
0x7e: {  	_ =	shalt  }
0x7f: {  	_ =	shalt  }
0x80: {  	_ =	shalt  }
0x81: {  	_ =	shalt  }
0x82: {  	_ =	shalt  }
0x83: {  	_ =	shalt  }
0x84: {  	_ =	shalt  }
0x85: {  	_ =	shalt  }
0x86: {  	_ =	shalt  }
0x87: {  	_ =	shalt  }
.Lfunc_end0:
.L_simem_size_0:
called_computation_lowered:
.L_overlay_start_0:
0x88: {  	s2 =	sld [smem:$0x3FD9]  }
0x89: {  	s3 =	sld [smem:$0x3FFE];
	_ =	sdelay $0x1  }
0x8a: {  	s1 =	srdreg.scid  }
0x8b: {  	s0 =	sand.u32 $0x1, s1  }
0x8c: {  	s18 =	sshll.u32 s0, $0xA;
	s2 =	sadd.s32 s3, s2  }
0x8d: {  	s2 =	sadd.s32 s2, s18  }
0x8e: {  	[smem:$0x3FC6] =	sst s2  }
0x8f: {  	_ = 	snop  }
0x90: {  	s2 =	sld [smem:$0x3FC9]  }
0x91: {  	s19 =	sld [smem:$0x3FC8]  }
0x92: {  	s4 =	sld [smem:$0x3FD0];
	(tm) =	ssettm $0x1  }
0x93: {  	s5 =	sld [smem:$0x3FFB];
	_ =	sdelay $0x3  }
0x94: {  	_ =	strace s5  }
0x95: {  	s5 =	sld [smem:$0x3FFC];
	_ =	sdelay $0x3  }
0x96: {  	_ =	strace s5  }
0x97: {  	s5 =	sld [smem:$0x3FFD];
	_ =	sdelay $0x3  }
0x98: {  	_ =	strace s5  }
0x99: {  	_ =	strace $0x8FFFFFFF  }
0x9a: {  	s20 =	sld [smem:$0x3FDB];
	_ =	sdelay $0x1  }
0x9b: {  	s6 =	simm.s32 $_scs_section_size  }
0x9c: {  	s7 =	simm.s32 $_size__tile_overlayer_lowered;
	s8 =	simm.s32 $_tile_overlayer_lowered  }
0x9d: {  	s23 =	simm.s32 $0x1BFF;
	s22 =	sshll.u32 s8, $0x1;
	s5 =	sadd.s32 s6, s20  }
0x9e: {  	s9 =	simm.s32 $0x0;
	s21 =	sshll.u32 s7, $0x1;
	s7 =	sadd.s32 s22, s5  }
0x9f: {  	[timem:s9], [sflag:s23] =	dma.local [hbm:s7], s21  }
0xa0: {  	_ =	swait.ge [sflag:s23], s21  }
0xa1: {  	s6 =	ssub.s32 $0x0, s21;
	[sflag:s23] =	ssyncset.done $0x0  }
0xa2: {  	[sflag:s23] =	ssyncadd.s32 s6;
	_ =	sdelay $0x1  }
0xa3: {  	s24 =	simm.s32 $0x1B8B  }
0xa4: {  	_ =	swait.ge [sflag:s24], $0x1  }
0xa5: {  	[sflag:s24] =	ssyncset.done $0x0  }
0xa6: {  	s25 =	simm.s32 $0x1B8E;
	[sflag:s24] =	ssyncadd.s32 $0xFFFFFFFF  }
0xa7: {  	s26 =	simm.s32 $execute0_lowered;
	[smem:$0x3FD2] =	sst s25  }
0xa8: {  	s6 =	sshll.u32 s26, $0x1;
	_ =	strace $0x80000046;
	[dreg:$0x1] =	wrdreg $0xFFFFFFFF  }
0xa9: {  	s28 =	simm.s32 $_size_execute0_lowered;
	s5 =	sadd.s32 s5, s6;
	[dreg:$0x0] =	wrdreg $0x0  }
0xaa: {  	s6 =	sshll.u32 s28, $0x1;
	[dreg:$0x2] =	wrdreg s5  }
0xab: {  	[dreg:$0x3] =	wrdreg s6  }
0xac: {  	[dreg:$0x4] =	wrdreg $0xC0  }
0xad: {  	_ =	task [dreg:s9], $0x5FFFF  }
0xae: {  	[dreg:$0x1] =	wrdreg $0xFFFFFFFF  }
0xaf: {  	[dreg:$0x0] =	wrdreg $0x60  }
0xb0: {  	[dreg:$0x2] =	wrdreg s2  }
0xb1: {  	[dreg:$0x3] =	wrdreg s19  }
0xb2: {  	[dreg:$0x4] =	wrdreg s4  }
0xb3: {  	[dreg:$0x5] =	wrdreg $0xC4000  }
0xb4: {  	[dreg:$0x6] =	wrdreg $0x9  }
0xb5: {  	_ =	task.clear_ibuf [dreg:s9], $0x7FFFF;
	_ =	strace $0x90000046  }
0xb6: {  	s29 =	simm.s32 $0x9;
	_ =	strace $0x80000048  }
0xb7: {  	_ =	swait.ge [sflag:s29], $0x1  }
0xb8: {  	[sflag:s29] =	ssyncadd.s32 $0xFFFFFFFF  }
0xb9: {  	_ =	strace $0x90000048  }
0xba: {  	_ =	sfence  }
0xbb: {  	s30 =	sld [smem:$0x0];
	_ =	sdelay $0x2  }
0xbc: {  	s31 =	sshll.u32 s1, $0xD;
	s1 =	sshrl.u32 s1, $0x2  }
0xbd: {  	s3 =	sand.u32 $0x4000, s31;
	s1 =	sadd.s32 s1, s30  }
0xbe: {  	s0 =	sor.u32 s3, s0;
	s1 =	sshll.u32 s1, $0x11  }
0xbf: {  	s0 =	sor.u32 s1, s0  }
0xc0: {  	s0 =	sadd.s32 $0x8F2B, s0  }
0xc1: {  	[sflag:s0] =	ssyncadd.remote.s32 $0x1  }
0xc2: {  	_ =	sfence.sel $0xFFFF  }
0xc3: {  	[dreg:$0x0] =	wrdreg $0xFFFFFFFF;
	(pc) =	sbr.abs _section_cstart, $3  }
0xc4: {  	[dreg:$0x1] =	wrdreg $0xFFFFFFFF  }
0xc5: {  	_ =	task.clear_ibuf [dreg:s9], $0x2FFFF;
	_ =	strace $0x9FFFFFFF  }
0xc6: {  	(tm) =	ssettm $0x7FFFFFFF  }
0xc7: {  	_ =	shalt  }
tec
execute0_lowered:
.L_overlay_start_1:
0x0: {  	(tag) =	ssettag $0x1  }
0x1: {  	s1 =	srdreg.scid  }
0x2: {  	s0 =	stileid.u32;
	s8 =	rddreg [dreg:$0x0]  }
0x3: {  	s31 =	simm.s32 $0x4000;
	s28 =	simm.s32 $0x8000;
	s2 =	sand.u32 $0x1, s1  }
0x4: {  	s3 =	sshrl.u32 s0, $0x2;
	s12 =	sshll.u32 s0, $0x10;
	s15 =	sadd.s32 $0x8000, s8  }
0x5: {  	p0 =	sne.s32 s0, $0x0;
	s1 =	sshll.u32 s2, $0x2;
	s5 =	ssub.s32 $0x2, s2  }
0x6: {  	s6 =	sand.u32 $0x30000, s12;
	s4 =	sor.u32 s3, s1;
	s13 =	sshrl.u32 s5, $0x1  }
0x7: {  	v0 =	vmov s3;
	s3 =	simm.s32 $0x3;
	s7 =	sshll.u32 s4, $0x13;
	s1 =	ssub.s32 s5, s13  }
0x8: {  	s4 =	sshll.u32 s4, $0x12;
	s9 =	sor.u32 s6, s7;
	s30 =	smax.u32 s1, $0x1  }
0x9: {  	s1 =	simm.s32 $0x1;
	s14 =	sshrl.u32 s9, $0x3;
	s9 =	sor.u32 $0x2000, s6  }
0xa: {  	s10 =	sadd.s32 s8, s14;
	s11 =	sor.u32 s9, s7;
	s5 =	sadd.s32 s14, s15  }
0xb: {  	s9 =	sor.u32 s9, s4;
	[dreg:$0x5] =	wrdreg s10;
	s16 =	sshrl.u32 s11, $0x3  }
0xc: {  	[dreg:$0x6] =	wrdreg s5;
	s11 =	sor.u32 $0x4000, s6;
	s12 =	sadd.s32 s8, s16  }
0xd: {  	s17 =	sor.u32 s11, s7;
	s5 =	sadd.s32 s16, s15;
	[dreg:$0x7] =	wrdreg s12  }
0xe: {  	s16 =	sor.u32 $0x6000, s6;
	s10 =	sor.u32 s11, s4;
	[dreg:$0x8] =	wrdreg s5  }
0xf: {  	s18 =	sshrl.u32 s17, $0x3;
	s19 =	sor.u32 s16, s7;
	s17 =	sor.u32 $0x8000, s6  }
0x10: {  	s11 =	sor.u32 s16, s4;
	s16 =	simm.s32 $0x0;
	s12 =	sadd.s32 s8, s18  }
0x11: {  	s5 =	sadd.s32 s18, s15;
	s20 =	sshrl.u32 s19, $0x3;
	[smem:$0x7FF] =	sst s16  }
0x12: {  	s21 =	sor.u32 s17, s7;
	s18 =	sor.u32 $0xA000, s6;
	[dreg:$0x9] =	wrdreg s12  }
0x13: {  	s19 =	sor.u32 $0xC000, s6;
	[dreg:$0xa] =	wrdreg s5;
	s13 =	sadd.s32 s8, s20  }
0x14: {  	s12 =	sshrl.u32 s21, $0x3;
	s5 =	sadd.s32 s20, s15;
	s23 =	sor.u32 s18, s7  }
0x15: {  	s25 =	sor.u32 s19, s7;
	s20 =	sor.u32 $0xE000, s6;
	[dreg:$0xb] =	wrdreg s13  }
0x16: {  	s21 =	sor.u32 s18, s4;
	[dreg:$0xc] =	wrdreg s5;
	s22 =	sadd.s32 s8, s12  }
0x17: {  	s12 =	sadd.s32 s12, s15;
	s5 =	sshrl.u32 s23, $0x3;
	s26 =	sshrl.u32 s25, $0x3  }
0x18: {  	s7 =	sor.u32 s20, s7;
	s23 =	sshrl.u32 s9, $0x3;
	[dreg:$0xd] =	wrdreg s22  }
0x19: {  	[dreg:$0xe] =	wrdreg s12;
	s24 =	sadd.s32 s8, s5;
	s12 =	sadd.s32 s8, s26  }
0x1a: {  	s13 =	sadd.s32 s26, s15;
	s26 =	sshrl.u32 s11, $0x3;
	s11 =	rddreg [dreg:$0x2]  }
0x1b: {  	s25 =	sshrl.u32 s10, $0x3;
	s5 =	sadd.s32 s5, s15;
	[dreg:$0xf] =	wrdreg s24  }
0x1c: {  	v1 =	vimm.s32 $0x76543210;
	v2 =	vimm.s32 $0xFEDCBA98;
	s7 =	sshrl.u32 s7, $0x3;
	s22 =	sor.u32 s19, s4;
	[dreg:$0x10] =	wrdreg s5  }
0x1d: {  	v3 =	vimm.s32 $0xBA98FEDC;
	v4 =	vimm.s32 $0x32107654;
	v5 =	vimm.s32 $0xDCFE98BA;
	[dreg:$0x11] =	wrdreg s12;
	s14 =	sadd.s32 s8, s7;
	s15 =	sadd.s32 s7, s15  }
0x1e: {  	v6 =	vimm.s32 $0x54761032;
	v7 =	vimm.s32 $0xEFCDAB89;
	v8 =	vimm.s32 $0x67452301;
	s8 =	sor.u32 s6, s4;
	s12 =	sor.u32 s17, s4;
	s24 =	rddreg [dreg:$0x1]  }
0x1f: {  	v1 =	vunpack.c.l.s4.s8 v1;
	v2 =	vunpack.c.l.s4.s8 v2;
	v3 =	vunpack.c.l.s4.s8 v3;
	s4 =	sor.u32 s20, s4;
	s9 =	sshrl.u32 s22, $0x3;
	s2 =	sadd.s32 s11, s2  }
0x20: {  	v4 =	vunpack.c.l.s4.s8 v4;
	v5 =	vunpack.c.l.s4.s8 v5;
	v6 =	vunpack.c.l.s4.s8 v6;
	s5 =	sshrl.u32 s8, $0x3;
	s18 =	sadd.s32 s24, s23;
	s19 =	sadd.s32 s24, s25  }
0x21: {  	v7 =	vunpack.c.l.s4.s8 v7;
	v8 =	vunpack.c.l.s4.s8 v8;
	v3 =	vunpack.c.0.s8.s32 v3;
	s20 =	sadd.s32 s24, s26;
	s7 =	sshrl.u32 s12, $0x3;
	s8 =	sshrl.u32 s21, $0x3  }
0x22: {  	v4 =	vunpack.c.0.s8.s32 v4;
	v5 =	vunpack.c.0.s8.s32 v5;
	v6 =	vunpack.c.0.s8.s32 v6;
	s23 =	sadd.s32 s24, s9;
	s12 =	smul.u32 $0xC0, s0;
	[dreg:$0x12] =	wrdreg s2  }
.Ltmp0:
0x23: {  	v2 =	vunpack.c.0.s8.s32 v2;
	v7 =	vunpack.c.0.s8.s32 v7;
	v8 =	vunpack.c.0.s8.s32 v8;
	s10 =	sshrl.u32 s4, $0x3;
	s25 =	rddreg [dreg:$0x3];
	(pc) =	sbr.rel .LBB2_1-.Ltmp0, $4  }
0x24: {  	v1 =	vunpack.c.0.s8.s32 v1;
	v3 =	vcombine.low v4, v3;
	v4 =	vcombine.low v6, v5;
	s0 =	simm.s32 $0xA000;
	s2 =	simm.s32 $0x2;
	s4 =	simm.s32 $0x0  }
0x25: {  	v5 =	vcombine.low v8, v7;
	v6 =	vlaneseq.u32;
	v2 =	vand.u32 $0xF, v2;
	s17 =	sadd.s32 s24, s5;
	s21 =	sadd.s32 s24, s7;
	s22 =	sadd.s32 s24, s8  }
0x26: {  	vm0 =	veq.s32 v0, v6;
	v0 =	vimm.s32 $0x0;
	v1 =	vcombine.low v2, v1;
	s24 =	sadd.s32 s24, s10;
	_ =	strace $0x80000047;
	s26 =	sshrl.u32 s12, $0x2  }
0x27: {  	v2 =	vand.u32 $0xF, v3;
	v3 =	vand.u32 $0xF, v4;
	v4 =	vand.u32 $0xF, v5;
	s29 =	sadd.s32 s26, s25;
	s26 =	simm.s32 $0x2000;
	s25 =	simm.s32 $0x6000  }
.LBB2_19:
0x28: {  	s4 =	sadd.s32 $0x1, s4  }
0x29: {  	p1 =	sne.s32 s4, s30  }
.Ltmp1:
0x2a: {  	_ = 	snop;
	(pc) =	sbr.rel @!p1 .LBB2_20-.Ltmp1, $1  }
0x2b: {  	_ =	sdelay $0x3  }
.LBB2_1:
0x2c: {  	s5 =	rddreg [dreg:$0x5]  }
0x2d: {  	[tilespmem:s16], [sflag:$0x1] =	stream.linear.gather [hbm4b:s5+s16], $0x2000, $0x38;
	[tilespmem:$0xC430] =	vst v63  }
0x2e: {  	s7 =	rddreg [dreg:$0x6]  }
0x2f: {  	[tilespmem:s31], [sflag:$0x1] =	stream.linear.gather [hbm4b:s7+s16], $0x2000, $0x38;
	[tilespmem:$0xC430] =	vst v63  }
0x30: {  	_ = 	snop  }
0x31: {  	[tilespmem:s28], [sflag:$0x1] =	stream.linear.gather [hbm4b:s17+s16], $0x2000, $0x38;
	[tilespmem:$0xC430] =	vst v63  }
0x32: {  	s8 =	rddreg [dreg:$0x7]  }
0x33: {  	[tilespmem:s26], [sflag:$0x2] =	stream.linear.gather [hbm4b:s8+s16], $0x2000, $0x38;
	[tilespmem:$0xC430] =	vst v63  }
0x34: {  	s9 =	rddreg [dreg:$0x8]  }
0x35: {  	[tilespmem:s25], [sflag:$0x2] =	stream.linear.gather [hbm4b:s9+s16], $0x2000, $0x38;
	[tilespmem:$0xC430] =	vst v63  }
0x36: {  	_ = 	snop  }
0x37: {  	[tilespmem:s0], [sflag:$0x2] =	stream.linear.gather [hbm4b:s18+s16], $0x2000, $0x38;
	[tilespmem:$0xC430] =	vst v63  }
0x38: {  	_ =	swait.ge [sflag:s1], $0x2000  }
0x39: {  	[sflag:s1] =	ssyncset.done $0x0  }
0x3a: {  	[sflag:s1] =	ssyncadd.s32 $0xFFFFE000  }
0x3b: {  	_ =	swait.ge [sflag:s1], $0x2000  }
0x3c: {  	s10 =	sand.u32 $0x40, s16;
	s6 =	simm.s32 $0x0;
	[sflag:s1] =	ssyncset.done $0x0  }
0x3d: {  	s6 =	sand.u32 $0x1000, s6;
	s7 =	sand.u32 $0xC00, s16;
	[sflag:s1] =	ssyncadd.s32 $0xFFFFE000  }
0x3e: {  	s5 =	sor.u32 s10, s7;
	s8 =	simm.s32 $0x0;
	_ =	swait.ge [sflag:s1], $0x2000  }
0x3f: {  	s5 =	sor.u32 s6, s5;
	s11 =	sand.u32 $0x380, s8;
	[sflag:s1] =	ssyncset.done $0x0  }
0x40: {  	s5 =	sor.u32 s11, s5;
	[sflag:s1] =	ssyncadd.s32 $0xFFFFE000  }
0x41: {  	v5 =	vld [tilespmem:s5+$0x4030]  }
0x42: {  	v6 =	vld [tilespmem:s5+$0x30]  }
0x43: {  	v7 =	vld [tilespmem:s5+$0x4000]  }
0x44: {  	v8 =	vld [tilespmem:s5+$0x8030]  }
0x45: {  	v9 =	vld [tilespmem:s5+$0x0];
	_ =	sdelay $0x1  }
0x46: {  	v14 =	vimm.s32 $0x0  }
0x47: {  	v15 =	vimm.s32 $0x0;
	v16 =	vimm.s32 $0x0;
	v11 =	vimm.s32 $0x0;
	v17 =	vld [tilespmem:s5+$0x4010]  }
0x48: {  	v12 =	vimm.s32 $0x0;
	v13 =	vimm.s32 $0x0;
	v19 =	vld [tilespmem:s5+$0x10];
	vm1 =	vgt.f32 v5, v6  }
0x49: {  	s7 =	simm.s32 $0x200;
	s10 =	simm.s32 $0x40;
	s6 =	simm.s32 $0x40;
	v18 =	vld [tilespmem:s5+$0x4020];
	v6 =	vadd.s32 v0, v8;
	v5 =	vsel vm1, $0x1, v0;
	vm1 =	vgt.f32 v7, v9  }
0x4a: {  	s10 =	sand.u32 $0x1000, s10;
	s12 =	sand.u32 $0x40, s6;
	s11 =	sand.u32 $0xC00, s7;
	v21 =	vld [tilespmem:s5+$0x20];
	v9 =	vimm.s32 $0x0;
	v10 =	vand.u32 v5, v8;
	v5 =	vadd.s32 v5, v0  }
0x4b: {  	s8 =	simm.s32 $0x2;
	s9 =	simm.s32 $0x10;
	s11 =	sor.u32 s12, s11;
	v20 =	vld [tilespmem:s5+$0x8000];
	v8 =	vimm.s32 $0x0;
	v7 =	vadd.s32 v0, v10;
	v10 =	vimm.s32 $0x0  }
.LBB2_2:
0x4c: {  	p1 =	sne.s32 s8, $0x7F;
	s9 =	sand.u32 $0x380, s9;
	s10 =	sor.u32 s10, s11;
	v22 =	vsel vm1, $0x1, v0;
	v23 =	vld [tilespmem:s5+$0x8010]  }
0x4d: {  	v14 =	vadd.s32 v22, v14;
	vm1 =	vgt.f32 v17, v19;
	v19 =	vld [tilespmem:s5+$0x8020];
	s5 =	sor.u32 s9, s10  }
0x4e: {  	v24 =	vld [tilespmem:s5+$0x4030];
	v17 =	vsel vm1, $0x1, v0  }
0x4f: {  	v25 =	vld [tilespmem:s5+$0x30];
	v8 =	vadd.s32 v17, v8;
	vm1 =	vgt.f32 v18, v21  }
0x50: {  	v26 =	vld [tilespmem:s5+$0x4000];
	v18 =	vand.u32 v22, v20;
	v15 =	vadd.s32 v15, v20;
	v20 =	vsel vm1, $0x1, v0  }
0x51: {  	v22 =	vld [tilespmem:s5+$0x8030];
	v16 =	vadd.s32 v16, v18;
	v17 =	vand.u32 v17, v23;
	v9 =	vadd.s32 v20, v9  }
0x52: {  	v11 =	vadd.s32 v11, v23;
	v27 =	vld [tilespmem:s5+$0x0];
	v10 =	vadd.s32 v10, v17;
	v18 =	vand.u32 v20, v19  }
.Ltmp2:
0x53: {  	v13 =	vadd.s32 v13, v19;
	v17 =	vld [tilespmem:s5+$0x4010];
	v12 =	vadd.s32 v12, v18;
	(pc) =	sbr.rel @p1 .LBB2_2-.Ltmp2, $4  }
0x54: {  	v19 =	vld [tilespmem:s5+$0x10];
	vm1 =	vgt.f32 v24, v25  }
0x55: {  	s6 =	sadd.s32 $0x40, s6;
	s7 =	sadd.s32 $0x200, s7;
	s9 =	sshll.u32 s8, $0x4;
	v18 =	vld [tilespmem:s5+$0x4020];
	v20 =	vsel vm1, $0x1, v0  }
0x56: {  	s11 =	sand.u32 $0x40, s6;
	s10 =	sshll.u32 s8, $0x6;
	s12 =	sand.u32 $0xC00, s7;
	v21 =	vld [tilespmem:s5+$0x20];
	v23 =	vand.u32 v20, v22;
	v5 =	vadd.s32 v20, v5;
	v6 =	vadd.s32 v6, v22  }
0x57: {  	s8 =	sadd.s32 $0x1, s8;
	s10 =	sand.u32 $0x1000, s10;
	s11 =	sor.u32 s11, s12;
	vm1 =	vgt.f32 v26, v27;
	v20 =	vld [tilespmem:s5+$0x8000];
	v7 =	vadd.s32 v7, v23  }
0x58: {  	s6 =	sand.u32 $0x380, s9;
	s7 =	sor.u32 s10, s11;
	v22 =	vld [tilespmem:s5+$0x8010]  }
0x59: {  	v23 =	vld [tilespmem:s5+$0x8020];
	s6 =	sor.u32 s6, s7  }
0x5a: {  	v24 =	vld [tilespmem:s6+$0x4030]  }
0x5b: {  	v25 =	vld [tilespmem:s6+$0x30]  }
0x5c: {  	v26 =	vld [tilespmem:s6+$0x4000]  }
0x5d: {  	v27 =	vld [tilespmem:s6+$0x8030]  }
0x5e: {  	v28 =	vld [tilespmem:s6+$0x0]  }
0x5f: {  	v29 =	vld [tilespmem:s6+$0x4010]  }
0x60: {  	v30 =	vld [tilespmem:s6+$0x10]  }
0x61: {  	v31 =	vld [tilespmem:s6+$0x4020]  }
0x62: {  	v32 =	vld [tilespmem:s6+$0x20]  }
0x63: {  	v33 =	vld [tilespmem:s6+$0x8000]  }
0x64: {  	s8 =	simm.s32 $0x0;
	s10 =	rddreg [dreg:$0x9];
	v34 =	vld [tilespmem:s6+$0x8010]  }
0x65: {  	v35 =	vld [tilespmem:s6+$0x8020];
	[tilespmem:s8], [sflag:$0x1] =	stream.linear.gather [hbm4b:s10+s8], $0x2000, $0x38  }
0x66: {  	s11 =	rddreg [dreg:$0xa]  }
0x67: {  	[tilespmem:s31], [sflag:$0x1] =	stream.linear.gather [hbm4b:s11+s8], $0x2000, $0x38;
	[tilespmem:$0xC430] =	vst v63  }
0x68: {  	_ = 	snop  }
0x69: {  	[tilespmem:s28], [sflag:$0x1] =	stream.linear.gather [hbm4b:s19+s8], $0x2000, $0x38;
	[tilespmem:$0xC430] =	vst v63  }
0x6a: {  	_ =	swait.ge [sflag:s2], $0x2000  }
0x6b: {  	[sflag:s2] =	ssyncset.done $0x0  }
0x6c: {  	[sflag:s2] =	ssyncadd.s32 $0xFFFFE000  }
0x6d: {  	_ =	swait.ge [sflag:s2], $0x2000  }
0x6e: {  	s9 =	simm.s32 $0x0;
	vm2 =	vgt.f32 v17, v19;
	v17 =	vsel vm1, $0x1, v0;
	s12 =	sand.u32 $0x40, s8;
	vm1 =	vgt.f32 v18, v21;
	[sflag:s2] =	ssyncset.done $0x0  }
0x6f: {  	s5 =	sand.u32 $0xC00, s8;
	s7 =	sand.u32 $0x1000, s9;
	v14 =	vadd.s32 v17, v14;
	v18 =	vsel vm2, $0x1, v0;
	v19 =	vsel vm1, $0x1, v0;
	[sflag:s2] =	ssyncadd.s32 $0xFFFFE000  }
0x70: {  	s5 =	sor.u32 s12, s5;
	v17 =	vand.u32 v17, v20;
	v15 =	vadd.s32 v15, v20;
	v8 =	vadd.s32 v18, v8;
	s8 =	simm.s32 $0x0;
	_ =	swait.ge [sflag:s2], $0x2000  }
0x71: {  	s5 =	sor.u32 s7, s5;
	v16 =	vadd.s32 v16, v17;
	v17 =	vand.u32 v18, v22;
	v9 =	vadd.s32 v19, v9;
	s10 =	sand.u32 $0x380, s8;
	[sflag:s2] =	ssyncset.done $0x0  }
0x72: {  	v20 =	vadd.s32 v11, v22;
	v13 =	vadd.s32 v13, v23;
	v10 =	vadd.s32 v10, v17;
	s5 =	sor.u32 s10, s5;
	[sflag:s2] =	ssyncadd.s32 $0xFFFFE000  }
0x73: {  	v17 =	vand.u32 v19, v23;
	vm2 =	vgt.f32 v24, v25;
	vm1 =	vgt.f32 v26, v28;
	v18 =	vld [tilespmem:s5+$0x6030]  }
0x74: {  	v22 =	vadd.s32 v12, v17;
	v60 =	vadd.s32 v6, v27;
	v21 =	vsel vm2, $0x1, v0;
	v19 =	vld [tilespmem:s5+$0x2030]  }
0x75: {  	v58 =	vsel vm1, $0x1, v0;
	v23 =	vadd.s32 v21, v5;
	v5 =	vand.u32 v21, v27;
	v61 =	vld [tilespmem:s5+$0x6000]  }
0x76: {  	v12 =	vadd.s32 v15, v33;
	v62 =	vadd.s32 v7, v5;
	v7 =	vadd.s32 v58, v14;
	v14 =	vld [tilespmem:s5+$0xA030]  }
0x77: {  	v13 =	vadd.s32 v13, v35;
	vm2 =	vgt.f32 v29, v30;
	vm1 =	vgt.f32 v31, v32;
	v63 =	vld [tilespmem:s5+$0x2000]  }
0x78: {  	v59 =	vsel vm2, $0x1, v0;
	v6 =	vand.u32 v58, v33;
	v15 =	vsel vm1, $0x1, v0  }
0x79: {  	v5 =	vadd.s32 v59, v8;
	v8 =	vand.u32 v59, v34;
	v11 =	vadd.s32 v16, v6;
	v17 =	vld [tilespmem:s5+$0x6010]  }
0x7a: {  	v6 =	vadd.s32 v10, v8;
	v8 =	vadd.s32 v15, v9;
	vm1 =	vgt.f32 v18, v19;
	v19 =	vld [tilespmem:s5+$0x2010]  }
0x7b: {  	s9 =	simm.s32 $0x10;
	s6 =	simm.s32 $0x40;
	s7 =	simm.s32 $0x200;
	v10 =	vand.u32 v15, v35;
	v9 =	vadd.s32 v20, v34;
	v21 =	vld [tilespmem:s5+$0x2020];
	v15 =	vsel vm1, $0x1, v0  }
0x7c: {  	s11 =	simm.s32 $0x40;
	s12 =	sand.u32 $0xC00, s7;
	s8 =	sand.u32 $0x40, s6;
	v10 =	vadd.s32 v22, v10;
	v18 =	vld [tilespmem:s5+$0x6020];
	vm1 =	vgt.f32 v61, v63;
	v16 =	vand.u32 v15, v14  }
0x7d: {  	s10 =	sand.u32 $0x1000, s11;
	s11 =	sor.u32 s8, s12;
	s8 =	simm.s32 $0x2;
	v20 =	vld [tilespmem:s5+$0xA000];
	v15 =	vadd.s32 v15, v23;
	v14 =	vadd.s32 v60, v14;
	v16 =	vadd.s32 v62, v16  }
.LBB2_4:
0x7e: {  	p1 =	sne.s32 s8, $0x7F;
	s9 =	sand.u32 $0x380, s9;
	s10 =	sor.u32 s10, s11;
	v22 =	vsel vm1, $0x1, v0;
	v23 =	vld [tilespmem:s5+$0xA010]  }
0x7f: {  	v7 =	vadd.s32 v22, v7;
	vm1 =	vgt.f32 v17, v19;
	v19 =	vld [tilespmem:s5+$0xA020];
	s5 =	sor.u32 s9, s10  }
0x80: {  	v24 =	vld [tilespmem:s5+$0x6030];
	v17 =	vsel vm1, $0x1, v0  }
0x81: {  	v25 =	vld [tilespmem:s5+$0x2030];
	v5 =	vadd.s32 v17, v5;
	vm1 =	vgt.f32 v18, v21  }
0x82: {  	v26 =	vld [tilespmem:s5+$0x6000];
	v18 =	vand.u32 v22, v20;
	v12 =	vadd.s32 v12, v20;
	v20 =	vsel vm1, $0x1, v0  }
0x83: {  	v22 =	vld [tilespmem:s5+$0xA030];
	v11 =	vadd.s32 v11, v18;
	v17 =	vand.u32 v17, v23;
	v8 =	vadd.s32 v20, v8  }
0x84: {  	v9 =	vadd.s32 v9, v23;
	v27 =	vld [tilespmem:s5+$0x2000];
	v6 =	vadd.s32 v6, v17;
	v18 =	vand.u32 v20, v19  }
.Ltmp3:
0x85: {  	v13 =	vadd.s32 v13, v19;
	v17 =	vld [tilespmem:s5+$0x6010];
	v10 =	vadd.s32 v10, v18;
	(pc) =	sbr.rel @p1 .LBB2_4-.Ltmp3, $4  }
0x86: {  	v19 =	vld [tilespmem:s5+$0x2010];
	vm1 =	vgt.f32 v24, v25  }
0x87: {  	s6 =	sadd.s32 $0x40, s6;
	s7 =	sadd.s32 $0x200, s7;
	s9 =	sshll.u32 s8, $0x4;
	v18 =	vld [tilespmem:s5+$0x6020];
	v20 =	vsel vm1, $0x1, v0  }
0x88: {  	s11 =	sand.u32 $0x40, s6;
	s10 =	sshll.u32 s8, $0x6;
	s12 =	sand.u32 $0xC00, s7;
	v21 =	vld [tilespmem:s5+$0x2020];
	v23 =	vand.u32 v20, v22;
	v15 =	vadd.s32 v20, v15;
	v14 =	vadd.s32 v14, v22  }
0x89: {  	s8 =	sadd.s32 $0x1, s8;
	s10 =	sand.u32 $0x1000, s10;
	s11 =	sor.u32 s11, s12;
	vm1 =	vgt.f32 v26, v27;
	v20 =	vld [tilespmem:s5+$0xA000];
	v16 =	vadd.s32 v16, v23  }
0x8a: {  	s6 =	sand.u32 $0x380, s9;
	s7 =	sor.u32 s10, s11;
	v22 =	vld [tilespmem:s5+$0xA010]  }
0x8b: {  	v23 =	vld [tilespmem:s5+$0xA020];
	s6 =	sor.u32 s6, s7  }
0x8c: {  	v24 =	vld [tilespmem:s6+$0x6030]  }
0x8d: {  	v25 =	vld [tilespmem:s6+$0x2030]  }
0x8e: {  	v26 =	vld [tilespmem:s6+$0x6000]  }
0x8f: {  	v27 =	vld [tilespmem:s6+$0xA030]  }
0x90: {  	v28 =	vld [tilespmem:s6+$0x2000]  }
0x91: {  	v29 =	vld [tilespmem:s6+$0x6010]  }
0x92: {  	v30 =	vld [tilespmem:s6+$0x2010]  }
0x93: {  	v31 =	vld [tilespmem:s6+$0x6020]  }
0x94: {  	v32 =	vld [tilespmem:s6+$0x2020]  }
0x95: {  	v33 =	vld [tilespmem:s6+$0xA000]  }
0x96: {  	s8 =	simm.s32 $0x0;
	s10 =	rddreg [dreg:$0xb];
	v34 =	vld [tilespmem:s6+$0xA010]  }
0x97: {  	v35 =	vld [tilespmem:s6+$0xA020];
	[tilespmem:s26], [sflag:$0x2] =	stream.linear.gather [hbm4b:s10+s8], $0x2000, $0x38  }
0x98: {  	s11 =	rddreg [dreg:$0xc]  }
0x99: {  	[tilespmem:s25], [sflag:$0x2] =	stream.linear.gather [hbm4b:s11+s8], $0x2000, $0x38;
	[tilespmem:$0xC430] =	vst v63  }
0x9a: {  	_ = 	snop  }
0x9b: {  	[tilespmem:s0], [sflag:$0x2] =	stream.linear.gather [hbm4b:s20+s8], $0x2000, $0x38;
	[tilespmem:$0xC430] =	vst v63  }
0x9c: {  	_ =	swait.ge [sflag:s1], $0x2000  }
0x9d: {  	[sflag:s1] =	ssyncset.done $0x0  }
0x9e: {  	[sflag:s1] =	ssyncadd.s32 $0xFFFFE000  }
0x9f: {  	vm2 =	vgt.f32 v17, v19;
	v17 =	vsel vm1, $0x1, v0;
	vm1 =	vgt.f32 v18, v21;
	_ =	swait.ge [sflag:s1], $0x2000  }
0xa0: {  	s9 =	simm.s32 $0x0;
	s12 =	sand.u32 $0x40, s8;
	v7 =	vadd.s32 v17, v7;
	v18 =	vsel vm2, $0x1, v0;
	v19 =	vsel vm1, $0x1, v0;
	[sflag:s1] =	ssyncset.done $0x0  }
0xa1: {  	s5 =	sand.u32 $0xC00, s8;
	s7 =	sand.u32 $0x1000, s9;
	v17 =	vand.u32 v17, v20;
	v12 =	vadd.s32 v12, v20;
	v5 =	vadd.s32 v18, v5;
	[sflag:s1] =	ssyncadd.s32 $0xFFFFE000  }
0xa2: {  	s5 =	sor.u32 s12, s5;
	v11 =	vadd.s32 v11, v17;
	v17 =	vand.u32 v18, v22;
	v8 =	vadd.s32 v19, v8;
	s8 =	simm.s32 $0x0;
	_ =	swait.ge [sflag:s1], $0x2000  }
0xa3: {  	s5 =	sor.u32 s7, s5;
	v9 =	vadd.s32 v9, v22;
	v13 =	vadd.s32 v13, v23;
	v6 =	vadd.s32 v6, v17;
	s10 =	sand.u32 $0x380, s8;
	[sflag:s1] =	ssyncset.done $0x0  }
0xa4: {  	v17 =	vand.u32 v19, v23;
	vm2 =	vgt.f32 v24, v25;
	vm1 =	vgt.f32 v26, v28;
	s5 =	sor.u32 s10, s5;
	[sflag:s1] =	ssyncadd.s32 $0xFFFFE000  }
0xa5: {  	v10 =	vadd.s32 v10, v17;
	v14 =	vadd.s32 v14, v27;
	v12 =	vadd.s32 v12, v33;
	v18 =	vld [tilespmem:s5+$0x4030]  }
0xa6: {  	v9 =	vadd.s32 v9, v34;
	v13 =	vadd.s32 v13, v35;
	v21 =	vsel vm2, $0x1, v0;
	v19 =	vld [tilespmem:s5+$0x30]  }
0xa7: {  	vm2 =	vgt.f32 v29, v30;
	v59 =	vsel vm1, $0x1, v0;
	vm1 =	vgt.f32 v31, v32;
	v20 =	vld [tilespmem:s5+$0x4000]  }
0xa8: {  	v60 =	vsel vm2, $0x1, v0;
	v15 =	vadd.s32 v21, v15;
	v17 =	vand.u32 v21, v27;
	v22 =	vld [tilespmem:s5+$0x8030]  }
0xa9: {  	v7 =	vadd.s32 v59, v7;
	v16 =	vadd.s32 v16, v17;
	v17 =	vand.u32 v59, v33;
	v23 =	vld [tilespmem:s5+$0x0]  }
0xaa: {  	v61 =	vsel vm1, $0x1, v0;
	v21 =	vand.u32 v60, v34;
	v11 =	vadd.s32 v11, v17;
	v17 =	vld [tilespmem:s5+$0x4010]  }
0xab: {  	v6 =	vadd.s32 v6, v21;
	v21 =	vand.u32 v61, v35;
	vm1 =	vgt.f32 v18, v19;
	v19 =	vld [tilespmem:s5+$0x10]  }
0xac: {  	s9 =	simm.s32 $0x10;
	s6 =	simm.s32 $0x40;
	s7 =	simm.s32 $0x200;
	v5 =	vadd.s32 v60, v5;
	v10 =	vadd.s32 v10, v21;
	v21 =	vld [tilespmem:s5+$0x20];
	v62 =	vsel vm1, $0x1, v0  }
0xad: {  	s11 =	simm.s32 $0x40;
	s12 =	sand.u32 $0xC00, s7;
	s8 =	sand.u32 $0x40, s6;
	v8 =	vadd.s32 v61, v8;
	v18 =	vld [tilespmem:s5+$0x4020];
	v14 =	vadd.s32 v14, v22;
	v63 =	vand.u32 v62, v22  }
0xae: {  	s10 =	sand.u32 $0x1000, s11;
	s11 =	sor.u32 s8, s12;
	s8 =	simm.s32 $0x2;
	vm1 =	vgt.f32 v20, v23;
	v20 =	vld [tilespmem:s5+$0x8000];
	v15 =	vadd.s32 v62, v15;
	v16 =	vadd.s32 v16, v63  }
.LBB2_6:
0xaf: {  	p1 =	sne.s32 s8, $0x7F;
	s9 =	sand.u32 $0x380, s9;
	s10 =	sor.u32 s10, s11;
	v22 =	vsel vm1, $0x1, v0;
	v23 =	vld [tilespmem:s5+$0x8010]  }
0xb0: {  	v7 =	vadd.s32 v22, v7;
	vm1 =	vgt.f32 v17, v19;
	v19 =	vld [tilespmem:s5+$0x8020];
	s5 =	sor.u32 s9, s10  }
0xb1: {  	v24 =	vld [tilespmem:s5+$0x4030];
	v17 =	vsel vm1, $0x1, v0  }
0xb2: {  	v25 =	vld [tilespmem:s5+$0x30];
	v5 =	vadd.s32 v17, v5;
	vm1 =	vgt.f32 v18, v21  }
0xb3: {  	v26 =	vld [tilespmem:s5+$0x4000];
	v18 =	vand.u32 v22, v20;
	v12 =	vadd.s32 v12, v20;
	v20 =	vsel vm1, $0x1, v0  }
0xb4: {  	v22 =	vld [tilespmem:s5+$0x8030];
	v11 =	vadd.s32 v11, v18;
	v17 =	vand.u32 v17, v23;
	v8 =	vadd.s32 v20, v8  }
0xb5: {  	v9 =	vadd.s32 v9, v23;
	v27 =	vld [tilespmem:s5+$0x0];
	v6 =	vadd.s32 v6, v17;
	v18 =	vand.u32 v20, v19  }
.Ltmp4:
0xb6: {  	v13 =	vadd.s32 v13, v19;
	v17 =	vld [tilespmem:s5+$0x4010];
	v10 =	vadd.s32 v10, v18;
	(pc) =	sbr.rel @p1 .LBB2_6-.Ltmp4, $4  }
0xb7: {  	v19 =	vld [tilespmem:s5+$0x10];
	vm1 =	vgt.f32 v24, v25  }
0xb8: {  	s6 =	sadd.s32 $0x40, s6;
	s7 =	sadd.s32 $0x200, s7;
	s9 =	sshll.u32 s8, $0x4;
	v18 =	vld [tilespmem:s5+$0x4020];
	v20 =	vsel vm1, $0x1, v0  }
0xb9: {  	s11 =	sand.u32 $0x40, s6;
	s10 =	sshll.u32 s8, $0x6;
	s12 =	sand.u32 $0xC00, s7;
	v21 =	vld [tilespmem:s5+$0x20];
	v23 =	vand.u32 v20, v22;
	v15 =	vadd.s32 v20, v15;
	v14 =	vadd.s32 v14, v22  }
0xba: {  	s8 =	sadd.s32 $0x1, s8;
	s10 =	sand.u32 $0x1000, s10;
	s11 =	sor.u32 s11, s12;
	vm1 =	vgt.f32 v26, v27;
	v20 =	vld [tilespmem:s5+$0x8000];
	v16 =	vadd.s32 v16, v23  }
0xbb: {  	s6 =	sand.u32 $0x380, s9;
	s7 =	sor.u32 s10, s11;
	v22 =	vld [tilespmem:s5+$0x8010]  }
0xbc: {  	v23 =	vld [tilespmem:s5+$0x8020];
	s6 =	sor.u32 s6, s7  }
0xbd: {  	v24 =	vld [tilespmem:s6+$0x4030]  }
0xbe: {  	v25 =	vld [tilespmem:s6+$0x30]  }
0xbf: {  	v26 =	vld [tilespmem:s6+$0x4000]  }
0xc0: {  	v27 =	vld [tilespmem:s6+$0x8030]  }
0xc1: {  	v28 =	vld [tilespmem:s6+$0x0]  }
0xc2: {  	v29 =	vld [tilespmem:s6+$0x4010]  }
0xc3: {  	v30 =	vld [tilespmem:s6+$0x10]  }
0xc4: {  	v31 =	vld [tilespmem:s6+$0x4020]  }
0xc5: {  	v32 =	vld [tilespmem:s6+$0x20]  }
0xc6: {  	v33 =	vld [tilespmem:s6+$0x8000]  }
0xc7: {  	s8 =	simm.s32 $0x0;
	s10 =	rddreg [dreg:$0xd];
	v34 =	vld [tilespmem:s6+$0x8010]  }
0xc8: {  	v35 =	vld [tilespmem:s6+$0x8020];
	[tilespmem:s8], [sflag:$0x1] =	stream.linear.gather [hbm4b:s10+s8], $0x2000, $0x38  }
0xc9: {  	s11 =	rddreg [dreg:$0xe]  }
0xca: {  	[tilespmem:s31], [sflag:$0x1] =	stream.linear.gather [hbm4b:s11+s8], $0x2000, $0x38;
	[tilespmem:$0xC430] =	vst v63  }
0xcb: {  	_ = 	snop  }
0xcc: {  	[tilespmem:s28], [sflag:$0x1] =	stream.linear.gather [hbm4b:s21+s8], $0x2000, $0x38;
	[tilespmem:$0xC430] =	vst v63  }
0xcd: {  	_ =	swait.ge [sflag:s2], $0x2000  }
0xce: {  	[sflag:s2] =	ssyncset.done $0x0  }
0xcf: {  	[sflag:s2] =	ssyncadd.s32 $0xFFFFE000  }
0xd0: {  	vm2 =	vgt.f32 v17, v19;
	v17 =	vsel vm1, $0x1, v0;
	vm1 =	vgt.f32 v18, v21;
	_ =	swait.ge [sflag:s2], $0x2000  }
0xd1: {  	s9 =	simm.s32 $0x0;
	s12 =	sand.u32 $0x40, s8;
	v7 =	vadd.s32 v17, v7;
	v18 =	vsel vm2, $0x1, v0;
	v19 =	vsel vm1, $0x1, v0;
	[sflag:s2] =	ssyncset.done $0x0  }
0xd2: {  	s5 =	sand.u32 $0xC00, s8;
	s7 =	sand.u32 $0x1000, s9;
	v17 =	vand.u32 v17, v20;
	v12 =	vadd.s32 v12, v20;
	v5 =	vadd.s32 v18, v5;
	[sflag:s2] =	ssyncadd.s32 $0xFFFFE000  }
0xd3: {  	s5 =	sor.u32 s12, s5;
	v11 =	vadd.s32 v11, v17;
	v17 =	vand.u32 v18, v22;
	v8 =	vadd.s32 v19, v8;
	s8 =	simm.s32 $0x0;
	_ =	swait.ge [sflag:s2], $0x2000  }
0xd4: {  	s5 =	sor.u32 s7, s5;
	v9 =	vadd.s32 v9, v22;
	v13 =	vadd.s32 v13, v23;
	v6 =	vadd.s32 v6, v17;
	s10 =	sand.u32 $0x380, s8;
	[sflag:s2] =	ssyncset.done $0x0  }
0xd5: {  	v17 =	vand.u32 v19, v23;
	vm2 =	vgt.f32 v24, v25;
	vm1 =	vgt.f32 v26, v28;
	s5 =	sor.u32 s10, s5;
	[sflag:s2] =	ssyncadd.s32 $0xFFFFE000  }
0xd6: {  	v10 =	vadd.s32 v10, v17;
	v14 =	vadd.s32 v14, v27;
	v12 =	vadd.s32 v12, v33;
	v18 =	vld [tilespmem:s5+$0x6030]  }
0xd7: {  	v9 =	vadd.s32 v9, v34;
	v13 =	vadd.s32 v13, v35;
	v21 =	vsel vm2, $0x1, v0;
	v19 =	vld [tilespmem:s5+$0x2030]  }
0xd8: {  	vm2 =	vgt.f32 v29, v30;
	v59 =	vsel vm1, $0x1, v0;
	vm1 =	vgt.f32 v31, v32;
	v20 =	vld [tilespmem:s5+$0x6000]  }
0xd9: {  	v60 =	vsel vm2, $0x1, v0;
	v15 =	vadd.s32 v21, v15;
	v17 =	vand.u32 v21, v27;
	v22 =	vld [tilespmem:s5+$0xA030]  }
0xda: {  	v7 =	vadd.s32 v59, v7;
	v16 =	vadd.s32 v16, v17;
	v17 =	vand.u32 v59, v33;
	v23 =	vld [tilespmem:s5+$0x2000]  }
0xdb: {  	v61 =	vsel vm1, $0x1, v0;
	v21 =	vand.u32 v60, v34;
	v11 =	vadd.s32 v11, v17;
	v17 =	vld [tilespmem:s5+$0x6010]  }
0xdc: {  	v6 =	vadd.s32 v6, v21;
	v21 =	vand.u32 v61, v35;
	vm1 =	vgt.f32 v18, v19;
	v19 =	vld [tilespmem:s5+$0x2010]  }
0xdd: {  	s9 =	simm.s32 $0x10;
	s6 =	simm.s32 $0x40;
	s7 =	simm.s32 $0x200;
	v5 =	vadd.s32 v60, v5;
	v10 =	vadd.s32 v10, v21;
	v21 =	vld [tilespmem:s5+$0x2020];
	v62 =	vsel vm1, $0x1, v0  }
0xde: {  	s11 =	simm.s32 $0x40;
	s12 =	sand.u32 $0xC00, s7;
	s8 =	sand.u32 $0x40, s6;
	v8 =	vadd.s32 v61, v8;
	v18 =	vld [tilespmem:s5+$0x6020];
	v14 =	vadd.s32 v14, v22;
	v63 =	vand.u32 v62, v22  }
0xdf: {  	s10 =	sand.u32 $0x1000, s11;
	s11 =	sor.u32 s8, s12;
	s8 =	simm.s32 $0x2;
	vm1 =	vgt.f32 v20, v23;
	v20 =	vld [tilespmem:s5+$0xA000];
	v15 =	vadd.s32 v62, v15;
	v16 =	vadd.s32 v16, v63  }
.LBB2_8:
0xe0: {  	p1 =	sne.s32 s8, $0x7F;
	s9 =	sand.u32 $0x380, s9;
	s10 =	sor.u32 s10, s11;
	v22 =	vsel vm1, $0x1, v0;
	v23 =	vld [tilespmem:s5+$0xA010]  }
0xe1: {  	v7 =	vadd.s32 v22, v7;
	vm1 =	vgt.f32 v17, v19;
	v19 =	vld [tilespmem:s5+$0xA020];
	s5 =	sor.u32 s9, s10  }
0xe2: {  	v24 =	vld [tilespmem:s5+$0x6030];
	v17 =	vsel vm1, $0x1, v0  }
0xe3: {  	v25 =	vld [tilespmem:s5+$0x2030];
	v5 =	vadd.s32 v17, v5;
	vm1 =	vgt.f32 v18, v21  }
0xe4: {  	v26 =	vld [tilespmem:s5+$0x6000];
	v18 =	vand.u32 v22, v20;
	v12 =	vadd.s32 v12, v20;
	v20 =	vsel vm1, $0x1, v0  }
0xe5: {  	v22 =	vld [tilespmem:s5+$0xA030];
	v11 =	vadd.s32 v11, v18;
	v17 =	vand.u32 v17, v23;
	v8 =	vadd.s32 v20, v8  }
0xe6: {  	v9 =	vadd.s32 v9, v23;
	v27 =	vld [tilespmem:s5+$0x2000];
	v6 =	vadd.s32 v6, v17;
	v18 =	vand.u32 v20, v19  }
.Ltmp5:
0xe7: {  	v13 =	vadd.s32 v13, v19;
	v17 =	vld [tilespmem:s5+$0x6010];
	v10 =	vadd.s32 v10, v18;
	(pc) =	sbr.rel @p1 .LBB2_8-.Ltmp5, $4  }
0xe8: {  	v19 =	vld [tilespmem:s5+$0x2010];
	vm1 =	vgt.f32 v24, v25  }
0xe9: {  	s6 =	sadd.s32 $0x40, s6;
	s7 =	sadd.s32 $0x200, s7;
	s9 =	sshll.u32 s8, $0x4;
	v18 =	vld [tilespmem:s5+$0x6020];
	v20 =	vsel vm1, $0x1, v0  }
0xea: {  	s11 =	sand.u32 $0x40, s6;
	s10 =	sshll.u32 s8, $0x6;
	s12 =	sand.u32 $0xC00, s7;
	v21 =	vld [tilespmem:s5+$0x2020];
	v23 =	vand.u32 v20, v22;
	v15 =	vadd.s32 v20, v15;
	v14 =	vadd.s32 v14, v22  }
0xeb: {  	s8 =	sadd.s32 $0x1, s8;
	s10 =	sand.u32 $0x1000, s10;
	s11 =	sor.u32 s11, s12;
	vm1 =	vgt.f32 v26, v27;
	v20 =	vld [tilespmem:s5+$0xA000];
	v16 =	vadd.s32 v16, v23  }
0xec: {  	s6 =	sand.u32 $0x380, s9;
	s7 =	sor.u32 s10, s11;
	v22 =	vld [tilespmem:s5+$0xA010]  }
0xed: {  	v23 =	vld [tilespmem:s5+$0xA020];
	s6 =	sor.u32 s6, s7  }
0xee: {  	v24 =	vld [tilespmem:s6+$0x6030]  }
0xef: {  	v25 =	vld [tilespmem:s6+$0x2030]  }
0xf0: {  	v26 =	vld [tilespmem:s6+$0x6000]  }
0xf1: {  	v27 =	vld [tilespmem:s6+$0xA030]  }
0xf2: {  	v28 =	vld [tilespmem:s6+$0x2000]  }
0xf3: {  	v29 =	vld [tilespmem:s6+$0x6010]  }
0xf4: {  	v30 =	vld [tilespmem:s6+$0x2010]  }
0xf5: {  	v31 =	vld [tilespmem:s6+$0x6020]  }
0xf6: {  	v32 =	vld [tilespmem:s6+$0x2020]  }
0xf7: {  	v33 =	vld [tilespmem:s6+$0xA000]  }
0xf8: {  	s8 =	simm.s32 $0x0;
	s10 =	rddreg [dreg:$0xf];
	v34 =	vld [tilespmem:s6+$0xA010]  }
0xf9: {  	v35 =	vld [tilespmem:s6+$0xA020];
	[tilespmem:s26], [sflag:$0x2] =	stream.linear.gather [hbm4b:s10+s8], $0x2000, $0x38  }
0xfa: {  	s11 =	rddreg [dreg:$0x10]  }
0xfb: {  	[tilespmem:s25], [sflag:$0x2] =	stream.linear.gather [hbm4b:s11+s8], $0x2000, $0x38;
	[tilespmem:$0xC430] =	vst v63  }
0xfc: {  	_ = 	snop  }
0xfd: {  	[tilespmem:s0], [sflag:$0x2] =	stream.linear.gather [hbm4b:s22+s8], $0x2000, $0x38;
	[tilespmem:$0xC430] =	vst v63  }
0xfe: {  	_ =	swait.ge [sflag:s1], $0x2000  }
0xff: {  	[sflag:s1] =	ssyncset.done $0x0  }
0x100: {  	[sflag:s1] =	ssyncadd.s32 $0xFFFFE000  }
0x101: {  	vm2 =	vgt.f32 v17, v19;
	v17 =	vsel vm1, $0x1, v0;
	vm1 =	vgt.f32 v18, v21;
	_ =	swait.ge [sflag:s1], $0x2000  }
0x102: {  	s9 =	simm.s32 $0x0;
	s12 =	sand.u32 $0x40, s8;
	v7 =	vadd.s32 v17, v7;
	v18 =	vsel vm2, $0x1, v0;
	v19 =	vsel vm1, $0x1, v0;
	[sflag:s1] =	ssyncset.done $0x0  }
0x103: {  	s5 =	sand.u32 $0xC00, s8;
	s7 =	sand.u32 $0x1000, s9;
	v17 =	vand.u32 v17, v20;
	v12 =	vadd.s32 v12, v20;
	v5 =	vadd.s32 v18, v5;
	[sflag:s1] =	ssyncadd.s32 $0xFFFFE000  }
0x104: {  	s5 =	sor.u32 s12, s5;
	v11 =	vadd.s32 v11, v17;
	v17 =	vand.u32 v18, v22;
	v8 =	vadd.s32 v19, v8;
	s8 =	simm.s32 $0x0;
	_ =	swait.ge [sflag:s1], $0x2000  }
0x105: {  	s5 =	sor.u32 s7, s5;
	v9 =	vadd.s32 v9, v22;
	v13 =	vadd.s32 v13, v23;
	v6 =	vadd.s32 v6, v17;
	s10 =	sand.u32 $0x380, s8;
	[sflag:s1] =	ssyncset.done $0x0  }
0x106: {  	v17 =	vand.u32 v19, v23;
	vm2 =	vgt.f32 v24, v25;
	vm1 =	vgt.f32 v26, v28;
	s5 =	sor.u32 s10, s5;
	[sflag:s1] =	ssyncadd.s32 $0xFFFFE000  }
0x107: {  	v10 =	vadd.s32 v10, v17;
	v14 =	vadd.s32 v14, v27;
	v12 =	vadd.s32 v12, v33;
	v18 =	vld [tilespmem:s5+$0x4030]  }
0x108: {  	v9 =	vadd.s32 v9, v34;
	v13 =	vadd.s32 v13, v35;
	v21 =	vsel vm2, $0x1, v0;
	v19 =	vld [tilespmem:s5+$0x30]  }
0x109: {  	vm2 =	vgt.f32 v29, v30;
	v59 =	vsel vm1, $0x1, v0;
	vm1 =	vgt.f32 v31, v32;
	v20 =	vld [tilespmem:s5+$0x4000]  }
0x10a: {  	v60 =	vsel vm2, $0x1, v0;
	v15 =	vadd.s32 v21, v15;
	v17 =	vand.u32 v21, v27;
	v22 =	vld [tilespmem:s5+$0x8030]  }
0x10b: {  	v7 =	vadd.s32 v59, v7;
	v16 =	vadd.s32 v16, v17;
	v17 =	vand.u32 v59, v33;
	v23 =	vld [tilespmem:s5+$0x0]  }
0x10c: {  	v61 =	vsel vm1, $0x1, v0;
	v21 =	vand.u32 v60, v34;
	v11 =	vadd.s32 v11, v17;
	v17 =	vld [tilespmem:s5+$0x4010]  }
0x10d: {  	v6 =	vadd.s32 v6, v21;
	v21 =	vand.u32 v61, v35;
	vm1 =	vgt.f32 v18, v19;
	v19 =	vld [tilespmem:s5+$0x10]  }
0x10e: {  	s9 =	simm.s32 $0x10;
	s6 =	simm.s32 $0x40;
	s7 =	simm.s32 $0x200;
	v5 =	vadd.s32 v60, v5;
	v10 =	vadd.s32 v10, v21;
	v21 =	vld [tilespmem:s5+$0x20];
	v62 =	vsel vm1, $0x1, v0  }
0x10f: {  	s11 =	simm.s32 $0x40;
	s12 =	sand.u32 $0xC00, s7;
	s8 =	sand.u32 $0x40, s6;
	v8 =	vadd.s32 v61, v8;
	v18 =	vld [tilespmem:s5+$0x4020];
	v14 =	vadd.s32 v14, v22;
	v63 =	vand.u32 v62, v22  }
0x110: {  	s10 =	sand.u32 $0x1000, s11;
	s11 =	sor.u32 s8, s12;
	s8 =	simm.s32 $0x2;
	vm1 =	vgt.f32 v20, v23;
	v20 =	vld [tilespmem:s5+$0x8000];
	v15 =	vadd.s32 v62, v15;
	v16 =	vadd.s32 v16, v63  }
.LBB2_10:
0x111: {  	p1 =	sne.s32 s8, $0x7F;
	s9 =	sand.u32 $0x380, s9;
	s10 =	sor.u32 s10, s11;
	v22 =	vsel vm1, $0x1, v0;
	v23 =	vld [tilespmem:s5+$0x8010]  }
0x112: {  	v7 =	vadd.s32 v22, v7;
	vm1 =	vgt.f32 v17, v19;
	v19 =	vld [tilespmem:s5+$0x8020];
	s5 =	sor.u32 s9, s10  }
0x113: {  	v24 =	vld [tilespmem:s5+$0x4030];
	v17 =	vsel vm1, $0x1, v0  }
0x114: {  	v25 =	vld [tilespmem:s5+$0x30];
	v5 =	vadd.s32 v17, v5;
	vm1 =	vgt.f32 v18, v21  }
0x115: {  	v26 =	vld [tilespmem:s5+$0x4000];
	v18 =	vand.u32 v22, v20;
	v12 =	vadd.s32 v12, v20;
	v20 =	vsel vm1, $0x1, v0  }
0x116: {  	v22 =	vld [tilespmem:s5+$0x8030];
	v11 =	vadd.s32 v11, v18;
	v17 =	vand.u32 v17, v23;
	v8 =	vadd.s32 v20, v8  }
0x117: {  	v9 =	vadd.s32 v9, v23;
	v27 =	vld [tilespmem:s5+$0x0];
	v6 =	vadd.s32 v6, v17;
	v18 =	vand.u32 v20, v19  }
.Ltmp6:
0x118: {  	v13 =	vadd.s32 v13, v19;
	v17 =	vld [tilespmem:s5+$0x4010];
	v10 =	vadd.s32 v10, v18;
	(pc) =	sbr.rel @p1 .LBB2_10-.Ltmp6, $4  }
0x119: {  	v19 =	vld [tilespmem:s5+$0x10];
	vm1 =	vgt.f32 v24, v25  }
0x11a: {  	s6 =	sadd.s32 $0x40, s6;
	s7 =	sadd.s32 $0x200, s7;
	s9 =	sshll.u32 s8, $0x4;
	v18 =	vld [tilespmem:s5+$0x4020];
	v20 =	vsel vm1, $0x1, v0  }
0x11b: {  	s11 =	sand.u32 $0x40, s6;
	s10 =	sshll.u32 s8, $0x6;
	s12 =	sand.u32 $0xC00, s7;
	v21 =	vld [tilespmem:s5+$0x20];
	v23 =	vand.u32 v20, v22;
	v15 =	vadd.s32 v20, v15;
	v14 =	vadd.s32 v14, v22  }
0x11c: {  	s8 =	sadd.s32 $0x1, s8;
	s10 =	sand.u32 $0x1000, s10;
	s11 =	sor.u32 s11, s12;
	vm1 =	vgt.f32 v26, v27;
	v20 =	vld [tilespmem:s5+$0x8000];
	v16 =	vadd.s32 v16, v23  }
0x11d: {  	s6 =	sand.u32 $0x380, s9;
	s7 =	sor.u32 s10, s11;
	v22 =	vld [tilespmem:s5+$0x8010]  }
0x11e: {  	v23 =	vld [tilespmem:s5+$0x8020];
	s6 =	sor.u32 s6, s7  }
0x11f: {  	v24 =	vld [tilespmem:s6+$0x4030]  }
0x120: {  	v25 =	vld [tilespmem:s6+$0x30]  }
0x121: {  	v26 =	vld [tilespmem:s6+$0x4000]  }
0x122: {  	v27 =	vld [tilespmem:s6+$0x8030]  }
0x123: {  	v28 =	vld [tilespmem:s6+$0x0]  }
0x124: {  	v29 =	vld [tilespmem:s6+$0x4010]  }
0x125: {  	v30 =	vld [tilespmem:s6+$0x10]  }
0x126: {  	v31 =	vld [tilespmem:s6+$0x4020]  }
0x127: {  	v32 =	vld [tilespmem:s6+$0x20]  }
0x128: {  	v33 =	vld [tilespmem:s6+$0x8000]  }
0x129: {  	s10 =	simm.s32 $0x0;
	s11 =	rddreg [dreg:$0x11];
	v34 =	vld [tilespmem:s6+$0x8010]  }
0x12a: {  	v35 =	vld [tilespmem:s6+$0x8020];
	[tilespmem:s10], [sflag:$0x1] =	stream.linear.gather [hbm4b:s11+s10], $0x2000, $0x38  }
0x12b: {  	_ = 	snop  }
0x12c: {  	[tilespmem:s31], [sflag:$0x1] =	stream.linear.gather [hbm4b:s13+s10], $0x2000, $0x38;
	[tilespmem:$0xC430] =	vst v63  }
0x12d: {  	_ = 	snop  }
0x12e: {  	[tilespmem:s28], [sflag:$0x1] =	stream.linear.gather [hbm4b:s23+s10], $0x2000, $0x38;
	[tilespmem:$0xC430] =	vst v63  }
0x12f: {  	_ =	swait.ge [sflag:s2], $0x2000  }
0x130: {  	[sflag:s2] =	ssyncset.done $0x0  }
0x131: {  	[sflag:s2] =	ssyncadd.s32 $0xFFFFE000  }
0x132: {  	vm2 =	vgt.f32 v17, v19;
	v17 =	vsel vm1, $0x1, v0;
	vm1 =	vgt.f32 v18, v21;
	_ =	swait.ge [sflag:s2], $0x2000  }
0x133: {  	s9 =	simm.s32 $0x0;
	s8 =	simm.s32 $0x0;
	v7 =	vadd.s32 v17, v7;
	v18 =	vsel vm2, $0x1, v0;
	v19 =	vsel vm1, $0x1, v0;
	[sflag:s2] =	ssyncset.done $0x0  }
0x134: {  	s12 =	sand.u32 $0x40, s10;
	s5 =	sand.u32 $0xC00, s10;
	v17 =	vand.u32 v17, v20;
	v12 =	vadd.s32 v12, v20;
	v5 =	vadd.s32 v18, v5;
	[sflag:s2] =	ssyncadd.s32 $0xFFFFE000  }
0x135: {  	s7 =	sand.u32 $0x1000, s9;
	s5 =	sor.u32 s12, s5;
	v11 =	vadd.s32 v11, v17;
	v17 =	vand.u32 v18, v22;
	v8 =	vadd.s32 v19, v8;
	_ =	swait.ge [sflag:s2], $0x2000  }
0x136: {  	s5 =	sor.u32 s7, s5;
	v9 =	vadd.s32 v9, v22;
	v13 =	vadd.s32 v13, v23;
	s10 =	sand.u32 $0x380, s8;
	v6 =	vadd.s32 v6, v17;
	[sflag:s2] =	ssyncset.done $0x0  }
0x137: {  	v17 =	vand.u32 v19, v23;
	vm2 =	vgt.f32 v24, v25;
	vm1 =	vgt.f32 v26, v28;
	s5 =	sor.u32 s10, s5;
	[sflag:s2] =	ssyncadd.s32 $0xFFFFE000  }
0x138: {  	v10 =	vadd.s32 v10, v17;
	v14 =	vadd.s32 v14, v27;
	v12 =	vadd.s32 v12, v33;
	v18 =	vld [tilespmem:s5+$0x6030]  }
0x139: {  	v9 =	vadd.s32 v9, v34;
	v13 =	vadd.s32 v13, v35;
	v21 =	vsel vm2, $0x1, v0;
	v19 =	vld [tilespmem:s5+$0x2030]  }
0x13a: {  	vm2 =	vgt.f32 v29, v30;
	v59 =	vsel vm1, $0x1, v0;
	vm1 =	vgt.f32 v31, v32;
	v20 =	vld [tilespmem:s5+$0x6000]  }
0x13b: {  	v60 =	vsel vm2, $0x1, v0;
	v15 =	vadd.s32 v21, v15;
	v17 =	vand.u32 v21, v27;
	v22 =	vld [tilespmem:s5+$0xA030]  }
0x13c: {  	v7 =	vadd.s32 v59, v7;
	v16 =	vadd.s32 v16, v17;
	v17 =	vand.u32 v59, v33;
	v23 =	vld [tilespmem:s5+$0x2000]  }
0x13d: {  	v61 =	vsel vm1, $0x1, v0;
	v21 =	vand.u32 v60, v34;
	v11 =	vadd.s32 v11, v17;
	v17 =	vld [tilespmem:s5+$0x6010]  }
0x13e: {  	v6 =	vadd.s32 v6, v21;
	v21 =	vand.u32 v61, v35;
	vm1 =	vgt.f32 v18, v19;
	v19 =	vld [tilespmem:s5+$0x2010]  }
0x13f: {  	s9 =	simm.s32 $0x10;
	s6 =	simm.s32 $0x40;
	s7 =	simm.s32 $0x200;
	v5 =	vadd.s32 v60, v5;
	v10 =	vadd.s32 v10, v21;
	v21 =	vld [tilespmem:s5+$0x2020];
	v62 =	vsel vm1, $0x1, v0  }
0x140: {  	s11 =	simm.s32 $0x40;
	s12 =	sand.u32 $0xC00, s7;
	s8 =	sand.u32 $0x40, s6;
	v8 =	vadd.s32 v61, v8;
	v18 =	vld [tilespmem:s5+$0x6020];
	v14 =	vadd.s32 v14, v22;
	v63 =	vand.u32 v62, v22  }
0x141: {  	s10 =	sand.u32 $0x1000, s11;
	s11 =	sor.u32 s8, s12;
	s8 =	simm.s32 $0x2;
	vm1 =	vgt.f32 v20, v23;
	v20 =	vld [tilespmem:s5+$0xA000];
	v15 =	vadd.s32 v62, v15;
	v16 =	vadd.s32 v16, v63  }
.LBB2_12:
0x142: {  	p1 =	sne.s32 s8, $0x7F;
	s9 =	sand.u32 $0x380, s9;
	s10 =	sor.u32 s10, s11;
	v22 =	vsel vm1, $0x1, v0;
	v23 =	vld [tilespmem:s5+$0xA010]  }
0x143: {  	v7 =	vadd.s32 v22, v7;
	vm1 =	vgt.f32 v17, v19;
	v19 =	vld [tilespmem:s5+$0xA020];
	s5 =	sor.u32 s9, s10  }
0x144: {  	v24 =	vld [tilespmem:s5+$0x6030];
	v17 =	vsel vm1, $0x1, v0  }
0x145: {  	v25 =	vld [tilespmem:s5+$0x2030];
	v5 =	vadd.s32 v17, v5;
	vm1 =	vgt.f32 v18, v21  }
0x146: {  	v26 =	vld [tilespmem:s5+$0x6000];
	v18 =	vand.u32 v22, v20;
	v12 =	vadd.s32 v12, v20;
	v20 =	vsel vm1, $0x1, v0  }
0x147: {  	v22 =	vld [tilespmem:s5+$0xA030];
	v11 =	vadd.s32 v11, v18;
	v17 =	vand.u32 v17, v23;
	v8 =	vadd.s32 v20, v8  }
0x148: {  	v9 =	vadd.s32 v9, v23;
	v27 =	vld [tilespmem:s5+$0x2000];
	v6 =	vadd.s32 v6, v17;
	v18 =	vand.u32 v20, v19  }
.Ltmp7:
0x149: {  	v13 =	vadd.s32 v13, v19;
	v17 =	vld [tilespmem:s5+$0x6010];
	v10 =	vadd.s32 v10, v18;
	(pc) =	sbr.rel @p1 .LBB2_12-.Ltmp7, $4  }
0x14a: {  	v19 =	vld [tilespmem:s5+$0x2010];
	vm1 =	vgt.f32 v24, v25  }
0x14b: {  	s6 =	sadd.s32 $0x40, s6;
	s7 =	sadd.s32 $0x200, s7;
	s9 =	sshll.u32 s8, $0x4;
	v18 =	vld [tilespmem:s5+$0x6020];
	v20 =	vsel vm1, $0x1, v0  }
0x14c: {  	s11 =	sand.u32 $0x40, s6;
	s10 =	sshll.u32 s8, $0x6;
	s12 =	sand.u32 $0xC00, s7;
	v21 =	vld [tilespmem:s5+$0x2020];
	v23 =	vand.u32 v20, v22;
	v15 =	vadd.s32 v20, v15;
	v14 =	vadd.s32 v14, v22  }
0x14d: {  	s8 =	sadd.s32 $0x1, s8;
	s10 =	sand.u32 $0x1000, s10;
	s11 =	sor.u32 s11, s12;
	vm1 =	vgt.f32 v26, v27;
	v20 =	vld [tilespmem:s5+$0xA000];
	v16 =	vadd.s32 v16, v23  }
0x14e: {  	s6 =	sand.u32 $0x380, s9;
	s7 =	sor.u32 s10, s11;
	v22 =	vld [tilespmem:s5+$0xA010]  }
0x14f: {  	v23 =	vld [tilespmem:s5+$0xA020];
	s6 =	sor.u32 s6, s7  }
0x150: {  	v24 =	vld [tilespmem:s6+$0x6030]  }
0x151: {  	v25 =	vld [tilespmem:s6+$0x2030]  }
0x152: {  	v26 =	vld [tilespmem:s6+$0x6000]  }
0x153: {  	v27 =	vld [tilespmem:s6+$0xA030]  }
0x154: {  	v28 =	vld [tilespmem:s6+$0x2000]  }
0x155: {  	v29 =	vld [tilespmem:s6+$0x6010]  }
0x156: {  	v30 =	vld [tilespmem:s6+$0x2010]  }
0x157: {  	v31 =	vld [tilespmem:s6+$0x6020]  }
0x158: {  	v32 =	vld [tilespmem:s6+$0x2020]  }
0x159: {  	v33 =	vld [tilespmem:s6+$0xA000]  }
0x15a: {  	s11 =	simm.s32 $0x0;
	v34 =	vld [tilespmem:s6+$0xA010]  }
0x15b: {  	v35 =	vld [tilespmem:s6+$0xA020];
	[tilespmem:s26], [sflag:$0x2] =	stream.linear.gather [hbm4b:s14+s11], $0x2000, $0x38  }
0x15c: {  	_ = 	snop  }
0x15d: {  	[tilespmem:s25], [sflag:$0x2] =	stream.linear.gather [hbm4b:s15+s11], $0x2000, $0x38;
	[tilespmem:$0xC430] =	vst v63  }
0x15e: {  	_ = 	snop  }
0x15f: {  	[tilespmem:s0], [sflag:$0x2] =	stream.linear.gather [hbm4b:s24+s11], $0x2000, $0x38;
	[tilespmem:$0xC430] =	vst v63  }
0x160: {  	_ =	swait.ge [sflag:s1], $0x2000  }
0x161: {  	[sflag:s1] =	ssyncset.done $0x0  }
0x162: {  	[sflag:s1] =	ssyncadd.s32 $0xFFFFE000  }
0x163: {  	vm2 =	vgt.f32 v17, v19;
	v17 =	vsel vm1, $0x1, v0;
	vm1 =	vgt.f32 v18, v21;
	_ =	swait.ge [sflag:s1], $0x2000  }
0x164: {  	s9 =	simm.s32 $0x0;
	s8 =	simm.s32 $0x0;
	v7 =	vadd.s32 v17, v7;
	v18 =	vsel vm2, $0x1, v0;
	v19 =	vsel vm1, $0x1, v0;
	[sflag:s1] =	ssyncset.done $0x0  }
0x165: {  	s12 =	sand.u32 $0x40, s11;
	s5 =	sand.u32 $0xC00, s11;
	v17 =	vand.u32 v17, v20;
	v12 =	vadd.s32 v12, v20;
	v5 =	vadd.s32 v18, v5;
	[sflag:s1] =	ssyncadd.s32 $0xFFFFE000  }
0x166: {  	s7 =	sand.u32 $0x1000, s9;
	s5 =	sor.u32 s12, s5;
	v11 =	vadd.s32 v11, v17;
	v17 =	vand.u32 v18, v22;
	v8 =	vadd.s32 v19, v8;
	_ =	swait.ge [sflag:s1], $0x2000  }
0x167: {  	s10 =	sand.u32 $0x380, s8;
	s5 =	sor.u32 s7, s5;
	v9 =	vadd.s32 v9, v22;
	v13 =	vadd.s32 v13, v23;
	v6 =	vadd.s32 v6, v17;
	[sflag:s1] =	ssyncset.done $0x0  }
0x168: {  	s5 =	sor.u32 s10, s5;
	v17 =	vand.u32 v19, v23;
	vm2 =	vgt.f32 v24, v25;
	vm1 =	vgt.f32 v26, v28;
	[sflag:s1] =	ssyncadd.s32 $0xFFFFE000  }
0x169: {  	v10 =	vadd.s32 v10, v17;
	v14 =	vadd.s32 v14, v27;
	v12 =	vadd.s32 v12, v33;
	v18 =	vld [tilespmem:s5+$0x4030]  }
0x16a: {  	v9 =	vadd.s32 v9, v34;
	v13 =	vadd.s32 v13, v35;
	v21 =	vsel vm2, $0x1, v0;
	v19 =	vld [tilespmem:s5+$0x30]  }
0x16b: {  	vm2 =	vgt.f32 v29, v30;
	v59 =	vsel vm1, $0x1, v0;
	vm1 =	vgt.f32 v31, v32;
	v20 =	vld [tilespmem:s5+$0x4000]  }
0x16c: {  	v60 =	vsel vm2, $0x1, v0;
	v15 =	vadd.s32 v21, v15;
	v17 =	vand.u32 v21, v27;
	v22 =	vld [tilespmem:s5+$0x8030]  }
0x16d: {  	v7 =	vadd.s32 v59, v7;
	v16 =	vadd.s32 v16, v17;
	v17 =	vand.u32 v59, v33;
	v23 =	vld [tilespmem:s5+$0x0]  }
0x16e: {  	v61 =	vsel vm1, $0x1, v0;
	v21 =	vand.u32 v60, v34;
	v11 =	vadd.s32 v11, v17;
	v17 =	vld [tilespmem:s5+$0x4010]  }
0x16f: {  	v6 =	vadd.s32 v6, v21;
	v21 =	vand.u32 v61, v35;
	vm1 =	vgt.f32 v18, v19;
	v19 =	vld [tilespmem:s5+$0x10]  }
0x170: {  	s9 =	simm.s32 $0x10;
	s6 =	simm.s32 $0x40;
	s7 =	simm.s32 $0x200;
	v5 =	vadd.s32 v60, v5;
	v10 =	vadd.s32 v10, v21;
	v21 =	vld [tilespmem:s5+$0x20];
	v62 =	vsel vm1, $0x1, v0  }
0x171: {  	s8 =	sand.u32 $0x40, s6;
	s12 =	sand.u32 $0xC00, s7;
	s11 =	simm.s32 $0x40;
	v8 =	vadd.s32 v61, v8;
	v18 =	vld [tilespmem:s5+$0x4020];
	v14 =	vadd.s32 v14, v22;
	v63 =	vand.u32 v62, v22  }
0x172: {  	s10 =	sand.u32 $0x1000, s11;
	s11 =	sor.u32 s8, s12;
	s8 =	simm.s32 $0x2;
	vm1 =	vgt.f32 v20, v23;
	v20 =	vld [tilespmem:s5+$0x8000];
	v15 =	vadd.s32 v62, v15;
	v16 =	vadd.s32 v16, v63  }
.LBB2_14:
0x173: {  	p1 =	sne.s32 s8, $0x7F;
	s9 =	sand.u32 $0x380, s9;
	s10 =	sor.u32 s10, s11;
	v22 =	vsel vm1, $0x1, v0;
	v23 =	vld [tilespmem:s5+$0x8010]  }
0x174: {  	v7 =	vadd.s32 v22, v7;
	vm1 =	vgt.f32 v17, v19;
	v19 =	vld [tilespmem:s5+$0x8020];
	s5 =	sor.u32 s9, s10  }
0x175: {  	v24 =	vld [tilespmem:s5+$0x4030];
	v17 =	vsel vm1, $0x1, v0  }
0x176: {  	v25 =	vld [tilespmem:s5+$0x30];
	v5 =	vadd.s32 v17, v5;
	vm1 =	vgt.f32 v18, v21  }
0x177: {  	v26 =	vld [tilespmem:s5+$0x4000];
	v18 =	vand.u32 v22, v20;
	v12 =	vadd.s32 v12, v20;
	v20 =	vsel vm1, $0x1, v0  }
0x178: {  	v22 =	vld [tilespmem:s5+$0x8030];
	v11 =	vadd.s32 v11, v18;
	v17 =	vand.u32 v17, v23;
	v8 =	vadd.s32 v20, v8  }
0x179: {  	v9 =	vadd.s32 v9, v23;
	v27 =	vld [tilespmem:s5+$0x0];
	v6 =	vadd.s32 v6, v17;
	v18 =	vand.u32 v20, v19  }
.Ltmp8:
0x17a: {  	v13 =	vadd.s32 v13, v19;
	v17 =	vld [tilespmem:s5+$0x4010];
	v10 =	vadd.s32 v10, v18;
	(pc) =	sbr.rel @p1 .LBB2_14-.Ltmp8, $4  }
0x17b: {  	v19 =	vld [tilespmem:s5+$0x10];
	vm1 =	vgt.f32 v24, v25  }
0x17c: {  	s6 =	sadd.s32 $0x40, s6;
	s7 =	sadd.s32 $0x200, s7;
	s9 =	sshll.u32 s8, $0x4;
	v18 =	vld [tilespmem:s5+$0x4020];
	v20 =	vsel vm1, $0x1, v0  }
0x17d: {  	s11 =	sand.u32 $0x40, s6;
	s10 =	sshll.u32 s8, $0x6;
	s12 =	sand.u32 $0xC00, s7;
	v21 =	vld [tilespmem:s5+$0x20];
	v23 =	vand.u32 v20, v22;
	v15 =	vadd.s32 v20, v15;
	v14 =	vadd.s32 v14, v22  }
0x17e: {  	s8 =	sadd.s32 $0x1, s8;
	s10 =	sand.u32 $0x1000, s10;
	s11 =	sor.u32 s11, s12;
	vm1 =	vgt.f32 v26, v27;
	v20 =	vld [tilespmem:s5+$0x8000];
	v16 =	vadd.s32 v16, v23  }
0x17f: {  	s6 =	sand.u32 $0x380, s9;
	s7 =	sor.u32 s10, s11;
	v22 =	vld [tilespmem:s5+$0x8010]  }
0x180: {  	v23 =	vld [tilespmem:s5+$0x8020];
	s6 =	sor.u32 s6, s7  }
0x181: {  	v24 =	vld [tilespmem:s6+$0x4030]  }
0x182: {  	v25 =	vld [tilespmem:s6+$0x30]  }
0x183: {  	v26 =	vld [tilespmem:s6+$0x4000]  }
0x184: {  	v27 =	vld [tilespmem:s6+$0x8030]  }
0x185: {  	v28 =	vld [tilespmem:s6+$0x0]  }
0x186: {  	v29 =	vld [tilespmem:s6+$0x4010]  }
0x187: {  	v30 =	vld [tilespmem:s6+$0x10]  }
0x188: {  	v31 =	vld [tilespmem:s6+$0x4020]  }
0x189: {  	v32 =	vld [tilespmem:s6+$0x20]  }
0x18a: {  	v33 =	vld [tilespmem:s6+$0x8000]  }
0x18b: {  	v34 =	vld [tilespmem:s6+$0x8010]  }
0x18c: {  	v35 =	vld [tilespmem:s6+$0x8020];
	_ =	swait.ge [sflag:s2], $0x2000  }
0x18d: {  	[sflag:s2] =	ssyncset.done $0x0  }
0x18e: {  	[sflag:s2] =	ssyncadd.s32 $0xFFFFE000  }
0x18f: {  	s11 =	simm.s32 $0x0;
	vm2 =	vgt.f32 v17, v19;
	v17 =	vsel vm1, $0x1, v0;
	vm1 =	vgt.f32 v18, v21;
	_ =	swait.ge [sflag:s2], $0x2000  }
0x190: {  	s9 =	simm.s32 $0x0;
	s8 =	simm.s32 $0x0;
	v7 =	vadd.s32 v17, v7;
	v18 =	vsel vm2, $0x1, v0;
	v19 =	vsel vm1, $0x1, v0;
	[sflag:s2] =	ssyncset.done $0x0  }
0x191: {  	s12 =	sand.u32 $0x40, s11;
	s5 =	sand.u32 $0xC00, s11;
	v17 =	vand.u32 v17, v20;
	v12 =	vadd.s32 v12, v20;
	v5 =	vadd.s32 v18, v5;
	[sflag:s2] =	ssyncadd.s32 $0xFFFFE000  }
0x192: {  	s7 =	sand.u32 $0x1000, s9;
	s5 =	sor.u32 s12, s5;
	v11 =	vadd.s32 v11, v17;
	v17 =	vand.u32 v18, v22;
	v18 =	vadd.s32 v19, v8;
	_ =	swait.ge [sflag:s2], $0x2000  }
0x193: {  	s10 =	sand.u32 $0x380, s8;
	s5 =	sor.u32 s7, s5;
	v20 =	vadd.s32 v9, v22;
	v13 =	vadd.s32 v13, v23;
	v17 =	vadd.s32 v6, v17;
	[sflag:s2] =	ssyncset.done $0x0  }
0x194: {  	s5 =	sor.u32 s10, s5;
	v6 =	vand.u32 v19, v23;
	vm2 =	vgt.f32 v24, v25;
	vm1 =	vgt.f32 v26, v28;
	[sflag:s2] =	ssyncadd.s32 $0xFFFFE000  }
0x195: {  	v22 =	vadd.s32 v10, v6;
	v8 =	vadd.s32 v12, v33;
	v21 =	vsel vm2, $0x1, v0;
	v19 =	vld [tilespmem:s5+$0x6030]  }
0x196: {  	vm2 =	vgt.f32 v29, v30;
	v59 =	vsel vm1, $0x1, v0;
	vm1 =	vgt.f32 v31, v32;
	v10 =	vld [tilespmem:s5+$0x2030]  }
0x197: {  	v60 =	vsel vm2, $0x1, v0;
	v15 =	vadd.s32 v21, v15;
	v6 =	vand.u32 v21, v27;
	v23 =	vld [tilespmem:s5+$0x6000]  }
0x198: {  	v21 =	vadd.s32 v14, v27;
	v7 =	vadd.s32 v59, v7;
	v16 =	vadd.s32 v16, v6;
	v61 =	vld [tilespmem:s5+$0xA030]  }
0x199: {  	v6 =	vadd.s32 v60, v5;
	v5 =	vand.u32 v59, v33;
	v9 =	vand.u32 v60, v34;
	v62 =	vld [tilespmem:s5+$0x2000]  }
0x19a: {  	v12 =	vadd.s32 v11, v5;
	v11 =	vsel vm1, $0x1, v0;
	v5 =	vadd.s32 v17, v9;
	v17 =	vld [tilespmem:s5+$0x6010]  }
0x19b: {  	v9 =	vadd.s32 v11, v18;
	v11 =	vand.u32 v11, v35;
	vm1 =	vgt.f32 v19, v10;
	v19 =	vld [tilespmem:s5+$0x2010]  }
0x19c: {  	s9 =	simm.s32 $0x10;
	s6 =	simm.s32 $0x40;
	s7 =	simm.s32 $0x200;
	v14 =	vadd.s32 v13, v35;
	v18 =	vld [tilespmem:s5+$0x6020];
	v11 =	vadd.s32 v22, v11;
	v22 =	vsel vm1, $0x1, v0  }
0x19d: {  	s11 =	simm.s32 $0x40;
	s8 =	sand.u32 $0x40, s6;
	s12 =	sand.u32 $0xC00, s7;
	v10 =	vadd.s32 v20, v34;
	v20 =	vld [tilespmem:s5+$0x2020];
	v13 =	vadd.s32 v21, v61;
	v63 =	vand.u32 v22, v61  }
0x19e: {  	s10 =	sand.u32 $0x1000, s11;
	s11 =	sor.u32 s8, s12;
	s8 =	simm.s32 $0x2;
	v21 =	vld [tilespmem:s5+$0xA000];
	vm1 =	vgt.f32 v23, v62;
	v15 =	vadd.s32 v22, v15;
	v16 =	vadd.s32 v16, v63  }
.LBB2_16:
0x19f: {  	p1 =	sne.s32 s8, $0x7F;
	s9 =	sand.u32 $0x380, s9;
	s10 =	sor.u32 s10, s11;
	v22 =	vsel vm1, $0x1, v0;
	v23 =	vld [tilespmem:s5+$0xA010]  }
0x1a0: {  	v7 =	vadd.s32 v22, v7;
	vm1 =	vgt.f32 v17, v19;
	v19 =	vld [tilespmem:s5+$0xA020];
	s5 =	sor.u32 s9, s10  }
0x1a1: {  	v24 =	vld [tilespmem:s5+$0x6030];
	v17 =	vsel vm1, $0x1, v0  }
0x1a2: {  	v25 =	vld [tilespmem:s5+$0x2030];
	v6 =	vadd.s32 v17, v6;
	vm1 =	vgt.f32 v18, v20  }
0x1a3: {  	v26 =	vld [tilespmem:s5+$0x6000];
	v18 =	vand.u32 v22, v21;
	v8 =	vadd.s32 v8, v21;
	v20 =	vsel vm1, $0x1, v0  }
0x1a4: {  	v21 =	vld [tilespmem:s5+$0xA030];
	v12 =	vadd.s32 v12, v18;
	v17 =	vand.u32 v17, v23;
	v9 =	vadd.s32 v20, v9  }
0x1a5: {  	v10 =	vadd.s32 v10, v23;
	v22 =	vld [tilespmem:s5+$0x2000];
	v5 =	vadd.s32 v5, v17;
	v18 =	vand.u32 v20, v19  }
.Ltmp9:
0x1a6: {  	v14 =	vadd.s32 v14, v19;
	v17 =	vld [tilespmem:s5+$0x6010];
	v11 =	vadd.s32 v11, v18;
	(pc) =	sbr.rel @p1 .LBB2_16-.Ltmp9, $4  }
0x1a7: {  	v19 =	vld [tilespmem:s5+$0x2010];
	vm1 =	vgt.f32 v24, v25  }
0x1a8: {  	s6 =	sadd.s32 $0x40, s6;
	s7 =	sadd.s32 $0x200, s7;
	s9 =	sshll.u32 s8, $0x4;
	v18 =	vld [tilespmem:s5+$0x6020];
	v23 =	vsel vm1, $0x1, v0  }
0x1a9: {  	s11 =	sand.u32 $0x40, s6;
	s10 =	sshll.u32 s8, $0x6;
	s12 =	sand.u32 $0xC00, s7;
	v20 =	vld [tilespmem:s5+$0x2020];
	v24 =	vand.u32 v23, v21;
	v15 =	vadd.s32 v23, v15;
	v13 =	vadd.s32 v13, v21  }
0x1aa: {  	s8 =	sadd.s32 $0x1, s8;
	s10 =	sand.u32 $0x1000, s10;
	s11 =	sor.u32 s11, s12;
	vm1 =	vgt.f32 v26, v22;
	v21 =	vld [tilespmem:s5+$0xA000];
	v16 =	vadd.s32 v16, v24  }
0x1ab: {  	s6 =	sand.u32 $0x380, s9;
	s7 =	sor.u32 s10, s11;
	v22 =	vld [tilespmem:s5+$0xA010]  }
0x1ac: {  	v23 =	vld [tilespmem:s5+$0xA020];
	s6 =	sor.u32 s6, s7  }
0x1ad: {  	v24 =	vld [tilespmem:s6+$0x6030]  }
0x1ae: {  	v25 =	vld [tilespmem:s6+$0x2030]  }
0x1af: {  	v26 =	vld [tilespmem:s6+$0x6000]  }
0x1b0: {  	v27 =	vld [tilespmem:s6+$0xA030]  }
0x1b1: {  	v36 =	vld [tilespmem:s6+$0x2000]  }
0x1b2: {  	v37 =	vld [tilespmem:s6+$0x6010]  }
0x1b3: {  	v28 =	vsel vm1, $0x1, v0;
	vm1 =	vgt.f32 v17, v19;
	v39 =	vld [tilespmem:s6+$0x2010]  }
0x1b4: {  	v7 =	vadd.s32 v28, v7;
	v19 =	vsel vm1, $0x1, v0;
	v43 =	vld [tilespmem:s6+$0xA000];
	vm1 =	vgt.f32 v18, v20  }
0x1b5: {  	v45 =	vld [tilespmem:s6+$0xA010];
	v6 =	vadd.s32 v19, v6;
	v38 =	vand.u32 v28, v21;
	v8 =	vadd.s32 v8, v21  }
0x1b6: {  	v47 =	vld [tilespmem:s6+$0xA020];
	v40 =	vsel vm1, $0x1, v0;
	v12 =	vadd.s32 v12, v38;
	v19 =	vand.u32 v19, v22  }
0x1b7: {  	v41 =	vld [tilespmem:s6+$0x6020];
	v9 =	vadd.s32 v40, v9;
	v20 =	vand.u32 v40, v23;
	v10 =	vadd.s32 v10, v22  }
0x1b8: {  	v42 =	vld [tilespmem:s6+$0x2020];
	v14 =	vadd.s32 v14, v23;
	v5 =	vadd.s32 v5, v19;
	v11 =	vadd.s32 v11, v20  }
0x1b9: {  	vm1 =	vgt.f32 v24, v25;
	v13 =	vadd.s32 v13, v27;
	v8 =	vadd.s32 v8, v43  }
0x1ba: {  	v10 =	vadd.s32 v10, v45;
	v44 =	vsel vm1, $0x1, v0;
	vm1 =	vgt.f32 v26, v36  }
0x1bb: {  	v51 =	vadd.s32 v14, v47;
	v46 =	vsel vm1, $0x1, v0;
	vm1 =	vgt.f32 v37, v39  }
0x1bc: {  	v15 =	vadd.s32 v44, v15;
	v20 =	vand.u32 v44, v27;
	v21 =	vsel vm1, $0x1, v0  }
0x1bd: {  	v16 =	vadd.s32 v16, v20;
	v7 =	vadd.s32 v46, v7;
	vm1 =	vgt.f32 v41, v42  }
0x1be: {  	v48 =	vand.u32 v46, v43;
	v49 =	vsel vm1, $0x1, v0;
	v50 =	vand.u32 v21, v45  }
0x1bf: {  	v12 =	vadd.s32 v12, v48;
	v5 =	vadd.s32 v5, v50;
	v19 =	vand.u32 v49, v47  }
0x1c0: {  	v6 =	vadd.s32 v21, v6;
	v11 =	vadd.s32 v11, v19;
	v5 =	vadd.s32 v12, v5  }
0x1c1: {  	v9 =	vadd.s32 v49, v9;
	v6 =	vadd.s32 v7, v6;
	v5 =	vadd.s32 v11, v5  }
0x1c2: {  	v7 =	vadd.s32 v8, v10;
	v6 =	vadd.s32 v9, v6;
	v5 =	vadd.s32 v16, v5  }
0x1c3: {  	v7 =	vadd.s32 v51, v7;
	v6 =	vadd.s32 v15, v6;
	v5 =	vcvt.s32.f32 v5  }
0x1c4: {  	v7 =	vadd.s32 v13, v7;
	v6 =	vcvt.s32.f32 v6  }
0x1c5: {  	v7 =	vcvt.s32.f32 v7;
	v52 =	vperm.xlane v5, v1  }
0x1c6: {  	v53 =	vperm.xlane v6, v1  }
0x1c7: {  	v54 =	vperm.xlane v7, v1;
	v5 =	vadd.f32 v5, v52  }
0x1c8: {  	v6 =	vadd.f32 v6, v53  }
0x1c9: {  	v7 =	vadd.f32 v7, v54;
	v55 =	vperm.xlane v5, v2  }
0x1ca: {  	v56 =	vperm.xlane v6, v2  }
0x1cb: {  	v57 =	vperm.xlane v7, v2;
	v5 =	vadd.f32 v55, v5  }
0x1cc: {  	v6 =	vadd.f32 v56, v6  }
0x1cd: {  	v7 =	vadd.f32 v57, v7;
	v58 =	vperm.xlane v5, v3  }
0x1ce: {  	v59 =	vperm.xlane v6, v3  }
0x1cf: {  	v60 =	vperm.xlane v7, v3;
	v5 =	vadd.f32 v58, v5  }
0x1d0: {  	v6 =	vadd.f32 v59, v6  }
0x1d1: {  	v7 =	vadd.f32 v60, v7;
	v61 =	vperm.xlane v5, v4  }
0x1d2: {  	v62 =	vperm.xlane v6, v4  }
0x1d3: {  	v63 =	vperm.xlane v7, v4;
	v5 =	vadd.f32 v61, v5  }
0x1d4: {  	v6 =	vadd.f32 v62, v6  }
0x1d5: {  	v7 =	vadd.f32 v63, v7;
	v5 =	vnsel vm0, $0x0, v5  }
0x1d6: {  	[tilespmem:$0xC300] =	vst v5;
	v5 =	vnsel vm0, $0x0, v6  }
0x1d7: {  	[tilespmem:$0xC310] =	vst v5;
	v5 =	vnsel vm0, $0x0, v7  }
0x1d8: {  	s12 =	simm.s32 $0xC300;
	[tilespmem:$0xC320] =	vst v5  }
0x1d9: {  	[spmem:s29] =	stream.linear.scatter [tilespmem:s12], [sflag:$0x3], $0x30, $0x38;
	[tilespmem:$0xC430] =	vst v63  }
.Ltmp10:
0x1da: {  	_ =	swait.ge [sflag:s3], $0x30;
	(pc) =	sbr.rel @p0 .LBB2_19-.Ltmp10, $3  }
0x1db: {  	[sflag:s3] =	ssyncset.done $0x0  }
0x1dc: {  	[sflag:s3] =	ssyncadd.s32 $0xFFFFFFD0  }
0x1dd: {  	[bflag:$0x0] =	sbarrier.arrive $0xFFFF;
	_ =	sdelay $0x1  }
0x1de: {  	s5 =	rddreg [dreg:$0x3];
	s6 =	simm.s32 $0xC000  }
0x1df: {  	[tilespmem:s6], [sflag:$0x3] =	stream.linear.gather [spmem:s5], $0x300, $0x38;
	[tilespmem:$0xC430] =	vst v63  }
0x1e0: {  	_ =	swait.ge [sflag:s3], $0x300  }
0x1e1: {  	[sflag:s3] =	ssyncset.done $0x0  }
0x1e2: {  	[sflag:s3] =	ssyncadd.s32 $0xFFFFFD00  }
0x1e3: {  	v5 =	vld [tilespmem:$0xC000]  }
0x1e4: {  	v6 =	vld [tilespmem:$0xC010]  }
0x1e5: {  	v7 =	vld [tilespmem:$0xC020]  }
0x1e6: {  	v8 =	vld [tilespmem:$0xC030]  }
0x1e7: {  	v9 =	vld [tilespmem:$0xC040]  }
0x1e8: {  	v10 =	vld [tilespmem:$0xC050]  }
0x1e9: {  	v11 =	vld [tilespmem:$0xC060]  }
0x1ea: {  	v12 =	vld [tilespmem:$0xC070]  }
0x1eb: {  	v13 =	vld [tilespmem:$0xC080]  }
0x1ec: {  	v14 =	vld [tilespmem:$0xC090]  }
0x1ed: {  	v15 =	vld [tilespmem:$0xC0A0]  }
0x1ee: {  	v16 =	vld [tilespmem:$0xC0B0]  }
0x1ef: {  	v17 =	vld [tilespmem:$0xC0C0]  }
0x1f0: {  	v18 =	vld [tilespmem:$0xC0D0]  }
0x1f1: {  	v19 =	vld [tilespmem:$0xC0E0]  }
0x1f2: {  	v20 =	vld [tilespmem:$0xC0F0]  }
0x1f3: {  	v21 =	vld [tilespmem:$0xC100]  }
0x1f4: {  	v22 =	vld [tilespmem:$0xC110]  }
0x1f5: {  	v23 =	vld [tilespmem:$0xC120]  }
0x1f6: {  	v24 =	vld [tilespmem:$0xC130]  }
0x1f7: {  	v25 =	vld [tilespmem:$0xC140]  }
0x1f8: {  	v26 =	vld [tilespmem:$0xC150];
	v6 =	vadd.f32 $0.0e+00, v6;
	v7 =	vadd.f32 $0.0e+00, v7  }
0x1f9: {  	v27 =	vld [tilespmem:$0xC160];
	v5 =	vadd.f32 $0.0e+00, v5  }
0x1fa: {  	v39 =	vld [tilespmem:$0xC170];
	v6 =	vadd.f32 v9, v6;
	v7 =	vadd.f32 v10, v7  }
0x1fb: {  	v40 =	vld [tilespmem:$0xC180];
	v5 =	vadd.f32 v8, v5  }
0x1fc: {  	v41 =	vld [tilespmem:$0xC190];
	v6 =	vadd.f32 v12, v6;
	v7 =	vadd.f32 v13, v7  }
0x1fd: {  	v42 =	vld [tilespmem:$0xC1A0];
	v5 =	vadd.f32 v11, v5  }
0x1fe: {  	v43 =	vld [tilespmem:$0xC1B0];
	v6 =	vadd.f32 v15, v6;
	v7 =	vadd.f32 v16, v7  }
0x1ff: {  	v44 =	vld [tilespmem:$0xC1C0];
	v5 =	vadd.f32 v14, v5  }
0x200: {  	v45 =	vld [tilespmem:$0xC1D0];
	v6 =	vadd.f32 v18, v6;
	v7 =	vadd.f32 v19, v7  }
0x201: {  	v46 =	vld [tilespmem:$0xC1E0];
	v5 =	vadd.f32 v17, v5  }
0x202: {  	v47 =	vld [tilespmem:$0xC1F0];
	v6 =	vadd.f32 v21, v6;
	v7 =	vadd.f32 v22, v7  }
0x203: {  	v48 =	vld [tilespmem:$0xC200];
	v5 =	vadd.f32 v20, v5  }
0x204: {  	v49 =	vld [tilespmem:$0xC210];
	v6 =	vadd.f32 v24, v6;
	v7 =	vadd.f32 v25, v7  }
0x205: {  	v50 =	vld [tilespmem:$0xC220];
	v5 =	vadd.f32 v23, v5  }
0x206: {  	v51 =	vld [tilespmem:$0xC230];
	v6 =	vadd.f32 v27, v6;
	v7 =	vadd.f32 v39, v7  }
0x207: {  	v52 =	vld [tilespmem:$0xC240];
	v5 =	vadd.f32 v26, v5  }
0x208: {  	v53 =	vld [tilespmem:$0xC250];
	v6 =	vadd.f32 v41, v6;
	v7 =	vadd.f32 v42, v7  }
0x209: {  	v54 =	vld [tilespmem:$0xC260];
	v5 =	vadd.f32 v40, v5  }
0x20a: {  	v55 =	vld [tilespmem:$0xC270];
	v6 =	vadd.f32 v44, v6;
	v7 =	vadd.f32 v45, v7  }
0x20b: {  	v56 =	vld [tilespmem:$0xC280];
	v5 =	vadd.f32 v43, v5  }
0x20c: {  	v57 =	vld [tilespmem:$0xC290];
	v6 =	vadd.f32 v47, v6;
	v7 =	vadd.f32 v48, v7  }
0x20d: {  	v58 =	vld [tilespmem:$0xC2A0];
	v5 =	vadd.f32 v46, v5  }
0x20e: {  	v59 =	vld [tilespmem:$0xC2B0];
	v6 =	vadd.f32 v50, v6;
	v7 =	vadd.f32 v51, v7  }
0x20f: {  	v60 =	vld [tilespmem:$0xC2C0];
	v5 =	vadd.f32 v49, v5  }
0x210: {  	v61 =	vld [tilespmem:$0xC2E0];
	v6 =	vadd.f32 v53, v6;
	v7 =	vadd.f32 v54, v7  }
0x211: {  	v62 =	vld [tilespmem:$0xC2F0];
	v5 =	vadd.f32 v52, v5  }
0x212: {  	v6 =	vadd.f32 v56, v6;
	v7 =	vadd.f32 v57, v7  }
0x213: {  	v63 =	vld [tilespmem:$0xC2D0];
	v5 =	vadd.f32 v55, v5  }
0x214: {  	v6 =	vadd.f32 v59, v6;
	v7 =	vadd.f32 v60, v7  }
0x215: {  	v5 =	vadd.f32 v58, v5  }
0x216: {  	v6 =	vadd.f32 v61, v6;
	v7 =	vadd.f32 v62, v7;
	_ =	sdelay $0x1  }
0x217: {  	v5 =	vadd.f32 v63, v5;
	v6 =	vadd.f32 v7, v6;
	_ =	sdelay $0x1  }
0x218: {  	v6 =	vsub.f32 v6, v5;
	_ =	sdelay $0x1  }
0x219: {  	vm1 =	vgt.f32 v6, $0.0e+00  }
0x21a: {  	v6 =	vnsel vm1, $0x3F800000, v6  }
0x21b: {  	(erf) = vrcp.f32 v6;
	_ =	sdelay $0x8  }
0x21c: {  	v6 =	vpop (erf)  }
0x21d: {  	v5 =	vmul.f32 v6, v5;
	_ =	sdelay $0x1  }
0x21e: {  	v5 =	vnsel vm1, $0x0, v5  }
.Ltmp11:
0x21f: {  	s12 =	simm.s32 $0xC380;
	s11 =	rddreg [dreg:$0x12];
	[tilespmem:$0xC380] =	vst v5;
	(pc) =	sbr.rel .LBB2_19-.Ltmp11, $4  }
0x220: {  	[hbm4b:s11+s16] =	stream.linear.scatter [tilespmem:s12], [sflag:$0x3], $0x8, $0x38;
	[tilespmem:$0xC430] =	vst v63  }
0x221: {  	_ =	swait.ge [sflag:s3], $0x8  }
0x222: {  	[sflag:s3] =	ssyncset.done $0x0  }
0x223: {  	[sflag:s3] =	ssyncadd.s32 $0xFFFFFFF8  }
.LBB2_20:
0x224: {  	_ =	sfence.sel $0x180000  }
0x225: {  	[bflag:$0x0] =	sbarrier.arrive $0xFFFF  }
0x226: {  	_ =	strace $0x90000047  }
0x227: {  	[bflag:$0x2] =	sbarrier.arrive $0xFFFF  }
0x228: {  	s0 =	rddreg [dreg:$0x4]  }
0x229: {  	s0 =	sadd.s32 @!p0 $0x100000, s0  }
0x22a: {  	[sflag:s0] =	ssyncadd.tile.s32 @!p0 $0x1;
	_ =	shalt  }
.Lfunc_end2:
_tile_overlayer_lowered:
.L_overlay_start_2:
0x22b: {  	(tag) =	ssettag $0x2  }
0x22c: {  	s0 =	rddreg [dreg:$0x0];
	s2 =	stileid.u32  }
0x22d: {  	s1 =	rddreg [dreg:$0x1];
	p0 =	sne.s32 s2, $0x0  }
0x22e: {  	s3 =	rddreg [dreg:$0x2];
	[bflag:$0x3] =	sbarrier.arrive $0xFFFF;
	s2 =	simm.s32 @!p0 $0x1C03  }
0x22f: {  	[timem:s3], [sflag:s2] =	dma.local @!p0 [hbm:s0], s1  }
0x230: {  	s0 =	simm.s32 @!p0 $0x3  }
0x231: {  	_ =	swait.ge @!p0 [sflag:s0], s1  }
0x232: {  	s1 =	ssub.s32 @!p0 $0x0, s1;
	[sflag:s0] =	ssyncset.done @!p0 $0x0  }
0x233: {  	[sflag:s0] =	ssyncadd.s32 @!p0 s1  }
0x234: {  	[bflag:$0x3] =	sbarrier.arrive $0xFFFF  }
0x235: {  	_ =	shalt  }

</sc_bundles>
